<compile_context>
chip_gen: v7x
topology: tpu7x:2x2x1
jax: 0.10.2.dev20260603
libtpu: 0.0.44.dev20260713+nightly
codegen_flags: <defaults>
</compile_context>

<pallas_src>
import functools

import jax
import jax.numpy as jnp
from jax.experimental import pallas as pl



def _fps_body(px_ref, py_ref, pz_ref, sx_ref, sy_ref, sz_ref, *, S, N):
    px = px_ref[...]
    py = py_ref[...]
    pz = pz_ref[...]
    B = px.shape[0]
    iota = jax.lax.broadcasted_iota(jnp.int32, (B, N), 1)
    cols = jax.lax.broadcasted_iota(jnp.int32, (B, S), 1)

    def body(s, carry):
        dist, far = carry
        onehot = iota == far
        cx = jnp.sum(jnp.where(onehot, px, 0.0), axis=1, keepdims=True)
        cy = jnp.sum(jnp.where(onehot, py, 0.0), axis=1, keepdims=True)
        cz = jnp.sum(jnp.where(onehot, pz, 0.0), axis=1, keepdims=True)
        hit = cols == s
        sx_ref[...] = jnp.where(hit, cx, sx_ref[...])
        sy_ref[...] = jnp.where(hit, cy, sy_ref[...])
        sz_ref[...] = jnp.where(hit, cz, sz_ref[...])
        dx = px - cx
        dy = py - cy
        dz = pz - cz
        d = (dx * dx + dy * dy) + dz * dz
        dist = jnp.minimum(dist, d)
        dmax = jnp.max(dist, axis=1, keepdims=True)
        far = jnp.min(jnp.where(dist == dmax, iota, N), axis=1, keepdims=True)
        return dist, far

    init = (jnp.full((B, N), 1e10, dtype=jnp.float32),
            jnp.zeros((B, 1), dtype=jnp.int32))
    jax.lax.fori_loop(0, S, body, init)


def _fps_new_xyz(xyz, S, interpret=False):
    B, N, _ = xyz.shape
    px, py, pz = xyz[..., 0], xyz[..., 1], xyz[..., 2]
    out = pl.pallas_call(
        functools.partial(_fps_body, S=S, N=N),
        out_shape=[jax.ShapeDtypeStruct((B, S), jnp.float32)] * 3,
        interpret=interpret,
    )(px, py, pz)
    return jnp.stack(out, axis=-1)



def _mm(x, w):
    return jax.lax.dot_general(x, w, (((1,), (0,)), ((), ())),
                               preferred_element_type=jnp.float32)


def _norm_relu(z, st, gamma, beta, count):
    mu = st[0:1, :] / count
    var = st[1:2, :] / count - mu * mu
    inv = jax.lax.rsqrt(var + 1e-5)
    return jnp.maximum(z * (inv * gamma)[None] + (beta - mu[0] * inv[0] * gamma)[None, None, :], 0.0)


def _first_body(g_ref, cnt_ref, c_ref, w_ref, z_ref, st_ref):
    g = g_ref[...]
    RB, K, Cp = g.shape
    kio = jax.lax.broadcasted_iota(jnp.int32, (RB, K, Cp), 1)
    g = jnp.where(kio < cnt_ref[...][:, 0:1][:, :, None], g,
                  jnp.broadcast_to(g[:, 0:1, :], (RB, K, Cp)))
    x = g - c_ref[...][:, None, :]
    z = _mm(x.reshape(RB * K, Cp), w_ref[...])
    z_ref[...] = z.reshape(RB, K, -1)
    @pl.when(pl.program_id(0) == 0)
    def _():
        st_ref[...] = jnp.zeros_like(st_ref)
    st_ref[...] += jnp.concatenate(
        [jnp.sum(z, 0, keepdims=True), jnp.sum(z * z, 0, keepdims=True)], 0)


def _mid_body(z_ref, st_ref, gb_ref, w_ref, zo_ref, sto_ref, *, count):
    z = z_ref[...]
    RB, K, C = z.shape
    gb = gb_ref[...]
    h = _norm_relu(z, st_ref[...], gb[0], gb[1], count)
    zo = _mm(h.reshape(RB * K, C), w_ref[...])
    zo_ref[...] = zo.reshape(RB, K, -1)
    @pl.when(pl.program_id(0) == 0)
    def _():
        sto_ref[...] = jnp.zeros_like(sto_ref)
    sto_ref[...] += jnp.concatenate(
        [jnp.sum(zo, 0, keepdims=True), jnp.sum(zo * zo, 0, keepdims=True)], 0)


def _last_body(z_ref, st_ref, gb_ref, w_ref, zm_ref, sto_ref, *, count):
    z = z_ref[...]
    RB, K, C = z.shape
    gb = gb_ref[...]
    h = _norm_relu(z, st_ref[...], gb[0], gb[1], count)
    zo = _mm(h.reshape(RB * K, C), w_ref[...])
    @pl.when(pl.program_id(0) == 0)
    def _():
        sto_ref[...] = jnp.zeros_like(sto_ref)
    sto_ref[...] += jnp.concatenate(
        [jnp.sum(zo, 0, keepdims=True), jnp.sum(zo * zo, 0, keepdims=True)], 0)
    zm_ref[...] = jnp.max(zo.reshape(RB, K, -1), axis=1)


def _final_body(zm_ref, st_ref, gb_ref, f_ref, *, count):
    gb = gb_ref[...]
    st = st_ref[...]
    mu = st[0:1, :] / count
    var = st[1:2, :] / count - mu * mu
    inv = jax.lax.rsqrt(var + 1e-5)
    f_ref[...] = jnp.maximum((zm_ref[...] - mu) * (inv * gb[0:1]) + gb[1:2], 0.0)


def _mlp_maxpool(G, cnt, C, layers, rb, interpret=False):
    R, K, Cp = G.shape
    count = float(R * K)
    grid = R // rb
    w1, g1, b1 = layers[0]
    C1 = w1.shape[1]

    z, st = pl.pallas_call(
        _first_body,
        grid=(grid,),
        interpret=interpret,
        in_specs=[pl.BlockSpec((rb, K, Cp), lambda i: (i, 0, 0)),
                  pl.BlockSpec((rb, 16), lambda i: (i, 0)),
                  pl.BlockSpec((rb, Cp), lambda i: (i, 0)),
                  pl.BlockSpec((Cp, C1), lambda i: (0, 0))],
        out_specs=[pl.BlockSpec((rb, K, C1), lambda i: (i, 0, 0)),
                   pl.BlockSpec((2, C1), lambda i: (0, 0))],
        out_shape=[jax.ShapeDtypeStruct((R, K, C1), jnp.float32),
                   jax.ShapeDtypeStruct((2, C1), jnp.float32)],
    )(G, cnt, C, w1)

    for li in range(1, len(layers)):
        wT = layers[li][0]
        Cin, Cout = wT.shape
        gb = jnp.stack([layers[li - 1][1], layers[li - 1][2]], 0)
        body = _last_body if li == len(layers) - 1 else _mid_body
        outs = [jax.ShapeDtypeStruct(
                    (R, Cout) if li == len(layers) - 1 else (R, K, Cout),
                    jnp.float32),
                jax.ShapeDtypeStruct((2, Cout), jnp.float32)]
        out_specs = [pl.BlockSpec((rb, Cout), lambda i: (i, 0))
                     if li == len(layers) - 1 else
                     pl.BlockSpec((rb, K, Cout), lambda i: (i, 0, 0)),
                     pl.BlockSpec((2, Cout), lambda i: (0, 0))]
        z, st = pl.pallas_call(
            functools.partial(body, count=count),
            grid=(grid,),
            interpret=interpret,
            in_specs=[pl.BlockSpec((rb, K, Cin), lambda i: (i, 0, 0)),
                      pl.BlockSpec((2, Cin), lambda i: (0, 0)),
                      pl.BlockSpec((2, Cin), lambda i: (0, 0)),
                      pl.BlockSpec((Cin, Cout), lambda i: (0, 0))],
            out_specs=out_specs,
            out_shape=outs,
        )(z, st, gb, wT)

    wT, gm, bt = layers[-1]
    gb = jnp.stack([gm, bt], 0)
    Cl = wT.shape[1]
    f = pl.pallas_call(
        functools.partial(_final_body, count=count),
        interpret=interpret,
        in_specs=[pl.BlockSpec((R, Cl), lambda: (0, 0)),
                  pl.BlockSpec((2, Cl), lambda: (0, 0)),
                  pl.BlockSpec((2, Cl), lambda: (0, 0))],
        out_specs=pl.BlockSpec((R, Cl), lambda: (0, 0)),
        out_shape=jax.ShapeDtypeStruct((R, Cl), jnp.float32),
    )(z, st, gb)
    return f


def _sqd_body(c_ref, p_ref, o_ref):
    c = c_ref[0]
    p = p_ref[0]
    cn = (c[:, 0] * c[:, 0] + c[:, 1] * c[:, 1]) + c[:, 2] * c[:, 2]
    pn = (p[0] * p[0] + p[1] * p[1]) + p[2] * p[2]
    dot = jax.lax.dot_general(c, p, (((1,), (0,)), ((), ())),
                              preferred_element_type=jnp.float32)
    o_ref[0] = (cn[:, None] + pn[None, :]) - 2.0 * dot


def _sqd_pallas(cents8, xyzp8, interpret=False):
    B, S, _ = cents8.shape
    N = xyzp8.shape[2]
    return pl.pallas_call(
        _sqd_body,
        grid=(B,),
        interpret=interpret,
        in_specs=[pl.BlockSpec((1, S, 8), lambda b: (b, 0, 0)),
                  pl.BlockSpec((1, 8, N), lambda b: (b, 0, 0))],
        out_specs=pl.BlockSpec((1, S, N), lambda b: (b, 0, 0)),
        out_shape=jax.ShapeDtypeStruct((B, S, N), jnp.float32),
    )(cents8, xyzp8)



from jax import lax
from jax.experimental.pallas import tpu as pltpu

try:
    from jax.experimental.pallas import tpu_sc as plsc
except ImportError:
    plsc = None


def _bq_gather_body(sqd_ref, src_ref, out_ref, cnt_ref,
                    dv, idxb, gi_v, rows_v, cntb, shbuf, shbuf2, sem,
                    *, B, N, S, K, Cp, r2):
    NC = 2
    wid = lax.axis_index("s") * NC + lax.axis_index("c")
    wpb = (NC * 16) // B
    b = wid // wpb
    spw = S // wpb
    s0 = (wid % wpb) * spw


    iota = lax.iota(jnp.int32, 16)
    for j in range(K // 16 + 1):
        idxb[pl.ds(j * 16, 16)] = jnp.zeros((16,), jnp.float32)

    TPC = N // 16
    iota_f = iota.astype(jnp.float32)
    Kf = jnp.float32(K)
    zf = jnp.zeros((16,), jnp.float32)
    shbuf[pl.ds(0, 16)] = zf
    shbuf2[pl.ds(32, 16)] = zf

    def _totsplat(v):
        p = v
        q = v
        for k in (1, 2, 4, 8):
            shbuf[pl.ds(16, 16)] = p
            p = p + shbuf[pl.ds(16 - k, 16)]
            shbuf2[pl.ds(16, 16)] = q
            q = q + shbuf2[pl.ds(16 + k, 16)]
        return p + q - v

    def step(i, cnt):
        si = i // TPC
        t = i - si * TPC
        s = s0 + si
        row = b * S + s
        cnt = cnt * jnp.minimum(t, 1).astype(jnp.float32)

        @pl.when(t == 0)
        def _():
            pltpu.sync_copy(sqd_ref.at[row], dv)
            idxb[pl.ds(0, 16)] = jnp.full((16,), N - 1, jnp.float32)

        d = dv[pl.ds(t * 16, 16)]
        mif = jnp.minimum(jnp.sign(r2 - d) + 1.0, 1.0)
        nvec_f = (t * 16 + iota).astype(jnp.float32)
        tot = _totsplat(mif)[0]

        @pl.when(tot > 0.5)
        def _():
            minc = jnp.minimum(cnt, Kf)
            window = zf
            occ = zf
            run = cnt
            for l in range(16):
                s_sel = mif[l]
                s_n = nvec_f[l]
                inb = jnp.minimum(jnp.maximum(Kf - run, 0.0), 1.0)
                gate = s_sel * inb
                ind = (1.0 - jnp.minimum(
                    jnp.abs(iota_f - jnp.full((16,), run - minc)), 1.0)) * gate
                window = window + jnp.full((16,), s_n) * ind
                occ = occ + ind
                run = run + s_sel
            mi32 = minc.astype(jnp.int32)
            existing = idxb[pl.ds(mi32, 16)]
            idxb[pl.ds(mi32, 16)] = window + existing * (1.0 - occ)

        cnt = cnt + tot

        @pl.when(t == TPC - 1)
        def _():
            bN = jnp.full((16,), b * N, jnp.int32)
            for j in range(K // 16):
                vals = idxb[pl.ds(j * 16, 16)].astype(jnp.int32)
                gi_v[pl.ds(j * 16, 16)] = jnp.minimum(vals, N - 1) + bN
            cntb[pl.ds(si * 16, 16)] = jnp.full((16,), cnt, jnp.float32
                                                ).astype(jnp.int32)
            pltpu.async_copy(src_ref.at[gi_v], rows_v, sem).wait()
            pltpu.sync_copy(rows_v, out_ref.at[row])

        return cnt

    lax.fori_loop(0, spw * TPC, step, jnp.float32(0.0))
    pltpu.sync_copy(cntb, cnt_ref.at[pl.ds((b * S + s0) * 16, spw * 16)])


def _bq_gather_sc(sqd, src, radius, K, B):
    BS, N = sqd.shape
    S = BS // B
    Cp = src.shape[1]
    mesh = plsc.VectorSubcoreMesh(core_axis_name="c", subcore_axis_name="s")
    kfn = functools.partial(
        pl.kernel,
        mesh=mesh,
        out_type=[jax.ShapeDtypeStruct((B * S, K, Cp), jnp.float32),
                  jax.ShapeDtypeStruct((B * S * 16,), jnp.int32)],
        scratch_types=[
            pltpu.VMEM((N,), jnp.float32),
            pltpu.VMEM((K + 16,), jnp.float32), pltpu.VMEM((K,), jnp.int32),
            pltpu.VMEM((K, Cp), jnp.float32),
            pltpu.VMEM((S * B // 32 * 16,), jnp.int32),
            pltpu.VMEM((48,), jnp.float32),
            pltpu.VMEM((48,), jnp.float32),
            pltpu.SemaphoreType.DMA,
        ],
    )(functools.partial(_bq_gather_body, B=B, N=N, S=S, K=K, Cp=Cp,
                        r2=radius * radius))
    return kfn(sqd, src)



def _norm_relu2(z, gamma, beta, count):
    s = jnp.sum(z, 0, keepdims=True)
    q = jnp.sum(z * z, 0, keepdims=True)
    mu = s / count
    var = q / count - mu * mu
    inv = jax.lax.rsqrt(var + 1e-5)
    return jnp.maximum((z - mu) * (inv * gamma[None]) + beta[None], 0.0)


def _sa3_body(r_ref, w1_ref, w2_ref, w3_ref, gb1_ref, gb2_ref, gb3_ref,
              o_ref, *, Bb):
    x = r_ref[...]
    R3 = x.shape[0]
    count = float(R3)
    h1 = _norm_relu2(_mm(x, w1_ref[...]), gb1_ref[0], gb1_ref[1], count)
    h2 = _norm_relu2(_mm(h1, w2_ref[...]), gb2_ref[0], gb2_ref[1], count)
    z3 = _mm(h2, w3_ref[...])
    s = jnp.sum(z3, 0, keepdims=True)
    q = jnp.sum(z3 * z3, 0, keepdims=True)
    mu = s / count
    var = q / count - mu * mu
    inv = jax.lax.rsqrt(var + 1e-5)
    zm = jnp.max(z3.reshape(Bb, R3 // Bb, -1), 1)
    o_ref[...] = jnp.maximum((zm - mu) * (inv * gb3_ref[0][None])
                             + gb3_ref[1][None], 0.0)


def _sa3(rows, layers, Bb, interpret=False):
    (w1, g1, b1), (w2, g2, b2), (w3, g3, b3) = layers
    Cl = w3.shape[1]
    return pl.pallas_call(
        functools.partial(_sa3_body, Bb=Bb),
        interpret=interpret,
        out_shape=jax.ShapeDtypeStruct((Bb, Cl), jnp.float32),
    )(rows, w1, w2, w3,
      jnp.stack([g1, b1], 0), jnp.stack([g2, b2], 0), jnp.stack([g3, b3], 0))


def _pad_layers(layers, cpad):
    out = []
    for i, (W, gm, bt) in enumerate(layers):
        wT = W.T
        if i == 0:
            wT = jnp.pad(wT, ((0, cpad - wT.shape[0]), (0, 0)))
        out.append((wT, gm, bt))
    return out


def _pad_rows(a, cpad):
    c = a.shape[-1]
    a2 = a.reshape(-1, c)
    return jnp.pad(a2, ((0, 0), (0, cpad - c)))



def _square_distance(src, dst):
    return (jnp.sum(src ** 2, -1)[:, :, None] + jnp.sum(dst ** 2, -1)[:, None, :]
            - 2.0 * jnp.einsum('bnc,bmc->bnm', src, dst))


def _index_points(points, idx):
    B = points.shape[0]
    bidx = jnp.arange(B).reshape((B,) + (1,) * (idx.ndim - 1))
    return points[bidx, idx]


def _query_ball_point(radius, nsample, xyz, new_xyz):
    B, N, _ = xyz.shape
    sqrdists = _square_distance(new_xyz, xyz)
    gidx = jnp.broadcast_to(jnp.arange(N, dtype=jnp.int32), sqrdists.shape)
    gidx = jnp.where(sqrdists > radius ** 2, N, gidx)
    gidx = jnp.sort(gidx, axis=-1)[:, :, :nsample]
    first = jnp.broadcast_to(gidx[:, :, :1], gidx.shape)
    gidx = jnp.where(gidx == N, first, gidx)
    return gidx


def _csplat(cent):
    c2 = cent.reshape(-1, 3)
    return jnp.concatenate(
        [jnp.broadcast_to(c2[:, i:i + 1], (c2.shape[0], 16)) for i in range(3)],
        axis=1)


def _gather_rows_xla(src, idx):
    B, S, K = idx.shape
    return _index_points(src, idx).reshape(B * S, K, src.shape[-1])


def kernel(pointcloud, params, interpret=False):
    B, N, _ = pointcloud.shape
    xyz = pointcloud[..., 0:3]

    S1, K1, CP1 = 512, 64, 128
    new1 = _fps_new_xyz(xyz, S1, interpret=interpret)
    src1 = _pad_rows(pointcloud, CP1)
    if interpret:
        idx1 = _query_ball_point(0.2, K1, xyz, new1)
        G1 = _gather_rows_xla(src1.reshape(B, N, CP1), idx1)
        cnt1 = jnp.full((B * S1, 16), K1, jnp.int32)
    else:
        xyzp8 = jnp.pad(jnp.transpose(xyz, (0, 2, 1)), ((0, 0), (0, 5), (0, 0)))
        cents8 = jnp.pad(new1, ((0, 0), (0, 0), (0, 5)))
        sqd1 = _sqd_pallas(cents8, xyzp8)
        G1, cnt1 = _bq_gather_sc(sqd1.reshape(B * S1, N), src1, 0.2, K1, B)
        cnt1 = cnt1.reshape(B * S1, 16)
    C1 = _pad_rows(new1, CP1)
    f1 = _mlp_maxpool(G1, cnt1, C1, _pad_layers(params[0], CP1), rb=64, interpret=interpret)

    S2, K2, CP2 = 128, 64, 256
    new2 = _fps_new_xyz(new1, S2, interpret=interpret)
    src2 = jnp.concatenate(
        [new1.reshape(B * S1, 3), f1,
         jnp.zeros((B * S1, CP2 - 3 - f1.shape[1]), jnp.float32)], 1)
    if interpret:
        idx2 = _query_ball_point(0.4, K2, new1, new2)
        G2 = _gather_rows_xla(src2.reshape(B, S1, CP2), idx2)
        cnt2 = jnp.full((B * S2, 16), K2, jnp.int32)
    else:
        xyzp8b = jnp.pad(jnp.transpose(new1, (0, 2, 1)), ((0, 0), (0, 5), (0, 0)))
        cents8b = jnp.pad(new2, ((0, 0), (0, 0), (0, 5)))
        sqd2 = _sqd_pallas(cents8b, xyzp8b)
        G2, cnt2 = _bq_gather_sc(sqd2.reshape(B * S2, S1), src2, 0.4, K2, B)
        cnt2 = cnt2.reshape(B * S2, 16)
    C2 = _pad_rows(new2, CP2)
    f2 = _mlp_maxpool(G2, cnt2, C2, _pad_layers(params[1], CP2), rb=32, interpret=interpret)

    CP3 = 272
    rows3 = jnp.concatenate(
        [new2.reshape(B * S2, 3), f2,
         jnp.zeros((B * S2, CP3 - 3 - f2.shape[1]), jnp.float32)], 1)
    return _sa3(rows3, _pad_layers(params[2], CP3), B, interpret=interpret)

# --- scband reference (transcript-rebuilt; emitter-appended) ---
"""Pipeline reference for scband-pointnet2-ssg-54606214201518 (READ-ONLY COPY).

The authoritative reference and input builder live on the scoring server;
editing this copy changes nothing except your own understanding.
"""

import jax, jax.numpy as jnp
import numpy as np


def square_distance(src, dst):
    return (jnp.sum(src ** 2, -1)[:, :, None] + jnp.sum(dst ** 2, -1)[:, None, :]
            - 2.0 * jnp.einsum('bnc,bmc->bnm', src, dst))


def index_points(points, idx):
    B = points.shape[0]
    bidx = jnp.arange(B).reshape((B,) + (1,) * (idx.ndim - 1))
    return points[bidx, idx]


def farthest_point_sample(xyz, npoint):
    xyz = jax.lax.stop_gradient(xyz)  # FPS has no gradient in the original CUDA op
    B, N, _ = xyz.shape

    def step(carry, _):
        distance, farthest = carry
        centroid = index_points(xyz, farthest[:, None])  # (B,1,3)
        d = jnp.sum((xyz - centroid) ** 2, -1)
        distance = jnp.minimum(distance, d)
        nxt = jnp.argmax(distance, -1).astype(jnp.int32)
        return (distance, nxt), farthest

    init = (jnp.full((B, N), 1e10, dtype=jnp.float32), jnp.zeros((B,), jnp.int32))
    _, idxs = jax.lax.scan(step, init, None, length=npoint)
    return jnp.transpose(idxs, (1, 0))  # (B, npoint)


def query_ball_point(radius, nsample, xyz, new_xyz):
    B, N, _ = xyz.shape
    S = new_xyz.shape[1]
    sqrdists = square_distance(new_xyz, xyz)  # (B,S,N)
    gidx = jnp.broadcast_to(jnp.arange(N, dtype=jnp.int32), (B, S, N))
    gidx = jnp.where(sqrdists > radius ** 2, N, gidx)
    gidx = jnp.sort(gidx, axis=-1)[:, :, :nsample]
    first = jnp.broadcast_to(gidx[:, :, :1], gidx.shape)
    gidx = jnp.where(gidx == N, first, gidx)
    return gidx


def shared_mlp(x, layers):
    # x: (B, S, K, C); Conv2d(1x1, bias=False) + BatchNorm2d (train-mode batch stats) + ReLU
    for W, gamma, beta in layers:
        x = jnp.einsum('...c,oc->...o', x, W)
        mean = jnp.mean(x, axis=(0, 1, 2), keepdims=True)
        var = jnp.var(x, axis=(0, 1, 2), keepdims=True)
        x = (x - mean) / jnp.sqrt(var + 1e-5)
        x = x * gamma + beta
        x = jax.nn.relu(x)
    return x


def sa_module(xyz, features, npoint, radius, nsample, layers):
    fps_idx = farthest_point_sample(xyz, npoint)
    new_xyz = index_points(xyz, fps_idx)  # (B, npoint, 3)
    idx = query_ball_point(radius, nsample, xyz, new_xyz)  # (B, npoint, nsample)
    grouped_xyz = index_points(xyz, idx) - new_xyz[:, :, None, :]
    if features is not None:
        grouped = jnp.concatenate([grouped_xyz, index_points(features, idx)], axis=-1)
    else:
        grouped = grouped_xyz
    new_features = jnp.max(shared_mlp(grouped, layers), axis=2)  # (B, npoint, C_out)
    return new_xyz, new_features


def sa_module_all(xyz, features, layers):
    grouped = xyz[:, None]  # (B,1,N,3)
    if features is not None:
        grouped = jnp.concatenate([grouped, features[:, None]], axis=-1)
    new_features = jnp.max(shared_mlp(grouped, layers), axis=2)  # (B,1,C_out)
    return None, new_features[:, 0]


def _forward(pointcloud, params):
    xyz = pointcloud[..., 0:3]
    features = pointcloud[..., 3:] if pointcloud.shape[-1] > 3 else None  # (B,N,C) layout
    xyz, features = sa_module(xyz, features, 512, 0.2, 64, params[0])
    xyz, features = sa_module(xyz, features, 128, 0.4, 64, params[1])
    _, features = sa_module_all(xyz, features, params[2])
    return features  # (B, 1024)


def setup_inputs(seed: int = 0):
    key = jax.random.key(seed)
    k_pc, k_w = jax.random.split(key)
    pointcloud = jax.random.normal(k_pc, (8, 4096, 6), dtype=jnp.float32)
    # mlp specs with use_xyz (+3 on input channels): [6,64,64,128], [131,128,128,256], [259,256,512,1024]
    dims_list = [[6, 64, 64, 128], [131, 128, 128, 256], [259, 256, 512, 1024]]
    params = []
    for dims in dims_list:
        layers = []
        for i in range(len(dims) - 1):
            k_w, k1 = jax.random.split(k_w)
            W = jax.random.normal(k1, (dims[i + 1], dims[i]), dtype=jnp.float32) * (2.0 / dims[i]) ** 0.5
            layers.append((W, jnp.ones((dims[i + 1],), jnp.float32), jnp.zeros((dims[i + 1],), jnp.float32)))
        params.append(layers)
    return {"pointcloud": pointcloud, "params": params}


def reference(pointcloud, params):
    return _forward(pointcloud, params)

if __name__ == "__main__":
    import jax
    _d = setup_inputs()
    print(jax.jit(kernel)(*tuple(_d.values())))

</pallas_src>

<mosaic_0001>
#map = affine_map<(d0, d1) -> (0, 0)>
#map1 = affine_map<(d0, d1) -> (0, 0, 0)>
#map2 = affine_map<(d0, d1) -> (0)>
module attributes {stable_mosaic.version = 14 : i64} {
  func.func @_bq_gather_body(%arg0: i32, %arg1: i32, %arg2: memref<4096x4096xf32, #tpu.memory_space<hbm>>, %arg3: memref<32768x128xf32, #tpu.memory_space<hbm>>, %arg4: memref<4096x64x128xf32, #tpu.memory_space<hbm>>, %arg5: memref<65536xi32, #tpu.memory_space<hbm>>, %arg6: memref<4096xf32, #tpu.memory_space<vmem>>, %arg7: memref<80xf32, #tpu.memory_space<vmem>>, %arg8: memref<64xi32, #tpu.memory_space<vmem>>, %arg9: memref<64x128xf32, #tpu.memory_space<vmem>>, %arg10: memref<2048xi32, #tpu.memory_space<vmem>>, %arg11: memref<48xf32, #tpu.memory_space<vmem>>, %arg12: memref<48xf32, #tpu.memory_space<vmem>>, %arg13: memref<!tpu.dma_semaphore, #tpu.memory_space<semaphore_mem>>) attributes {dimension_semantics = [#tpu.dimension_semantics<core_parallel>, #tpu.dimension_semantics<subcore_parallel>], iteration_bounds = array<i64: 2, 16>, scalar_prefetch = 0 : i64, scratch_operands = 8 : i64, tpu.core_type = #tpu.core_type<sc_vector_subcore>, window_params = [{transform_indices = #map}, {transform_indices = #map}, {transform_indices = #map1}, {transform_indices = #map2}]} {
    %mul3A = arith.constant 2 : i32
    %mul3A_0 = arith.muli %arg1, %mul3A : i32
    %add3A = arith.addi %mul3A_0, %arg0 : i32
    %jit3A = arith.constant 4 : i32
    %div3A = arith.divsi %add3A, %jit3A : i32
    %sign3A = arith.constant 0 : i32
    %sign3A_1 = arith.cmpi sgt, %add3A, %sign3A : i32
    %sign3A_2 = arith.extui %sign3A_1 : i1 to i32
    %sign3A_3 = arith.constant 0 : i32
    %sign3A_4 = arith.cmpi slt, %add3A, %sign3A_3 : i32
    %sign3A_5 = arith.extui %sign3A_4 : i1 to i32
    %sign3A_6 = arith.subi %sign3A_2, %sign3A_5 : i32
    %sign3A_7 = arith.constant 0 : i32
    %sign3A_8 = arith.cmpi sgt, %jit3A, %sign3A_7 : i32
    %sign3A_9 = arith.extui %sign3A_8 : i1 to i32
    %sign3A_10 = arith.constant 0 : i32
    %sign3A_11 = arith.cmpi slt, %jit3A, %sign3A_10 : i32
    %sign3A_12 = arith.extui %sign3A_11 : i1 to i32
    %sign3A_13 = arith.subi %sign3A_9, %sign3A_12 : i32
    %ne3A = arith.cmpi ne, %sign3A_6, %sign3A_13 : i32
    %rem3A = arith.remsi %add3A, %jit3A : i32
    %ne3A_14 = arith.constant 0 : i32
    %ne3A_15 = arith.cmpi ne, %rem3A, %ne3A_14 : i32
    %and3A = arith.andi %ne3A, %ne3A_15 : i1
    %sub3A = arith.constant 1 : i32
    %sub3A_16 = arith.subi %div3A, %sub3A : i32
    %select_n3A = arith.select %and3A, %sub3A_16, %div3A : i32
    %jit3A_17 = arith.constant 4 : i32
    %eq3A = arith.constant 0 : i32
    %eq3A_18 = arith.cmpi eq, %jit3A_17, %eq3A : i32
    %jit3A_19 = arith.constant 1 : i32
    %select_n3A_20 = arith.select %eq3A_18, %jit3A_19, %jit3A_17 : i32
    %rem3A_21 = arith.remsi %add3A, %select_n3A_20 : i32
    %ne3A_22 = arith.constant 0 : i32
    %ne3A_23 = arith.cmpi ne, %rem3A_21, %ne3A_22 : i32
    %lt3A = arith.constant 0 : i32
    %lt3A_24 = arith.cmpi slt, %rem3A_21, %lt3A : i32
    %lt3A_25 = arith.constant 0 : i32
    %lt3A_26 = arith.cmpi slt, %select_n3A_20, %lt3A_25 : i32
    %ne3A_27 = arith.xori %lt3A_24, %lt3A_26 : i1
    %and3A_28 = arith.andi %ne3A_27, %ne3A_23 : i1
    %add3A_29 = arith.addi %rem3A_21, %select_n3A_20 : i32
    %select_n3A_30 = arith.select %and3A_28, %add3A_29, %rem3A_21 : i32
    %mul3A_31 = arith.constant 128 : i32
    %mul3A_32 = arith.muli %select_n3A_30, %mul3A_31 : i32
    %iota3A = tpu.iota {dimensions = array<i32: 0>} : vector<16xi32>
    %broadcast_in_dim3A = arith.constant 0.000000e+00 : f32
    %broadcast_in_dim3A_33 = vector.broadcast %broadcast_in_dim3A : f32 to vector<16xf32>
    %swap3A = arith.constant 0 : index
    %swap3A_34 = tpu.vector_load %arg7[%swap3A] {strides = array<i32>} : memref<80xf32, #tpu.memory_space<vmem>>, vector<16xf32>,
    %swap3A_35 = vector.shape_cast %swap3A_34 : vector<16xf32> to vector<16xf32>
    %swap3A_36 = vector.shape_cast %broadcast_in_dim3A_33 : vector<16xf32> to vector<16xf32>
    tpu.vector_store %arg7[%swap3A], %swap3A_36 {strides = array<i32>} : memref<80xf32, #tpu.memory_space<vmem>>, vector<16xf32>,
    %broadcast_in_dim3A_37 = arith.constant 0.000000e+00 : f32
    %broadcast_in_dim3A_38 = vector.broadcast %broadcast_in_dim3A_37 : f32 to vector<16xf32>
    %swap3A_39 = arith.constant 16 : index
    %swap3A_40 = tpu.vector_load %arg7[%swap3A_39] {strides = array<i32>} : memref<80xf32, #tpu.memory_space<vmem>>, vector<16xf32>,
    %swap3A_41 = vector.shape_cast %swap3A_40 : vector<16xf32> to vector<16xf32>
    %swap3A_42 = vector.shape_cast %broadcast_in_dim3A_38 : vector<16xf32> to vector<16xf32>
    tpu.vector_store %arg7[%swap3A_39], %swap3A_42 {strides = array<i32>} : memref<80xf32, #tpu.memory_space<vmem>>, vector<16xf32>,
    %broadcast_in_dim3A_43 = arith.constant 0.000000e+00 : f32
    %broadcast_in_dim3A_44 = vector.broadcast %broadcast_in_dim3A_43 : f32 to vector<16xf32>
    %swap3A_45 = arith.constant 32 : index
    %swap3A_46 = tpu.vector_load %arg7[%swap3A_45] {strides = array<i32>} : memref<80xf32, #tpu.memory_space<vmem>>, vector<16xf32>,
    %swap3A_47 = vector.shape_cast %swap3A_46 : vector<16xf32> to vector<16xf32>
    %swap3A_48 = vector.shape_cast %broadcast_in_dim3A_44 : vector<16xf32> to vector<16xf32>
    tpu.vector_store %arg7[%swap3A_45], %swap3A_48 {strides = array<i32>} : memref<80xf32, #tpu.memory_space<vmem>>, vector<16xf32>,
    %broadcast_in_dim3A_49 = arith.constant 0.000000e+00 : f32
    %broadcast_in_dim3A_50 = vector.broadcast %broadcast_in_dim3A_49 : f32 to vector<16xf32>
    %swap3A_51 = arith.constant 48 : index
    %swap3A_52 = tpu.vector_load %arg7[%swap3A_51] {strides = array<i32>} : memref<80xf32, #tpu.memory_space<vmem>>, vector<16xf32>,
    %swap3A_53 = vector.shape_cast %swap3A_52 : vector<16xf32> to vector<16xf32>
    %swap3A_54 = vector.shape_cast %broadcast_in_dim3A_50 : vector<16xf32> to vector<16xf32>
    tpu.vector_store %arg7[%swap3A_51], %swap3A_54 {strides = array<i32>} : memref<80xf32, #tpu.memory_space<vmem>>, vector<16xf32>,
    %broadcast_in_dim3A_55 = arith.constant 0.000000e+00 : f32
    %broadcast_in_dim3A_56 = vector.broadcast %broadcast_in_dim3A_55 : f32 to vector<16xf32>
    %swap3A_57 = arith.constant 64 : index
    %swap3A_58 = tpu.vector_load %arg7[%swap3A_57] {strides = array<i32>} : memref<80xf32, #tpu.memory_space<vmem>>, vector<16xf32>,
    %swap3A_59 = vector.shape_cast %swap3A_58 : vector<16xf32> to vector<16xf32>
    %swap3A_60 = vector.shape_cast %broadcast_in_dim3A_56 : vector<16xf32> to vector<16xf32>
    tpu.vector_store %arg7[%swap3A_57], %swap3A_60 {strides = array<i32>} : memref<80xf32, #tpu.memory_space<vmem>>, vector<16xf32>,
    %convert_element_type3A = arith.sitofp %iota3A : vector<16xi32> to vector<16xf32>
    %broadcast_in_dim3A_61 = arith.constant 0.000000e+00 : f32
    %broadcast_in_dim3A_62 = vector.broadcast %broadcast_in_dim3A_61 : f32 to vector<16xf32>
    %swap3A_63 = arith.constant 0 : index
    %swap3A_64 = tpu.vector_load %arg11[%swap3A_63] {strides = array<i32>} : memref<48xf32, #tpu.memory_space<vmem>>, vector<16xf32>,
    %swap3A_65 = vector.shape_cast %swap3A_64 : vector<16xf32> to vector<16xf32>
    %swap3A_66 = vector.shape_cast %broadcast_in_dim3A_62 : vector<16xf32> to vector<16xf32>
    tpu.vector_store %arg11[%swap3A_63], %swap3A_66 {strides = array<i32>} : memref<48xf32, #tpu.memory_space<vmem>>, vector<16xf32>,
    %swap3A_67 = arith.constant 32 : index
    %swap3A_68 = tpu.vector_load %arg12[%swap3A_67] {strides = array<i32>} : memref<48xf32, #tpu.memory_space<vmem>>, vector<16xf32>,
    %swap3A_69 = vector.shape_cast %swap3A_68 : vector<16xf32> to vector<16xf32>
    %swap3A_70 = vector.shape_cast %broadcast_in_dim3A_62 : vector<16xf32> to vector<16xf32>
    tpu.vector_store %arg12[%swap3A_67], %swap3A_70 {strides = array<i32>} : memref<48xf32, #tpu.memory_space<vmem>>, vector<16xf32>,
    %scan3A = arith.constant 6.400000e+01 : f32
    %scan3A_71 = arith.constant 0.000000e+00 : f32
    %scan3A_72 = arith.constant 0 : i32
    %scan3A_73 = arith.constant 32768 : i32
    %scan3A_74 = arith.addi %scan3A_72, %scan3A_73 : i32
    %scan3A_75 = arith.constant 1 : i32
    %scan3A_76 = scf.for %scan3A_83 = %scan3A_72 to %scan3A_74 step %scan3A_75 iter_args(%scan3A_84 = %scan3A_71) -> (f32)  : i32 {
      %jit3A_85 = arith.constant 256 : i32
      %div3A_86 = arith.divsi %scan3A_83, %jit3A_85 : i32
      %sign3A_87 = arith.constant 0 : i32
      %sign3A_88 = arith.cmpi sgt, %scan3A_83, %sign3A_87 : i32
      %sign3A_89 = arith.extui %sign3A_88 : i1 to i32
      %sign3A_90 = arith.constant 0 : i32
      %sign3A_91 = arith.cmpi slt, %scan3A_83, %sign3A_90 : i32
      %sign3A_92 = arith.extui %sign3A_91 : i1 to i32
      %sign3A_93 = arith.subi %sign3A_89, %sign3A_92 : i32
      %sign3A_94 = arith.constant 0 : i32
      %sign3A_95 = arith.cmpi sgt, %jit3A_85, %sign3A_94 : i32
      %sign3A_96 = arith.extui %sign3A_95 : i1 to i32
      %sign3A_97 = arith.constant 0 : i32
      %sign3A_98 = arith.cmpi slt, %jit3A_85, %sign3A_97 : i32
      %sign3A_99 = arith.extui %sign3A_98 : i1 to i32
      %sign3A_100 = arith.subi %sign3A_96, %sign3A_99 : i32
      %ne3A_101 = arith.cmpi ne, %sign3A_93, %sign3A_100 : i32
      %rem3A_102 = arith.remsi %scan3A_83, %jit3A_85 : i32
      %ne3A_103 = arith.constant 0 : i32
      %ne3A_104 = arith.cmpi ne, %rem3A_102, %ne3A_103 : i32
      %and3A_105 = arith.andi %ne3A_101, %ne3A_104 : i1
      %sub3A_106 = arith.constant 1 : i32
      %sub3A_107 = arith.subi %div3A_86, %sub3A_106 : i32
      %select_n3A_108 = arith.select %and3A_105, %sub3A_107, %div3A_86 : i32
      %mul3A_109 = arith.constant 256 : i32
      %mul3A_110 = arith.muli %select_n3A_108, %mul3A_109 : i32
      %sub3A_111 = arith.subi %scan3A_83, %mul3A_110 : i32
      %add3A_112 = arith.addi %mul3A_32, %select_n3A_108 : i32
      %mul3A_113 = arith.constant 512 : i32
      %mul3A_114 = arith.muli %select_n3A, %mul3A_113 : i32
      %add3A_115 = arith.addi %mul3A_114, %add3A_112 : i32
      %min3A = arith.constant 1 : i32
      %min3A_116 = arith.minsi %sub3A_111, %min3A : i32
      %convert_element_type3A_117 = arith.sitofp %min3A_116 : i32 to f32
      %mul3A_118 = arith.mulf %scan3A_84, %convert_element_type3A_117 : f32
      %eq3A_119 = arith.constant 0 : i32
      %eq3A_120 = arith.cmpi eq, %sub3A_111, %eq3A_119 : i32
      %convert_element_type3A_121 = arith.extui %eq3A_120 : i1 to i32
      %cond3A = arith.constant 0 : i32
      %cond3A_122 = arith.cmpi ne, %convert_element_type3A_121, %cond3A : i32
      scf.if %cond3A_122 {
        "tpu.region"() ({
          %run_scoped3A = tpu.sem_alloc : memref<!tpu.dma_semaphore, #tpu.memory_space<semaphore_mem>>
          %dma_start3A = arith.constant 0 : i32
          %dma_start3A_236 = tpu.memref_slice %arg2[%add3A_115, %dma_start3A] : memref<4096x4096xf32, #tpu.memory_space<hbm>> -> memref<1x4096xf32, #tpu.memory_space<hbm>>
          %dma_start3A_237 = tpu.memref_squeeze %dma_start3A_236 : memref<1x4096xf32, #tpu.memory_space<hbm>> -> memref<4096xf32, #tpu.memory_space<hbm>>
          %dma_start3A_238 = arith.constant 0 : i32
          %dma_start3A_239 = tpu.memref_slice %arg2[%add3A_115, %dma_start3A_238] : memref<4096x4096xf32, #tpu.memory_space<hbm>> -> memref<1x4096xf32, #tpu.memory_space<hbm>>
          %dma_start3A_240 = tpu.memref_squeeze %dma_start3A_239 : memref<1x4096xf32, #tpu.memory_space<hbm>> -> memref<4096xf32, #tpu.memory_space<hbm>>
          tpu.enqueue_dma source(%dma_start3A_240 : memref<4096xf32, #tpu.memory_space<hbm>>) target(%arg6 : memref<4096xf32, #tpu.memory_space<vmem>>) target_semaphore(%run_scoped3A : memref<!tpu.dma_semaphore, #tpu.memory_space<semaphore_mem>>)
          %dma_wait3A = arith.constant 0 : i32
          %dma_wait3A_241 = tpu.memref_slice %arg2[%add3A_115, %dma_wait3A] : memref<4096x4096xf32, #tpu.memory_space<hbm>> -> memref<1x4096xf32, #tpu.memory_space<hbm>>
          %dma_wait3A_242 = tpu.memref_squeeze %dma_wait3A_241 : memref<1x4096xf32, #tpu.memory_space<hbm>> -> memref<4096xf32, #tpu.memory_space<hbm>>
          %dma_wait3A_243 = arith.constant 0 : i32
          %dma_wait3A_244 = tpu.memref_slice %arg2[%add3A_115, %dma_wait3A_243] : memref<4096x4096xf32, #tpu.memory_space<hbm>> -> memref<1x4096xf32, #tpu.memory_space<hbm>>
          %dma_wait3A_245 = tpu.memref_squeeze %dma_wait3A_244 : memref<1x4096xf32, #tpu.memory_space<hbm>> -> memref<4096xf32, #tpu.memory_space<hbm>>
          tpu.wait_dma2 semaphore(%run_scoped3A : memref<!tpu.dma_semaphore, #tpu.memory_space<semaphore_mem>>) src(%dma_wait3A_245 : memref<4096xf32, #tpu.memory_space<hbm>>) dst(%arg6 : memref<4096xf32, #tpu.memory_space<vmem>>)
          tpu.yield
        }) : () -> ()
        %broadcast_in_dim3A_230 = arith.constant 4.095000e+03 : f32
        %broadcast_in_dim3A_231 = vector.broadcast %broadcast_in_dim3A_230 : f32 to vector<16xf32>
        %swap3A_232 = arith.constant 0 : index
        %swap3A_233 = tpu.vector_load %arg7[%swap3A_232] {strides = array<i32>} : memref<80xf32, #tpu.memory_space<vmem>>, vector<16xf32>,
        %swap3A_234 = vector.shape_cast %swap3A_233 : vector<16xf32> to vector<16xf32>
        %swap3A_235 = vector.shape_cast %broadcast_in_dim3A_231 : vector<16xf32> to vector<16xf32>
        tpu.vector_store %arg7[%swap3A_232], %swap3A_235 {strides = array<i32>} : memref<80xf32, #tpu.memory_space<vmem>>, vector<16xf32>,
      } else {
      }
      %mul3A_123 = arith.constant 16 : i32
      %mul3A_124 = arith.muli %sub3A_111, %mul3A_123 : i32
      %get3A = arith.index_cast %mul3A_124 : i32 to index
      %get3A_125 = tpu.vector_load %arg6[%get3A] {strides = array<i32>} : memref<4096xf32, #tpu.memory_space<vmem>>, vector<16xf32>,
      %get3A_126 = vector.shape_cast %get3A_125 : vector<16xf32> to vector<16xf32>
      %sub3A_127 = arith.constant 4.000000e-02 : f32
      %sub3A_128 = vector.broadcast %sub3A_127 : f32 to vector<16xf32>
      %sub3A_129 = arith.subf %sub3A_128, %get3A_126 : vector<16xf32>
      %sign3A_130 = tpu.bitcast %sub3A_129 : vector<16xf32> -> vector<16xi32>
      %sign3A_131 = arith.constant -2147483648 : i32
      %sign3A_132 = vector.broadcast %sign3A_131 : i32 to vector<16xi32>
      %sign3A_133 = arith.andi %sign3A_130, %sign3A_132 : vector<16xi32>
      %sign3A_134 = arith.constant 1065353216 : i32
      %sign3A_135 = vector.broadcast %sign3A_134 : i32 to vector<16xi32>
      %sign3A_136 = arith.ori %sign3A_135, %sign3A_133 : vector<16xi32>
      %sign3A_137 = tpu.bitcast %sign3A_136 : vector<16xi32> -> vector<16xf32>
      %sign3A_138 = math.absf %sub3A_129 : vector<16xf32>
      %sign3A_139 = arith.constant 0.000000e+00 : f32
      %sign3A_140 = vector.broadcast %sign3A_139 : f32 to vector<16xf32>
      %sign3A_141 = arith.cmpf ogt, %sign3A_138, %sign3A_140 : vector<16xf32>
      %sign3A_142 = arith.select %sign3A_141, %sign3A_137, %sub3A_129 : vector<16xi1>, vector<16xf32>
      %add3A_143 = arith.constant 1.000000e+00 : f32
      %add3A_144 = vector.broadcast %add3A_143 : f32 to vector<16xf32>
      %add3A_145 = arith.addf %sign3A_142, %add3A_144 : vector<16xf32>
      %min3A_146 = arith.constant 1.000000e+00 : f32
      %min3A_147 = vector.broadcast %min3A_146 : f32 to vector<16xf32>
      %min3A_148 = arith.minimumf %add3A_145, %min3A_147 : vector<16xf32>
      %mul3A_149 = arith.constant 16 : i32
      %mul3A_150 = arith.muli %sub3A_111, %mul3A_149 : i32
      %add3A_151 = vector.broadcast %mul3A_150 : i32 to vector<16xi32>
      %add3A_152 = arith.addi %add3A_151, %iota3A : vector<16xi32>
      %convert_element_type3A_153 = arith.sitofp %add3A_152 : vector<16xi32> to vector<16xf32>
      %swap3A_154 = arith.constant 16 : index
      %swap3A_155 = tpu.vector_load %arg11[%swap3A_154] {strides = array<i32>} : memref<48xf32, #tpu.memory_space<vmem>>, vector<16xf32>,
      %swap3A_156 = vector.shape_cast %swap3A_155 : vector<16xf32> to vector<16xf32>
      %swap3A_157 = vector.shape_cast %min3A_148 : vector<16xf32> to vector<16xf32>
      tpu.vector_store %arg11[%swap3A_154], %swap3A_157 {strides = array<i32>} : memref<48xf32, #tpu.memory_space<vmem>>, vector<16xf32>,
      %get3A_158 = arith.constant 15 : index
      %get3A_159 = tpu.vector_load %arg11[%get3A_158] {strides = array<i32>} : memref<48xf32, #tpu.memory_space<vmem>>, vector<16xf32>,
      %get3A_160 = vector.shape_cast %get3A_159 : vector<16xf32> to vector<16xf32>
      %add3A_161 = arith.addf %min3A_148, %get3A_160 : vector<16xf32>
      %swap3A_162 = arith.constant 16 : index
      %swap3A_163 = tpu.vector_load %arg12[%swap3A_162] {strides = array<i32>} : memref<48xf32, #tpu.memory_space<vmem>>, vector<16xf32>,
      %swap3A_164 = vector.shape_cast %swap3A_163 : vector<16xf32> to vector<16xf32>
      %swap3A_165 = vector.shape_cast %min3A_148 : vector<16xf32> to vector<16xf32>
      tpu.vector_store %arg12[%swap3A_162], %swap3A_165 {strides = array<i32>} : memref<48xf32, #tpu.memory_space<vmem>>, vector<16xf32>,
      %get3A_166 = arith.constant 17 : index
      %get3A_167 = tpu.vector_load %arg12[%get3A_166] {strides = array<i32>} : memref<48xf32, #tpu.memory_space<vmem>>, vector<16xf32>,
      %get3A_168 = vector.shape_cast %get3A_167 : vector<16xf32> to vector<16xf32>
      %add3A_169 = arith.addf %min3A_148, %get3A_168 : vector<16xf32>
      %swap3A_170 = arith.constant 16 : index
      %swap3A_171 = tpu.vector_load %arg11[%swap3A_170] {strides = array<i32>} : memref<48xf32, #tpu.memory_space<vmem>>, vector<16xf32>,
      %swap3A_172 = vector.shape_cast %swap3A_171 : vector<16xf32> to vector<16xf32>
      %swap3A_173 = vector.shape_cast %add3A_161 : vector<16xf32> to vector<16xf32>
      tpu.vector_store %arg11[%swap3A_170], %swap3A_173 {strides = array<i32>} : memref<48xf32, #tpu.memory_space<vmem>>, vector<16xf32>,
      %get3A_174 = arith.constant 14 : index
      %get3A_175 = tpu.vector_load %arg11[%get3A_174] {strides = array<i32>} : memref<48xf32, #tpu.memory_space<vmem>>, vector<16xf32>,
      %get3A_176 = vector.shape_cast %get3A_175 : vector<16xf32> to vector<16xf32>
      %add3A_177 = arith.addf %add3A_161, %get3A_176 : vector<16xf32>
      %swap3A_178 = arith.constant 16 : index
      %swap3A_179 = tpu.vector_load %arg12[%swap3A_178] {strides = array<i32>} : memref<48xf32, #tpu.memory_space<vmem>>, vector<16xf32>,
      %swap3A_180 = vector.shape_cast %swap3A_179 : vector<16xf32> to vector<16xf32>
      %swap3A_181 = vector.shape_cast %add3A_169 : vector<16xf32> to vector<16xf32>
      tpu.vector_store %arg12[%swap3A_178], %swap3A_181 {strides = array<i32>} : memref<48xf32, #tpu.memory_space<vmem>>, vector<16xf32>,
      %get3A_182 = arith.constant 18 : index
      %get3A_183 = tpu.vector_load %arg12[%get3A_182] {strides = array<i32>} : memref<48xf32, #tpu.memory_space<vmem>>, vector<16xf32>,
      %get3A_184 = vector.shape_cast %get3A_183 : vector<16xf32> to vector<16xf32>
      %add3A_185 = arith.addf %add3A_169, %get3A_184 : vector<16xf32>
      %swap3A_186 = arith.constant 16 : index
      %swap3A_187 = tpu.vector_load %arg11[%swap3A_186] {strides = array<i32>} : memref<48xf32, #tpu.memory_space<vmem>>, vector<16xf32>,
      %swap3A_188 = vector.shape_cast %swap3A_187 : vector<16xf32> to vector<16xf32>
      %swap3A_189 = vector.shape_cast %add3A_177 : vector<16xf32> to vector<16xf32>
      tpu.vector_store %arg11[%swap3A_186], %swap3A_189 {strides = array<i32>} : memref<48xf32, #tpu.memory_space<vmem>>, vector<16xf32>,
      %get3A_190 = arith.constant 12 : index
      %get3A_191 = tpu.vector_load %arg11[%get3A_190] {strides = array<i32>} : memref<48xf32, #tpu.memory_space<vmem>>, vector<16xf32>,
      %get3A_192 = vector.shape_cast %get3A_191 : vector<16xf32> to vector<16xf32>
      %add3A_193 = arith.addf %add3A_177, %get3A_192 : vector<16xf32>
      %swap3A_194 = arith.constant 16 : index
      %swap3A_195 = tpu.vector_load %arg12[%swap3A_194] {strides = array<i32>} : memref<48xf32, #tpu.memory_space<vmem>>, vector<16xf32>,
      %swap3A_196 = vector.shape_cast %swap3A_195 : vector<16xf32> to vector<16xf32>
      %swap3A_197 = vector.shape_cast %add3A_185 : vector<16xf32> to vector<16xf32>
      tpu.vector_store %arg12[%swap3A_194], %swap3A_197 {strides = array<i32>} : memref<48xf32, #tpu.memory_space<vmem>>, vector<16xf32>,
      %get3A_198 = arith.constant 20 : index
      %get3A_199 = tpu.vector_load %arg12[%get3A_198] {strides = array<i32>} : memref<48xf32, #tpu.memory_space<vmem>>, vector<16xf32>,
      %get3A_200 = vector.shape_cast %get3A_199 : vector<16xf32> to vector<16xf32>
      %add3A_201 = arith.addf %add3A_185, %get3A_200 : vector<16xf32>
      %swap3A_202 = arith.constant 16 : index
      %swap3A_203 = tpu.vector_load %arg11[%swap3A_202] {strides = array<i32>} : memref<48xf32, #tpu.memory_space<vmem>>, vector<16xf32>,
      %swap3A_204 = vector.shape_cast %swap3A_203 : vector<16xf32> to vector<16xf32>
      %swap3A_205 = vector.shape_cast %add3A_193 : vector<16xf32> to vector<16xf32>
      tpu.vector_store %arg11[%swap3A_202], %swap3A_205 {strides = array<i32>} : memref<48xf32, #tpu.memory_space<vmem>>, vector<16xf32>,
      %get3A_206 = arith.constant 8 : index
      %get3A_207 = tpu.vector_load %arg11[%get3A_206] {strides = array<i32>} : memref<48xf32, #tpu.memory_space<vmem>>, vector<16xf32>,
      %get3A_208 = vector.shape_cast %get3A_207 : vector<16xf32> to vector<16xf32>
      %add3A_209 = arith.addf %add3A_193, %get3A_208 : vector<16xf32>
      %swap3A_210 = arith.constant 16 : index
      %swap3A_211 = tpu.vector_load %arg12[%swap3A_210] {strides = array<i32>} : memref<48xf32, #tpu.memory_space<vmem>>, vector<16xf32>,
      %swap3A_212 = vector.shape_cast %swap3A_211 : vector<16xf32> to vector<16xf32>
      %swap3A_213 = vector.shape_cast %add3A_201 : vector<16xf32> to vector<16xf32>
      tpu.vector_store %arg12[%swap3A_210], %swap3A_213 {strides = array<i32>} : memref<48xf32, #tpu.memory_space<vmem>>, vector<16xf32>,
      %get3A_214 = arith.constant 24 : index
      %get3A_215 = tpu.vector_load %arg12[%get3A_214] {strides = array<i32>} : memref<48xf32, #tpu.memory_space<vmem>>, vector<16xf32>,
      %get3A_216 = vector.shape_cast %get3A_215 : vector<16xf32> to vector<16xf32>
      %add3A_217 = arith.addf %add3A_201, %get3A_216 : vector<16xf32>
      %add3A_218 = arith.addf %add3A_209, %add3A_217 : vector<16xf32>
      %sub3A_219 = arith.subf %add3A_218, %min3A_148 : vector<16xf32>
      %slice3A = vector.extract_strided_slice %sub3A_219 {offsets = [0], sizes = [1], strides = [1]} : vector<16xf32> to vector<1xf32>
      %squeeze3A = vector.extract %slice3A[0] : f32 from vector<1xf32>
      %gt3A = arith.constant 5.000000e-01 : f32
      %gt3A_220 = arith.cmpf ogt, %squeeze3A, %gt3A : f32
      %convert_element_type3A_221 = arith.extui %gt3A_220 : i1 to i32
      %cond3A_222 = arith.constant 0 : i32
      %cond3A_223 = arith.cmpi ne, %convert_element_type3A_221, %cond3A_222 : i32
      scf.if %cond3A_223 {
        %min3A_230 = arith.minimumf %mul3A_118, %scan3A : f32
        %slice3A_231 = vector.extract_strided_slice %min3A_148 {offsets = [0], sizes = [1], strides = [1]} : vector<16xf32> to vector<1xf32>
        %squeeze3A_232 = vector.extract %slice3A_231[0] : f32 from vector<1xf32>
        %slice3A_233 = vector.extract_strided_slice %convert_element_type3A_153 {offsets = [0], sizes = [1], strides = [1]} : vector<16xf32> to vector<1xf32>
        %squeeze3A_234 = vector.extract %slice3A_233[0] : f32 from vector<1xf32>
        %sub3A_235 = arith.subf %scan3A, %mul3A_118 : f32
        %max3A = arith.constant 0.000000e+00 : f32
        %max3A_236 = arith.maximumf %sub3A_235, %max3A : f32
        %min3A_237 = arith.constant 1.000000e+00 : f32
        %min3A_238 = arith.minimumf %max3A_236, %min3A_237 : f32
        %mul3A_239 = arith.mulf %squeeze3A_232, %min3A_238 : f32
        %sub3A_240 = arith.subf %mul3A_118, %min3A_230 : f32
        %broadcast_in_dim3A_241 = vector.broadcast %sub3A_240 : f32 to vector<16xf32>
        %sub3A_242 = arith.subf %convert_element_type3A, %broadcast_in_dim3A_241 : vector<16xf32>
        %abs3A = math.absf %sub3A_242 : vector<16xf32>
        %min3A_243 = arith.constant 1.000000e+00 : f32
        %min3A_244 = vector.broadcast %min3A_243 : f32 to vector<16xf32>
        %min3A_245 = arith.minimumf %abs3A, %min3A_244 : vector<16xf32>
        %sub3A_246 = arith.constant 1.000000e+00 : f32
        %sub3A_247 = vector.broadcast %sub3A_246 : f32 to vector<16xf32>
        %sub3A_248 = arith.subf %sub3A_247, %min3A_245 : vector<16xf32>
        %mul3A_249 = vector.broadcast %mul3A_239 : f32 to vector<16xf32>
        %mul3A_250 = arith.mulf %sub3A_248, %mul3A_249 : vector<16xf32>
        %broadcast_in_dim3A_251 = vector.broadcast %squeeze3A_234 : f32 to vector<16xf32>
        %mul3A_252 = arith.mulf %broadcast_in_dim3A_251, %mul3A_250 : vector<16xf32>
        %add3A_253 = arith.addf %broadcast_in_dim3A_62, %mul3A_252 : vector<16xf32>
        %add3A_254 = arith.addf %broadcast_in_dim3A_62, %mul3A_250 : vector<16xf32>
        %add3A_255 = arith.addf %mul3A_118, %squeeze3A_232 : f32
        %slice3A_256 = vector.extract_strided_slice %min3A_148 {offsets = [1], sizes = [1], strides = [1]} : vector<16xf32> to vector<1xf32>
        %squeeze3A_257 = vector.extract %slice3A_256[0] : f32 from vector<1xf32>
        %slice3A_258 = vector.extract_strided_slice %convert_element_type3A_153 {offsets = [1], sizes = [1], strides = [1]} : vector<16xf32> to vector<1xf32>
        %squeeze3A_259 = vector.extract %slice3A_258[0] : f32 from vector<1xf32>
        %sub3A_260 = arith.subf %scan3A, %add3A_255 : f32
        %max3A_261 = arith.constant 0.000000e+00 : f32
        %max3A_262 = arith.maximumf %sub3A_260, %max3A_261 : f32
        %min3A_263 = arith.constant 1.000000e+00 : f32
        %min3A_264 = arith.minimumf %max3A_262, %min3A_263 : f32
        %mul3A_265 = arith.mulf %squeeze3A_257, %min3A_264 : f32
        %sub3A_266 = arith.subf %add3A_255, %min3A_230 : f32
        %broadcast_in_dim3A_267 = vector.broadcast %sub3A_266 : f32 to vector<16xf32>
        %sub3A_268 = arith.subf %convert_element_type3A, %broadcast_in_dim3A_267 : vector<16xf32>
        %abs3A_269 = math.absf %sub3A_268 : vector<16xf32>
        %min3A_270 = arith.constant 1.000000e+00 : f32
        %min3A_271 = vector.broadcast %min3A_270 : f32 to vector<16xf32>
        %min3A_272 = arith.minimumf %abs3A_269, %min3A_271 : vector<16xf32>
        %sub3A_273 = arith.constant 1.000000e+00 : f32
        %sub3A_274 = vector.broadcast %sub3A_273 : f32 to vector<16xf32>
        %sub3A_275 = arith.subf %sub3A_274, %min3A_272 : vector<16xf32>
        %mul3A_276 = vector.broadcast %mul3A_265 : f32 to vector<16xf32>
        %mul3A_277 = arith.mulf %sub3A_275, %mul3A_276 : vector<16xf32>
        %broadcast_in_dim3A_278 = vector.broadcast %squeeze3A_259 : f32 to vector<16xf32>
        %mul3A_279 = arith.mulf %broadcast_in_dim3A_278, %mul3A_277 : vector<16xf32>
        %add3A_280 = arith.addf %add3A_253, %mul3A_279 : vector<16xf32>
        %add3A_281 = arith.addf %add3A_254, %mul3A_277 : vector<16xf32>
        %add3A_282 = arith.addf %add3A_255, %squeeze3A_257 : f32
        %slice3A_283 = vector.extract_strided_slice %min3A_148 {offsets = [2], sizes = [1], strides = [1]} : vector<16xf32> to vector<1xf32>
        %squeeze3A_284 = vector.extract %slice3A_283[0] : f32 from vector<1xf32>
        %slice3A_285 = vector.extract_strided_slice %convert_element_type3A_153 {offsets = [2], sizes = [1], strides = [1]} : vector<16xf32> to vector<1xf32>
        %squeeze3A_286 = vector.extract %slice3A_285[0] : f32 from vector<1xf32>
        %sub3A_287 = arith.subf %scan3A, %add3A_282 : f32
        %max3A_288 = arith.constant 0.000000e+00 : f32
        %max3A_289 = arith.maximumf %sub3A_287, %max3A_288 : f32
        %min3A_290 = arith.constant 1.000000e+00 : f32
        %min3A_291 = arith.minimumf %max3A_289, %min3A_290 : f32
        %mul3A_292 = arith.mulf %squeeze3A_284, %min3A_291 : f32
        %sub3A_293 = arith.subf %add3A_282, %min3A_230 : f32
        %broadcast_in_dim3A_294 = vector.broadcast %sub3A_293 : f32 to vector<16xf32>
        %sub3A_295 = arith.subf %convert_element_type3A, %broadcast_in_dim3A_294 : vector<16xf32>
        %abs3A_296 = math.absf %sub3A_295 : vector<16xf32>
        %min3A_297 = arith.constant 1.000000e+00 : f32
        %min3A_298 = vector.broadcast %min3A_297 : f32 to vector<16xf32>
        %min3A_299 = arith.minimumf %abs3A_296, %min3A_298 : vector<16xf32>
        %sub3A_300 = arith.constant 1.000000e+00 : f32
        %sub3A_301 = vector.broadcast %sub3A_300 : f32 to vector<16xf32>
        %sub3A_302 = arith.subf %sub3A_301, %min3A_299 : vector<16xf32>
        %mul3A_303 = vector.broadcast %mul3A_292 : f32 to vector<16xf32>
        %mul3A_304 = arith.mulf %sub3A_302, %mul3A_303 : vector<16xf32>
        %broadcast_in_dim3A_305 = vector.broadcast %squeeze3A_286 : f32 to vector<16xf32>
        %mul3A_306 = arith.mulf %broadcast_in_dim3A_305, %mul3A_304 : vector<16xf32>
        %add3A_307 = arith.addf %add3A_280, %mul3A_306 : vector<16xf32>
        %add3A_308 = arith.addf %add3A_281, %mul3A_304 : vector<16xf32>
        %add3A_309 = arith.addf %add3A_282, %squeeze3A_284 : f32
        %slice3A_310 = vector.extract_strided_slice %min3A_148 {offsets = [3], sizes = [1], strides = [1]} : vector<16xf32> to vector<1xf32>
        %squeeze3A_311 = vector.extract %slice3A_310[0] : f32 from vector<1xf32>
        %slice3A_312 = vector.extract_strided_slice %convert_element_type3A_153 {offsets = [3], sizes = [1], strides = [1]} : vector<16xf32> to vector<1xf32>
        %squeeze3A_313 = vector.extract %slice3A_312[0] : f32 from vector<1xf32>
        %sub3A_314 = arith.subf %scan3A, %add3A_309 : f32
        %max3A_315 = arith.constant 0.000000e+00 : f32
        %max3A_316 = arith.maximumf %sub3A_314, %max3A_315 : f32
        %min3A_317 = arith.constant 1.000000e+00 : f32
        %min3A_318 = arith.minimumf %max3A_316, %min3A_317 : f32
        %mul3A_319 = arith.mulf %squeeze3A_311, %min3A_318 : f32
        %sub3A_320 = arith.subf %add3A_309, %min3A_230 : f32
        %broadcast_in_dim3A_321 = vector.broadcast %sub3A_320 : f32 to vector<16xf32>
        %sub3A_322 = arith.subf %convert_element_type3A, %broadcast_in_dim3A_321 : vector<16xf32>
        %abs3A_323 = math.absf %sub3A_322 : vector<16xf32>
        %min3A_324 = arith.constant 1.000000e+00 : f32
        %min3A_325 = vector.broadcast %min3A_324 : f32 to vector<16xf32>
        %min3A_326 = arith.minimumf %abs3A_323, %min3A_325 : vector<16xf32>
        %sub3A_327 = arith.constant 1.000000e+00 : f32
        %sub3A_328 = vector.broadcast %sub3A_327 : f32 to vector<16xf32>
        %sub3A_329 = arith.subf %sub3A_328, %min3A_326 : vector<16xf32>
        %mul3A_330 = vector.broadcast %mul3A_319 : f32 to vector<16xf32>
        %mul3A_331 = arith.mulf %sub3A_329, %mul3A_330 : vector<16xf32>
        %broadcast_in_dim3A_332 = vector.broadcast %squeeze3A_313 : f32 to vector<16xf32>
        %mul3A_333 = arith.mulf %broadcast_in_dim3A_332, %mul3A_331 : vector<16xf32>
        %add3A_334 = arith.addf %add3A_307, %mul3A_333 : vector<16xf32>
        %add3A_335 = arith.addf %add3A_308, %mul3A_331 : vector<16xf32>
        %add3A_336 = arith.addf %add3A_309, %squeeze3A_311 : f32
        %slice3A_337 = vector.extract_strided_slice %min3A_148 {offsets = [4], sizes = [1], strides = [1]} : vector<16xf32> to vector<1xf32>
        %squeeze3A_338 = vector.extract %slice3A_337[0] : f32 from vector<1xf32>
        %slice3A_339 = vector.extract_strided_slice %convert_element_type3A_153 {offsets = [4], sizes = [1], strides = [1]} : vector<16xf32> to vector<1xf32>
        %squeeze3A_340 = vector.extract %slice3A_339[0] : f32 from vector<1xf32>
        %sub3A_341 = arith.subf %scan3A, %add3A_336 : f32
        %max3A_342 = arith.constant 0.000000e+00 : f32
        %max3A_343 = arith.maximumf %sub3A_341, %max3A_342 : f32
        %min3A_344 = arith.constant 1.000000e+00 : f32
        %min3A_345 = arith.minimumf %max3A_343, %min3A_344 : f32
        %mul3A_346 = arith.mulf %squeeze3A_338, %min3A_345 : f32
        %sub3A_347 = arith.subf %add3A_336, %min3A_230 : f32
        %broadcast_in_dim3A_348 = vector.broadcast %sub3A_347 : f32 to vector<16xf32>
        %sub3A_349 = arith.subf %convert_element_type3A, %broadcast_in_dim3A_348 : vector<16xf32>
        %abs3A_350 = math.absf %sub3A_349 : vector<16xf32>
        %min3A_351 = arith.constant 1.000000e+00 : f32
        %min3A_352 = vector.broadcast %min3A_351 : f32 to vector<16xf32>
        %min3A_353 = arith.minimumf %abs3A_350, %min3A_352 : vector<16xf32>
        %sub3A_354 = arith.constant 1.000000e+00 : f32
        %sub3A_355 = vector.broadcast %sub3A_354 : f32 to vector<16xf32>
        %sub3A_356 = arith.subf %sub3A_355, %min3A_353 : vector<16xf32>
        %mul3A_357 = vector.broadcast %mul3A_346 : f32 to vector<16xf32>
        %mul3A_358 = arith.mulf %sub3A_356, %mul3A_357 : vector<16xf32>
        %broadcast_in_dim3A_359 = vector.broadcast %squeeze3A_340 : f32 to vector<16xf32>
        %mul3A_360 = arith.mulf %broadcast_in_dim3A_359, %mul3A_358 : vector<16xf32>
        %add3A_361 = arith.addf %add3A_334, %mul3A_360 : vector<16xf32>
        %add3A_362 = arith.addf %add3A_335, %mul3A_358 : vector<16xf32>
        %add3A_363 = arith.addf %add3A_336, %squeeze3A_338 : f32
        %slice3A_364 = vector.extract_strided_slice %min3A_148 {offsets = [5], sizes = [1], strides = [1]} : vector<16xf32> to vector<1xf32>
        %squeeze3A_365 = vector.extract %slice3A_364[0] : f32 from vector<1xf32>
        %slice3A_366 = vector.extract_strided_slice %convert_element_type3A_153 {offsets = [5], sizes = [1], strides = [1]} : vector<16xf32> to vector<1xf32>
        %squeeze3A_367 = vector.extract %slice3A_366[0] : f32 from vector<1xf32>
        %sub3A_368 = arith.subf %scan3A, %add3A_363 : f32
        %max3A_369 = arith.constant 0.000000e+00 : f32
        %max3A_370 = arith.maximumf %sub3A_368, %max3A_369 : f32
        %min3A_371 = arith.constant 1.000000e+00 : f32
        %min3A_372 = arith.minimumf %max3A_370, %min3A_371 : f32
        %mul3A_373 = arith.mulf %squeeze3A_365, %min3A_372 : f32
        %sub3A_374 = arith.subf %add3A_363, %min3A_230 : f32
        %broadcast_in_dim3A_375 = vector.broadcast %sub3A_374 : f32 to vector<16xf32>
        %sub3A_376 = arith.subf %convert_element_type3A, %broadcast_in_dim3A_375 : vector<16xf32>
        %abs3A_377 = math.absf %sub3A_376 : vector<16xf32>
        %min3A_378 = arith.constant 1.000000e+00 : f32
        %min3A_379 = vector.broadcast %min3A_378 : f32 to vector<16xf32>
        %min3A_380 = arith.minimumf %abs3A_377, %min3A_379 : vector<16xf32>
        %sub3A_381 = arith.constant 1.000000e+00 : f32
        %sub3A_382 = vector.broadcast %sub3A_381 : f32 to vector<16xf32>
        %sub3A_383 = arith.subf %sub3A_382, %min3A_380 : vector<16xf32>
        %mul3A_384 = vector.broadcast %mul3A_373 : f32 to vector<16xf32>
        %mul3A_385 = arith.mulf %sub3A_383, %mul3A_384 : vector<16xf32>
        %broadcast_in_dim3A_386 = vector.broadcast %squeeze3A_367 : f32 to vector<16xf32>
        %mul3A_387 = arith.mulf %broadcast_in_dim3A_386, %mul3A_385 : vector<16xf32>
        %add3A_388 = arith.addf %add3A_361, %mul3A_387 : vector<16xf32>
        %add3A_389 = arith.addf %add3A_362, %mul3A_385 : vector<16xf32>
        %add3A_390 = arith.addf %add3A_363, %squeeze3A_365 : f32
        %slice3A_391 = vector.extract_strided_slice %min3A_148 {offsets = [6], sizes = [1], strides = [1]} : vector<16xf32> to vector<1xf32>
        %squeeze3A_392 = vector.extract %slice3A_391[0] : f32 from vector<1xf32>
        %slice3A_393 = vector.extract_strided_slice %convert_element_type3A_153 {offsets = [6], sizes = [1], strides = [1]} : vector<16xf32> to vector<1xf32>
        %squeeze3A_394 = vector.extract %slice3A_393[0] : f32 from vector<1xf32>
        %sub3A_395 = arith.subf %scan3A, %add3A_390 : f32
        %max3A_396 = arith.constant 0.000000e+00 : f32
        %max3A_397 = arith.maximumf %sub3A_395, %max3A_396 : f32
        %min3A_398 = arith.constant 1.000000e+00 : f32
        %min3A_399 = arith.minimumf %max3A_397, %min3A_398 : f32
        %mul3A_400 = arith.mulf %squeeze3A_392, %min3A_399 : f32
        %sub3A_401 = arith.subf %add3A_390, %min3A_230 : f32
        %broadcast_in_dim3A_402 = vector.broadcast %sub3A_401 : f32 to vector<16xf32>
        %sub3A_403 = arith.subf %convert_element_type3A, %broadcast_in_dim3A_402 : vector<16xf32>
        %abs3A_404 = math.absf %sub3A_403 : vector<16xf32>
        %min3A_405 = arith.constant 1.000000e+00 : f32
        %min3A_406 = vector.broadcast %min3A_405 : f32 to vector<16xf32>
        %min3A_407 = arith.minimumf %abs3A_404, %min3A_406 : vector<16xf32>
        %sub3A_408 = arith.constant 1.000000e+00 : f32
        %sub3A_409 = vector.broadcast %sub3A_408 : f32 to vector<16xf32>
        %sub3A_410 = arith.subf %sub3A_409, %min3A_407 : vector<16xf32>
        %mul3A_411 = vector.broadcast %mul3A_400 : f32 to vector<16xf32>
        %mul3A_412 = arith.mulf %sub3A_410, %mul3A_411 : vector<16xf32>
        %broadcast_in_dim3A_413 = vector.broadcast %squeeze3A_394 : f32 to vector<16xf32>
        %mul3A_414 = arith.mulf %broadcast_in_dim3A_413, %mul3A_412 : vector<16xf32>
        %add3A_415 = arith.addf %add3A_388, %mul3A_414 : vector<16xf32>
        %add3A_416 = arith.addf %add3A_389, %mul3A_412 : vector<16xf32>
        %add3A_417 = arith.addf %add3A_390, %squeeze3A_392 : f32
        %slice3A_418 = vector.extract_strided_slice %min3A_148 {offsets = [7], sizes = [1], strides = [1]} : vector<16xf32> to vector<1xf32>
        %squeeze3A_419 = vector.extract %slice3A_418[0] : f32 from vector<1xf32>
        %slice3A_420 = vector.extract_strided_slice %convert_element_type3A_153 {offsets = [7], sizes = [1], strides = [1]} : vector<16xf32> to vector<1xf32>
        %squeeze3A_421 = vector.extract %slice3A_420[0] : f32 from vector<1xf32>
        %sub3A_422 = arith.subf %scan3A, %add3A_417 : f32
        %max3A_423 = arith.constant 0.000000e+00 : f32
        %max3A_424 = arith.maximumf %sub3A_422, %max3A_423 : f32
        %min3A_425 = arith.constant 1.000000e+00 : f32
        %min3A_426 = arith.minimumf %max3A_424, %min3A_425 : f32
        %mul3A_427 = arith.mulf %squeeze3A_419, %min3A_426 : f32
        %sub3A_428 = arith.subf %add3A_417, %min3A_230 : f32
        %broadcast_in_dim3A_429 = vector.broadcast %sub3A_428 : f32 to vector<16xf32>
        %sub3A_430 = arith.subf %convert_element_type3A, %broadcast_in_dim3A_429 : vector<16xf32>
        %abs3A_431 = math.absf %sub3A_430 : vector<16xf32>
        %min3A_432 = arith.constant 1.000000e+00 : f32
        %min3A_433 = vector.broadcast %min3A_432 : f32 to vector<16xf32>
        %min3A_434 = arith.minimumf %abs3A_431, %min3A_433 : vector<16xf32>
        %sub3A_435 = arith.constant 1.000000e+00 : f32
        %sub3A_436 = vector.broadcast %sub3A_435 : f32 to vector<16xf32>
        %sub3A_437 = arith.subf %sub3A_436, %min3A_434 : vector<16xf32>
        %mul3A_438 = vector.broadcast %mul3A_427 : f32 to vector<16xf32>
        %mul3A_439 = arith.mulf %sub3A_437, %mul3A_438 : vector<16xf32>
        %broadcast_in_dim3A_440 = vector.broadcast %squeeze3A_421 : f32 to vector<16xf32>
        %mul3A_441 = arith.mulf %broadcast_in_dim3A_440, %mul3A_439 : vector<16xf32>
        %add3A_442 = arith.addf %add3A_415, %mul3A_441 : vector<16xf32>
        %add3A_443 = arith.addf %add3A_416, %mul3A_439 : vector<16xf32>
        %add3A_444 = arith.addf %add3A_417, %squeeze3A_419 : f32
        %slice3A_445 = vector.extract_strided_slice %min3A_148 {offsets = [8], sizes = [1], strides = [1]} : vector<16xf32> to vector<1xf32>
        %squeeze3A_446 = vector.extract %slice3A_445[0] : f32 from vector<1xf32>
        %slice3A_447 = vector.extract_strided_slice %convert_element_type3A_153 {offsets = [8], sizes = [1], strides = [1]} : vector<16xf32> to vector<1xf32>
        %squeeze3A_448 = vector.extract %slice3A_447[0] : f32 from vector<1xf32>
        %sub3A_449 = arith.subf %scan3A, %add3A_444 : f32
        %max3A_450 = arith.constant 0.000000e+00 : f32
        %max3A_451 = arith.maximumf %sub3A_449, %max3A_450 : f32
        %min3A_452 = arith.constant 1.000000e+00 : f32
        %min3A_453 = arith.minimumf %max3A_451, %min3A_452 : f32
        %mul3A_454 = arith.mulf %squeeze3A_446, %min3A_453 : f32
        %sub3A_455 = arith.subf %add3A_444, %min3A_230 : f32
        %broadcast_in_dim3A_456 = vector.broadcast %sub3A_455 : f32 to vector<16xf32>
        %sub3A_457 = arith.subf %convert_element_type3A, %broadcast_in_dim3A_456 : vector<16xf32>
        %abs3A_458 = math.absf %sub3A_457 : vector<16xf32>
        %min3A_459 = arith.constant 1.000000e+00 : f32
        %min3A_460 = vector.broadcast %min3A_459 : f32 to vector<16xf32>
        %min3A_461 = arith.minimumf %abs3A_458, %min3A_460 : vector<16xf32>
        %sub3A_462 = arith.constant 1.000000e+00 : f32
        %sub3A_463 = vector.broadcast %sub3A_462 : f32 to vector<16xf32>
        %sub3A_464 = arith.subf %sub3A_463, %min3A_461 : vector<16xf32>
        %mul3A_465 = vector.broadcast %mul3A_454 : f32 to vector<16xf32>
        %mul3A_466 = arith.mulf %sub3A_464, %mul3A_465 : vector<16xf32>
        %broadcast_in_dim3A_467 = vector.broadcast %squeeze3A_448 : f32 to vector<16xf32>
        %mul3A_468 = arith.mulf %broadcast_in_dim3A_467, %mul3A_466 : vector<16xf32>
        %add3A_469 = arith.addf %add3A_442, %mul3A_468 : vector<16xf32>
        %add3A_470 = arith.addf %add3A_443, %mul3A_466 : vector<16xf32>
        %add3A_471 = arith.addf %add3A_444, %squeeze3A_446 : f32
        %slice3A_472 = vector.extract_strided_slice %min3A_148 {offsets = [9], sizes = [1], strides = [1]} : vector<16xf32> to vector<1xf32>
        %squeeze3A_473 = vector.extract %slice3A_472[0] : f32 from vector<1xf32>
        %slice3A_474 = vector.extract_strided_slice %convert_element_type3A_153 {offsets = [9], sizes = [1], strides = [1]} : vector<16xf32> to vector<1xf32>
        %squeeze3A_475 = vector.extract %slice3A_474[0] : f32 from vector<1xf32>
        %sub3A_476 = arith.subf %scan3A, %add3A_471 : f32
        %max3A_477 = arith.constant 0.000000e+00 : f32
        %max3A_478 = arith.maximumf %sub3A_476, %max3A_477 : f32
        %min3A_479 = arith.constant 1.000000e+00 : f32
        %min3A_480 = arith.minimumf %max3A_478, %min3A_479 : f32
        %mul3A_481 = arith.mulf %squeeze3A_473, %min3A_480 : f32
        %sub3A_482 = arith.subf %add3A_471, %min3A_230 : f32
        %broadcast_in_dim3A_483 = vector.broadcast %sub3A_482 : f32 to vector<16xf32>
        %sub3A_484 = arith.subf %convert_element_type3A, %broadcast_in_dim3A_483 : vector<16xf32>
        %abs3A_485 = math.absf %sub3A_484 : vector<16xf32>
        %min3A_486 = arith.constant 1.000000e+00 : f32
        %min3A_487 = vector.broadcast %min3A_486 : f32 to vector<16xf32>
        %min3A_488 = arith.minimumf %abs3A_485, %min3A_487 : vector<16xf32>
        %sub3A_489 = arith.constant 1.000000e+00 : f32
        %sub3A_490 = vector.broadcast %sub3A_489 : f32 to vector<16xf32>
        %sub3A_491 = arith.subf %sub3A_490, %min3A_488 : vector<16xf32>
        %mul3A_492 = vector.broadcast %mul3A_481 : f32 to vector<16xf32>
        %mul3A_493 = arith.mulf %sub3A_491, %mul3A_492 : vector<16xf32>
        %broadcast_in_dim3A_494 = vector.broadcast %squeeze3A_475 : f32 to vector<16xf32>
        %mul3A_495 = arith.mulf %broadcast_in_dim3A_494, %mul3A_493 : vector<16xf32>
        %add3A_496 = arith.addf %add3A_469, %mul3A_495 : vector<16xf32>
        %add3A_497 = arith.addf %add3A_470, %mul3A_493 : vector<16xf32>
        %add3A_498 = arith.addf %add3A_471, %squeeze3A_473 : f32
        %slice3A_499 = vector.extract_strided_slice %min3A_148 {offsets = [10], sizes = [1], strides = [1]} : vector<16xf32> to vector<1xf32>
        %squeeze3A_500 = vector.extract %slice3A_499[0] : f32 from vector<1xf32>
        %slice3A_501 = vector.extract_strided_slice %convert_element_type3A_153 {offsets = [10], sizes = [1], strides = [1]} : vector<16xf32> to vector<1xf32>
        %squeeze3A_502 = vector.extract %slice3A_501[0] : f32 from vector<1xf32>
        %sub3A_503 = arith.subf %scan3A, %add3A_498 : f32
        %max3A_504 = arith.constant 0.000000e+00 : f32
        %max3A_505 = arith.maximumf %sub3A_503, %max3A_504 : f32
        %min3A_506 = arith.constant 1.000000e+00 : f32
        %min3A_507 = arith.minimumf %max3A_505, %min3A_506 : f32
        %mul3A_508 = arith.mulf %squeeze3A_500, %min3A_507 : f32
        %sub3A_509 = arith.subf %add3A_498, %min3A_230 : f32
        %broadcast_in_dim3A_510 = vector.broadcast %sub3A_509 : f32 to vector<16xf32>
        %sub3A_511 = arith.subf %convert_element_type3A, %broadcast_in_dim3A_510 : vector<16xf32>
        %abs3A_512 = math.absf %sub3A_511 : vector<16xf32>
        %min3A_513 = arith.constant 1.000000e+00 : f32
        %min3A_514 = vector.broadcast %min3A_513 : f32 to vector<16xf32>
        %min3A_515 = arith.minimumf %abs3A_512, %min3A_514 : vector<16xf32>
        %sub3A_516 = arith.constant 1.000000e+00 : f32
        %sub3A_517 = vector.broadcast %sub3A_516 : f32 to vector<16xf32>
        %sub3A_518 = arith.subf %sub3A_517, %min3A_515 : vector<16xf32>
        %mul3A_519 = vector.broadcast %mul3A_508 : f32 to vector<16xf32>
        %mul3A_520 = arith.mulf %sub3A_518, %mul3A_519 : vector<16xf32>
        %broadcast_in_dim3A_521 = vector.broadcast %squeeze3A_502 : f32 to vector<16xf32>
        %mul3A_522 = arith.mulf %broadcast_in_dim3A_521, %mul3A_520 : vector<16xf32>
        %add3A_523 = arith.addf %add3A_496, %mul3A_522 : vector<16xf32>
        %add3A_524 = arith.addf %add3A_497, %mul3A_520 : vector<16xf32>
        %add3A_525 = arith.addf %add3A_498, %squeeze3A_500 : f32
        %slice3A_526 = vector.extract_strided_slice %min3A_148 {offsets = [11], sizes = [1], strides = [1]} : vector<16xf32> to vector<1xf32>
        %squeeze3A_527 = vector.extract %slice3A_526[0] : f32 from vector<1xf32>
        %slice3A_528 = vector.extract_strided_slice %convert_element_type3A_153 {offsets = [11], sizes = [1], strides = [1]} : vector<16xf32> to vector<1xf32>
        %squeeze3A_529 = vector.extract %slice3A_528[0] : f32 from vector<1xf32>
        %sub3A_530 = arith.subf %scan3A, %add3A_525 : f32
        %max3A_531 = arith.constant 0.000000e+00 : f32
        %max3A_532 = arith.maximumf %sub3A_530, %max3A_531 : f32
        %min3A_533 = arith.constant 1.000000e+00 : f32
        %min3A_534 = arith.minimumf %max3A_532, %min3A_533 : f32
        %mul3A_535 = arith.mulf %squeeze3A_527, %min3A_534 : f32
        %sub3A_536 = arith.subf %add3A_525, %min3A_230 : f32
        %broadcast_in_dim3A_537 = vector.broadcast %sub3A_536 : f32 to vector<16xf32>
        %sub3A_538 = arith.subf %convert_element_type3A, %broadcast_in_dim3A_537 : vector<16xf32>
        %abs3A_539 = math.absf %sub3A_538 : vector<16xf32>
        %min3A_540 = arith.constant 1.000000e+00 : f32
        %min3A_541 = vector.broadcast %min3A_540 : f32 to vector<16xf32>
        %min3A_542 = arith.minimumf %abs3A_539, %min3A_541 : vector<16xf32>
        %sub3A_543 = arith.constant 1.000000e+00 : f32
        %sub3A_544 = vector.broadcast %sub3A_543 : f32 to vector<16xf32>
        %sub3A_545 = arith.subf %sub3A_544, %min3A_542 : vector<16xf32>
        %mul3A_546 = vector.broadcast %mul3A_535 : f32 to vector<16xf32>
        %mul3A_547 = arith.mulf %sub3A_545, %mul3A_546 : vector<16xf32>
        %broadcast_in_dim3A_548 = vector.broadcast %squeeze3A_529 : f32 to vector<16xf32>
        %mul3A_549 = arith.mulf %broadcast_in_dim3A_548, %mul3A_547 : vector<16xf32>
        %add3A_550 = arith.addf %add3A_523, %mul3A_549 : vector<16xf32>
        %add3A_551 = arith.addf %add3A_524, %mul3A_547 : vector<16xf32>
        %add3A_552 = arith.addf %add3A_525, %squeeze3A_527 : f32
        %slice3A_553 = vector.extract_strided_slice %min3A_148 {offsets = [12], sizes = [1], strides = [1]} : vector<16xf32> to vector<1xf32>
        %squeeze3A_554 = vector.extract %slice3A_553[0] : f32 from vector<1xf32>
        %slice3A_555 = vector.extract_strided_slice %convert_element_type3A_153 {offsets = [12], sizes = [1], strides = [1]} : vector<16xf32> to vector<1xf32>
        %squeeze3A_556 = vector.extract %slice3A_555[0] : f32 from vector<1xf32>
        %sub3A_557 = arith.subf %scan3A, %add3A_552 : f32
        %max3A_558 = arith.constant 0.000000e+00 : f32
        %max3A_559 = arith.maximumf %sub3A_557, %max3A_558 : f32
        %min3A_560 = arith.constant 1.000000e+00 : f32
        %min3A_561 = arith.minimumf %max3A_559, %min3A_560 : f32
        %mul3A_562 = arith.mulf %squeeze3A_554, %min3A_561 : f32
        %sub3A_563 = arith.subf %add3A_552, %min3A_230 : f32
        %broadcast_in_dim3A_564 = vector.broadcast %sub3A_563 : f32 to vector<16xf32>
        %sub3A_565 = arith.subf %convert_element_type3A, %broadcast_in_dim3A_564 : vector<16xf32>
        %abs3A_566 = math.absf %sub3A_565 : vector<16xf32>
        %min3A_567 = arith.constant 1.000000e+00 : f32
        %min3A_568 = vector.broadcast %min3A_567 : f32 to vector<16xf32>
        %min3A_569 = arith.minimumf %abs3A_566, %min3A_568 : vector<16xf32>
        %sub3A_570 = arith.constant 1.000000e+00 : f32
        %sub3A_571 = vector.broadcast %sub3A_570 : f32 to vector<16xf32>
        %sub3A_572 = arith.subf %sub3A_571, %min3A_569 : vector<16xf32>
        %mul3A_573 = vector.broadcast %mul3A_562 : f32 to vector<16xf32>
        %mul3A_574 = arith.mulf %sub3A_572, %mul3A_573 : vector<16xf32>
        %broadcast_in_dim3A_575 = vector.broadcast %squeeze3A_556 : f32 to vector<16xf32>
        %mul3A_576 = arith.mulf %broadcast_in_dim3A_575, %mul3A_574 : vector<16xf32>
        %add3A_577 = arith.addf %add3A_550, %mul3A_576 : vector<16xf32>
        %add3A_578 = arith.addf %add3A_551, %mul3A_574 : vector<16xf32>
        %add3A_579 = arith.addf %add3A_552, %squeeze3A_554 : f32
        %slice3A_580 = vector.extract_strided_slice %min3A_148 {offsets = [13], sizes = [1], strides = [1]} : vector<16xf32> to vector<1xf32>
        %squeeze3A_581 = vector.extract %slice3A_580[0] : f32 from vector<1xf32>
        %slice3A_582 = vector.extract_strided_slice %convert_element_type3A_153 {offsets = [13], sizes = [1], strides = [1]} : vector<16xf32> to vector<1xf32>
        %squeeze3A_583 = vector.extract %slice3A_582[0] : f32 from vector<1xf32>
        %sub3A_584 = arith.subf %scan3A, %add3A_579 : f32
        %max3A_585 = arith.constant 0.000000e+00 : f32
        %max3A_586 = arith.maximumf %sub3A_584, %max3A_585 : f32
        %min3A_587 = arith.constant 1.000000e+00 : f32
        %min3A_588 = arith.minimumf %max3A_586, %min3A_587 : f32
        %mul3A_589 = arith.mulf %squeeze3A_581, %min3A_588 : f32
        %sub3A_590 = arith.subf %add3A_579, %min3A_230 : f32
        %broadcast_in_dim3A_591 = vector.broadcast %sub3A_590 : f32 to vector<16xf32>
        %sub3A_592 = arith.subf %convert_element_type3A, %broadcast_in_dim3A_591 : vector<16xf32>
        %abs3A_593 = math.absf %sub3A_592 : vector<16xf32>
        %min3A_594 = arith.constant 1.000000e+00 : f32
        %min3A_595 = vector.broadcast %min3A_594 : f32 to vector<16xf32>
        %min3A_596 = arith.minimumf %abs3A_593, %min3A_595 : vector<16xf32>
        %sub3A_597 = arith.constant 1.000000e+00 : f32
        %sub3A_598 = vector.broadcast %sub3A_597 : f32 to vector<16xf32>
        %sub3A_599 = arith.subf %sub3A_598, %min3A_596 : vector<16xf32>
        %mul3A_600 = vector.broadcast %mul3A_589 : f32 to vector<16xf32>
        %mul3A_601 = arith.mulf %sub3A_599, %mul3A_600 : vector<16xf32>
        %broadcast_in_dim3A_602 = vector.broadcast %squeeze3A_583 : f32 to vector<16xf32>
        %mul3A_603 = arith.mulf %broadcast_in_dim3A_602, %mul3A_601 : vector<16xf32>
        %add3A_604 = arith.addf %add3A_577, %mul3A_603 : vector<16xf32>
        %add3A_605 = arith.addf %add3A_578, %mul3A_601 : vector<16xf32>
        %add3A_606 = arith.addf %add3A_579, %squeeze3A_581 : f32
        %slice3A_607 = vector.extract_strided_slice %min3A_148 {offsets = [14], sizes = [1], strides = [1]} : vector<16xf32> to vector<1xf32>
        %squeeze3A_608 = vector.extract %slice3A_607[0] : f32 from vector<1xf32>
        %slice3A_609 = vector.extract_strided_slice %convert_element_type3A_153 {offsets = [14], sizes = [1], strides = [1]} : vector<16xf32> to vector<1xf32>
        %squeeze3A_610 = vector.extract %slice3A_609[0] : f32 from vector<1xf32>
        %sub3A_611 = arith.subf %scan3A, %add3A_606 : f32
        %max3A_612 = arith.constant 0.000000e+00 : f32
        %max3A_613 = arith.maximumf %sub3A_611, %max3A_612 : f32
        %min3A_614 = arith.constant 1.000000e+00 : f32
        %min3A_615 = arith.minimumf %max3A_613, %min3A_614 : f32
        %mul3A_616 = arith.mulf %squeeze3A_608, %min3A_615 : f32
        %sub3A_617 = arith.subf %add3A_606, %min3A_230 : f32
        %broadcast_in_dim3A_618 = vector.broadcast %sub3A_617 : f32 to vector<16xf32>
        %sub3A_619 = arith.subf %convert_element_type3A, %broadcast_in_dim3A_618 : vector<16xf32>
        %abs3A_620 = math.absf %sub3A_619 : vector<16xf32>
        %min3A_621 = arith.constant 1.000000e+00 : f32
        %min3A_622 = vector.broadcast %min3A_621 : f32 to vector<16xf32>
        %min3A_623 = arith.minimumf %abs3A_620, %min3A_622 : vector<16xf32>
        %sub3A_624 = arith.constant 1.000000e+00 : f32
        %sub3A_625 = vector.broadcast %sub3A_624 : f32 to vector<16xf32>
        %sub3A_626 = arith.subf %sub3A_625, %min3A_623 : vector<16xf32>
        %mul3A_627 = vector.broadcast %mul3A_616 : f32 to vector<16xf32>
        %mul3A_628 = arith.mulf %sub3A_626, %mul3A_627 : vector<16xf32>
        %broadcast_in_dim3A_629 = vector.broadcast %squeeze3A_610 : f32 to vector<16xf32>
        %mul3A_630 = arith.mulf %broadcast_in_dim3A_629, %mul3A_628 : vector<16xf32>
        %add3A_631 = arith.addf %add3A_604, %mul3A_630 : vector<16xf32>
        %add3A_632 = arith.addf %add3A_605, %mul3A_628 : vector<16xf32>
        %add3A_633 = arith.addf %add3A_606, %squeeze3A_608 : f32
        %slice3A_634 = vector.extract_strided_slice %min3A_148 {offsets = [15], sizes = [1], strides = [1]} : vector<16xf32> to vector<1xf32>
        %squeeze3A_635 = vector.extract %slice3A_634[0] : f32 from vector<1xf32>
        %slice3A_636 = vector.extract_strided_slice %convert_element_type3A_153 {offsets = [15], sizes = [1], strides = [1]} : vector<16xf32> to vector<1xf32>
        %squeeze3A_637 = vector.extract %slice3A_636[0] : f32 from vector<1xf32>
        %sub3A_638 = arith.subf %scan3A, %add3A_633 : f32
        %max3A_639 = arith.constant 0.000000e+00 : f32
        %max3A_640 = arith.maximumf %sub3A_638, %max3A_639 : f32
        %min3A_641 = arith.constant 1.000000e+00 : f32
        %min3A_642 = arith.minimumf %max3A_640, %min3A_641 : f32
        %mul3A_643 = arith.mulf %squeeze3A_635, %min3A_642 : f32
        %sub3A_644 = arith.subf %add3A_633, %min3A_230 : f32
        %broadcast_in_dim3A_645 = vector.broadcast %sub3A_644 : f32 to vector<16xf32>
        %sub3A_646 = arith.subf %convert_element_type3A, %broadcast_in_dim3A_645 : vector<16xf32>
        %abs3A_647 = math.absf %sub3A_646 : vector<16xf32>
        %min3A_648 = arith.constant 1.000000e+00 : f32
        %min3A_649 = vector.broadcast %min3A_648 : f32 to vector<16xf32>
        %min3A_650 = arith.minimumf %abs3A_647, %min3A_649 : vector<16xf32>
        %sub3A_651 = arith.constant 1.000000e+00 : f32
        %sub3A_652 = vector.broadcast %sub3A_651 : f32 to vector<16xf32>
        %sub3A_653 = arith.subf %sub3A_652, %min3A_650 : vector<16xf32>
        %mul3A_654 = vector.broadcast %mul3A_643 : f32 to vector<16xf32>
        %mul3A_655 = arith.mulf %sub3A_653, %mul3A_654 : vector<16xf32>
        %broadcast_in_dim3A_656 = vector.broadcast %squeeze3A_637 : f32 to vector<16xf32>
        %mul3A_657 = arith.mulf %broadcast_in_dim3A_656, %mul3A_655 : vector<16xf32>
        %add3A_658 = arith.addf %add3A_631, %mul3A_657 : vector<16xf32>
        %add3A_659 = arith.addf %add3A_632, %mul3A_655 : vector<16xf32>
        %add3A_660 = arith.addf %add3A_633, %squeeze3A_635 : f32
        %convert_element_type3A_661 = arith.fptosi %min3A_230 : f32 to i32
        %get3A_662 = arith.index_cast %convert_element_type3A_661 : i32 to index
        %get3A_663 = tpu.vector_load %arg7[%get3A_662] {strides = array<i32>} : memref<80xf32, #tpu.memory_space<vmem>>, vector<16xf32>,
        %get3A_664 = vector.shape_cast %get3A_663 : vector<16xf32> to vector<16xf32>
        %sub3A_665 = arith.constant 1.000000e+00 : f32
        %sub3A_666 = vector.broadcast %sub3A_665 : f32 to vector<16xf32>
        %sub3A_667 = arith.subf %sub3A_666, %add3A_659 : vector<16xf32>
        %mul3A_668 = arith.mulf %get3A_664, %sub3A_667 : vector<16xf32>
        %add3A_669 = arith.addf %add3A_658, %mul3A_668 : vector<16xf32>
        %swap3A_670 = arith.index_cast %convert_element_type3A_661 : i32 to index
        %swap3A_671 = tpu.vector_load %arg7[%swap3A_670] {strides = array<i32>} : memref<80xf32, #tpu.memory_space<vmem>>, vector<16xf32>,
        %swap3A_672 = vector.shape_cast %swap3A_671 : vector<16xf32> to vector<16xf32>
        %swap3A_673 = vector.shape_cast %add3A_669 : vector<16xf32> to vector<16xf32>
        tpu.vector_store %arg7[%swap3A_670], %swap3A_673 {strides = array<i32>} : memref<80xf32, #tpu.memory_space<vmem>>, vector<16xf32>,
      } else {
      }
      %add3A_224 = arith.addf %mul3A_118, %squeeze3A : f32
      %eq3A_225 = arith.constant 255 : i32
      %eq3A_226 = arith.cmpi eq, %sub3A_111, %eq3A_225 : i32
      %convert_element_type3A_227 = arith.extui %eq3A_226 : i1 to i32
      %cond3A_228 = arith.constant 0 : i32
      %cond3A_229 = arith.cmpi ne, %convert_element_type3A_227, %cond3A_228 : i32
      scf.if %cond3A_229 {
        %mul3A_230 = arith.constant 4096 : i32
        %mul3A_231 = arith.muli %select_n3A, %mul3A_230 : i32
        %broadcast_in_dim3A_232 = vector.broadcast %mul3A_231 : i32 to vector<16xi32>
        %get3A_233 = arith.constant 0 : index
        %get3A_234 = tpu.vector_load %arg7[%get3A_233] {strides = array<i32>} : memref<80xf32, #tpu.memory_space<vmem>>, vector<16xf32>,
        %get3A_235 = vector.shape_cast %get3A_234 : vector<16xf32> to vector<16xf32>
        %convert_element_type3A_236 = arith.fptosi %get3A_235 : vector<16xf32> to vector<16xi32>
        %min3A_237 = arith.constant 4095 : i32
        %min3A_238 = vector.broadcast %min3A_237 : i32 to vector<16xi32>
        %min3A_239 = arith.minsi %convert_element_type3A_236, %min3A_238 : vector<16xi32>
        %add3A_240 = arith.addi %min3A_239, %broadcast_in_dim3A_232 : vector<16xi32>
        %swap3A_241 = arith.constant 0 : index
        %swap3A_242 = tpu.vector_load %arg8[%swap3A_241] {strides = array<i32>} : memref<64xi32, #tpu.memory_space<vmem>>, vector<16xi32>,
        %swap3A_243 = vector.shape_cast %swap3A_242 : vector<16xi32> to vector<16xi32>
        %swap3A_244 = vector.shape_cast %add3A_240 : vector<16xi32> to vector<16xi32>
        tpu.vector_store %arg8[%swap3A_241], %swap3A_244 {strides = array<i32>} : memref<64xi32, #tpu.memory_space<vmem>>, vector<16xi32>,
        %get3A_245 = arith.constant 16 : index
        %get3A_246 = tpu.vector_load %arg7[%get3A_245] {strides = array<i32>} : memref<80xf32, #tpu.memory_space<vmem>>, vector<16xf32>,
        %get3A_247 = vector.shape_cast %get3A_246 : vector<16xf32> to vector<16xf32>
        %convert_element_type3A_248 = arith.fptosi %get3A_247 : vector<16xf32> to vector<16xi32>
        %min3A_249 = arith.constant 4095 : i32
        %min3A_250 = vector.broadcast %min3A_249 : i32 to vector<16xi32>
        %min3A_251 = arith.minsi %convert_element_type3A_248, %min3A_250 : vector<16xi32>
        %add3A_252 = arith.addi %min3A_251, %broadcast_in_dim3A_232 : vector<16xi32>
        %swap3A_253 = arith.constant 16 : index
        %swap3A_254 = tpu.vector_load %arg8[%swap3A_253] {strides = array<i32>} : memref<64xi32, #tpu.memory_space<vmem>>, vector<16xi32>,
        %swap3A_255 = vector.shape_cast %swap3A_254 : vector<16xi32> to vector<16xi32>
        %swap3A_256 = vector.shape_cast %add3A_252 : vector<16xi32> to vector<16xi32>
        tpu.vector_store %arg8[%swap3A_253], %swap3A_256 {strides = array<i32>} : memref<64xi32, #tpu.memory_space<vmem>>, vector<16xi32>,
        %get3A_257 = arith.constant 32 : index
        %get3A_258 = tpu.vector_load %arg7[%get3A_257] {strides = array<i32>} : memref<80xf32, #tpu.memory_space<vmem>>, vector<16xf32>,
        %get3A_259 = vector.shape_cast %get3A_258 : vector<16xf32> to vector<16xf32>
        %convert_element_type3A_260 = arith.fptosi %get3A_259 : vector<16xf32> to vector<16xi32>
        %min3A_261 = arith.constant 4095 : i32
        %min3A_262 = vector.broadcast %min3A_261 : i32 to vector<16xi32>
        %min3A_263 = arith.minsi %convert_element_type3A_260, %min3A_262 : vector<16xi32>
        %add3A_264 = arith.addi %min3A_263, %broadcast_in_dim3A_232 : vector<16xi32>
        %swap3A_265 = arith.constant 32 : index
        %swap3A_266 = tpu.vector_load %arg8[%swap3A_265] {strides = array<i32>} : memref<64xi32, #tpu.memory_space<vmem>>, vector<16xi32>,
        %swap3A_267 = vector.shape_cast %swap3A_266 : vector<16xi32> to vector<16xi32>
        %swap3A_268 = vector.shape_cast %add3A_264 : vector<16xi32> to vector<16xi32>
        tpu.vector_store %arg8[%swap3A_265], %swap3A_268 {strides = array<i32>} : memref<64xi32, #tpu.memory_space<vmem>>, vector<16xi32>,
        %get3A_269 = arith.constant 48 : index
        %get3A_270 = tpu.vector_load %arg7[%get3A_269] {strides = array<i32>} : memref<80xf32, #tpu.memory_space<vmem>>, vector<16xf32>,
        %get3A_271 = vector.shape_cast %get3A_270 : vector<16xf32> to vector<16xf32>
        %convert_element_type3A_272 = arith.fptosi %get3A_271 : vector<16xf32> to vector<16xi32>
        %min3A_273 = arith.constant 4095 : i32
        %min3A_274 = vector.broadcast %min3A_273 : i32 to vector<16xi32>
        %min3A_275 = arith.minsi %convert_element_type3A_272, %min3A_274 : vector<16xi32>
        %add3A_276 = arith.addi %min3A_275, %broadcast_in_dim3A_232 : vector<16xi32>
        %swap3A_277 = arith.constant 48 : index
        %swap3A_278 = tpu.vector_load %arg8[%swap3A_277] {strides = array<i32>} : memref<64xi32, #tpu.memory_space<vmem>>, vector<16xi32>,
        %swap3A_279 = vector.shape_cast %swap3A_278 : vector<16xi32> to vector<16xi32>
        %swap3A_280 = vector.shape_cast %add3A_276 : vector<16xi32> to vector<16xi32>
        tpu.vector_store %arg8[%swap3A_277], %swap3A_280 {strides = array<i32>} : memref<64xi32, #tpu.memory_space<vmem>>, vector<16xi32>,
        %broadcast_in_dim3A_281 = vector.broadcast %add3A_224 : f32 to vector<16xf32>
        %convert_element_type3A_282 = arith.fptosi %broadcast_in_dim3A_281 : vector<16xf32> to vector<16xi32>
        %mul3A_283 = arith.constant 16 : i32
        %mul3A_284 = arith.muli %select_n3A_108, %mul3A_283 : i32
        %swap3A_285 = arith.index_cast %mul3A_284 : i32 to index
        %swap3A_286 = tpu.vector_load %arg10[%swap3A_285] {strides = array<i32>} : memref<2048xi32, #tpu.memory_space<vmem>>, vector<16xi32>,
        %swap3A_287 = vector.shape_cast %swap3A_286 : vector<16xi32> to vector<16xi32>
        %swap3A_288 = vector.shape_cast %convert_element_type3A_282 : vector<16xi32> to vector<16xi32>
        tpu.vector_store %arg10[%swap3A_285], %swap3A_288 {strides = array<i32>} : memref<2048xi32, #tpu.memory_space<vmem>>, vector<16xi32>,
        %dma_start3A = arith.constant 0 : i32
        %dma_start3A_289 = arith.constant 0 : i32
        %dma_start3A_290 = tpu.memref_slice %arg3[%dma_start3A, %dma_start3A_289] : memref<32768x128xf32, #tpu.memory_space<hbm>> -> memref<32768x128xf32, #tpu.memory_space<hbm>>
        tpu.enqueue_indirect_dma source(%dma_start3A_290 : memref<32768x128xf32, #tpu.memory_space<hbm>>) target(%arg9 : memref<64x128xf32, #tpu.memory_space<vmem>>) offsets(%arg8 : memref<64xi32, #tpu.memory_space<vmem>>) semaphore(%arg13 : memref<!tpu.dma_semaphore, #tpu.memory_space<semaphore_mem>>)
        %dma_wait3A = arith.constant 0 : i32
        %dma_wait3A_291 = arith.constant 0 : i32
        %dma_wait3A_292 = tpu.memref_slice %arg3[%dma_wait3A, %dma_wait3A_291] : memref<32768x128xf32, #tpu.memory_space<hbm>> -> memref<32768x128xf32, #tpu.memory_space<hbm>>
        tpu.wait_indirect_dma semaphore(%arg13 : memref<!tpu.dma_semaphore, #tpu.memory_space<semaphore_mem>>) src(%dma_wait3A_292 : memref<32768x128xf32, #tpu.memory_space<hbm>>) dst(%arg9 : memref<64x128xf32, #tpu.memory_space<vmem>>)
        "tpu.region"() ({
          %run_scoped3A = tpu.sem_alloc : memref<!tpu.dma_semaphore, #tpu.memory_space<semaphore_mem>>
          %dma_start3A_293 = arith.constant 0 : i32
          %dma_start3A_294 = arith.constant 0 : i32
          %dma_start3A_295 = tpu.memref_slice %arg4[%add3A_115, %dma_start3A_293, %dma_start3A_294] : memref<4096x64x128xf32, #tpu.memory_space<hbm>> -> memref<1x64x128xf32, #tpu.memory_space<hbm>>
          %dma_start3A_296 = tpu.memref_squeeze %dma_start3A_295 : memref<1x64x128xf32, #tpu.memory_space<hbm>> -> memref<64x128xf32, #tpu.memory_space<hbm>>
          %dma_start3A_297 = arith.constant 0 : i32
          %dma_start3A_298 = arith.constant 0 : i32
          %dma_start3A_299 = tpu.memref_slice %arg4[%add3A_115, %dma_start3A_297, %dma_start3A_298] : memref<4096x64x128xf32, #tpu.memory_space<hbm>> -> memref<1x64x128xf32, #tpu.memory_space<hbm>>
          %dma_start3A_300 = tpu.memref_squeeze %dma_start3A_299 : memref<1x64x128xf32, #tpu.memory_space<hbm>> -> memref<64x128xf32, #tpu.memory_space<hbm>>
          tpu.enqueue_dma source(%arg9 : memref<64x128xf32, #tpu.memory_space<vmem>>) target(%dma_start3A_300 : memref<64x128xf32, #tpu.memory_space<hbm>>) target_semaphore(%run_scoped3A : memref<!tpu.dma_semaphore, #tpu.memory_space<semaphore_mem>>)
          %dma_wait3A_301 = arith.constant 0 : i32
          %dma_wait3A_302 = arith.constant 0 : i32
          %dma_wait3A_303 = tpu.memref_slice %arg4[%add3A_115, %dma_wait3A_301, %dma_wait3A_302] : memref<4096x64x128xf32, #tpu.memory_space<hbm>> -> memref<1x64x128xf32, #tpu.memory_space<hbm>>
          %dma_wait3A_304 = tpu.memref_squeeze %dma_wait3A_303 : memref<1x64x128xf32, #tpu.memory_space<hbm>> -> memref<64x128xf32, #tpu.memory_space<hbm>>
          %dma_wait3A_305 = arith.constant 0 : i32
          %dma_wait3A_306 = arith.constant 0 : i32
          %dma_wait3A_307 = tpu.memref_slice %arg4[%add3A_115, %dma_wait3A_305, %dma_wait3A_306] : memref<4096x64x128xf32, #tpu.memory_space<hbm>> -> memref<1x64x128xf32, #tpu.memory_space<hbm>>
          %dma_wait3A_308 = tpu.memref_squeeze %dma_wait3A_307 : memref<1x64x128xf32, #tpu.memory_space<hbm>> -> memref<64x128xf32, #tpu.memory_space<hbm>>
          tpu.wait_dma2 semaphore(%run_scoped3A : memref<!tpu.dma_semaphore, #tpu.memory_space<semaphore_mem>>) src(%arg9 : memref<64x128xf32, #tpu.memory_space<vmem>>) dst(%dma_wait3A_308 : memref<64x128xf32, #tpu.memory_space<hbm>>)
          tpu.yield
        }) : () -> ()
      } else {
      }
      scf.yield %add3A_224 : f32
    }
    %scan3A_77 = arith.constant 32768 : i32
    %mul3A_78 = arith.constant 512 : i32
    %mul3A_79 = arith.muli %select_n3A, %mul3A_78 : i32
    %add3A_80 = arith.addi %mul3A_79, %mul3A_32 : i32
    %mul3A_81 = arith.constant 16 : i32
    %mul3A_82 = arith.muli %add3A_80, %mul3A_81 : i32
    "tpu.region"() ({
      %run_scoped3A = tpu.sem_alloc : memref<!tpu.dma_semaphore, #tpu.memory_space<semaphore_mem>>
      %dma_start3A = tpu.memref_slice %arg5[%mul3A_82] : memref<65536xi32, #tpu.memory_space<hbm>> -> memref<2048xi32, #tpu.memory_space<hbm>>
      %dma_start3A_83 = tpu.memref_slice %arg5[%mul3A_82] : memref<65536xi32, #tpu.memory_space<hbm>> -> memref<2048xi32, #tpu.memory_space<hbm>>
      tpu.enqueue_dma source(%arg10 : memref<2048xi32, #tpu.memory_space<vmem>>) target(%dma_start3A_83 : memref<2048xi32, #tpu.memory_space<hbm>>) target_semaphore(%run_scoped3A : memref<!tpu.dma_semaphore, #tpu.memory_space<semaphore_mem>>)
      %dma_wait3A = tpu.memref_slice %arg5[%mul3A_82] : memref<65536xi32, #tpu.memory_space<hbm>> -> memref<2048xi32, #tpu.memory_space<hbm>>
      %dma_wait3A_84 = tpu.memref_slice %arg5[%mul3A_82] : memref<65536xi32, #tpu.memory_space<hbm>> -> memref<2048xi32, #tpu.memory_space<hbm>>
      tpu.wait_dma2 semaphore(%run_scoped3A : memref<!tpu.dma_semaphore, #tpu.memory_space<semaphore_mem>>) src(%arg10 : memref<2048xi32, #tpu.memory_space<vmem>>) dst(%dma_wait3A_84 : memref<2048xi32, #tpu.memory_space<hbm>>)
      tpu.yield
    }) : () -> ()
    return
  }
}

#map = affine_map<(d0, d1) -> (0, 0)>
#map1 = affine_map<(d0, d1) -> (0, 0, 0)>
#map2 = affine_map<(d0, d1) -> (0)>
module attributes {stable_mosaic.version = 14 : i64} {
  func.func @_bq_gather_body(%arg0: i32, %arg1: i32, %arg2: memref<1024x512xf32, #tpu.memory_space<hbm>>, %arg3: memref<4096x256xf32, #tpu.memory_space<hbm>>, %arg4: memref<1024x64x256xf32, #tpu.memory_space<hbm>>, %arg5: memref<16384xi32, #tpu.memory_space<hbm>>, %arg6: memref<512xf32, #tpu.memory_space<vmem>>, %arg7: memref<80xf32, #tpu.memory_space<vmem>>, %arg8: memref<64xi32, #tpu.memory_space<vmem>>, %arg9: memref<64x256xf32, #tpu.memory_space<vmem>>, %arg10: memref<512xi32, #tpu.memory_space<vmem>>, %arg11: memref<48xf32, #tpu.memory_space<vmem>>, %arg12: memref<48xf32, #tpu.memory_space<vmem>>, %arg13: memref<!tpu.dma_semaphore, #tpu.memory_space<semaphore_mem>>) attributes {dimension_semantics = [#tpu.dimension_semantics<core_parallel>, #tpu.dimension_semantics<subcore_parallel>], iteration_bounds = array<i64: 2, 16>, scalar_prefetch = 0 : i64, scratch_operands = 8 : i64, tpu.core_type = #tpu.core_type<sc_vector_subcore>, window_params = [{transform_indices = #map}, {transform_indices = #map}, {transform_indices = #map1}, {transform_indices = #map2}]} {
    %mul3A = arith.constant 2 : i32
    %mul3A_0 = arith.muli %arg1, %mul3A : i32
    %add3A = arith.addi %mul3A_0, %arg0 : i32
    %jit3A = arith.constant 4 : i32
    %div3A = arith.divsi %add3A, %jit3A : i32
    %sign3A = arith.constant 0 : i32
    %sign3A_1 = arith.cmpi sgt, %add3A, %sign3A : i32
    %sign3A_2 = arith.extui %sign3A_1 : i1 to i32
    %sign3A_3 = arith.constant 0 : i32
    %sign3A_4 = arith.cmpi slt, %add3A, %sign3A_3 : i32
    %sign3A_5 = arith.extui %sign3A_4 : i1 to i32
    %sign3A_6 = arith.subi %sign3A_2, %sign3A_5 : i32
    %sign3A_7 = arith.constant 0 : i32
    %sign3A_8 = arith.cmpi sgt, %jit3A, %sign3A_7 : i32
    %sign3A_9 = arith.extui %sign3A_8 : i1 to i32
    %sign3A_10 = arith.constant 0 : i32
    %sign3A_11 = arith.cmpi slt, %jit3A, %sign3A_10 : i32
    %sign3A_12 = arith.extui %sign3A_11 : i1 to i32
    %sign3A_13 = arith.subi %sign3A_9, %sign3A_12 : i32
    %ne3A = arith.cmpi ne, %sign3A_6, %sign3A_13 : i32
    %rem3A = arith.remsi %add3A, %jit3A : i32
    %ne3A_14 = arith.constant 0 : i32
    %ne3A_15 = arith.cmpi ne, %rem3A, %ne3A_14 : i32
    %and3A = arith.andi %ne3A, %ne3A_15 : i1
    %sub3A = arith.constant 1 : i32
    %sub3A_16 = arith.subi %div3A, %sub3A : i32
    %select_n3A = arith.select %and3A, %sub3A_16, %div3A : i32
    %jit3A_17 = arith.constant 4 : i32
    %eq3A = arith.constant 0 : i32
    %eq3A_18 = arith.cmpi eq, %jit3A_17, %eq3A : i32
    %jit3A_19 = arith.constant 1 : i32
    %select_n3A_20 = arith.select %eq3A_18, %jit3A_19, %jit3A_17 : i32
    %rem3A_21 = arith.remsi %add3A, %select_n3A_20 : i32
    %ne3A_22 = arith.constant 0 : i32
    %ne3A_23 = arith.cmpi ne, %rem3A_21, %ne3A_22 : i32
    %lt3A = arith.constant 0 : i32
    %lt3A_24 = arith.cmpi slt, %rem3A_21, %lt3A : i32
    %lt3A_25 = arith.constant 0 : i32
    %lt3A_26 = arith.cmpi slt, %select_n3A_20, %lt3A_25 : i32
    %ne3A_27 = arith.xori %lt3A_24, %lt3A_26 : i1
    %and3A_28 = arith.andi %ne3A_27, %ne3A_23 : i1
    %add3A_29 = arith.addi %rem3A_21, %select_n3A_20 : i32
    %select_n3A_30 = arith.select %and3A_28, %add3A_29, %rem3A_21 : i32
    %mul3A_31 = arith.constant 32 : i32
    %mul3A_32 = arith.muli %select_n3A_30, %mul3A_31 : i32
    %iota3A = tpu.iota {dimensions = array<i32: 0>} : vector<16xi32>
    %broadcast_in_dim3A = arith.constant 0.000000e+00 : f32
    %broadcast_in_dim3A_33 = vector.broadcast %broadcast_in_dim3A : f32 to vector<16xf32>
    %swap3A = arith.constant 0 : index
    %swap3A_34 = tpu.vector_load %arg7[%swap3A] {strides = array<i32>} : memref<80xf32, #tpu.memory_space<vmem>>, vector<16xf32>,
    %swap3A_35 = vector.shape_cast %swap3A_34 : vector<16xf32> to vector<16xf32>
    %swap3A_36 = vector.shape_cast %broadcast_in_dim3A_33 : vector<16xf32> to vector<16xf32>
    tpu.vector_store %arg7[%swap3A], %swap3A_36 {strides = array<i32>} : memref<80xf32, #tpu.memory_space<vmem>>, vector<16xf32>,
    %broadcast_in_dim3A_37 = arith.constant 0.000000e+00 : f32
    %broadcast_in_dim3A_38 = vector.broadcast %broadcast_in_dim3A_37 : f32 to vector<16xf32>
    %swap3A_39 = arith.constant 16 : index
    %swap3A_40 = tpu.vector_load %arg7[%swap3A_39] {strides = array<i32>} : memref<80xf32, #tpu.memory_space<vmem>>, vector<16xf32>,
    %swap3A_41 = vector.shape_cast %swap3A_40 : vector<16xf32> to vector<16xf32>
    %swap3A_42 = vector.shape_cast %broadcast_in_dim3A_38 : vector<16xf32> to vector<16xf32>
    tpu.vector_store %arg7[%swap3A_39], %swap3A_42 {strides = array<i32>} : memref<80xf32, #tpu.memory_space<vmem>>, vector<16xf32>,
    %broadcast_in_dim3A_43 = arith.constant 0.000000e+00 : f32
    %broadcast_in_dim3A_44 = vector.broadcast %broadcast_in_dim3A_43 : f32 to vector<16xf32>
    %swap3A_45 = arith.constant 32 : index
    %swap3A_46 = tpu.vector_load %arg7[%swap3A_45] {strides = array<i32>} : memref<80xf32, #tpu.memory_space<vmem>>, vector<16xf32>,
    %swap3A_47 = vector.shape_cast %swap3A_46 : vector<16xf32> to vector<16xf32>
    %swap3A_48 = vector.shape_cast %broadcast_in_dim3A_44 : vector<16xf32> to vector<16xf32>
    tpu.vector_store %arg7[%swap3A_45], %swap3A_48 {strides = array<i32>} : memref<80xf32, #tpu.memory_space<vmem>>, vector<16xf32>,
    %broadcast_in_dim3A_49 = arith.constant 0.000000e+00 : f32
    %broadcast_in_dim3A_50 = vector.broadcast %broadcast_in_dim3A_49 : f32 to vector<16xf32>
    %swap3A_51 = arith.constant 48 : index
    %swap3A_52 = tpu.vector_load %arg7[%swap3A_51] {strides = array<i32>} : memref<80xf32, #tpu.memory_space<vmem>>, vector<16xf32>,
    %swap3A_53 = vector.shape_cast %swap3A_52 : vector<16xf32> to vector<16xf32>
    %swap3A_54 = vector.shape_cast %broadcast_in_dim3A_50 : vector<16xf32> to vector<16xf32>
    tpu.vector_store %arg7[%swap3A_51], %swap3A_54 {strides = array<i32>} : memref<80xf32, #tpu.memory_space<vmem>>, vector<16xf32>,
    %broadcast_in_dim3A_55 = arith.constant 0.000000e+00 : f32
    %broadcast_in_dim3A_56 = vector.broadcast %broadcast_in_dim3A_55 : f32 to vector<16xf32>
    %swap3A_57 = arith.constant 64 : index
    %swap3A_58 = tpu.vector_load %arg7[%swap3A_57] {strides = array<i32>} : memref<80xf32, #tpu.memory_space<vmem>>, vector<16xf32>,
    %swap3A_59 = vector.shape_cast %swap3A_58 : vector<16xf32> to vector<16xf32>
    %swap3A_60 = vector.shape_cast %broadcast_in_dim3A_56 : vector<16xf32> to vector<16xf32>
    tpu.vector_store %arg7[%swap3A_57], %swap3A_60 {strides = array<i32>} : memref<80xf32, #tpu.memory_space<vmem>>, vector<16xf32>,
    %convert_element_type3A = arith.sitofp %iota3A : vector<16xi32> to vector<16xf32>
    %broadcast_in_dim3A_61 = arith.constant 0.000000e+00 : f32
    %broadcast_in_dim3A_62 = vector.broadcast %broadcast_in_dim3A_61 : f32 to vector<16xf32>
    %swap3A_63 = arith.constant 0 : index
    %swap3A_64 = tpu.vector_load %arg11[%swap3A_63] {strides = array<i32>} : memref<48xf32, #tpu.memory_space<vmem>>, vector<16xf32>,
    %swap3A_65 = vector.shape_cast %swap3A_64 : vector<16xf32> to vector<16xf32>
    %swap3A_66 = vector.shape_cast %broadcast_in_dim3A_62 : vector<16xf32> to vector<16xf32>
    tpu.vector_store %arg11[%swap3A_63], %swap3A_66 {strides = array<i32>} : memref<48xf32, #tpu.memory_space<vmem>>, vector<16xf32>,
    %swap3A_67 = arith.constant 32 : index
    %swap3A_68 = tpu.vector_load %arg12[%swap3A_67] {strides = array<i32>} : memref<48xf32, #tpu.memory_space<vmem>>, vector<16xf32>,
    %swap3A_69 = vector.shape_cast %swap3A_68 : vector<16xf32> to vector<16xf32>
    %swap3A_70 = vector.shape_cast %broadcast_in_dim3A_62 : vector<16xf32> to vector<16xf32>
    tpu.vector_store %arg12[%swap3A_67], %swap3A_70 {strides = array<i32>} : memref<48xf32, #tpu.memory_space<vmem>>, vector<16xf32>,
    %scan3A = arith.constant 6.400000e+01 : f32
    %scan3A_71 = arith.constant 0.000000e+00 : f32
    %scan3A_72 = arith.constant 0 : i32
    %scan3A_73 = arith.constant 1024 : i32
    %scan3A_74 = arith.addi %scan3A_72, %scan3A_73 : i32
    %scan3A_75 = arith.constant 1 : i32
    %scan3A_76 = scf.for %scan3A_83 = %scan3A_72 to %scan3A_74 step %scan3A_75 iter_args(%scan3A_84 = %scan3A_71) -> (f32)  : i32 {
      %jit3A_85 = arith.constant 32 : i32
      %div3A_86 = arith.divsi %scan3A_83, %jit3A_85 : i32
      %sign3A_87 = arith.constant 0 : i32
      %sign3A_88 = arith.cmpi sgt, %scan3A_83, %sign3A_87 : i32
      %sign3A_89 = arith.extui %sign3A_88 : i1 to i32
      %sign3A_90 = arith.constant 0 : i32
      %sign3A_91 = arith.cmpi slt, %scan3A_83, %sign3A_90 : i32
      %sign3A_92 = arith.extui %sign3A_91 : i1 to i32
      %sign3A_93 = arith.subi %sign3A_89, %sign3A_92 : i32
      %sign3A_94 = arith.constant 0 : i32
      %sign3A_95 = arith.cmpi sgt, %jit3A_85, %sign3A_94 : i32
      %sign3A_96 = arith.extui %sign3A_95 : i1 to i32
      %sign3A_97 = arith.constant 0 : i32
      %sign3A_98 = arith.cmpi slt, %jit3A_85, %sign3A_97 : i32
      %sign3A_99 = arith.extui %sign3A_98 : i1 to i32
      %sign3A_100 = arith.subi %sign3A_96, %sign3A_99 : i32
      %ne3A_101 = arith.cmpi ne, %sign3A_93, %sign3A_100 : i32
      %rem3A_102 = arith.remsi %scan3A_83, %jit3A_85 : i32
      %ne3A_103 = arith.constant 0 : i32
      %ne3A_104 = arith.cmpi ne, %rem3A_102, %ne3A_103 : i32
      %and3A_105 = arith.andi %ne3A_101, %ne3A_104 : i1
      %sub3A_106 = arith.constant 1 : i32
      %sub3A_107 = arith.subi %div3A_86, %sub3A_106 : i32
      %select_n3A_108 = arith.select %and3A_105, %sub3A_107, %div3A_86 : i32
      %mul3A_109 = arith.constant 32 : i32
      %mul3A_110 = arith.muli %select_n3A_108, %mul3A_109 : i32
      %sub3A_111 = arith.subi %scan3A_83, %mul3A_110 : i32
      %add3A_112 = arith.addi %mul3A_32, %select_n3A_108 : i32
      %mul3A_113 = arith.constant 128 : i32
      %mul3A_114 = arith.muli %select_n3A, %mul3A_113 : i32
      %add3A_115 = arith.addi %mul3A_114, %add3A_112 : i32
      %min3A = arith.constant 1 : i32
      %min3A_116 = arith.minsi %sub3A_111, %min3A : i32
      %convert_element_type3A_117 = arith.sitofp %min3A_116 : i32 to f32
      %mul3A_118 = arith.mulf %scan3A_84, %convert_element_type3A_117 : f32
      %eq3A_119 = arith.constant 0 : i32
      %eq3A_120 = arith.cmpi eq, %sub3A_111, %eq3A_119 : i32
      %convert_element_type3A_121 = arith.extui %eq3A_120 : i1 to i32
      %cond3A = arith.constant 0 : i32
      %cond3A_122 = arith.cmpi ne, %convert_element_type3A_121, %cond3A : i32
      scf.if %cond3A_122 {
        "tpu.region"() ({
          %run_scoped3A = tpu.sem_alloc : memref<!tpu.dma_semaphore, #tpu.memory_space<semaphore_mem>>
          %dma_start3A = arith.constant 0 : i32
          %dma_start3A_236 = tpu.memref_slice %arg2[%add3A_115, %dma_start3A] : memref<1024x512xf32, #tpu.memory_space<hbm>> -> memref<1x512xf32, #tpu.memory_space<hbm>>
          %dma_start3A_237 = tpu.memref_squeeze %dma_start3A_236 : memref<1x512xf32, #tpu.memory_space<hbm>> -> memref<512xf32, #tpu.memory_space<hbm>>
          %dma_start3A_238 = arith.constant 0 : i32
          %dma_start3A_239 = tpu.memref_slice %arg2[%add3A_115, %dma_start3A_238] : memref<1024x512xf32, #tpu.memory_space<hbm>> -> memref<1x512xf32, #tpu.memory_space<hbm>>
          %dma_start3A_240 = tpu.memref_squeeze %dma_start3A_239 : memref<1x512xf32, #tpu.memory_space<hbm>> -> memref<512xf32, #tpu.memory_space<hbm>>
          tpu.enqueue_dma source(%dma_start3A_240 : memref<512xf32, #tpu.memory_space<hbm>>) target(%arg6 : memref<512xf32, #tpu.memory_space<vmem>>) target_semaphore(%run_scoped3A : memref<!tpu.dma_semaphore, #tpu.memory_space<semaphore_mem>>)
          %dma_wait3A = arith.constant 0 : i32
          %dma_wait3A_241 = tpu.memref_slice %arg2[%add3A_115, %dma_wait3A] : memref<1024x512xf32, #tpu.memory_space<hbm>> -> memref<1x512xf32, #tpu.memory_space<hbm>>
          %dma_wait3A_242 = tpu.memref_squeeze %dma_wait3A_241 : memref<1x512xf32, #tpu.memory_space<hbm>> -> memref<512xf32, #tpu.memory_space<hbm>>
          %dma_wait3A_243 = arith.constant 0 : i32
          %dma_wait3A_244 = tpu.memref_slice %arg2[%add3A_115, %dma_wait3A_243] : memref<1024x512xf32, #tpu.memory_space<hbm>> -> memref<1x512xf32, #tpu.memory_space<hbm>>
          %dma_wait3A_245 = tpu.memref_squeeze %dma_wait3A_244 : memref<1x512xf32, #tpu.memory_space<hbm>> -> memref<512xf32, #tpu.memory_space<hbm>>
          tpu.wait_dma2 semaphore(%run_scoped3A : memref<!tpu.dma_semaphore, #tpu.memory_space<semaphore_mem>>) src(%dma_wait3A_245 : memref<512xf32, #tpu.memory_space<hbm>>) dst(%arg6 : memref<512xf32, #tpu.memory_space<vmem>>)
          tpu.yield
        }) : () -> ()
        %broadcast_in_dim3A_230 = arith.constant 5.110000e+02 : f32
        %broadcast_in_dim3A_231 = vector.broadcast %broadcast_in_dim3A_230 : f32 to vector<16xf32>
        %swap3A_232 = arith.constant 0 : index
        %swap3A_233 = tpu.vector_load %arg7[%swap3A_232] {strides = array<i32>} : memref<80xf32, #tpu.memory_space<vmem>>, vector<16xf32>,
        %swap3A_234 = vector.shape_cast %swap3A_233 : vector<16xf32> to vector<16xf32>
        %swap3A_235 = vector.shape_cast %broadcast_in_dim3A_231 : vector<16xf32> to vector<16xf32>
        tpu.vector_store %arg7[%swap3A_232], %swap3A_235 {strides = array<i32>} : memref<80xf32, #tpu.memory_space<vmem>>, vector<16xf32>,
      } else {
      }
      %mul3A_123 = arith.constant 16 : i32
      %mul3A_124 = arith.muli %sub3A_111, %mul3A_123 : i32
      %get3A = arith.index_cast %mul3A_124 : i32 to index
      %get3A_125 = tpu.vector_load %arg6[%get3A] {strides = array<i32>} : memref<512xf32, #tpu.memory_space<vmem>>, vector<16xf32>,
      %get3A_126 = vector.shape_cast %get3A_125 : vector<16xf32> to vector<16xf32>
      %sub3A_127 = arith.constant 1.600000e-01 : f32
      %sub3A_128 = vector.broadcast %sub3A_127 : f32 to vector<16xf32>
      %sub3A_129 = arith.subf %sub3A_128, %get3A_126 : vector<16xf32>
      %sign3A_130 = tpu.bitcast %sub3A_129 : vector<16xf32> -> vector<16xi32>
      %sign3A_131 = arith.constant -2147483648 : i32
      %sign3A_132 = vector.broadcast %sign3A_131 : i32 to vector<16xi32>
      %sign3A_133 = arith.andi %sign3A_130, %sign3A_132 : vector<16xi32>
      %sign3A_134 = arith.constant 1065353216 : i32
      %sign3A_135 = vector.broadcast %sign3A_134 : i32 to vector<16xi32>
      %sign3A_136 = arith.ori %sign3A_135, %sign3A_133 : vector<16xi32>
      %sign3A_137 = tpu.bitcast %sign3A_136 : vector<16xi32> -> vector<16xf32>
      %sign3A_138 = math.absf %sub3A_129 : vector<16xf32>
      %sign3A_139 = arith.constant 0.000000e+00 : f32
      %sign3A_140 = vector.broadcast %sign3A_139 : f32 to vector<16xf32>
      %sign3A_141 = arith.cmpf ogt, %sign3A_138, %sign3A_140 : vector<16xf32>
      %sign3A_142 = arith.select %sign3A_141, %sign3A_137, %sub3A_129 : vector<16xi1>, vector<16xf32>
      %add3A_143 = arith.constant 1.000000e+00 : f32
      %add3A_144 = vector.broadcast %add3A_143 : f32 to vector<16xf32>
      %add3A_145 = arith.addf %sign3A_142, %add3A_144 : vector<16xf32>
      %min3A_146 = arith.constant 1.000000e+00 : f32
      %min3A_147 = vector.broadcast %min3A_146 : f32 to vector<16xf32>
      %min3A_148 = arith.minimumf %add3A_145, %min3A_147 : vector<16xf32>
      %mul3A_149 = arith.constant 16 : i32
      %mul3A_150 = arith.muli %sub3A_111, %mul3A_149 : i32
      %add3A_151 = vector.broadcast %mul3A_150 : i32 to vector<16xi32>
      %add3A_152 = arith.addi %add3A_151, %iota3A : vector<16xi32>
      %convert_element_type3A_153 = arith.sitofp %add3A_152 : vector<16xi32> to vector<16xf32>
      %swap3A_154 = arith.constant 16 : index
      %swap3A_155 = tpu.vector_load %arg11[%swap3A_154] {strides = array<i32>} : memref<48xf32, #tpu.memory_space<vmem>>, vector<16xf32>,
      %swap3A_156 = vector.shape_cast %swap3A_155 : vector<16xf32> to vector<16xf32>
      %swap3A_157 = vector.shape_cast %min3A_148 : vector<16xf32> to vector<16xf32>
      tpu.vector_store %arg11[%swap3A_154], %swap3A_157 {strides = array<i32>} : memref<48xf32, #tpu.memory_space<vmem>>, vector<16xf32>,
      %get3A_158 = arith.constant 15 : index
      %get3A_159 = tpu.vector_load %arg11[%get3A_158] {strides = array<i32>} : memref<48xf32, #tpu.memory_space<vmem>>, vector<16xf32>,
      %get3A_160 = vector.shape_cast %get3A_159 : vector<16xf32> to vector<16xf32>
      %add3A_161 = arith.addf %min3A_148, %get3A_160 : vector<16xf32>
      %swap3A_162 = arith.constant 16 : index
      %swap3A_163 = tpu.vector_load %arg12[%swap3A_162] {strides = array<i32>} : memref<48xf32, #tpu.memory_space<vmem>>, vector<16xf32>,
      %swap3A_164 = vector.shape_cast %swap3A_163 : vector<16xf32> to vector<16xf32>
      %swap3A_165 = vector.shape_cast %min3A_148 : vector<16xf32> to vector<16xf32>
      tpu.vector_store %arg12[%swap3A_162], %swap3A_165 {strides = array<i32>} : memref<48xf32, #tpu.memory_space<vmem>>, vector<16xf32>,
      %get3A_166 = arith.constant 17 : index
      %get3A_167 = tpu.vector_load %arg12[%get3A_166] {strides = array<i32>} : memref<48xf32, #tpu.memory_space<vmem>>, vector<16xf32>,
      %get3A_168 = vector.shape_cast %get3A_167 : vector<16xf32> to vector<16xf32>
      %add3A_169 = arith.addf %min3A_148, %get3A_168 : vector<16xf32>
      %swap3A_170 = arith.constant 16 : index
      %swap3A_171 = tpu.vector_load %arg11[%swap3A_170] {strides = array<i32>} : memref<48xf32, #tpu.memory_space<vmem>>, vector<16xf32>,
      %swap3A_172 = vector.shape_cast %swap3A_171 : vector<16xf32> to vector<16xf32>
      %swap3A_173 = vector.shape_cast %add3A_161 : vector<16xf32> to vector<16xf32>
      tpu.vector_store %arg11[%swap3A_170], %swap3A_173 {strides = array<i32>} : memref<48xf32, #tpu.memory_space<vmem>>, vector<16xf32>,
      %get3A_174 = arith.constant 14 : index
      %get3A_175 = tpu.vector_load %arg11[%get3A_174] {strides = array<i32>} : memref<48xf32, #tpu.memory_space<vmem>>, vector<16xf32>,
      %get3A_176 = vector.shape_cast %get3A_175 : vector<16xf32> to vector<16xf32>
      %add3A_177 = arith.addf %add3A_161, %get3A_176 : vector<16xf32>
      %swap3A_178 = arith.constant 16 : index
      %swap3A_179 = tpu.vector_load %arg12[%swap3A_178] {strides = array<i32>} : memref<48xf32, #tpu.memory_space<vmem>>, vector<16xf32>,
      %swap3A_180 = vector.shape_cast %swap3A_179 : vector<16xf32> to vector<16xf32>
      %swap3A_181 = vector.shape_cast %add3A_169 : vector<16xf32> to vector<16xf32>
      tpu.vector_store %arg12[%swap3A_178], %swap3A_181 {strides = array<i32>} : memref<48xf32, #tpu.memory_space<vmem>>, vector<16xf32>,
      %get3A_182 = arith.constant 18 : index
      %get3A_183 = tpu.vector_load %arg12[%get3A_182] {strides = array<i32>} : memref<48xf32, #tpu.memory_space<vmem>>, vector<16xf32>,
      %get3A_184 = vector.shape_cast %get3A_183 : vector<16xf32> to vector<16xf32>
      %add3A_185 = arith.addf %add3A_169, %get3A_184 : vector<16xf32>
      %swap3A_186 = arith.constant 16 : index
      %swap3A_187 = tpu.vector_load %arg11[%swap3A_186] {strides = array<i32>} : memref<48xf32, #tpu.memory_space<vmem>>, vector<16xf32>,
      %swap3A_188 = vector.shape_cast %swap3A_187 : vector<16xf32> to vector<16xf32>
      %swap3A_189 = vector.shape_cast %add3A_177 : vector<16xf32> to vector<16xf32>
      tpu.vector_store %arg11[%swap3A_186], %swap3A_189 {strides = array<i32>} : memref<48xf32, #tpu.memory_space<vmem>>, vector<16xf32>,
      %get3A_190 = arith.constant 12 : index
      %get3A_191 = tpu.vector_load %arg11[%get3A_190] {strides = array<i32>} : memref<48xf32, #tpu.memory_space<vmem>>, vector<16xf32>,
      %get3A_192 = vector.shape_cast %get3A_191 : vector<16xf32> to vector<16xf32>
      %add3A_193 = arith.addf %add3A_177, %get3A_192 : vector<16xf32>
      %swap3A_194 = arith.constant 16 : index
      %swap3A_195 = tpu.vector_load %arg12[%swap3A_194] {strides = array<i32>} : memref<48xf32, #tpu.memory_space<vmem>>, vector<16xf32>,
      %swap3A_196 = vector.shape_cast %swap3A_195 : vector<16xf32> to vector<16xf32>
      %swap3A_197 = vector.shape_cast %add3A_185 : vector<16xf32> to vector<16xf32>
      tpu.vector_store %arg12[%swap3A_194], %swap3A_197 {strides = array<i32>} : memref<48xf32, #tpu.memory_space<vmem>>, vector<16xf32>,
      %get3A_198 = arith.constant 20 : index
      %get3A_199 = tpu.vector_load %arg12[%get3A_198] {strides = array<i32>} : memref<48xf32, #tpu.memory_space<vmem>>, vector<16xf32>,
      %get3A_200 = vector.shape_cast %get3A_199 : vector<16xf32> to vector<16xf32>
      %add3A_201 = arith.addf %add3A_185, %get3A_200 : vector<16xf32>
      %swap3A_202 = arith.constant 16 : index
      %swap3A_203 = tpu.vector_load %arg11[%swap3A_202] {strides = array<i32>} : memref<48xf32, #tpu.memory_space<vmem>>, vector<16xf32>,
      %swap3A_204 = vector.shape_cast %swap3A_203 : vector<16xf32> to vector<16xf32>
      %swap3A_205 = vector.shape_cast %add3A_193 : vector<16xf32> to vector<16xf32>
      tpu.vector_store %arg11[%swap3A_202], %swap3A_205 {strides = array<i32>} : memref<48xf32, #tpu.memory_space<vmem>>, vector<16xf32>,
      %get3A_206 = arith.constant 8 : index
      %get3A_207 = tpu.vector_load %arg11[%get3A_206] {strides = array<i32>} : memref<48xf32, #tpu.memory_space<vmem>>, vector<16xf32>,
      %get3A_208 = vector.shape_cast %get3A_207 : vector<16xf32> to vector<16xf32>
      %add3A_209 = arith.addf %add3A_193, %get3A_208 : vector<16xf32>
      %swap3A_210 = arith.constant 16 : index
      %swap3A_211 = tpu.vector_load %arg12[%swap3A_210] {strides = array<i32>} : memref<48xf32, #tpu.memory_space<vmem>>, vector<16xf32>,
      %swap3A_212 = vector.shape_cast %swap3A_211 : vector<16xf32> to vector<16xf32>
      %swap3A_213 = vector.shape_cast %add3A_201 : vector<16xf32> to vector<16xf32>
      tpu.vector_store %arg12[%swap3A_210], %swap3A_213 {strides = array<i32>} : memref<48xf32, #tpu.memory_space<vmem>>, vector<16xf32>,
      %get3A_214 = arith.constant 24 : index
      %get3A_215 = tpu.vector_load %arg12[%get3A_214] {strides = array<i32>} : memref<48xf32, #tpu.memory_space<vmem>>, vector<16xf32>,
      %get3A_216 = vector.shape_cast %get3A_215 : vector<16xf32> to vector<16xf32>
      %add3A_217 = arith.addf %add3A_201, %get3A_216 : vector<16xf32>
      %add3A_218 = arith.addf %add3A_209, %add3A_217 : vector<16xf32>
      %sub3A_219 = arith.subf %add3A_218, %min3A_148 : vector<16xf32>
      %slice3A = vector.extract_strided_slice %sub3A_219 {offsets = [0], sizes = [1], strides = [1]} : vector<16xf32> to vector<1xf32>
      %squeeze3A = vector.extract %slice3A[0] : f32 from vector<1xf32>
      %gt3A = arith.constant 5.000000e-01 : f32
      %gt3A_220 = arith.cmpf ogt, %squeeze3A, %gt3A : f32
      %convert_element_type3A_221 = arith.extui %gt3A_220 : i1 to i32
      %cond3A_222 = arith.constant 0 : i32
      %cond3A_223 = arith.cmpi ne, %convert_element_type3A_221, %cond3A_222 : i32
      scf.if %cond3A_223 {
        %min3A_230 = arith.minimumf %mul3A_118, %scan3A : f32
        %slice3A_231 = vector.extract_strided_slice %min3A_148 {offsets = [0], sizes = [1], strides = [1]} : vector<16xf32> to vector<1xf32>
        %squeeze3A_232 = vector.extract %slice3A_231[0] : f32 from vector<1xf32>
        %slice3A_233 = vector.extract_strided_slice %convert_element_type3A_153 {offsets = [0], sizes = [1], strides = [1]} : vector<16xf32> to vector<1xf32>
        %squeeze3A_234 = vector.extract %slice3A_233[0] : f32 from vector<1xf32>
        %sub3A_235 = arith.subf %scan3A, %mul3A_118 : f32
        %max3A = arith.constant 0.000000e+00 : f32
        %max3A_236 = arith.maximumf %sub3A_235, %max3A : f32
        %min3A_237 = arith.constant 1.000000e+00 : f32
        %min3A_238 = arith.minimumf %max3A_236, %min3A_237 : f32
        %mul3A_239 = arith.mulf %squeeze3A_232, %min3A_238 : f32
        %sub3A_240 = arith.subf %mul3A_118, %min3A_230 : f32
        %broadcast_in_dim3A_241 = vector.broadcast %sub3A_240 : f32 to vector<16xf32>
        %sub3A_242 = arith.subf %convert_element_type3A, %broadcast_in_dim3A_241 : vector<16xf32>
        %abs3A = math.absf %sub3A_242 : vector<16xf32>
        %min3A_243 = arith.constant 1.000000e+00 : f32
        %min3A_244 = vector.broadcast %min3A_243 : f32 to vector<16xf32>
        %min3A_245 = arith.minimumf %abs3A, %min3A_244 : vector<16xf32>
        %sub3A_246 = arith.constant 1.000000e+00 : f32
        %sub3A_247 = vector.broadcast %sub3A_246 : f32 to vector<16xf32>
        %sub3A_248 = arith.subf %sub3A_247, %min3A_245 : vector<16xf32>
        %mul3A_249 = vector.broadcast %mul3A_239 : f32 to vector<16xf32>
        %mul3A_250 = arith.mulf %sub3A_248, %mul3A_249 : vector<16xf32>
        %broadcast_in_dim3A_251 = vector.broadcast %squeeze3A_234 : f32 to vector<16xf32>
        %mul3A_252 = arith.mulf %broadcast_in_dim3A_251, %mul3A_250 : vector<16xf32>
        %add3A_253 = arith.addf %broadcast_in_dim3A_62, %mul3A_252 : vector<16xf32>
        %add3A_254 = arith.addf %broadcast_in_dim3A_62, %mul3A_250 : vector<16xf32>
        %add3A_255 = arith.addf %mul3A_118, %squeeze3A_232 : f32
        %slice3A_256 = vector.extract_strided_slice %min3A_148 {offsets = [1], sizes = [1], strides = [1]} : vector<16xf32> to vector<1xf32>
        %squeeze3A_257 = vector.extract %slice3A_256[0] : f32 from vector<1xf32>
        %slice3A_258 = vector.extract_strided_slice %convert_element_type3A_153 {offsets = [1], sizes = [1], strides = [1]} : vector<16xf32> to vector<1xf32>
        %squeeze3A_259 = vector.extract %slice3A_258[0] : f32 from vector<1xf32>
        %sub3A_260 = arith.subf %scan3A, %add3A_255 : f32
        %max3A_261 = arith.constant 0.000000e+00 : f32
        %max3A_262 = arith.maximumf %sub3A_260, %max3A_261 : f32
        %min3A_263 = arith.constant 1.000000e+00 : f32
        %min3A_264 = arith.minimumf %max3A_262, %min3A_263 : f32
        %mul3A_265 = arith.mulf %squeeze3A_257, %min3A_264 : f32
        %sub3A_266 = arith.subf %add3A_255, %min3A_230 : f32
        %broadcast_in_dim3A_267 = vector.broadcast %sub3A_266 : f32 to vector<16xf32>
        %sub3A_268 = arith.subf %convert_element_type3A, %broadcast_in_dim3A_267 : vector<16xf32>
        %abs3A_269 = math.absf %sub3A_268 : vector<16xf32>
        %min3A_270 = arith.constant 1.000000e+00 : f32
        %min3A_271 = vector.broadcast %min3A_270 : f32 to vector<16xf32>
        %min3A_272 = arith.minimumf %abs3A_269, %min3A_271 : vector<16xf32>
        %sub3A_273 = arith.constant 1.000000e+00 : f32
        %sub3A_274 = vector.broadcast %sub3A_273 : f32 to vector<16xf32>
        %sub3A_275 = arith.subf %sub3A_274, %min3A_272 : vector<16xf32>
        %mul3A_276 = vector.broadcast %mul3A_265 : f32 to vector<16xf32>
        %mul3A_277 = arith.mulf %sub3A_275, %mul3A_276 : vector<16xf32>
        %broadcast_in_dim3A_278 = vector.broadcast %squeeze3A_259 : f32 to vector<16xf32>
        %mul3A_279 = arith.mulf %broadcast_in_dim3A_278, %mul3A_277 : vector<16xf32>
        %add3A_280 = arith.addf %add3A_253, %mul3A_279 : vector<16xf32>
        %add3A_281 = arith.addf %add3A_254, %mul3A_277 : vector<16xf32>
        %add3A_282 = arith.addf %add3A_255, %squeeze3A_257 : f32
        %slice3A_283 = vector.extract_strided_slice %min3A_148 {offsets = [2], sizes = [1], strides = [1]} : vector<16xf32> to vector<1xf32>
        %squeeze3A_284 = vector.extract %slice3A_283[0] : f32 from vector<1xf32>
        %slice3A_285 = vector.extract_strided_slice %convert_element_type3A_153 {offsets = [2], sizes = [1], strides = [1]} : vector<16xf32> to vector<1xf32>
        %squeeze3A_286 = vector.extract %slice3A_285[0] : f32 from vector<1xf32>
        %sub3A_287 = arith.subf %scan3A, %add3A_282 : f32
        %max3A_288 = arith.constant 0.000000e+00 : f32
        %max3A_289 = arith.maximumf %sub3A_287, %max3A_288 : f32
        %min3A_290 = arith.constant 1.000000e+00 : f32
        %min3A_291 = arith.minimumf %max3A_289, %min3A_290 : f32
        %mul3A_292 = arith.mulf %squeeze3A_284, %min3A_291 : f32
        %sub3A_293 = arith.subf %add3A_282, %min3A_230 : f32
        %broadcast_in_dim3A_294 = vector.broadcast %sub3A_293 : f32 to vector<16xf32>
        %sub3A_295 = arith.subf %convert_element_type3A, %broadcast_in_dim3A_294 : vector<16xf32>
        %abs3A_296 = math.absf %sub3A_295 : vector<16xf32>
        %min3A_297 = arith.constant 1.000000e+00 : f32
        %min3A_298 = vector.broadcast %min3A_297 : f32 to vector<16xf32>
        %min3A_299 = arith.minimumf %abs3A_296, %min3A_298 : vector<16xf32>
        %sub3A_300 = arith.constant 1.000000e+00 : f32
        %sub3A_301 = vector.broadcast %sub3A_300 : f32 to vector<16xf32>
        %sub3A_302 = arith.subf %sub3A_301, %min3A_299 : vector<16xf32>
        %mul3A_303 = vector.broadcast %mul3A_292 : f32 to vector<16xf32>
        %mul3A_304 = arith.mulf %sub3A_302, %mul3A_303 : vector<16xf32>
        %broadcast_in_dim3A_305 = vector.broadcast %squeeze3A_286 : f32 to vector<16xf32>
        %mul3A_306 = arith.mulf %broadcast_in_dim3A_305, %mul3A_304 : vector<16xf32>
        %add3A_307 = arith.addf %add3A_280, %mul3A_306 : vector<16xf32>
        %add3A_308 = arith.addf %add3A_281, %mul3A_304 : vector<16xf32>
        %add3A_309 = arith.addf %add3A_282, %squeeze3A_284 : f32
        %slice3A_310 = vector.extract_strided_slice %min3A_148 {offsets = [3], sizes = [1], strides = [1]} : vector<16xf32> to vector<1xf32>
        %squeeze3A_311 = vector.extract %slice3A_310[0] : f32 from vector<1xf32>
        %slice3A_312 = vector.extract_strided_slice %convert_element_type3A_153 {offsets = [3], sizes = [1], strides = [1]} : vector<16xf32> to vector<1xf32>
        %squeeze3A_313 = vector.extract %slice3A_312[0] : f32 from vector<1xf32>
        %sub3A_314 = arith.subf %scan3A, %add3A_309 : f32
        %max3A_315 = arith.constant 0.000000e+00 : f32
        %max3A_316 = arith.maximumf %sub3A_314, %max3A_315 : f32
        %min3A_317 = arith.constant 1.000000e+00 : f32
        %min3A_318 = arith.minimumf %max3A_316, %min3A_317 : f32
        %mul3A_319 = arith.mulf %squeeze3A_311, %min3A_318 : f32
        %sub3A_320 = arith.subf %add3A_309, %min3A_230 : f32
        %broadcast_in_dim3A_321 = vector.broadcast %sub3A_320 : f32 to vector<16xf32>
        %sub3A_322 = arith.subf %convert_element_type3A, %broadcast_in_dim3A_321 : vector<16xf32>
        %abs3A_323 = math.absf %sub3A_322 : vector<16xf32>
        %min3A_324 = arith.constant 1.000000e+00 : f32
        %min3A_325 = vector.broadcast %min3A_324 : f32 to vector<16xf32>
        %min3A_326 = arith.minimumf %abs3A_323, %min3A_325 : vector<16xf32>
        %sub3A_327 = arith.constant 1.000000e+00 : f32
        %sub3A_328 = vector.broadcast %sub3A_327 : f32 to vector<16xf32>
        %sub3A_329 = arith.subf %sub3A_328, %min3A_326 : vector<16xf32>
        %mul3A_330 = vector.broadcast %mul3A_319 : f32 to vector<16xf32>
        %mul3A_331 = arith.mulf %sub3A_329, %mul3A_330 : vector<16xf32>
        %broadcast_in_dim3A_332 = vector.broadcast %squeeze3A_313 : f32 to vector<16xf32>
        %mul3A_333 = arith.mulf %broadcast_in_dim3A_332, %mul3A_331 : vector<16xf32>
        %add3A_334 = arith.addf %add3A_307, %mul3A_333 : vector<16xf32>
        %add3A_335 = arith.addf %add3A_308, %mul3A_331 : vector<16xf32>
        %add3A_336 = arith.addf %add3A_309, %squeeze3A_311 : f32
        %slice3A_337 = vector.extract_strided_slice %min3A_148 {offsets = [4], sizes = [1], strides = [1]} : vector<16xf32> to vector<1xf32>
        %squeeze3A_338 = vector.extract %slice3A_337[0] : f32 from vector<1xf32>
        %slice3A_339 = vector.extract_strided_slice %convert_element_type3A_153 {offsets = [4], sizes = [1], strides = [1]} : vector<16xf32> to vector<1xf32>
        %squeeze3A_340 = vector.extract %slice3A_339[0] : f32 from vector<1xf32>
        %sub3A_341 = arith.subf %scan3A, %add3A_336 : f32
        %max3A_342 = arith.constant 0.000000e+00 : f32
        %max3A_343 = arith.maximumf %sub3A_341, %max3A_342 : f32
        %min3A_344 = arith.constant 1.000000e+00 : f32
        %min3A_345 = arith.minimumf %max3A_343, %min3A_344 : f32
        %mul3A_346 = arith.mulf %squeeze3A_338, %min3A_345 : f32
        %sub3A_347 = arith.subf %add3A_336, %min3A_230 : f32
        %broadcast_in_dim3A_348 = vector.broadcast %sub3A_347 : f32 to vector<16xf32>
        %sub3A_349 = arith.subf %convert_element_type3A, %broadcast_in_dim3A_348 : vector<16xf32>
        %abs3A_350 = math.absf %sub3A_349 : vector<16xf32>
        %min3A_351 = arith.constant 1.000000e+00 : f32
        %min3A_352 = vector.broadcast %min3A_351 : f32 to vector<16xf32>
        %min3A_353 = arith.minimumf %abs3A_350, %min3A_352 : vector<16xf32>
        %sub3A_354 = arith.constant 1.000000e+00 : f32
        %sub3A_355 = vector.broadcast %sub3A_354 : f32 to vector<16xf32>
        %sub3A_356 = arith.subf %sub3A_355, %min3A_353 : vector<16xf32>
        %mul3A_357 = vector.broadcast %mul3A_346 : f32 to vector<16xf32>
        %mul3A_358 = arith.mulf %sub3A_356, %mul3A_357 : vector<16xf32>
        %broadcast_in_dim3A_359 = vector.broadcast %squeeze3A_340 : f32 to vector<16xf32>
        %mul3A_360 = arith.mulf %broadcast_in_dim3A_359, %mul3A_358 : vector<16xf32>
        %add3A_361 = arith.addf %add3A_334, %mul3A_360 : vector<16xf32>
        %add3A_362 = arith.addf %add3A_335, %mul3A_358 : vector<16xf32>
        %add3A_363 = arith.addf %add3A_336, %squeeze3A_338 : f32
        %slice3A_364 = vector.extract_strided_slice %min3A_148 {offsets = [5], sizes = [1], strides = [1]} : vector<16xf32> to vector<1xf32>
        %squeeze3A_365 = vector.extract %slice3A_364[0] : f32 from vector<1xf32>
        %slice3A_366 = vector.extract_strided_slice %convert_element_type3A_153 {offsets = [5], sizes = [1], strides = [1]} : vector<16xf32> to vector<1xf32>
        %squeeze3A_367 = vector.extract %slice3A_366[0] : f32 from vector<1xf32>
        %sub3A_368 = arith.subf %scan3A, %add3A_363 : f32
        %max3A_369 = arith.constant 0.000000e+00 : f32
        %max3A_370 = arith.maximumf %sub3A_368, %max3A_369 : f32
        %min3A_371 = arith.constant 1.000000e+00 : f32
        %min3A_372 = arith.minimumf %max3A_370, %min3A_371 : f32
        %mul3A_373 = arith.mulf %squeeze3A_365, %min3A_372 : f32
        %sub3A_374 = arith.subf %add3A_363, %min3A_230 : f32
        %broadcast_in_dim3A_375 = vector.broadcast %sub3A_374 : f32 to vector<16xf32>
        %sub3A_376 = arith.subf %convert_element_type3A, %broadcast_in_dim3A_375 : vector<16xf32>
        %abs3A_377 = math.absf %sub3A_376 : vector<16xf32>
        %min3A_378 = arith.constant 1.000000e+00 : f32
        %min3A_379 = vector.broadcast %min3A_378 : f32 to vector<16xf32>
        %min3A_380 = arith.minimumf %abs3A_377, %min3A_379 : vector<16xf32>
        %sub3A_381 = arith.constant 1.000000e+00 : f32
        %sub3A_382 = vector.broadcast %sub3A_381 : f32 to vector<16xf32>
        %sub3A_383 = arith.subf %sub3A_382, %min3A_380 : vector<16xf32>
        %mul3A_384 = vector.broadcast %mul3A_373 : f32 to vector<16xf32>
        %mul3A_385 = arith.mulf %sub3A_383, %mul3A_384 : vector<16xf32>
        %broadcast_in_dim3A_386 = vector.broadcast %squeeze3A_367 : f32 to vector<16xf32>
        %mul3A_387 = arith.mulf %broadcast_in_dim3A_386, %mul3A_385 : vector<16xf32>
        %add3A_388 = arith.addf %add3A_361, %mul3A_387 : vector<16xf32>
        %add3A_389 = arith.addf %add3A_362, %mul3A_385 : vector<16xf32>
        %add3A_390 = arith.addf %add3A_363, %squeeze3A_365 : f32
        %slice3A_391 = vector.extract_strided_slice %min3A_148 {offsets = [6], sizes = [1], strides = [1]} : vector<16xf32> to vector<1xf32>
        %squeeze3A_392 = vector.extract %slice3A_391[0] : f32 from vector<1xf32>
        %slice3A_393 = vector.extract_strided_slice %convert_element_type3A_153 {offsets = [6], sizes = [1], strides = [1]} : vector<16xf32> to vector<1xf32>
        %squeeze3A_394 = vector.extract %slice3A_393[0] : f32 from vector<1xf32>
        %sub3A_395 = arith.subf %scan3A, %add3A_390 : f32
        %max3A_396 = arith.constant 0.000000e+00 : f32
        %max3A_397 = arith.maximumf %sub3A_395, %max3A_396 : f32
        %min3A_398 = arith.constant 1.000000e+00 : f32
        %min3A_399 = arith.minimumf %max3A_397, %min3A_398 : f32
        %mul3A_400 = arith.mulf %squeeze3A_392, %min3A_399 : f32
        %sub3A_401 = arith.subf %add3A_390, %min3A_230 : f32
        %broadcast_in_dim3A_402 = vector.broadcast %sub3A_401 : f32 to vector<16xf32>
        %sub3A_403 = arith.subf %convert_element_type3A, %broadcast_in_dim3A_402 : vector<16xf32>
        %abs3A_404 = math.absf %sub3A_403 : vector<16xf32>
        %min3A_405 = arith.constant 1.000000e+00 : f32
        %min3A_406 = vector.broadcast %min3A_405 : f32 to vector<16xf32>
        %min3A_407 = arith.minimumf %abs3A_404, %min3A_406 : vector<16xf32>
        %sub3A_408 = arith.constant 1.000000e+00 : f32
        %sub3A_409 = vector.broadcast %sub3A_408 : f32 to vector<16xf32>
        %sub3A_410 = arith.subf %sub3A_409, %min3A_407 : vector<16xf32>
        %mul3A_411 = vector.broadcast %mul3A_400 : f32 to vector<16xf32>
        %mul3A_412 = arith.mulf %sub3A_410, %mul3A_411 : vector<16xf32>
        %broadcast_in_dim3A_413 = vector.broadcast %squeeze3A_394 : f32 to vector<16xf32>
        %mul3A_414 = arith.mulf %broadcast_in_dim3A_413, %mul3A_412 : vector<16xf32>
        %add3A_415 = arith.addf %add3A_388, %mul3A_414 : vector<16xf32>
        %add3A_416 = arith.addf %add3A_389, %mul3A_412 : vector<16xf32>
        %add3A_417 = arith.addf %add3A_390, %squeeze3A_392 : f32
        %slice3A_418 = vector.extract_strided_slice %min3A_148 {offsets = [7], sizes = [1], strides = [1]} : vector<16xf32> to vector<1xf32>
        %squeeze3A_419 = vector.extract %slice3A_418[0] : f32 from vector<1xf32>
        %slice3A_420 = vector.extract_strided_slice %convert_element_type3A_153 {offsets = [7], sizes = [1], strides = [1]} : vector<16xf32> to vector<1xf32>
        %squeeze3A_421 = vector.extract %slice3A_420[0] : f32 from vector<1xf32>
        %sub3A_422 = arith.subf %scan3A, %add3A_417 : f32
        %max3A_423 = arith.constant 0.000000e+00 : f32
        %max3A_424 = arith.maximumf %sub3A_422, %max3A_423 : f32
        %min3A_425 = arith.constant 1.000000e+00 : f32
        %min3A_426 = arith.minimumf %max3A_424, %min3A_425 : f32
        %mul3A_427 = arith.mulf %squeeze3A_419, %min3A_426 : f32
        %sub3A_428 = arith.subf %add3A_417, %min3A_230 : f32
        %broadcast_in_dim3A_429 = vector.broadcast %sub3A_428 : f32 to vector<16xf32>
        %sub3A_430 = arith.subf %convert_element_type3A, %broadcast_in_dim3A_429 : vector<16xf32>
        %abs3A_431 = math.absf %sub3A_430 : vector<16xf32>
        %min3A_432 = arith.constant 1.000000e+00 : f32
        %min3A_433 = vector.broadcast %min3A_432 : f32 to vector<16xf32>
        %min3A_434 = arith.minimumf %abs3A_431, %min3A_433 : vector<16xf32>
        %sub3A_435 = arith.constant 1.000000e+00 : f32
        %sub3A_436 = vector.broadcast %sub3A_435 : f32 to vector<16xf32>
        %sub3A_437 = arith.subf %sub3A_436, %min3A_434 : vector<16xf32>
        %mul3A_438 = vector.broadcast %mul3A_427 : f32 to vector<16xf32>
        %mul3A_439 = arith.mulf %sub3A_437, %mul3A_438 : vector<16xf32>
        %broadcast_in_dim3A_440 = vector.broadcast %squeeze3A_421 : f32 to vector<16xf32>
        %mul3A_441 = arith.mulf %broadcast_in_dim3A_440, %mul3A_439 : vector<16xf32>
        %add3A_442 = arith.addf %add3A_415, %mul3A_441 : vector<16xf32>
        %add3A_443 = arith.addf %add3A_416, %mul3A_439 : vector<16xf32>
        %add3A_444 = arith.addf %add3A_417, %squeeze3A_419 : f32
        %slice3A_445 = vector.extract_strided_slice %min3A_148 {offsets = [8], sizes = [1], strides = [1]} : vector<16xf32> to vector<1xf32>
        %squeeze3A_446 = vector.extract %slice3A_445[0] : f32 from vector<1xf32>
        %slice3A_447 = vector.extract_strided_slice %convert_element_type3A_153 {offsets = [8], sizes = [1], strides = [1]} : vector<16xf32> to vector<1xf32>
        %squeeze3A_448 = vector.extract %slice3A_447[0] : f32 from vector<1xf32>
        %sub3A_449 = arith.subf %scan3A, %add3A_444 : f32
        %max3A_450 = arith.constant 0.000000e+00 : f32
        %max3A_451 = arith.maximumf %sub3A_449, %max3A_450 : f32
        %min3A_452 = arith.constant 1.000000e+00 : f32
        %min3A_453 = arith.minimumf %max3A_451, %min3A_452 : f32
        %mul3A_454 = arith.mulf %squeeze3A_446, %min3A_453 : f32
        %sub3A_455 = arith.subf %add3A_444, %min3A_230 : f32
        %broadcast_in_dim3A_456 = vector.broadcast %sub3A_455 : f32 to vector<16xf32>
        %sub3A_457 = arith.subf %convert_element_type3A, %broadcast_in_dim3A_456 : vector<16xf32>
        %abs3A_458 = math.absf %sub3A_457 : vector<16xf32>
        %min3A_459 = arith.constant 1.000000e+00 : f32
        %min3A_460 = vector.broadcast %min3A_459 : f32 to vector<16xf32>
        %min3A_461 = arith.minimumf %abs3A_458, %min3A_460 : vector<16xf32>
        %sub3A_462 = arith.constant 1.000000e+00 : f32
        %sub3A_463 = vector.broadcast %sub3A_462 : f32 to vector<16xf32>
        %sub3A_464 = arith.subf %sub3A_463, %min3A_461 : vector<16xf32>
        %mul3A_465 = vector.broadcast %mul3A_454 : f32 to vector<16xf32>
        %mul3A_466 = arith.mulf %sub3A_464, %mul3A_465 : vector<16xf32>
        %broadcast_in_dim3A_467 = vector.broadcast %squeeze3A_448 : f32 to vector<16xf32>
        %mul3A_468 = arith.mulf %broadcast_in_dim3A_467, %mul3A_466 : vector<16xf32>
        %add3A_469 = arith.addf %add3A_442, %mul3A_468 : vector<16xf32>
        %add3A_470 = arith.addf %add3A_443, %mul3A_466 : vector<16xf32>
        %add3A_471 = arith.addf %add3A_444, %squeeze3A_446 : f32
        %slice3A_472 = vector.extract_strided_slice %min3A_148 {offsets = [9], sizes = [1], strides = [1]} : vector<16xf32> to vector<1xf32>
        %squeeze3A_473 = vector.extract %slice3A_472[0] : f32 from vector<1xf32>
        %slice3A_474 = vector.extract_strided_slice %convert_element_type3A_153 {offsets = [9], sizes = [1], strides = [1]} : vector<16xf32> to vector<1xf32>
        %squeeze3A_475 = vector.extract %slice3A_474[0] : f32 from vector<1xf32>
        %sub3A_476 = arith.subf %scan3A, %add3A_471 : f32
        %max3A_477 = arith.constant 0.000000e+00 : f32
        %max3A_478 = arith.maximumf %sub3A_476, %max3A_477 : f32
        %min3A_479 = arith.constant 1.000000e+00 : f32
        %min3A_480 = arith.minimumf %max3A_478, %min3A_479 : f32
        %mul3A_481 = arith.mulf %squeeze3A_473, %min3A_480 : f32
        %sub3A_482 = arith.subf %add3A_471, %min3A_230 : f32
        %broadcast_in_dim3A_483 = vector.broadcast %sub3A_482 : f32 to vector<16xf32>
        %sub3A_484 = arith.subf %convert_element_type3A, %broadcast_in_dim3A_483 : vector<16xf32>
        %abs3A_485 = math.absf %sub3A_484 : vector<16xf32>
        %min3A_486 = arith.constant 1.000000e+00 : f32
        %min3A_487 = vector.broadcast %min3A_486 : f32 to vector<16xf32>
        %min3A_488 = arith.minimumf %abs3A_485, %min3A_487 : vector<16xf32>
        %sub3A_489 = arith.constant 1.000000e+00 : f32
        %sub3A_490 = vector.broadcast %sub3A_489 : f32 to vector<16xf32>
        %sub3A_491 = arith.subf %sub3A_490, %min3A_488 : vector<16xf32>
        %mul3A_492 = vector.broadcast %mul3A_481 : f32 to vector<16xf32>
        %mul3A_493 = arith.mulf %sub3A_491, %mul3A_492 : vector<16xf32>
        %broadcast_in_dim3A_494 = vector.broadcast %squeeze3A_475 : f32 to vector<16xf32>
        %mul3A_495 = arith.mulf %broadcast_in_dim3A_494, %mul3A_493 : vector<16xf32>
        %add3A_496 = arith.addf %add3A_469, %mul3A_495 : vector<16xf32>
        %add3A_497 = arith.addf %add3A_470, %mul3A_493 : vector<16xf32>
        %add3A_498 = arith.addf %add3A_471, %squeeze3A_473 : f32
        %slice3A_499 = vector.extract_strided_slice %min3A_148 {offsets = [10], sizes = [1], strides = [1]} : vector<16xf32> to vector<1xf32>
        %squeeze3A_500 = vector.extract %slice3A_499[0] : f32 from vector<1xf32>
        %slice3A_501 = vector.extract_strided_slice %convert_element_type3A_153 {offsets = [10], sizes = [1], strides = [1]} : vector<16xf32> to vector<1xf32>
        %squeeze3A_502 = vector.extract %slice3A_501[0] : f32 from vector<1xf32>
        %sub3A_503 = arith.subf %scan3A, %add3A_498 : f32
        %max3A_504 = arith.constant 0.000000e+00 : f32
        %max3A_505 = arith.maximumf %sub3A_503, %max3A_504 : f32
        %min3A_506 = arith.constant 1.000000e+00 : f32
        %min3A_507 = arith.minimumf %max3A_505, %min3A_506 : f32
        %mul3A_508 = arith.mulf %squeeze3A_500, %min3A_507 : f32
        %sub3A_509 = arith.subf %add3A_498, %min3A_230 : f32
        %broadcast_in_dim3A_510 = vector.broadcast %sub3A_509 : f32 to vector<16xf32>
        %sub3A_511 = arith.subf %convert_element_type3A, %broadcast_in_dim3A_510 : vector<16xf32>
        %abs3A_512 = math.absf %sub3A_511 : vector<16xf32>
        %min3A_513 = arith.constant 1.000000e+00 : f32
        %min3A_514 = vector.broadcast %min3A_513 : f32 to vector<16xf32>
        %min3A_515 = arith.minimumf %abs3A_512, %min3A_514 : vector<16xf32>
        %sub3A_516 = arith.constant 1.000000e+00 : f32
        %sub3A_517 = vector.broadcast %sub3A_516 : f32 to vector<16xf32>
        %sub3A_518 = arith.subf %sub3A_517, %min3A_515 : vector<16xf32>
        %mul3A_519 = vector.broadcast %mul3A_508 : f32 to vector<16xf32>
        %mul3A_520 = arith.mulf %sub3A_518, %mul3A_519 : vector<16xf32>
        %broadcast_in_dim3A_521 = vector.broadcast %squeeze3A_502 : f32 to vector<16xf32>
        %mul3A_522 = arith.mulf %broadcast_in_dim3A_521, %mul3A_520 : vector<16xf32>
        %add3A_523 = arith.addf %add3A_496, %mul3A_522 : vector<16xf32>
        %add3A_524 = arith.addf %add3A_497, %mul3A_520 : vector<16xf32>
        %add3A_525 = arith.addf %add3A_498, %squeeze3A_500 : f32
        %slice3A_526 = vector.extract_strided_slice %min3A_148 {offsets = [11], sizes = [1], strides = [1]} : vector<16xf32> to vector<1xf32>
        %squeeze3A_527 = vector.extract %slice3A_526[0] : f32 from vector<1xf32>
        %slice3A_528 = vector.extract_strided_slice %convert_element_type3A_153 {offsets = [11], sizes = [1], strides = [1]} : vector<16xf32> to vector<1xf32>
        %squeeze3A_529 = vector.extract %slice3A_528[0] : f32 from vector<1xf32>
        %sub3A_530 = arith.subf %scan3A, %add3A_525 : f32
        %max3A_531 = arith.constant 0.000000e+00 : f32
        %max3A_532 = arith.maximumf %sub3A_530, %max3A_531 : f32
        %min3A_533 = arith.constant 1.000000e+00 : f32
        %min3A_534 = arith.minimumf %max3A_532, %min3A_533 : f32
        %mul3A_535 = arith.mulf %squeeze3A_527, %min3A_534 : f32
        %sub3A_536 = arith.subf %add3A_525, %min3A_230 : f32
        %broadcast_in_dim3A_537 = vector.broadcast %sub3A_536 : f32 to vector<16xf32>
        %sub3A_538 = arith.subf %convert_element_type3A, %broadcast_in_dim3A_537 : vector<16xf32>
        %abs3A_539 = math.absf %sub3A_538 : vector<16xf32>
        %min3A_540 = arith.constant 1.000000e+00 : f32
        %min3A_541 = vector.broadcast %min3A_540 : f32 to vector<16xf32>
        %min3A_542 = arith.minimumf %abs3A_539, %min3A_541 : vector<16xf32>
        %sub3A_543 = arith.constant 1.000000e+00 : f32
        %sub3A_544 = vector.broadcast %sub3A_543 : f32 to vector<16xf32>
        %sub3A_545 = arith.subf %sub3A_544, %min3A_542 : vector<16xf32>
        %mul3A_546 = vector.broadcast %mul3A_535 : f32 to vector<16xf32>
        %mul3A_547 = arith.mulf %sub3A_545, %mul3A_546 : vector<16xf32>
        %broadcast_in_dim3A_548 = vector.broadcast %squeeze3A_529 : f32 to vector<16xf32>
        %mul3A_549 = arith.mulf %broadcast_in_dim3A_548, %mul3A_547 : vector<16xf32>
        %add3A_550 = arith.addf %add3A_523, %mul3A_549 : vector<16xf32>
        %add3A_551 = arith.addf %add3A_524, %mul3A_547 : vector<16xf32>
        %add3A_552 = arith.addf %add3A_525, %squeeze3A_527 : f32
        %slice3A_553 = vector.extract_strided_slice %min3A_148 {offsets = [12], sizes = [1], strides = [1]} : vector<16xf32> to vector<1xf32>
        %squeeze3A_554 = vector.extract %slice3A_553[0] : f32 from vector<1xf32>
        %slice3A_555 = vector.extract_strided_slice %convert_element_type3A_153 {offsets = [12], sizes = [1], strides = [1]} : vector<16xf32> to vector<1xf32>
        %squeeze3A_556 = vector.extract %slice3A_555[0] : f32 from vector<1xf32>
        %sub3A_557 = arith.subf %scan3A, %add3A_552 : f32
        %max3A_558 = arith.constant 0.000000e+00 : f32
        %max3A_559 = arith.maximumf %sub3A_557, %max3A_558 : f32
        %min3A_560 = arith.constant 1.000000e+00 : f32
        %min3A_561 = arith.minimumf %max3A_559, %min3A_560 : f32
        %mul3A_562 = arith.mulf %squeeze3A_554, %min3A_561 : f32
        %sub3A_563 = arith.subf %add3A_552, %min3A_230 : f32
        %broadcast_in_dim3A_564 = vector.broadcast %sub3A_563 : f32 to vector<16xf32>
        %sub3A_565 = arith.subf %convert_element_type3A, %broadcast_in_dim3A_564 : vector<16xf32>
        %abs3A_566 = math.absf %sub3A_565 : vector<16xf32>
        %min3A_567 = arith.constant 1.000000e+00 : f32
        %min3A_568 = vector.broadcast %min3A_567 : f32 to vector<16xf32>
        %min3A_569 = arith.minimumf %abs3A_566, %min3A_568 : vector<16xf32>
        %sub3A_570 = arith.constant 1.000000e+00 : f32
        %sub3A_571 = vector.broadcast %sub3A_570 : f32 to vector<16xf32>
        %sub3A_572 = arith.subf %sub3A_571, %min3A_569 : vector<16xf32>
        %mul3A_573 = vector.broadcast %mul3A_562 : f32 to vector<16xf32>
        %mul3A_574 = arith.mulf %sub3A_572, %mul3A_573 : vector<16xf32>
        %broadcast_in_dim3A_575 = vector.broadcast %squeeze3A_556 : f32 to vector<16xf32>
        %mul3A_576 = arith.mulf %broadcast_in_dim3A_575, %mul3A_574 : vector<16xf32>
        %add3A_577 = arith.addf %add3A_550, %mul3A_576 : vector<16xf32>
        %add3A_578 = arith.addf %add3A_551, %mul3A_574 : vector<16xf32>
        %add3A_579 = arith.addf %add3A_552, %squeeze3A_554 : f32
        %slice3A_580 = vector.extract_strided_slice %min3A_148 {offsets = [13], sizes = [1], strides = [1]} : vector<16xf32> to vector<1xf32>
        %squeeze3A_581 = vector.extract %slice3A_580[0] : f32 from vector<1xf32>
        %slice3A_582 = vector.extract_strided_slice %convert_element_type3A_153 {offsets = [13], sizes = [1], strides = [1]} : vector<16xf32> to vector<1xf32>
        %squeeze3A_583 = vector.extract %slice3A_582[0] : f32 from vector<1xf32>
        %sub3A_584 = arith.subf %scan3A, %add3A_579 : f32
        %max3A_585 = arith.constant 0.000000e+00 : f32
        %max3A_586 = arith.maximumf %sub3A_584, %max3A_585 : f32
        %min3A_587 = arith.constant 1.000000e+00 : f32
        %min3A_588 = arith.minimumf %max3A_586, %min3A_587 : f32
        %mul3A_589 = arith.mulf %squeeze3A_581, %min3A_588 : f32
        %sub3A_590 = arith.subf %add3A_579, %min3A_230 : f32
        %broadcast_in_dim3A_591 = vector.broadcast %sub3A_590 : f32 to vector<16xf32>
        %sub3A_592 = arith.subf %convert_element_type3A, %broadcast_in_dim3A_591 : vector<16xf32>
        %abs3A_593 = math.absf %sub3A_592 : vector<16xf32>
        %min3A_594 = arith.constant 1.000000e+00 : f32
        %min3A_595 = vector.broadcast %min3A_594 : f32 to vector<16xf32>
        %min3A_596 = arith.minimumf %abs3A_593, %min3A_595 : vector<16xf32>
        %sub3A_597 = arith.constant 1.000000e+00 : f32
        %sub3A_598 = vector.broadcast %sub3A_597 : f32 to vector<16xf32>
        %sub3A_599 = arith.subf %sub3A_598, %min3A_596 : vector<16xf32>
        %mul3A_600 = vector.broadcast %mul3A_589 : f32 to vector<16xf32>
        %mul3A_601 = arith.mulf %sub3A_599, %mul3A_600 : vector<16xf32>
        %broadcast_in_dim3A_602 = vector.broadcast %squeeze3A_583 : f32 to vector<16xf32>
        %mul3A_603 = arith.mulf %broadcast_in_dim3A_602, %mul3A_601 : vector<16xf32>
        %add3A_604 = arith.addf %add3A_577, %mul3A_603 : vector<16xf32>
        %add3A_605 = arith.addf %add3A_578, %mul3A_601 : vector<16xf32>
        %add3A_606 = arith.addf %add3A_579, %squeeze3A_581 : f32
        %slice3A_607 = vector.extract_strided_slice %min3A_148 {offsets = [14], sizes = [1], strides = [1]} : vector<16xf32> to vector<1xf32>
        %squeeze3A_608 = vector.extract %slice3A_607[0] : f32 from vector<1xf32>
        %slice3A_609 = vector.extract_strided_slice %convert_element_type3A_153 {offsets = [14], sizes = [1], strides = [1]} : vector<16xf32> to vector<1xf32>
        %squeeze3A_610 = vector.extract %slice3A_609[0] : f32 from vector<1xf32>
        %sub3A_611 = arith.subf %scan3A, %add3A_606 : f32
        %max3A_612 = arith.constant 0.000000e+00 : f32
        %max3A_613 = arith.maximumf %sub3A_611, %max3A_612 : f32
        %min3A_614 = arith.constant 1.000000e+00 : f32
        %min3A_615 = arith.minimumf %max3A_613, %min3A_614 : f32
        %mul3A_616 = arith.mulf %squeeze3A_608, %min3A_615 : f32
        %sub3A_617 = arith.subf %add3A_606, %min3A_230 : f32
        %broadcast_in_dim3A_618 = vector.broadcast %sub3A_617 : f32 to vector<16xf32>
        %sub3A_619 = arith.subf %convert_element_type3A, %broadcast_in_dim3A_618 : vector<16xf32>
        %abs3A_620 = math.absf %sub3A_619 : vector<16xf32>
        %min3A_621 = arith.constant 1.000000e+00 : f32
        %min3A_622 = vector.broadcast %min3A_621 : f32 to vector<16xf32>
        %min3A_623 = arith.minimumf %abs3A_620, %min3A_622 : vector<16xf32>
        %sub3A_624 = arith.constant 1.000000e+00 : f32
        %sub3A_625 = vector.broadcast %sub3A_624 : f32 to vector<16xf32>
        %sub3A_626 = arith.subf %sub3A_625, %min3A_623 : vector<16xf32>
        %mul3A_627 = vector.broadcast %mul3A_616 : f32 to vector<16xf32>
        %mul3A_628 = arith.mulf %sub3A_626, %mul3A_627 : vector<16xf32>
        %broadcast_in_dim3A_629 = vector.broadcast %squeeze3A_610 : f32 to vector<16xf32>
        %mul3A_630 = arith.mulf %broadcast_in_dim3A_629, %mul3A_628 : vector<16xf32>
        %add3A_631 = arith.addf %add3A_604, %mul3A_630 : vector<16xf32>
        %add3A_632 = arith.addf %add3A_605, %mul3A_628 : vector<16xf32>
        %add3A_633 = arith.addf %add3A_606, %squeeze3A_608 : f32
        %slice3A_634 = vector.extract_strided_slice %min3A_148 {offsets = [15], sizes = [1], strides = [1]} : vector<16xf32> to vector<1xf32>
        %squeeze3A_635 = vector.extract %slice3A_634[0] : f32 from vector<1xf32>
        %slice3A_636 = vector.extract_strided_slice %convert_element_type3A_153 {offsets = [15], sizes = [1], strides = [1]} : vector<16xf32> to vector<1xf32>
        %squeeze3A_637 = vector.extract %slice3A_636[0] : f32 from vector<1xf32>
        %sub3A_638 = arith.subf %scan3A, %add3A_633 : f32
        %max3A_639 = arith.constant 0.000000e+00 : f32
        %max3A_640 = arith.maximumf %sub3A_638, %max3A_639 : f32
        %min3A_641 = arith.constant 1.000000e+00 : f32
        %min3A_642 = arith.minimumf %max3A_640, %min3A_641 : f32
        %mul3A_643 = arith.mulf %squeeze3A_635, %min3A_642 : f32
        %sub3A_644 = arith.subf %add3A_633, %min3A_230 : f32
        %broadcast_in_dim3A_645 = vector.broadcast %sub3A_644 : f32 to vector<16xf32>
        %sub3A_646 = arith.subf %convert_element_type3A, %broadcast_in_dim3A_645 : vector<16xf32>
        %abs3A_647 = math.absf %sub3A_646 : vector<16xf32>
        %min3A_648 = arith.constant 1.000000e+00 : f32
        %min3A_649 = vector.broadcast %min3A_648 : f32 to vector<16xf32>
        %min3A_650 = arith.minimumf %abs3A_647, %min3A_649 : vector<16xf32>
        %sub3A_651 = arith.constant 1.000000e+00 : f32
        %sub3A_652 = vector.broadcast %sub3A_651 : f32 to vector<16xf32>
        %sub3A_653 = arith.subf %sub3A_652, %min3A_650 : vector<16xf32>
        %mul3A_654 = vector.broadcast %mul3A_643 : f32 to vector<16xf32>
        %mul3A_655 = arith.mulf %sub3A_653, %mul3A_654 : vector<16xf32>
        %broadcast_in_dim3A_656 = vector.broadcast %squeeze3A_637 : f32 to vector<16xf32>
        %mul3A_657 = arith.mulf %broadcast_in_dim3A_656, %mul3A_655 : vector<16xf32>
        %add3A_658 = arith.addf %add3A_631, %mul3A_657 : vector<16xf32>
        %add3A_659 = arith.addf %add3A_632, %mul3A_655 : vector<16xf32>
        %add3A_660 = arith.addf %add3A_633, %squeeze3A_635 : f32
        %convert_element_type3A_661 = arith.fptosi %min3A_230 : f32 to i32
        %get3A_662 = arith.index_cast %convert_element_type3A_661 : i32 to index
        %get3A_663 = tpu.vector_load %arg7[%get3A_662] {strides = array<i32>} : memref<80xf32, #tpu.memory_space<vmem>>, vector<16xf32>,
        %get3A_664 = vector.shape_cast %get3A_663 : vector<16xf32> to vector<16xf32>
        %sub3A_665 = arith.constant 1.000000e+00 : f32
        %sub3A_666 = vector.broadcast %sub3A_665 : f32 to vector<16xf32>
        %sub3A_667 = arith.subf %sub3A_666, %add3A_659 : vector<16xf32>
        %mul3A_668 = arith.mulf %get3A_664, %sub3A_667 : vector<16xf32>
        %add3A_669 = arith.addf %add3A_658, %mul3A_668 : vector<16xf32>
        %swap3A_670 = arith.index_cast %convert_element_type3A_661 : i32 to index
        %swap3A_671 = tpu.vector_load %arg7[%swap3A_670] {strides = array<i32>} : memref<80xf32, #tpu.memory_space<vmem>>, vector<16xf32>,
        %swap3A_672 = vector.shape_cast %swap3A_671 : vector<16xf32> to vector<16xf32>
        %swap3A_673 = vector.shape_cast %add3A_669 : vector<16xf32> to vector<16xf32>
        tpu.vector_store %arg7[%swap3A_670], %swap3A_673 {strides = array<i32>} : memref<80xf32, #tpu.memory_space<vmem>>, vector<16xf32>,
      } else {
      }
      %add3A_224 = arith.addf %mul3A_118, %squeeze3A : f32
      %eq3A_225 = arith.constant 31 : i32
      %eq3A_226 = arith.cmpi eq, %sub3A_111, %eq3A_225 : i32
      %convert_element_type3A_227 = arith.extui %eq3A_226 : i1 to i32
      %cond3A_228 = arith.constant 0 : i32
      %cond3A_229 = arith.cmpi ne, %convert_element_type3A_227, %cond3A_228 : i32
      scf.if %cond3A_229 {
        %mul3A_230 = arith.constant 512 : i32
        %mul3A_231 = arith.muli %select_n3A, %mul3A_230 : i32
        %broadcast_in_dim3A_232 = vector.broadcast %mul3A_231 : i32 to vector<16xi32>
        %get3A_233 = arith.constant 0 : index
        %get3A_234 = tpu.vector_load %arg7[%get3A_233] {strides = array<i32>} : memref<80xf32, #tpu.memory_space<vmem>>, vector<16xf32>,
        %get3A_235 = vector.shape_cast %get3A_234 : vector<16xf32> to vector<16xf32>
        %convert_element_type3A_236 = arith.fptosi %get3A_235 : vector<16xf32> to vector<16xi32>
        %min3A_237 = arith.constant 511 : i32
        %min3A_238 = vector.broadcast %min3A_237 : i32 to vector<16xi32>
        %min3A_239 = arith.minsi %convert_element_type3A_236, %min3A_238 : vector<16xi32>
        %add3A_240 = arith.addi %min3A_239, %broadcast_in_dim3A_232 : vector<16xi32>
        %swap3A_241 = arith.constant 0 : index
        %swap3A_242 = tpu.vector_load %arg8[%swap3A_241] {strides = array<i32>} : memref<64xi32, #tpu.memory_space<vmem>>, vector<16xi32>,
        %swap3A_243 = vector.shape_cast %swap3A_242 : vector<16xi32> to vector<16xi32>
        %swap3A_244 = vector.shape_cast %add3A_240 : vector<16xi32> to vector<16xi32>
        tpu.vector_store %arg8[%swap3A_241], %swap3A_244 {strides = array<i32>} : memref<64xi32, #tpu.memory_space<vmem>>, vector<16xi32>,
        %get3A_245 = arith.constant 16 : index
        %get3A_246 = tpu.vector_load %arg7[%get3A_245] {strides = array<i32>} : memref<80xf32, #tpu.memory_space<vmem>>, vector<16xf32>,
        %get3A_247 = vector.shape_cast %get3A_246 : vector<16xf32> to vector<16xf32>
        %convert_element_type3A_248 = arith.fptosi %get3A_247 : vector<16xf32> to vector<16xi32>
        %min3A_249 = arith.constant 511 : i32
        %min3A_250 = vector.broadcast %min3A_249 : i32 to vector<16xi32>
        %min3A_251 = arith.minsi %convert_element_type3A_248, %min3A_250 : vector<16xi32>
        %add3A_252 = arith.addi %min3A_251, %broadcast_in_dim3A_232 : vector<16xi32>
        %swap3A_253 = arith.constant 16 : index
        %swap3A_254 = tpu.vector_load %arg8[%swap3A_253] {strides = array<i32>} : memref<64xi32, #tpu.memory_space<vmem>>, vector<16xi32>,
        %swap3A_255 = vector.shape_cast %swap3A_254 : vector<16xi32> to vector<16xi32>
        %swap3A_256 = vector.shape_cast %add3A_252 : vector<16xi32> to vector<16xi32>
        tpu.vector_store %arg8[%swap3A_253], %swap3A_256 {strides = array<i32>} : memref<64xi32, #tpu.memory_space<vmem>>, vector<16xi32>,
        %get3A_257 = arith.constant 32 : index
        %get3A_258 = tpu.vector_load %arg7[%get3A_257] {strides = array<i32>} : memref<80xf32, #tpu.memory_space<vmem>>, vector<16xf32>,
        %get3A_259 = vector.shape_cast %get3A_258 : vector<16xf32> to vector<16xf32>
        %convert_element_type3A_260 = arith.fptosi %get3A_259 : vector<16xf32> to vector<16xi32>
        %min3A_261 = arith.constant 511 : i32
        %min3A_262 = vector.broadcast %min3A_261 : i32 to vector<16xi32>
        %min3A_263 = arith.minsi %convert_element_type3A_260, %min3A_262 : vector<16xi32>
        %add3A_264 = arith.addi %min3A_263, %broadcast_in_dim3A_232 : vector<16xi32>
        %swap3A_265 = arith.constant 32 : index
        %swap3A_266 = tpu.vector_load %arg8[%swap3A_265] {strides = array<i32>} : memref<64xi32, #tpu.memory_space<vmem>>, vector<16xi32>,
        %swap3A_267 = vector.shape_cast %swap3A_266 : vector<16xi32> to vector<16xi32>
        %swap3A_268 = vector.shape_cast %add3A_264 : vector<16xi32> to vector<16xi32>
        tpu.vector_store %arg8[%swap3A_265], %swap3A_268 {strides = array<i32>} : memref<64xi32, #tpu.memory_space<vmem>>, vector<16xi32>,
        %get3A_269 = arith.constant 48 : index
        %get3A_270 = tpu.vector_load %arg7[%get3A_269] {strides = array<i32>} : memref<80xf32, #tpu.memory_space<vmem>>, vector<16xf32>,
        %get3A_271 = vector.shape_cast %get3A_270 : vector<16xf32> to vector<16xf32>
        %convert_element_type3A_272 = arith.fptosi %get3A_271 : vector<16xf32> to vector<16xi32>
        %min3A_273 = arith.constant 511 : i32
        %min3A_274 = vector.broadcast %min3A_273 : i32 to vector<16xi32>
        %min3A_275 = arith.minsi %convert_element_type3A_272, %min3A_274 : vector<16xi32>
        %add3A_276 = arith.addi %min3A_275, %broadcast_in_dim3A_232 : vector<16xi32>
        %swap3A_277 = arith.constant 48 : index
        %swap3A_278 = tpu.vector_load %arg8[%swap3A_277] {strides = array<i32>} : memref<64xi32, #tpu.memory_space<vmem>>, vector<16xi32>,
        %swap3A_279 = vector.shape_cast %swap3A_278 : vector<16xi32> to vector<16xi32>
        %swap3A_280 = vector.shape_cast %add3A_276 : vector<16xi32> to vector<16xi32>
        tpu.vector_store %arg8[%swap3A_277], %swap3A_280 {strides = array<i32>} : memref<64xi32, #tpu.memory_space<vmem>>, vector<16xi32>,
        %broadcast_in_dim3A_281 = vector.broadcast %add3A_224 : f32 to vector<16xf32>
        %convert_element_type3A_282 = arith.fptosi %broadcast_in_dim3A_281 : vector<16xf32> to vector<16xi32>
        %mul3A_283 = arith.constant 16 : i32
        %mul3A_284 = arith.muli %select_n3A_108, %mul3A_283 : i32
        %swap3A_285 = arith.index_cast %mul3A_284 : i32 to index
        %swap3A_286 = tpu.vector_load %arg10[%swap3A_285] {strides = array<i32>} : memref<512xi32, #tpu.memory_space<vmem>>, vector<16xi32>,
        %swap3A_287 = vector.shape_cast %swap3A_286 : vector<16xi32> to vector<16xi32>
        %swap3A_288 = vector.shape_cast %convert_element_type3A_282 : vector<16xi32> to vector<16xi32>
        tpu.vector_store %arg10[%swap3A_285], %swap3A_288 {strides = array<i32>} : memref<512xi32, #tpu.memory_space<vmem>>, vector<16xi32>,
        %dma_start3A = arith.constant 0 : i32
        %dma_start3A_289 = arith.constant 0 : i32
        %dma_start3A_290 = tpu.memref_slice %arg3[%dma_start3A, %dma_start3A_289] : memref<4096x256xf32, #tpu.memory_space<hbm>> -> memref<4096x256xf32, #tpu.memory_space<hbm>>
        tpu.enqueue_indirect_dma source(%dma_start3A_290 : memref<4096x256xf32, #tpu.memory_space<hbm>>) target(%arg9 : memref<64x256xf32, #tpu.memory_space<vmem>>) offsets(%arg8 : memref<64xi32, #tpu.memory_space<vmem>>) semaphore(%arg13 : memref<!tpu.dma_semaphore, #tpu.memory_space<semaphore_mem>>)
        %dma_wait3A = arith.constant 0 : i32
        %dma_wait3A_291 = arith.constant 0 : i32
        %dma_wait3A_292 = tpu.memref_slice %arg3[%dma_wait3A, %dma_wait3A_291] : memref<4096x256xf32, #tpu.memory_space<hbm>> -> memref<4096x256xf32, #tpu.memory_space<hbm>>
        tpu.wait_indirect_dma semaphore(%arg13 : memref<!tpu.dma_semaphore, #tpu.memory_space<semaphore_mem>>) src(%dma_wait3A_292 : memref<4096x256xf32, #tpu.memory_space<hbm>>) dst(%arg9 : memref<64x256xf32, #tpu.memory_space<vmem>>)
        "tpu.region"() ({
          %run_scoped3A = tpu.sem_alloc : memref<!tpu.dma_semaphore, #tpu.memory_space<semaphore_mem>>
          %dma_start3A_293 = arith.constant 0 : i32
          %dma_start3A_294 = arith.constant 0 : i32
          %dma_start3A_295 = tpu.memref_slice %arg4[%add3A_115, %dma_start3A_293, %dma_start3A_294] : memref<1024x64x256xf32, #tpu.memory_space<hbm>> -> memref<1x64x256xf32, #tpu.memory_space<hbm>>
          %dma_start3A_296 = tpu.memref_squeeze %dma_start3A_295 : memref<1x64x256xf32, #tpu.memory_space<hbm>> -> memref<64x256xf32, #tpu.memory_space<hbm>>
          %dma_start3A_297 = arith.constant 0 : i32
          %dma_start3A_298 = arith.constant 0 : i32
          %dma_start3A_299 = tpu.memref_slice %arg4[%add3A_115, %dma_start3A_297, %dma_start3A_298] : memref<1024x64x256xf32, #tpu.memory_space<hbm>> -> memref<1x64x256xf32, #tpu.memory_space<hbm>>
          %dma_start3A_300 = tpu.memref_squeeze %dma_start3A_299 : memref<1x64x256xf32, #tpu.memory_space<hbm>> -> memref<64x256xf32, #tpu.memory_space<hbm>>
          tpu.enqueue_dma source(%arg9 : memref<64x256xf32, #tpu.memory_space<vmem>>) target(%dma_start3A_300 : memref<64x256xf32, #tpu.memory_space<hbm>>) target_semaphore(%run_scoped3A : memref<!tpu.dma_semaphore, #tpu.memory_space<semaphore_mem>>)
          %dma_wait3A_301 = arith.constant 0 : i32
          %dma_wait3A_302 = arith.constant 0 : i32
          %dma_wait3A_303 = tpu.memref_slice %arg4[%add3A_115, %dma_wait3A_301, %dma_wait3A_302] : memref<1024x64x256xf32, #tpu.memory_space<hbm>> -> memref<1x64x256xf32, #tpu.memory_space<hbm>>
          %dma_wait3A_304 = tpu.memref_squeeze %dma_wait3A_303 : memref<1x64x256xf32, #tpu.memory_space<hbm>> -> memref<64x256xf32, #tpu.memory_space<hbm>>
          %dma_wait3A_305 = arith.constant 0 : i32
          %dma_wait3A_306 = arith.constant 0 : i32
          %dma_wait3A_307 = tpu.memref_slice %arg4[%add3A_115, %dma_wait3A_305, %dma_wait3A_306] : memref<1024x64x256xf32, #tpu.memory_space<hbm>> -> memref<1x64x256xf32, #tpu.memory_space<hbm>>
          %dma_wait3A_308 = tpu.memref_squeeze %dma_wait3A_307 : memref<1x64x256xf32, #tpu.memory_space<hbm>> -> memref<64x256xf32, #tpu.memory_space<hbm>>
          tpu.wait_dma2 semaphore(%run_scoped3A : memref<!tpu.dma_semaphore, #tpu.memory_space<semaphore_mem>>) src(%arg9 : memref<64x256xf32, #tpu.memory_space<vmem>>) dst(%dma_wait3A_308 : memref<64x256xf32, #tpu.memory_space<hbm>>)
          tpu.yield
        }) : () -> ()
      } else {
      }
      scf.yield %add3A_224 : f32
    }
    %scan3A_77 = arith.constant 1024 : i32
    %mul3A_78 = arith.constant 128 : i32
    %mul3A_79 = arith.muli %select_n3A, %mul3A_78 : i32
    %add3A_80 = arith.addi %mul3A_79, %mul3A_32 : i32
    %mul3A_81 = arith.constant 16 : i32
    %mul3A_82 = arith.muli %add3A_80, %mul3A_81 : i32
    "tpu.region"() ({
      %run_scoped3A = tpu.sem_alloc : memref<!tpu.dma_semaphore, #tpu.memory_space<semaphore_mem>>
      %dma_start3A = tpu.memref_slice %arg5[%mul3A_82] : memref<16384xi32, #tpu.memory_space<hbm>> -> memref<512xi32, #tpu.memory_space<hbm>>
      %dma_start3A_83 = tpu.memref_slice %arg5[%mul3A_82] : memref<16384xi32, #tpu.memory_space<hbm>> -> memref<512xi32, #tpu.memory_space<hbm>>
      tpu.enqueue_dma source(%arg10 : memref<512xi32, #tpu.memory_space<vmem>>) target(%dma_start3A_83 : memref<512xi32, #tpu.memory_space<hbm>>) target_semaphore(%run_scoped3A : memref<!tpu.dma_semaphore, #tpu.memory_space<semaphore_mem>>)
      %dma_wait3A = tpu.memref_slice %arg5[%mul3A_82] : memref<16384xi32, #tpu.memory_space<hbm>> -> memref<512xi32, #tpu.memory_space<hbm>>
      %dma_wait3A_84 = tpu.memref_slice %arg5[%mul3A_82] : memref<16384xi32, #tpu.memory_space<hbm>> -> memref<512xi32, #tpu.memory_space<hbm>>
      tpu.wait_dma2 semaphore(%run_scoped3A : memref<!tpu.dma_semaphore, #tpu.memory_space<semaphore_mem>>) src(%arg10 : memref<512xi32, #tpu.memory_space<vmem>>) dst(%dma_wait3A_84 : memref<512xi32, #tpu.memory_space<hbm>>)
      tpu.yield
    }) : () -> ()
    return
  }
}

module attributes {stable_mosaic.version = 14 : i64} {
  func.func @_fps_body(%arg0: memref<8x4096xf32, #tpu.memory_space<vmem>>, %arg1: memref<8x4096xf32, #tpu.memory_space<vmem>>, %arg2: memref<8x4096xf32, #tpu.memory_space<vmem>>, %arg3: memref<8x512xf32, #tpu.memory_space<vmem>>, %arg4: memref<8x512xf32, #tpu.memory_space<vmem>>, %arg5: memref<8x512xf32, #tpu.memory_space<vmem>>) attributes {dimension_semantics = [], scalar_prefetch = 0 : i64, scratch_operands = 0 : i64, tpu.core_type = #tpu.core_type<tc>} {
    %get3A = arith.constant 0 : index
    %get3A_0 = arith.constant 0 : index
    %get3A_1 = vector.load %arg0[%get3A, %get3A_0] : memref<8x4096xf32, #tpu.memory_space<vmem>>, vector<8x4096xf32>
    %get3A_2 = arith.constant 0 : index
    %get3A_3 = arith.constant 0 : index
    %get3A_4 = vector.load %arg1[%get3A_2, %get3A_3] : memref<8x4096xf32, #tpu.memory_space<vmem>>, vector<8x4096xf32>
    %get3A_5 = arith.constant 0 : index
    %get3A_6 = arith.constant 0 : index
    %get3A_7 = vector.load %arg2[%get3A_5, %get3A_6] : memref<8x4096xf32, #tpu.memory_space<vmem>>, vector<8x4096xf32>
    %iota3A = tpu.iota {dimensions = array<i32: 1>} : vector<8x4096xi32>
    %iota3A_8 = tpu.iota {dimensions = array<i32: 1>} : vector<8x512xi32>
    %broadcast_in_dim3A = arith.constant 1.000000e+10 : f32
    %broadcast_in_dim3A_9 = vector.broadcast %broadcast_in_dim3A : f32 to vector<8x4096xf32>
    %broadcast_in_dim3A_10 = arith.constant 0 : i32
    %broadcast_in_dim3A_11 = vector.broadcast %broadcast_in_dim3A_10 : i32 to vector<8x1xi32>
    %scan3A = arith.constant 0 : i32
    %scan3A_12 = arith.constant 512 : i32
    %scan3A_13 = arith.addi %scan3A, %scan3A_12 : i32
    %scan3A_14 = arith.constant 1 : i32
    %scan3A_15:2 = scf.for %scan3A_17 = %scan3A to %scan3A_13 step %scan3A_14 iter_args(%scan3A_18 = %broadcast_in_dim3A_9, %scan3A_19 = %broadcast_in_dim3A_11) -> (vector<8x4096xf32>, vector<8x1xi32>)  : i32 {
      %eq3A = vector.broadcast %scan3A_19 : vector<8x1xi32> to vector<8x4096xi32>
      %eq3A_20 = arith.cmpi eq, %iota3A, %eq3A : vector<8x4096xi32>
      %jit3A = arith.constant 0.000000e+00 : f32
      %broadcast_in_dim3A_21 = vector.broadcast %jit3A : f32 to vector<8x4096xf32>
      %select_n3A = arith.select %eq3A_20, %get3A_1, %broadcast_in_dim3A_21 : vector<8x4096xi1>, vector<8x4096xf32>
      %reduce_sum3A = arith.constant dense<0.000000e+00> : vector<8xf32>
      %reduce_sum3A_22 = vector.multi_reduction <add>, %select_n3A, %reduce_sum3A [1] : vector<8x4096xf32> to vector<8xf32>
      %broadcast_in_dim3A_23 = vector.shape_cast %reduce_sum3A_22 : vector<8xf32> to vector<8x1xf32>
      %jit3A_24 = arith.constant 0.000000e+00 : f32
      %broadcast_in_dim3A_25 = vector.broadcast %jit3A_24 : f32 to vector<8x4096xf32>
      %select_n3A_26 = arith.select %eq3A_20, %get3A_4, %broadcast_in_dim3A_25 : vector<8x4096xi1>, vector<8x4096xf32>
      %reduce_sum3A_27 = arith.constant dense<0.000000e+00> : vector<8xf32>
      %reduce_sum3A_28 = vector.multi_reduction <add>, %select_n3A_26, %reduce_sum3A_27 [1] : vector<8x4096xf32> to vector<8xf32>
      %broadcast_in_dim3A_29 = vector.shape_cast %reduce_sum3A_28 : vector<8xf32> to vector<8x1xf32>
      %jit3A_30 = arith.constant 0.000000e+00 : f32
      %broadcast_in_dim3A_31 = vector.broadcast %jit3A_30 : f32 to vector<8x4096xf32>
      %select_n3A_32 = arith.select %eq3A_20, %get3A_7, %broadcast_in_dim3A_31 : vector<8x4096xi1>, vector<8x4096xf32>
      %reduce_sum3A_33 = arith.constant dense<0.000000e+00> : vector<8xf32>
      %reduce_sum3A_34 = vector.multi_reduction <add>, %select_n3A_32, %reduce_sum3A_33 [1] : vector<8x4096xf32> to vector<8xf32>
      %broadcast_in_dim3A_35 = vector.shape_cast %reduce_sum3A_34 : vector<8xf32> to vector<8x1xf32>
      %eq3A_36 = vector.broadcast %scan3A_17 : i32 to vector<8x512xi32>
      %eq3A_37 = arith.cmpi eq, %iota3A_8, %eq3A_36 : vector<8x512xi32>
      %get3A_38 = arith.constant 0 : index
      %get3A_39 = arith.constant 0 : index
      %get3A_40 = vector.load %arg3[%get3A_38, %get3A_39] : memref<8x512xf32, #tpu.memory_space<vmem>>, vector<8x512xf32>
      %broadcast_in_dim3A_41 = vector.shape_cast %broadcast_in_dim3A_23 : vector<8x1xf32> to vector<8x1xf32>
      %broadcast_in_dim3A_42 = vector.broadcast %broadcast_in_dim3A_41 : vector<8x1xf32> to vector<8x512xf32>
      %select_n3A_43 = arith.select %eq3A_37, %broadcast_in_dim3A_42, %get3A_40 : vector<8x512xi1>, vector<8x512xf32>
      %swap3A = arith.constant 0 : index
      %swap3A_44 = arith.constant 0 : index
      %swap3A_45 = vector.load %arg3[%swap3A, %swap3A_44] : memref<8x512xf32, #tpu.memory_space<vmem>>, vector<8x512xf32>
      tpu.vector_store %arg3[%swap3A, %swap3A_44], %select_n3A_43 {strides = array<i32>} : memref<8x512xf32, #tpu.memory_space<vmem>>, vector<8x512xf32>,
      %get3A_46 = arith.constant 0 : index
      %get3A_47 = arith.constant 0 : index
      %get3A_48 = vector.load %arg4[%get3A_46, %get3A_47] : memref<8x512xf32, #tpu.memory_space<vmem>>, vector<8x512xf32>
      %broadcast_in_dim3A_49 = vector.shape_cast %broadcast_in_dim3A_29 : vector<8x1xf32> to vector<8x1xf32>
      %broadcast_in_dim3A_50 = vector.broadcast %broadcast_in_dim3A_49 : vector<8x1xf32> to vector<8x512xf32>
      %select_n3A_51 = arith.select %eq3A_37, %broadcast_in_dim3A_50, %get3A_48 : vector<8x512xi1>, vector<8x512xf32>
      %swap3A_52 = arith.constant 0 : index
      %swap3A_53 = arith.constant 0 : index
      %swap3A_54 = vector.load %arg4[%swap3A_52, %swap3A_53] : memref<8x512xf32, #tpu.memory_space<vmem>>, vector<8x512xf32>
      tpu.vector_store %arg4[%swap3A_52, %swap3A_53], %select_n3A_51 {strides = array<i32>} : memref<8x512xf32, #tpu.memory_space<vmem>>, vector<8x512xf32>,
      %get3A_55 = arith.constant 0 : index
      %get3A_56 = arith.constant 0 : index
      %get3A_57 = vector.load %arg5[%get3A_55, %get3A_56] : memref<8x512xf32, #tpu.memory_space<vmem>>, vector<8x512xf32>
      %broadcast_in_dim3A_58 = vector.shape_cast %broadcast_in_dim3A_35 : vector<8x1xf32> to vector<8x1xf32>
      %broadcast_in_dim3A_59 = vector.broadcast %broadcast_in_dim3A_58 : vector<8x1xf32> to vector<8x512xf32>
      %select_n3A_60 = arith.select %eq3A_37, %broadcast_in_dim3A_59, %get3A_57 : vector<8x512xi1>, vector<8x512xf32>
      %swap3A_61 = arith.constant 0 : index
      %swap3A_62 = arith.constant 0 : index
      %swap3A_63 = vector.load %arg5[%swap3A_61, %swap3A_62] : memref<8x512xf32, #tpu.memory_space<vmem>>, vector<8x512xf32>
      tpu.vector_store %arg5[%swap3A_61, %swap3A_62], %select_n3A_60 {strides = array<i32>} : memref<8x512xf32, #tpu.memory_space<vmem>>, vector<8x512xf32>,
      %sub3A = vector.broadcast %broadcast_in_dim3A_23 : vector<8x1xf32> to vector<8x4096xf32>
      %sub3A_64 = arith.subf %get3A_1, %sub3A : vector<8x4096xf32>
      %sub3A_65 = vector.broadcast %broadcast_in_dim3A_29 : vector<8x1xf32> to vector<8x4096xf32>
      %sub3A_66 = arith.subf %get3A_4, %sub3A_65 : vector<8x4096xf32>
      %sub3A_67 = vector.broadcast %broadcast_in_dim3A_35 : vector<8x1xf32> to vector<8x4096xf32>
      %sub3A_68 = arith.subf %get3A_7, %sub3A_67 : vector<8x4096xf32>
      %mul3A = arith.mulf %sub3A_64, %sub3A_64 : vector<8x4096xf32>
      %mul3A_69 = arith.mulf %sub3A_66, %sub3A_66 : vector<8x4096xf32>
      %add3A = arith.addf %mul3A, %mul3A_69 : vector<8x4096xf32>
      %mul3A_70 = arith.mulf %sub3A_68, %sub3A_68 : vector<8x4096xf32>
      %add3A_71 = arith.addf %add3A, %mul3A_70 : vector<8x4096xf32>
      %min3A = arith.minimumf %scan3A_18, %add3A_71 : vector<8x4096xf32>
      %reduce_max3A = arith.constant dense<0xFF800000> : vector<8xf32>
      %reduce_max3A_72 = vector.multi_reduction <maximumf>, %min3A, %reduce_max3A [1] : vector<8x4096xf32> to vector<8xf32>
      %broadcast_in_dim3A_73 = vector.shape_cast %reduce_max3A_72 : vector<8xf32> to vector<8x1xf32>
      %eq3A_74 = vector.broadcast %broadcast_in_dim3A_73 : vector<8x1xf32> to vector<8x4096xf32>
      %eq3A_75 = arith.cmpf oeq, %min3A, %eq3A_74 : vector<8x4096xf32>
      %jit3A_76 = arith.constant 4096 : i32
      %broadcast_in_dim3A_77 = vector.broadcast %jit3A_76 : i32 to vector<8x4096xi32>
      %select_n3A_78 = arith.select %eq3A_75, %iota3A, %broadcast_in_dim3A_77 : vector<8x4096xi1>, vector<8x4096xi32>
      %reduce_min3A = arith.constant dense<2147483647> : vector<8xi32>
      %reduce_min3A_79 = vector.multi_reduction <minsi>, %select_n3A_78, %reduce_min3A [1] : vector<8x4096xi32> to vector<8xi32>
      %broadcast_in_dim3A_80 = vector.shape_cast %reduce_min3A_79 : vector<8xi32> to vector<8x1xi32>
      scf.yield %min3A, %broadcast_in_dim3A_80 : vector<8x4096xf32>, vector<8x1xi32>
    }
    %scan3A_16 = arith.constant 512 : i32
    return
  }
}

module attributes {stable_mosaic.version = 14 : i64} {
  func.func @_sqd_body(%arg0: i32, %arg1: memref<1x512x8xf32, #tpu.memory_space<vmem>>, %arg2: memref<1x8x4096xf32, #tpu.memory_space<vmem>>, %arg3: memref<1x512x4096xf32, #tpu.memory_space<vmem>>) attributes {dimension_semantics = [#tpu.dimension_semantics<arbitrary>], iteration_bounds = array<i64: 8>, scalar_prefetch = 0 : i64, scratch_operands = 0 : i64, tpu.core_type = #tpu.core_type<tc>, window_params = [{transform_indices = @transform_0, window_bounds = array<i64: 1, 512, 8>}, {transform_indices = @transform_1, window_bounds = array<i64: 1, 8, 4096>}, {transform_indices = @transform_2, window_bounds = array<i64: 1, 512, 4096>}]} {
    %get3A = arith.constant 0 : index
    %get3A_0 = arith.constant 0 : index
    %get3A_1 = arith.constant 0 : index
    %get3A_2 = vector.load %arg1[%get3A, %get3A_0, %get3A_1] : memref<1x512x8xf32, #tpu.memory_space<vmem>>, vector<1x512x8xf32>
    %get3A_3 = vector.shape_cast %get3A_2 : vector<1x512x8xf32> to vector<512x8xf32>
    %get3A_4 = arith.constant 0 : index
    %get3A_5 = arith.constant 0 : index
    %get3A_6 = arith.constant 0 : index
    %get3A_7 = vector.load %arg2[%get3A_4, %get3A_5, %get3A_6] : memref<1x8x4096xf32, #tpu.memory_space<vmem>>, vector<1x8x4096xf32>
    %get3A_8 = vector.shape_cast %get3A_7 : vector<1x8x4096xf32> to vector<8x4096xf32>
    %slice3A = vector.extract_strided_slice %get3A_3 {offsets = [0, 0], sizes = [512, 1], strides = [1, 1]} : vector<512x8xf32> to vector<512x1xf32>
    %squeeze3A = vector.shape_cast %slice3A : vector<512x1xf32> to vector<512xf32>
    %slice3A_9 = vector.extract_strided_slice %get3A_3 {offsets = [0, 0], sizes = [512, 1], strides = [1, 1]} : vector<512x8xf32> to vector<512x1xf32>
    %squeeze3A_10 = vector.shape_cast %slice3A_9 : vector<512x1xf32> to vector<512xf32>
    %mul3A = arith.mulf %squeeze3A, %squeeze3A_10 : vector<512xf32>
    %slice3A_11 = vector.extract_strided_slice %get3A_3 {offsets = [0, 1], sizes = [512, 1], strides = [1, 1]} : vector<512x8xf32> to vector<512x1xf32>
    %squeeze3A_12 = vector.shape_cast %slice3A_11 : vector<512x1xf32> to vector<512xf32>
    %slice3A_13 = vector.extract_strided_slice %get3A_3 {offsets = [0, 1], sizes = [512, 1], strides = [1, 1]} : vector<512x8xf32> to vector<512x1xf32>
    %squeeze3A_14 = vector.shape_cast %slice3A_13 : vector<512x1xf32> to vector<512xf32>
    %mul3A_15 = arith.mulf %squeeze3A_12, %squeeze3A_14 : vector<512xf32>
    %add3A = arith.addf %mul3A, %mul3A_15 : vector<512xf32>
    %slice3A_16 = vector.extract_strided_slice %get3A_3 {offsets = [0, 2], sizes = [512, 1], strides = [1, 1]} : vector<512x8xf32> to vector<512x1xf32>
    %squeeze3A_17 = vector.shape_cast %slice3A_16 : vector<512x1xf32> to vector<512xf32>
    %slice3A_18 = vector.extract_strided_slice %get3A_3 {offsets = [0, 2], sizes = [512, 1], strides = [1, 1]} : vector<512x8xf32> to vector<512x1xf32>
    %squeeze3A_19 = vector.shape_cast %slice3A_18 : vector<512x1xf32> to vector<512xf32>
    %mul3A_20 = arith.mulf %squeeze3A_17, %squeeze3A_19 : vector<512xf32>
    %add3A_21 = arith.addf %add3A, %mul3A_20 : vector<512xf32>
    %slice3A_22 = vector.extract_strided_slice %get3A_8 {offsets = [0, 0], sizes = [1, 4096], strides = [1, 1]} : vector<8x4096xf32> to vector<1x4096xf32>
    %squeeze3A_23 = vector.shape_cast %slice3A_22 : vector<1x4096xf32> to vector<4096xf32>
    %slice3A_24 = vector.extract_strided_slice %get3A_8 {offsets = [0, 0], sizes = [1, 4096], strides = [1, 1]} : vector<8x4096xf32> to vector<1x4096xf32>
    %squeeze3A_25 = vector.shape_cast %slice3A_24 : vector<1x4096xf32> to vector<4096xf32>
    %mul3A_26 = arith.mulf %squeeze3A_23, %squeeze3A_25 : vector<4096xf32>
    %slice3A_27 = vector.extract_strided_slice %get3A_8 {offsets = [1, 0], sizes = [1, 4096], strides = [1, 1]} : vector<8x4096xf32> to vector<1x4096xf32>
    %squeeze3A_28 = vector.shape_cast %slice3A_27 : vector<1x4096xf32> to vector<4096xf32>
    %slice3A_29 = vector.extract_strided_slice %get3A_8 {offsets = [1, 0], sizes = [1, 4096], strides = [1, 1]} : vector<8x4096xf32> to vector<1x4096xf32>
    %squeeze3A_30 = vector.shape_cast %slice3A_29 : vector<1x4096xf32> to vector<4096xf32>
    %mul3A_31 = arith.mulf %squeeze3A_28, %squeeze3A_30 : vector<4096xf32>
    %add3A_32 = arith.addf %mul3A_26, %mul3A_31 : vector<4096xf32>
    %slice3A_33 = vector.extract_strided_slice %get3A_8 {offsets = [2, 0], sizes = [1, 4096], strides = [1, 1]} : vector<8x4096xf32> to vector<1x4096xf32>
    %squeeze3A_34 = vector.shape_cast %slice3A_33 : vector<1x4096xf32> to vector<4096xf32>
    %slice3A_35 = vector.extract_strided_slice %get3A_8 {offsets = [2, 0], sizes = [1, 4096], strides = [1, 1]} : vector<8x4096xf32> to vector<1x4096xf32>
    %squeeze3A_36 = vector.shape_cast %slice3A_35 : vector<1x4096xf32> to vector<4096xf32>
    %mul3A_37 = arith.mulf %squeeze3A_34, %squeeze3A_36 : vector<4096xf32>
    %add3A_38 = arith.addf %add3A_32, %mul3A_37 : vector<4096xf32>
    %dot_general3A = arith.constant dense<0.000000e+00> : vector<512x4096xf32>
    %dot_general3A_39 = tpu.matmul %get3A_3, %get3A_8, %dot_general3A {dimension_numbers = #tpu.dot_dimension_numbers<[1], [0], [0], [1], [0, 0, 1, 1], [], []>, transpose_lhs_hint = false} : vector<512x8xf32>, vector<8x4096xf32>, vector<512x4096xf32> -> vector<512x4096xf32>
    %broadcast_in_dim3A = vector.shape_cast %add3A_21 : vector<512xf32> to vector<512x1xf32>
    %broadcast_in_dim3A_40 = vector.shape_cast %add3A_38 : vector<4096xf32> to vector<1x4096xf32>
    %add3A_41 = vector.broadcast %broadcast_in_dim3A : vector<512x1xf32> to vector<512x4096xf32>
    %add3A_42 = vector.broadcast %broadcast_in_dim3A_40 : vector<1x4096xf32> to vector<512x4096xf32>
    %add3A_43 = arith.addf %add3A_41, %add3A_42 : vector<512x4096xf32>
    %mul3A_44 = arith.constant 2.000000e+00 : f32
    %mul3A_45 = vector.broadcast %mul3A_44 : f32 to vector<512x4096xf32>
    %mul3A_46 = arith.mulf %mul3A_45, %dot_general3A_39 : vector<512x4096xf32>
    %sub3A = arith.subf %add3A_43, %mul3A_46 : vector<512x4096xf32>
    %swap3A = arith.constant 0 : index
    %swap3A_47 = arith.constant 0 : index
    %swap3A_48 = arith.constant 0 : index
    %swap3A_49 = vector.load %arg3[%swap3A, %swap3A_47, %swap3A_48] : memref<1x512x4096xf32, #tpu.memory_space<vmem>>, vector<1x512x4096xf32>
    %swap3A_50 = vector.shape_cast %swap3A_49 : vector<1x512x4096xf32> to vector<512x4096xf32>
    %swap3A_51 = vector.shape_cast %sub3A : vector<512x4096xf32> to vector<1x512x4096xf32>
    tpu.vector_store %arg3[%swap3A, %swap3A_47, %swap3A_48], %swap3A_51 {strides = array<i32>} : memref<1x512x4096xf32, #tpu.memory_space<vmem>>, vector<1x512x4096xf32>,
    return
  }
  func.func @transform_0(%arg0: i32) -> (i32, i32, i32) {
    %c0_i32 = arith.constant 0 : i32
    %c0_i32_0 = arith.constant 0 : i32
    %c0_i32_1 = arith.constant 0 : i32
    return %arg0, %c0_i32, %c0_i32_0 : i32, i32, i32
  }
  func.func @transform_1(%arg0: i32) -> (i32, i32, i32) {
    %c0_i32 = arith.constant 0 : i32
    %c0_i32_0 = arith.constant 0 : i32
    %c0_i32_1 = arith.constant 0 : i32
    return %arg0, %c0_i32, %c0_i32_0 : i32, i32, i32
  }
  func.func @transform_2(%arg0: i32) -> (i32, i32, i32) {
    %c0_i32 = arith.constant 0 : i32
    %c0_i32_0 = arith.constant 0 : i32
    %c0_i32_1 = arith.constant 0 : i32
    return %arg0, %c0_i32, %c0_i32_0 : i32, i32, i32
  }
}

module attributes {stable_mosaic.version = 14 : i64} {
  func.func @_fps_body(%arg0: memref<8x512xf32, #tpu.memory_space<vmem>>, %arg1: memref<8x512xf32, #tpu.memory_space<vmem>>, %arg2: memref<8x512xf32, #tpu.memory_space<vmem>>, %arg3: memref<8x128xf32, #tpu.memory_space<vmem>>, %arg4: memref<8x128xf32, #tpu.memory_space<vmem>>, %arg5: memref<8x128xf32, #tpu.memory_space<vmem>>) attributes {dimension_semantics = [], scalar_prefetch = 0 : i64, scratch_operands = 0 : i64, tpu.core_type = #tpu.core_type<tc>} {
    %get3A = arith.constant 0 : index
    %get3A_0 = arith.constant 0 : index
    %get3A_1 = vector.load %arg0[%get3A, %get3A_0] : memref<8x512xf32, #tpu.memory_space<vmem>>, vector<8x512xf32>
    %get3A_2 = arith.constant 0 : index
    %get3A_3 = arith.constant 0 : index
    %get3A_4 = vector.load %arg1[%get3A_2, %get3A_3] : memref<8x512xf32, #tpu.memory_space<vmem>>, vector<8x512xf32>
    %get3A_5 = arith.constant 0 : index
    %get3A_6 = arith.constant 0 : index
    %get3A_7 = vector.load %arg2[%get3A_5, %get3A_6] : memref<8x512xf32, #tpu.memory_space<vmem>>, vector<8x512xf32>
    %iota3A = tpu.iota {dimensions = array<i32: 1>} : vector<8x512xi32>
    %iota3A_8 = tpu.iota {dimensions = array<i32: 1>} : vector<8x128xi32>
    %broadcast_in_dim3A = arith.constant 1.000000e+10 : f32
    %broadcast_in_dim3A_9 = vector.broadcast %broadcast_in_dim3A : f32 to vector<8x512xf32>
    %broadcast_in_dim3A_10 = arith.constant 0 : i32
    %broadcast_in_dim3A_11 = vector.broadcast %broadcast_in_dim3A_10 : i32 to vector<8x1xi32>
    %scan3A = arith.constant 0 : i32
    %scan3A_12 = arith.constant 128 : i32
    %scan3A_13 = arith.addi %scan3A, %scan3A_12 : i32
    %scan3A_14 = arith.constant 1 : i32
    %scan3A_15:2 = scf.for %scan3A_17 = %scan3A to %scan3A_13 step %scan3A_14 iter_args(%scan3A_18 = %broadcast_in_dim3A_9, %scan3A_19 = %broadcast_in_dim3A_11) -> (vector<8x512xf32>, vector<8x1xi32>)  : i32 {
      %eq3A = vector.broadcast %scan3A_19 : vector<8x1xi32> to vector<8x512xi32>
      %eq3A_20 = arith.cmpi eq, %iota3A, %eq3A : vector<8x512xi32>
      %jit3A = arith.constant 0.000000e+00 : f32
      %broadcast_in_dim3A_21 = vector.broadcast %jit3A : f32 to vector<8x512xf32>
      %select_n3A = arith.select %eq3A_20, %get3A_1, %broadcast_in_dim3A_21 : vector<8x512xi1>, vector<8x512xf32>
      %reduce_sum3A = arith.constant dense<0.000000e+00> : vector<8xf32>
      %reduce_sum3A_22 = vector.multi_reduction <add>, %select_n3A, %reduce_sum3A [1] : vector<8x512xf32> to vector<8xf32>
      %broadcast_in_dim3A_23 = vector.shape_cast %reduce_sum3A_22 : vector<8xf32> to vector<8x1xf32>
      %jit3A_24 = arith.constant 0.000000e+00 : f32
      %broadcast_in_dim3A_25 = vector.broadcast %jit3A_24 : f32 to vector<8x512xf32>
      %select_n3A_26 = arith.select %eq3A_20, %get3A_4, %broadcast_in_dim3A_25 : vector<8x512xi1>, vector<8x512xf32>
      %reduce_sum3A_27 = arith.constant dense<0.000000e+00> : vector<8xf32>
      %reduce_sum3A_28 = vector.multi_reduction <add>, %select_n3A_26, %reduce_sum3A_27 [1] : vector<8x512xf32> to vector<8xf32>
      %broadcast_in_dim3A_29 = vector.shape_cast %reduce_sum3A_28 : vector<8xf32> to vector<8x1xf32>
      %jit3A_30 = arith.constant 0.000000e+00 : f32
      %broadcast_in_dim3A_31 = vector.broadcast %jit3A_30 : f32 to vector<8x512xf32>
      %select_n3A_32 = arith.select %eq3A_20, %get3A_7, %broadcast_in_dim3A_31 : vector<8x512xi1>, vector<8x512xf32>
      %reduce_sum3A_33 = arith.constant dense<0.000000e+00> : vector<8xf32>
      %reduce_sum3A_34 = vector.multi_reduction <add>, %select_n3A_32, %reduce_sum3A_33 [1] : vector<8x512xf32> to vector<8xf32>
      %broadcast_in_dim3A_35 = vector.shape_cast %reduce_sum3A_34 : vector<8xf32> to vector<8x1xf32>
      %eq3A_36 = vector.broadcast %scan3A_17 : i32 to vector<8x128xi32>
      %eq3A_37 = arith.cmpi eq, %iota3A_8, %eq3A_36 : vector<8x128xi32>
      %get3A_38 = arith.constant 0 : index
      %get3A_39 = arith.constant 0 : index
      %get3A_40 = vector.load %arg3[%get3A_38, %get3A_39] : memref<8x128xf32, #tpu.memory_space<vmem>>, vector<8x128xf32>
      %broadcast_in_dim3A_41 = vector.shape_cast %broadcast_in_dim3A_23 : vector<8x1xf32> to vector<8x1xf32>
      %broadcast_in_dim3A_42 = vector.broadcast %broadcast_in_dim3A_41 : vector<8x1xf32> to vector<8x128xf32>
      %select_n3A_43 = arith.select %eq3A_37, %broadcast_in_dim3A_42, %get3A_40 : vector<8x128xi1>, vector<8x128xf32>
      %swap3A = arith.constant 0 : index
      %swap3A_44 = arith.constant 0 : index
      %swap3A_45 = vector.load %arg3[%swap3A, %swap3A_44] : memref<8x128xf32, #tpu.memory_space<vmem>>, vector<8x128xf32>
      tpu.vector_store %arg3[%swap3A, %swap3A_44], %select_n3A_43 {strides = array<i32>} : memref<8x128xf32, #tpu.memory_space<vmem>>, vector<8x128xf32>,
      %get3A_46 = arith.constant 0 : index
      %get3A_47 = arith.constant 0 : index
      %get3A_48 = vector.load %arg4[%get3A_46, %get3A_47] : memref<8x128xf32, #tpu.memory_space<vmem>>, vector<8x128xf32>
      %broadcast_in_dim3A_49 = vector.shape_cast %broadcast_in_dim3A_29 : vector<8x1xf32> to vector<8x1xf32>
      %broadcast_in_dim3A_50 = vector.broadcast %broadcast_in_dim3A_49 : vector<8x1xf32> to vector<8x128xf32>
      %select_n3A_51 = arith.select %eq3A_37, %broadcast_in_dim3A_50, %get3A_48 : vector<8x128xi1>, vector<8x128xf32>
      %swap3A_52 = arith.constant 0 : index
      %swap3A_53 = arith.constant 0 : index
      %swap3A_54 = vector.load %arg4[%swap3A_52, %swap3A_53] : memref<8x128xf32, #tpu.memory_space<vmem>>, vector<8x128xf32>
      tpu.vector_store %arg4[%swap3A_52, %swap3A_53], %select_n3A_51 {strides = array<i32>} : memref<8x128xf32, #tpu.memory_space<vmem>>, vector<8x128xf32>,
      %get3A_55 = arith.constant 0 : index
      %get3A_56 = arith.constant 0 : index
      %get3A_57 = vector.load %arg5[%get3A_55, %get3A_56] : memref<8x128xf32, #tpu.memory_space<vmem>>, vector<8x128xf32>
      %broadcast_in_dim3A_58 = vector.shape_cast %broadcast_in_dim3A_35 : vector<8x1xf32> to vector<8x1xf32>
      %broadcast_in_dim3A_59 = vector.broadcast %broadcast_in_dim3A_58 : vector<8x1xf32> to vector<8x128xf32>
      %select_n3A_60 = arith.select %eq3A_37, %broadcast_in_dim3A_59, %get3A_57 : vector<8x128xi1>, vector<8x128xf32>
      %swap3A_61 = arith.constant 0 : index
      %swap3A_62 = arith.constant 0 : index
      %swap3A_63 = vector.load %arg5[%swap3A_61, %swap3A_62] : memref<8x128xf32, #tpu.memory_space<vmem>>, vector<8x128xf32>
      tpu.vector_store %arg5[%swap3A_61, %swap3A_62], %select_n3A_60 {strides = array<i32>} : memref<8x128xf32, #tpu.memory_space<vmem>>, vector<8x128xf32>,
      %sub3A = vector.broadcast %broadcast_in_dim3A_23 : vector<8x1xf32> to vector<8x512xf32>
      %sub3A_64 = arith.subf %get3A_1, %sub3A : vector<8x512xf32>
      %sub3A_65 = vector.broadcast %broadcast_in_dim3A_29 : vector<8x1xf32> to vector<8x512xf32>
      %sub3A_66 = arith.subf %get3A_4, %sub3A_65 : vector<8x512xf32>
      %sub3A_67 = vector.broadcast %broadcast_in_dim3A_35 : vector<8x1xf32> to vector<8x512xf32>
      %sub3A_68 = arith.subf %get3A_7, %sub3A_67 : vector<8x512xf32>
      %mul3A = arith.mulf %sub3A_64, %sub3A_64 : vector<8x512xf32>
      %mul3A_69 = arith.mulf %sub3A_66, %sub3A_66 : vector<8x512xf32>
      %add3A = arith.addf %mul3A, %mul3A_69 : vector<8x512xf32>
      %mul3A_70 = arith.mulf %sub3A_68, %sub3A_68 : vector<8x512xf32>
      %add3A_71 = arith.addf %add3A, %mul3A_70 : vector<8x512xf32>
      %min3A = arith.minimumf %scan3A_18, %add3A_71 : vector<8x512xf32>
      %reduce_max3A = arith.constant dense<0xFF800000> : vector<8xf32>
      %reduce_max3A_72 = vector.multi_reduction <maximumf>, %min3A, %reduce_max3A [1] : vector<8x512xf32> to vector<8xf32>
      %broadcast_in_dim3A_73 = vector.shape_cast %reduce_max3A_72 : vector<8xf32> to vector<8x1xf32>
      %eq3A_74 = vector.broadcast %broadcast_in_dim3A_73 : vector<8x1xf32> to vector<8x512xf32>
      %eq3A_75 = arith.cmpf oeq, %min3A, %eq3A_74 : vector<8x512xf32>
      %jit3A_76 = arith.constant 512 : i32
      %broadcast_in_dim3A_77 = vector.broadcast %jit3A_76 : i32 to vector<8x512xi32>
      %select_n3A_78 = arith.select %eq3A_75, %iota3A, %broadcast_in_dim3A_77 : vector<8x512xi1>, vector<8x512xi32>
      %reduce_min3A = arith.constant dense<2147483647> : vector<8xi32>
      %reduce_min3A_79 = vector.multi_reduction <minsi>, %select_n3A_78, %reduce_min3A [1] : vector<8x512xi32> to vector<8xi32>
      %broadcast_in_dim3A_80 = vector.shape_cast %reduce_min3A_79 : vector<8xi32> to vector<8x1xi32>
      scf.yield %min3A, %broadcast_in_dim3A_80 : vector<8x512xf32>, vector<8x1xi32>
    }
    %scan3A_16 = arith.constant 128 : i32
    return
  }
}

module attributes {stable_mosaic.version = 14 : i64} {
  func.func @_sqd_body(%arg0: i32, %arg1: memref<1x128x8xf32, #tpu.memory_space<vmem>>, %arg2: memref<1x8x512xf32, #tpu.memory_space<vmem>>, %arg3: memref<1x128x512xf32, #tpu.memory_space<vmem>>) attributes {dimension_semantics = [#tpu.dimension_semantics<arbitrary>], iteration_bounds = array<i64: 8>, scalar_prefetch = 0 : i64, scratch_operands = 0 : i64, tpu.core_type = #tpu.core_type<tc>, window_params = [{transform_indices = @transform_0, window_bounds = array<i64: 1, 128, 8>}, {transform_indices = @transform_1, window_bounds = array<i64: 1, 8, 512>}, {transform_indices = @transform_2, window_bounds = array<i64: 1, 128, 512>}]} {
    %get3A = arith.constant 0 : index
    %get3A_0 = arith.constant 0 : index
    %get3A_1 = arith.constant 0 : index
    %get3A_2 = vector.load %arg1[%get3A, %get3A_0, %get3A_1] : memref<1x128x8xf32, #tpu.memory_space<vmem>>, vector<1x128x8xf32>
    %get3A_3 = vector.shape_cast %get3A_2 : vector<1x128x8xf32> to vector<128x8xf32>
    %get3A_4 = arith.constant 0 : index
    %get3A_5 = arith.constant 0 : index
    %get3A_6 = arith.constant 0 : index
    %get3A_7 = vector.load %arg2[%get3A_4, %get3A_5, %get3A_6] : memref<1x8x512xf32, #tpu.memory_space<vmem>>, vector<1x8x512xf32>
    %get3A_8 = vector.shape_cast %get3A_7 : vector<1x8x512xf32> to vector<8x512xf32>
    %slice3A = vector.extract_strided_slice %get3A_3 {offsets = [0, 0], sizes = [128, 1], strides = [1, 1]} : vector<128x8xf32> to vector<128x1xf32>
    %squeeze3A = vector.shape_cast %slice3A : vector<128x1xf32> to vector<128xf32>
    %slice3A_9 = vector.extract_strided_slice %get3A_3 {offsets = [0, 0], sizes = [128, 1], strides = [1, 1]} : vector<128x8xf32> to vector<128x1xf32>
    %squeeze3A_10 = vector.shape_cast %slice3A_9 : vector<128x1xf32> to vector<128xf32>
    %mul3A = arith.mulf %squeeze3A, %squeeze3A_10 : vector<128xf32>
    %slice3A_11 = vector.extract_strided_slice %get3A_3 {offsets = [0, 1], sizes = [128, 1], strides = [1, 1]} : vector<128x8xf32> to vector<128x1xf32>
    %squeeze3A_12 = vector.shape_cast %slice3A_11 : vector<128x1xf32> to vector<128xf32>
    %slice3A_13 = vector.extract_strided_slice %get3A_3 {offsets = [0, 1], sizes = [128, 1], strides = [1, 1]} : vector<128x8xf32> to vector<128x1xf32>
    %squeeze3A_14 = vector.shape_cast %slice3A_13 : vector<128x1xf32> to vector<128xf32>
    %mul3A_15 = arith.mulf %squeeze3A_12, %squeeze3A_14 : vector<128xf32>
    %add3A = arith.addf %mul3A, %mul3A_15 : vector<128xf32>
    %slice3A_16 = vector.extract_strided_slice %get3A_3 {offsets = [0, 2], sizes = [128, 1], strides = [1, 1]} : vector<128x8xf32> to vector<128x1xf32>
    %squeeze3A_17 = vector.shape_cast %slice3A_16 : vector<128x1xf32> to vector<128xf32>
    %slice3A_18 = vector.extract_strided_slice %get3A_3 {offsets = [0, 2], sizes = [128, 1], strides = [1, 1]} : vector<128x8xf32> to vector<128x1xf32>
    %squeeze3A_19 = vector.shape_cast %slice3A_18 : vector<128x1xf32> to vector<128xf32>
    %mul3A_20 = arith.mulf %squeeze3A_17, %squeeze3A_19 : vector<128xf32>
    %add3A_21 = arith.addf %add3A, %mul3A_20 : vector<128xf32>
    %slice3A_22 = vector.extract_strided_slice %get3A_8 {offsets = [0, 0], sizes = [1, 512], strides = [1, 1]} : vector<8x512xf32> to vector<1x512xf32>
    %squeeze3A_23 = vector.shape_cast %slice3A_22 : vector<1x512xf32> to vector<512xf32>
    %slice3A_24 = vector.extract_strided_slice %get3A_8 {offsets = [0, 0], sizes = [1, 512], strides = [1, 1]} : vector<8x512xf32> to vector<1x512xf32>
    %squeeze3A_25 = vector.shape_cast %slice3A_24 : vector<1x512xf32> to vector<512xf32>
    %mul3A_26 = arith.mulf %squeeze3A_23, %squeeze3A_25 : vector<512xf32>
    %slice3A_27 = vector.extract_strided_slice %get3A_8 {offsets = [1, 0], sizes = [1, 512], strides = [1, 1]} : vector<8x512xf32> to vector<1x512xf32>
    %squeeze3A_28 = vector.shape_cast %slice3A_27 : vector<1x512xf32> to vector<512xf32>
    %slice3A_29 = vector.extract_strided_slice %get3A_8 {offsets = [1, 0], sizes = [1, 512], strides = [1, 1]} : vector<8x512xf32> to vector<1x512xf32>
    %squeeze3A_30 = vector.shape_cast %slice3A_29 : vector<1x512xf32> to vector<512xf32>
    %mul3A_31 = arith.mulf %squeeze3A_28, %squeeze3A_30 : vector<512xf32>
    %add3A_32 = arith.addf %mul3A_26, %mul3A_31 : vector<512xf32>
    %slice3A_33 = vector.extract_strided_slice %get3A_8 {offsets = [2, 0], sizes = [1, 512], strides = [1, 1]} : vector<8x512xf32> to vector<1x512xf32>
    %squeeze3A_34 = vector.shape_cast %slice3A_33 : vector<1x512xf32> to vector<512xf32>
    %slice3A_35 = vector.extract_strided_slice %get3A_8 {offsets = [2, 0], sizes = [1, 512], strides = [1, 1]} : vector<8x512xf32> to vector<1x512xf32>
    %squeeze3A_36 = vector.shape_cast %slice3A_35 : vector<1x512xf32> to vector<512xf32>
    %mul3A_37 = arith.mulf %squeeze3A_34, %squeeze3A_36 : vector<512xf32>
    %add3A_38 = arith.addf %add3A_32, %mul3A_37 : vector<512xf32>
    %dot_general3A = arith.constant dense<0.000000e+00> : vector<128x512xf32>
    %dot_general3A_39 = tpu.matmul %get3A_3, %get3A_8, %dot_general3A {dimension_numbers = #tpu.dot_dimension_numbers<[1], [0], [0], [1], [0, 0, 1, 1], [], []>, transpose_lhs_hint = false} : vector<128x8xf32>, vector<8x512xf32>, vector<128x512xf32> -> vector<128x512xf32>
    %broadcast_in_dim3A = vector.shape_cast %add3A_21 : vector<128xf32> to vector<128x1xf32>
    %broadcast_in_dim3A_40 = vector.shape_cast %add3A_38 : vector<512xf32> to vector<1x512xf32>
    %add3A_41 = vector.broadcast %broadcast_in_dim3A : vector<128x1xf32> to vector<128x512xf32>
    %add3A_42 = vector.broadcast %broadcast_in_dim3A_40 : vector<1x512xf32> to vector<128x512xf32>
    %add3A_43 = arith.addf %add3A_41, %add3A_42 : vector<128x512xf32>
    %mul3A_44 = arith.constant 2.000000e+00 : f32
    %mul3A_45 = vector.broadcast %mul3A_44 : f32 to vector<128x512xf32>
    %mul3A_46 = arith.mulf %mul3A_45, %dot_general3A_39 : vector<128x512xf32>
    %sub3A = arith.subf %add3A_43, %mul3A_46 : vector<128x512xf32>
    %swap3A = arith.constant 0 : index
    %swap3A_47 = arith.constant 0 : index
    %swap3A_48 = arith.constant 0 : index
    %swap3A_49 = vector.load %arg3[%swap3A, %swap3A_47, %swap3A_48] : memref<1x128x512xf32, #tpu.memory_space<vmem>>, vector<1x128x512xf32>
    %swap3A_50 = vector.shape_cast %swap3A_49 : vector<1x128x512xf32> to vector<128x512xf32>
    %swap3A_51 = vector.shape_cast %sub3A : vector<128x512xf32> to vector<1x128x512xf32>
    tpu.vector_store %arg3[%swap3A, %swap3A_47, %swap3A_48], %swap3A_51 {strides = array<i32>} : memref<1x128x512xf32, #tpu.memory_space<vmem>>, vector<1x128x512xf32>,
    return
  }
  func.func @transform_0(%arg0: i32) -> (i32, i32, i32) {
    %c0_i32 = arith.constant 0 : i32
    %c0_i32_0 = arith.constant 0 : i32
    %c0_i32_1 = arith.constant 0 : i32
    return %arg0, %c0_i32, %c0_i32_0 : i32, i32, i32
  }
  func.func @transform_1(%arg0: i32) -> (i32, i32, i32) {
    %c0_i32 = arith.constant 0 : i32
    %c0_i32_0 = arith.constant 0 : i32
    %c0_i32_1 = arith.constant 0 : i32
    return %arg0, %c0_i32, %c0_i32_0 : i32, i32, i32
  }
  func.func @transform_2(%arg0: i32) -> (i32, i32, i32) {
    %c0_i32 = arith.constant 0 : i32
    %c0_i32_0 = arith.constant 0 : i32
    %c0_i32_1 = arith.constant 0 : i32
    return %arg0, %c0_i32, %c0_i32_0 : i32, i32, i32
  }
}

module attributes {stable_mosaic.version = 14 : i64} {
  func.func @_first_body(%arg0: i32, %arg1: memref<64x64x128xf32, #tpu.memory_space<vmem>>, %arg2: memref<64x16xi32, #tpu.memory_space<vmem>>, %arg3: memref<64x128xf32, #tpu.memory_space<vmem>>, %arg4: memref<128x64xf32, #tpu.memory_space<vmem>>, %arg5: memref<64x64x64xf32, #tpu.memory_space<vmem>>, %arg6: memref<2x64xf32, #tpu.memory_space<vmem>>) attributes {dimension_semantics = [#tpu.dimension_semantics<arbitrary>], iteration_bounds = array<i64: 64>, scalar_prefetch = 0 : i64, scratch_operands = 0 : i64, tpu.core_type = #tpu.core_type<tc>, window_params = [{transform_indices = @transform_0, window_bounds = array<i64: 64, 64, 128>}, {transform_indices = @transform_1, window_bounds = array<i64: 64, 16>}, {transform_indices = @transform_2, window_bounds = array<i64: 64, 128>}, {pipeline_mode = #tpu.pipeline_mode<synchronous>, transform_indices = @transform_3, window_bounds = array<i64: 128, 64>}, {transform_indices = @transform_4, window_bounds = array<i64: 64, 64, 64>}, {pipeline_mode = #tpu.pipeline_mode<synchronous>, transform_indices = @transform_5, window_bounds = array<i64: 2, 64>}]} {
    %get3A = arith.constant 0 : index
    %get3A_0 = arith.constant 0 : index
    %get3A_1 = arith.constant 0 : index
    %get3A_2 = vector.load %arg1[%get3A, %get3A_0, %get3A_1] : memref<64x64x128xf32, #tpu.memory_space<vmem>>, vector<64x64x128xf32>
    %iota3A = tpu.iota {dimensions = array<i32: 1>} : vector<64x64x128xi32>
    %get3A_3 = arith.constant 0 : index
    %get3A_4 = arith.constant 0 : index
    %get3A_5 = vector.load %arg2[%get3A_3, %get3A_4] : memref<64x16xi32, #tpu.memory_space<vmem>>, vector<64x16xi32>
    %slice3A = vector.extract_strided_slice %get3A_5 {offsets = [0, 0], sizes = [64, 1], strides = [1, 1]} : vector<64x16xi32> to vector<64x1xi32>
    %broadcast_in_dim3A = vector.shape_cast %slice3A : vector<64x1xi32> to vector<64x1x1xi32>
    %lt3A = vector.broadcast %broadcast_in_dim3A : vector<64x1x1xi32> to vector<64x64x128xi32>
    %lt3A_6 = arith.cmpi slt, %iota3A, %lt3A : vector<64x64x128xi32>
    %slice3A_7 = vector.extract_strided_slice %get3A_2 {offsets = [0, 0, 0], sizes = [64, 1, 128], strides = [1, 1, 1]} : vector<64x64x128xf32> to vector<64x1x128xf32>
    %broadcast_in_dim3A_8 = vector.shape_cast %slice3A_7 : vector<64x1x128xf32> to vector<64x1x128xf32>
    %broadcast_in_dim3A_9 = vector.broadcast %broadcast_in_dim3A_8 : vector<64x1x128xf32> to vector<64x64x128xf32>
    %select_n3A = arith.select %lt3A_6, %get3A_2, %broadcast_in_dim3A_9 : vector<64x64x128xi1>, vector<64x64x128xf32>
    %get3A_10 = arith.constant 0 : index
    %get3A_11 = arith.constant 0 : index
    %get3A_12 = vector.load %arg3[%get3A_10, %get3A_11] : memref<64x128xf32, #tpu.memory_space<vmem>>, vector<64x128xf32>
    %broadcast_in_dim3A_13 = vector.shape_cast %get3A_12 : vector<64x128xf32> to vector<64x1x128xf32>
    %sub3A = vector.broadcast %broadcast_in_dim3A_13 : vector<64x1x128xf32> to vector<64x64x128xf32>
    %sub3A_14 = arith.subf %select_n3A, %sub3A : vector<64x64x128xf32>
    %reshape3A = vector.shape_cast %sub3A_14 : vector<64x64x128xf32> to vector<4096x128xf32>
    %get3A_15 = arith.constant 0 : index
    %get3A_16 = arith.constant 0 : index
    %get3A_17 = vector.load %arg4[%get3A_15, %get3A_16] : memref<128x64xf32, #tpu.memory_space<vmem>>, vector<128x64xf32>
    %dot_general3A = arith.constant dense<0.000000e+00> : vector<4096x64xf32>
    %dot_general3A_18 = tpu.matmul %reshape3A, %get3A_17, %dot_general3A {dimension_numbers = #tpu.dot_dimension_numbers<[1], [0], [0], [1], [0, 0, 1, 1], [], []>, transpose_lhs_hint = false} : vector<4096x128xf32>, vector<128x64xf32>, vector<4096x64xf32> -> vector<4096x64xf32>
    %reshape3A_19 = vector.shape_cast %dot_general3A_18 : vector<4096x64xf32> to vector<64x64x64xf32>
    %swap3A = arith.constant 0 : index
    %swap3A_20 = arith.constant 0 : index
    %swap3A_21 = arith.constant 0 : index
    %swap3A_22 = vector.load %arg5[%swap3A, %swap3A_20, %swap3A_21] : memref<64x64x64xf32, #tpu.memory_space<vmem>>, vector<64x64x64xf32>
    tpu.vector_store %arg5[%swap3A, %swap3A_20, %swap3A_21], %reshape3A_19 {strides = array<i32>} : memref<64x64x64xf32, #tpu.memory_space<vmem>>, vector<64x64x64xf32>,
    %eq3A = arith.constant 0 : i32
    %eq3A_23 = arith.cmpi eq, %arg0, %eq3A : i32
    %convert_element_type3A = arith.extui %eq3A_23 : i1 to i32
    %cond3A = arith.constant 0 : i32
    %cond3A_24 = arith.cmpi ne, %convert_element_type3A, %cond3A : i32
    scf.if %cond3A_24 {
      %broadcast_in_dim3A_36 = arith.constant 0.000000e+00 : f32
      %broadcast_in_dim3A_37 = vector.broadcast %broadcast_in_dim3A_36 : f32 to vector<2x64xf32>
      %swap3A_38 = arith.constant 0 : index
      %swap3A_39 = arith.constant 0 : index
      %swap3A_40 = vector.load %arg6[%swap3A_38, %swap3A_39] : memref<2x64xf32, #tpu.memory_space<vmem>>, vector<2x64xf32>
      tpu.vector_store %arg6[%swap3A_38, %swap3A_39], %broadcast_in_dim3A_37 {strides = array<i32>} : memref<2x64xf32, #tpu.memory_space<vmem>>, vector<2x64xf32>,
    } else {
    }
    %get3A_25 = arith.constant 0 : index
    %get3A_26 = arith.constant 0 : index
    %get3A_27 = vector.load %arg6[%get3A_25, %get3A_26] : memref<2x64xf32, #tpu.memory_space<vmem>>, vector<2x64xf32>
    %reduce_sum3A = arith.constant dense<0.000000e+00> : vector<64xf32>
    %reduce_sum3A_28 = vector.multi_reduction <add>, %dot_general3A_18, %reduce_sum3A [0] : vector<4096x64xf32> to vector<64xf32>
    %broadcast_in_dim3A_29 = vector.shape_cast %reduce_sum3A_28 : vector<64xf32> to vector<1x64xf32>
    %mul3A = arith.mulf %dot_general3A_18, %dot_general3A_18 : vector<4096x64xf32>
    %reduce_sum3A_30 = arith.constant dense<0.000000e+00> : vector<64xf32>
    %reduce_sum3A_31 = vector.multi_reduction <add>, %mul3A, %reduce_sum3A_30 [0] : vector<4096x64xf32> to vector<64xf32>
    %broadcast_in_dim3A_32 = vector.shape_cast %reduce_sum3A_31 : vector<64xf32> to vector<1x64xf32>
    %concatenate3A = tpu.concatenate %broadcast_in_dim3A_29, %broadcast_in_dim3A_32 in 0 : vector<1x64xf32>, vector<1x64xf32> -> vector<2x64xf32>
    %add3A = arith.addf %get3A_27, %concatenate3A : vector<2x64xf32>
    %swap3A_33 = arith.constant 0 : index
    %swap3A_34 = arith.constant 0 : index
    %swap3A_35 = vector.load %arg6[%swap3A_33, %swap3A_34] : memref<2x64xf32, #tpu.memory_space<vmem>>, vector<2x64xf32>
    tpu.vector_store %arg6[%swap3A_33, %swap3A_34], %add3A {strides = array<i32>} : memref<2x64xf32, #tpu.memory_space<vmem>>, vector<2x64xf32>,
    return
  }
  func.func @transform_0(%arg0: i32) -> (i32, i32, i32) {
    %c0_i32 = arith.constant 0 : i32
    %c0_i32_0 = arith.constant 0 : i32
    %c0_i32_1 = arith.constant 0 : i32
    return %arg0, %c0_i32, %c0_i32_0 : i32, i32, i32
  }
  func.func @transform_1(%arg0: i32) -> (i32, i32) {
    %c0_i32 = arith.constant 0 : i32
    %c0_i32_0 = arith.constant 0 : i32
    return %arg0, %c0_i32 : i32, i32
  }
  func.func @transform_2(%arg0: i32) -> (i32, i32) {
    %c0_i32 = arith.constant 0 : i32
    %c0_i32_0 = arith.constant 0 : i32
    return %arg0, %c0_i32 : i32, i32
  }
  func.func @transform_3(%arg0: i32) -> (i32, i32) {
    %c0_i32 = arith.constant 0 : i32
    %c0_i32_0 = arith.constant 0 : i32
    %c0_i32_1 = arith.constant 0 : i32
    return %c0_i32, %c0_i32_0 : i32, i32
  }
  func.func @transform_4(%arg0: i32) -> (i32, i32, i32) {
    %c0_i32 = arith.constant 0 : i32
    %c0_i32_0 = arith.constant 0 : i32
    %c0_i32_1 = arith.constant 0 : i32
    return %arg0, %c0_i32, %c0_i32_0 : i32, i32, i32
  }
  func.func @transform_5(%arg0: i32) -> (i32, i32) {
    %c0_i32 = arith.constant 0 : i32
    %c0_i32_0 = arith.constant 0 : i32
    %c0_i32_1 = arith.constant 0 : i32
    return %c0_i32, %c0_i32_0 : i32, i32
  }
}

module attributes {stable_mosaic.version = 14 : i64} {
  func.func @_mid_body(%arg0: i32, %arg1: memref<64x64x64xf32, #tpu.memory_space<vmem>>, %arg2: memref<2x64xf32, #tpu.memory_space<vmem>>, %arg3: memref<2x64xf32, #tpu.memory_space<vmem>>, %arg4: memref<64x64xf32, #tpu.memory_space<vmem>>, %arg5: memref<64x64x64xf32, #tpu.memory_space<vmem>>, %arg6: memref<2x64xf32, #tpu.memory_space<vmem>>) attributes {dimension_semantics = [#tpu.dimension_semantics<arbitrary>], iteration_bounds = array<i64: 64>, scalar_prefetch = 0 : i64, scratch_operands = 0 : i64, tpu.core_type = #tpu.core_type<tc>, window_params = [{transform_indices = @transform_0, window_bounds = array<i64: 64, 64, 64>}, {pipeline_mode = #tpu.pipeline_mode<synchronous>, transform_indices = @transform_1, window_bounds = array<i64: 2, 64>}, {pipeline_mode = #tpu.pipeline_mode<synchronous>, transform_indices = @transform_2, window_bounds = array<i64: 2, 64>}, {pipeline_mode = #tpu.pipeline_mode<synchronous>, transform_indices = @transform_3, window_bounds = array<i64: 64, 64>}, {transform_indices = @transform_4, window_bounds = array<i64: 64, 64, 64>}, {pipeline_mode = #tpu.pipeline_mode<synchronous>, transform_indices = @transform_5, window_bounds = array<i64: 2, 64>}]} {
    %get3A = arith.constant 0 : index
    %get3A_0 = arith.constant 0 : index
    %get3A_1 = arith.constant 0 : index
    %get3A_2 = vector.load %arg1[%get3A, %get3A_0, %get3A_1] : memref<64x64x64xf32, #tpu.memory_space<vmem>>, vector<64x64x64xf32>
    %get3A_3 = arith.constant 0 : index
    %get3A_4 = arith.constant 0 : index
    %get3A_5 = vector.load %arg3[%get3A_3, %get3A_4] : memref<2x64xf32, #tpu.memory_space<vmem>>, vector<2x64xf32>
    %get3A_6 = arith.constant 0 : index
    %get3A_7 = arith.constant 0 : index
    %get3A_8 = vector.load %arg2[%get3A_6, %get3A_7] : memref<2x64xf32, #tpu.memory_space<vmem>>, vector<2x64xf32>
    %slice3A = vector.extract_strided_slice %get3A_5 {offsets = [0, 0], sizes = [1, 64], strides = [1, 1]} : vector<2x64xf32> to vector<1x64xf32>
    %squeeze3A = vector.shape_cast %slice3A : vector<1x64xf32> to vector<64xf32>
    %slice3A_9 = vector.extract_strided_slice %get3A_5 {offsets = [1, 0], sizes = [1, 64], strides = [1, 1]} : vector<2x64xf32> to vector<1x64xf32>
    %squeeze3A_10 = vector.shape_cast %slice3A_9 : vector<1x64xf32> to vector<64xf32>
    %slice3A_11 = vector.extract_strided_slice %get3A_8 {offsets = [0, 0], sizes = [1, 64], strides = [1, 1]} : vector<2x64xf32> to vector<1x64xf32>
    %div3A = arith.constant 2.621440e+05 : f32
    %div3A_12 = vector.broadcast %div3A : f32 to vector<1x64xf32>
    %div3A_13 = arith.divf %slice3A_11, %div3A_12 : vector<1x64xf32>
    %slice3A_14 = vector.extract_strided_slice %get3A_8 {offsets = [1, 0], sizes = [1, 64], strides = [1, 1]} : vector<2x64xf32> to vector<1x64xf32>
    %div3A_15 = arith.constant 2.621440e+05 : f32
    %div3A_16 = vector.broadcast %div3A_15 : f32 to vector<1x64xf32>
    %div3A_17 = arith.divf %slice3A_14, %div3A_16 : vector<1x64xf32>
    %mul3A = arith.mulf %div3A_13, %div3A_13 : vector<1x64xf32>
    %sub3A = arith.subf %div3A_17, %mul3A : vector<1x64xf32>
    %add3A = arith.constant 9.99999974E-6 : f32
    %add3A_18 = vector.broadcast %add3A : f32 to vector<1x64xf32>
    %add3A_19 = arith.addf %sub3A, %add3A_18 : vector<1x64xf32>
    %rsqrt3A = math.rsqrt %add3A_19 : vector<1x64xf32>
    %broadcast_in_dim3A = vector.shape_cast %squeeze3A : vector<64xf32> to vector<1x64xf32>
    %mul3A_20 = arith.mulf %rsqrt3A, %broadcast_in_dim3A : vector<1x64xf32>
    %broadcast_in_dim3A_21 = vector.shape_cast %mul3A_20 : vector<1x64xf32> to vector<1x1x64xf32>
    %mul3A_22 = vector.broadcast %broadcast_in_dim3A_21 : vector<1x1x64xf32> to vector<64x64x64xf32>
    %mul3A_23 = arith.mulf %get3A_2, %mul3A_22 : vector<64x64x64xf32>
    %squeeze3A_24 = vector.shape_cast %div3A_13 : vector<1x64xf32> to vector<64xf32>
    %squeeze3A_25 = vector.shape_cast %rsqrt3A : vector<1x64xf32> to vector<64xf32>
    %mul3A_26 = arith.mulf %squeeze3A_24, %squeeze3A_25 : vector<64xf32>
    %mul3A_27 = arith.mulf %mul3A_26, %squeeze3A : vector<64xf32>
    %sub3A_28 = arith.subf %squeeze3A_10, %mul3A_27 : vector<64xf32>
    %broadcast_in_dim3A_29 = vector.shape_cast %sub3A_28 : vector<64xf32> to vector<1x1x64xf32>
    %add3A_30 = vector.broadcast %broadcast_in_dim3A_29 : vector<1x1x64xf32> to vector<64x64x64xf32>
    %add3A_31 = arith.addf %mul3A_23, %add3A_30 : vector<64x64x64xf32>
    %max3A = arith.constant 0.000000e+00 : f32
    %max3A_32 = vector.broadcast %max3A : f32 to vector<64x64x64xf32>
    %max3A_33 = arith.maximumf %add3A_31, %max3A_32 : vector<64x64x64xf32>
    %reshape3A = vector.shape_cast %max3A_33 : vector<64x64x64xf32> to vector<4096x64xf32>
    %get3A_34 = arith.constant 0 : index
    %get3A_35 = arith.constant 0 : index
    %get3A_36 = vector.load %arg4[%get3A_34, %get3A_35] : memref<64x64xf32, #tpu.memory_space<vmem>>, vector<64x64xf32>
    %dot_general3A = arith.constant dense<0.000000e+00> : vector<4096x64xf32>
    %dot_general3A_37 = tpu.matmul %reshape3A, %get3A_36, %dot_general3A {dimension_numbers = #tpu.dot_dimension_numbers<[1], [0], [0], [1], [0, 0, 1, 1], [], []>, transpose_lhs_hint = false} : vector<4096x64xf32>, vector<64x64xf32>, vector<4096x64xf32> -> vector<4096x64xf32>
    %reshape3A_38 = vector.shape_cast %dot_general3A_37 : vector<4096x64xf32> to vector<64x64x64xf32>
    %swap3A = arith.constant 0 : index
    %swap3A_39 = arith.constant 0 : index
    %swap3A_40 = arith.constant 0 : index
    %swap3A_41 = vector.load %arg5[%swap3A, %swap3A_39, %swap3A_40] : memref<64x64x64xf32, #tpu.memory_space<vmem>>, vector<64x64x64xf32>
    tpu.vector_store %arg5[%swap3A, %swap3A_39, %swap3A_40], %reshape3A_38 {strides = array<i32>} : memref<64x64x64xf32, #tpu.memory_space<vmem>>, vector<64x64x64xf32>,
    %eq3A = arith.constant 0 : i32
    %eq3A_42 = arith.cmpi eq, %arg0, %eq3A : i32
    %convert_element_type3A = arith.extui %eq3A_42 : i1 to i32
    %cond3A = arith.constant 0 : i32
    %cond3A_43 = arith.cmpi ne, %convert_element_type3A, %cond3A : i32
    scf.if %cond3A_43 {
      %broadcast_in_dim3A_57 = arith.constant 0.000000e+00 : f32
      %broadcast_in_dim3A_58 = vector.broadcast %broadcast_in_dim3A_57 : f32 to vector<2x64xf32>
      %swap3A_59 = arith.constant 0 : index
      %swap3A_60 = arith.constant 0 : index
      %swap3A_61 = vector.load %arg6[%swap3A_59, %swap3A_60] : memref<2x64xf32, #tpu.memory_space<vmem>>, vector<2x64xf32>
      tpu.vector_store %arg6[%swap3A_59, %swap3A_60], %broadcast_in_dim3A_58 {strides = array<i32>} : memref<2x64xf32, #tpu.memory_space<vmem>>, vector<2x64xf32>,
    } else {
    }
    %get3A_44 = arith.constant 0 : index
    %get3A_45 = arith.constant 0 : index
    %get3A_46 = vector.load %arg6[%get3A_44, %get3A_45] : memref<2x64xf32, #tpu.memory_space<vmem>>, vector<2x64xf32>
    %reduce_sum3A = arith.constant dense<0.000000e+00> : vector<64xf32>
    %reduce_sum3A_47 = vector.multi_reduction <add>, %dot_general3A_37, %reduce_sum3A [0] : vector<4096x64xf32> to vector<64xf32>
    %broadcast_in_dim3A_48 = vector.shape_cast %reduce_sum3A_47 : vector<64xf32> to vector<1x64xf32>
    %mul3A_49 = arith.mulf %dot_general3A_37, %dot_general3A_37 : vector<4096x64xf32>
    %reduce_sum3A_50 = arith.constant dense<0.000000e+00> : vector<64xf32>
    %reduce_sum3A_51 = vector.multi_reduction <add>, %mul3A_49, %reduce_sum3A_50 [0] : vector<4096x64xf32> to vector<64xf32>
    %broadcast_in_dim3A_52 = vector.shape_cast %reduce_sum3A_51 : vector<64xf32> to vector<1x64xf32>
    %concatenate3A = tpu.concatenate %broadcast_in_dim3A_48, %broadcast_in_dim3A_52 in 0 : vector<1x64xf32>, vector<1x64xf32> -> vector<2x64xf32>
    %add3A_53 = arith.addf %get3A_46, %concatenate3A : vector<2x64xf32>
    %swap3A_54 = arith.constant 0 : index
    %swap3A_55 = arith.constant 0 : index
    %swap3A_56 = vector.load %arg6[%swap3A_54, %swap3A_55] : memref<2x64xf32, #tpu.memory_space<vmem>>, vector<2x64xf32>
    tpu.vector_store %arg6[%swap3A_54, %swap3A_55], %add3A_53 {strides = array<i32>} : memref<2x64xf32, #tpu.memory_space<vmem>>, vector<2x64xf32>,
    return
  }
  func.func @transform_0(%arg0: i32) -> (i32, i32, i32) {
    %c0_i32 = arith.constant 0 : i32
    %c0_i32_0 = arith.constant 0 : i32
    %c0_i32_1 = arith.constant 0 : i32
    return %arg0, %c0_i32, %c0_i32_0 : i32, i32, i32
  }
  func.func @transform_1(%arg0: i32) -> (i32, i32) {
    %c0_i32 = arith.constant 0 : i32
    %c0_i32_0 = arith.constant 0 : i32
    %c0_i32_1 = arith.constant 0 : i32
    return %c0_i32, %c0_i32_0 : i32, i32
  }
  func.func @transform_2(%arg0: i32) -> (i32, i32) {
    %c0_i32 = arith.constant 0 : i32
    %c0_i32_0 = arith.constant 0 : i32
    %c0_i32_1 = arith.constant 0 : i32
    return %c0_i32, %c0_i32_0 : i32, i32
  }
  func.func @transform_3(%arg0: i32) -> (i32, i32) {
    %c0_i32 = arith.constant 0 : i32
    %c0_i32_0 = arith.constant 0 : i32
    %c0_i32_1 = arith.constant 0 : i32
    return %c0_i32, %c0_i32_0 : i32, i32
  }
  func.func @transform_4(%arg0: i32) -> (i32, i32, i32) {
    %c0_i32 = arith.constant 0 : i32
    %c0_i32_0 = arith.constant 0 : i32
    %c0_i32_1 = arith.constant 0 : i32
    return %arg0, %c0_i32, %c0_i32_0 : i32, i32, i32
  }
  func.func @transform_5(%arg0: i32) -> (i32, i32) {
    %c0_i32 = arith.constant 0 : i32
    %c0_i32_0 = arith.constant 0 : i32
    %c0_i32_1 = arith.constant 0 : i32
    return %c0_i32, %c0_i32_0 : i32, i32
  }
}

module attributes {stable_mosaic.version = 14 : i64} {
  func.func @_last_body(%arg0: i32, %arg1: memref<64x64x64xf32, #tpu.memory_space<vmem>>, %arg2: memref<2x64xf32, #tpu.memory_space<vmem>>, %arg3: memref<2x64xf32, #tpu.memory_space<vmem>>, %arg4: memref<64x128xf32, #tpu.memory_space<vmem>>, %arg5: memref<64x128xf32, #tpu.memory_space<vmem>>, %arg6: memref<2x128xf32, #tpu.memory_space<vmem>>) attributes {dimension_semantics = [#tpu.dimension_semantics<arbitrary>], iteration_bounds = array<i64: 64>, scalar_prefetch = 0 : i64, scratch_operands = 0 : i64, tpu.core_type = #tpu.core_type<tc>, window_params = [{transform_indices = @transform_0, window_bounds = array<i64: 64, 64, 64>}, {pipeline_mode = #tpu.pipeline_mode<synchronous>, transform_indices = @transform_1, window_bounds = array<i64: 2, 64>}, {pipeline_mode = #tpu.pipeline_mode<synchronous>, transform_indices = @transform_2, window_bounds = array<i64: 2, 64>}, {pipeline_mode = #tpu.pipeline_mode<synchronous>, transform_indices = @transform_3, window_bounds = array<i64: 64, 128>}, {transform_indices = @transform_4, window_bounds = array<i64: 64, 128>}, {pipeline_mode = #tpu.pipeline_mode<synchronous>, transform_indices = @transform_5, window_bounds = array<i64: 2, 128>}]} {
    %get3A = arith.constant 0 : index
    %get3A_0 = arith.constant 0 : index
    %get3A_1 = arith.constant 0 : index
    %get3A_2 = vector.load %arg1[%get3A, %get3A_0, %get3A_1] : memref<64x64x64xf32, #tpu.memory_space<vmem>>, vector<64x64x64xf32>
    %get3A_3 = arith.constant 0 : index
    %get3A_4 = arith.constant 0 : index
    %get3A_5 = vector.load %arg3[%get3A_3, %get3A_4] : memref<2x64xf32, #tpu.memory_space<vmem>>, vector<2x64xf32>
    %get3A_6 = arith.constant 0 : index
    %get3A_7 = arith.constant 0 : index
    %get3A_8 = vector.load %arg2[%get3A_6, %get3A_7] : memref<2x64xf32, #tpu.memory_space<vmem>>, vector<2x64xf32>
    %slice3A = vector.extract_strided_slice %get3A_5 {offsets = [0, 0], sizes = [1, 64], strides = [1, 1]} : vector<2x64xf32> to vector<1x64xf32>
    %squeeze3A = vector.shape_cast %slice3A : vector<1x64xf32> to vector<64xf32>
    %slice3A_9 = vector.extract_strided_slice %get3A_5 {offsets = [1, 0], sizes = [1, 64], strides = [1, 1]} : vector<2x64xf32> to vector<1x64xf32>
    %squeeze3A_10 = vector.shape_cast %slice3A_9 : vector<1x64xf32> to vector<64xf32>
    %slice3A_11 = vector.extract_strided_slice %get3A_8 {offsets = [0, 0], sizes = [1, 64], strides = [1, 1]} : vector<2x64xf32> to vector<1x64xf32>
    %div3A = arith.constant 2.621440e+05 : f32
    %div3A_12 = vector.broadcast %div3A : f32 to vector<1x64xf32>
    %div3A_13 = arith.divf %slice3A_11, %div3A_12 : vector<1x64xf32>
    %slice3A_14 = vector.extract_strided_slice %get3A_8 {offsets = [1, 0], sizes = [1, 64], strides = [1, 1]} : vector<2x64xf32> to vector<1x64xf32>
    %div3A_15 = arith.constant 2.621440e+05 : f32
    %div3A_16 = vector.broadcast %div3A_15 : f32 to vector<1x64xf32>
    %div3A_17 = arith.divf %slice3A_14, %div3A_16 : vector<1x64xf32>
    %mul3A = arith.mulf %div3A_13, %div3A_13 : vector<1x64xf32>
    %sub3A = arith.subf %div3A_17, %mul3A : vector<1x64xf32>
    %add3A = arith.constant 9.99999974E-6 : f32
    %add3A_18 = vector.broadcast %add3A : f32 to vector<1x64xf32>
    %add3A_19 = arith.addf %sub3A, %add3A_18 : vector<1x64xf32>
    %rsqrt3A = math.rsqrt %add3A_19 : vector<1x64xf32>
    %broadcast_in_dim3A = vector.shape_cast %squeeze3A : vector<64xf32> to vector<1x64xf32>
    %mul3A_20 = arith.mulf %rsqrt3A, %broadcast_in_dim3A : vector<1x64xf32>
    %broadcast_in_dim3A_21 = vector.shape_cast %mul3A_20 : vector<1x64xf32> to vector<1x1x64xf32>
    %mul3A_22 = vector.broadcast %broadcast_in_dim3A_21 : vector<1x1x64xf32> to vector<64x64x64xf32>
    %mul3A_23 = arith.mulf %get3A_2, %mul3A_22 : vector<64x64x64xf32>
    %squeeze3A_24 = vector.shape_cast %div3A_13 : vector<1x64xf32> to vector<64xf32>
    %squeeze3A_25 = vector.shape_cast %rsqrt3A : vector<1x64xf32> to vector<64xf32>
    %mul3A_26 = arith.mulf %squeeze3A_24, %squeeze3A_25 : vector<64xf32>
    %mul3A_27 = arith.mulf %mul3A_26, %squeeze3A : vector<64xf32>
    %sub3A_28 = arith.subf %squeeze3A_10, %mul3A_27 : vector<64xf32>
    %broadcast_in_dim3A_29 = vector.shape_cast %sub3A_28 : vector<64xf32> to vector<1x1x64xf32>
    %add3A_30 = vector.broadcast %broadcast_in_dim3A_29 : vector<1x1x64xf32> to vector<64x64x64xf32>
    %add3A_31 = arith.addf %mul3A_23, %add3A_30 : vector<64x64x64xf32>
    %max3A = arith.constant 0.000000e+00 : f32
    %max3A_32 = vector.broadcast %max3A : f32 to vector<64x64x64xf32>
    %max3A_33 = arith.maximumf %add3A_31, %max3A_32 : vector<64x64x64xf32>
    %reshape3A = vector.shape_cast %max3A_33 : vector<64x64x64xf32> to vector<4096x64xf32>
    %get3A_34 = arith.constant 0 : index
    %get3A_35 = arith.constant 0 : index
    %get3A_36 = vector.load %arg4[%get3A_34, %get3A_35] : memref<64x128xf32, #tpu.memory_space<vmem>>, vector<64x128xf32>
    %dot_general3A = arith.constant dense<0.000000e+00> : vector<4096x128xf32>
    %dot_general3A_37 = tpu.matmul %reshape3A, %get3A_36, %dot_general3A {dimension_numbers = #tpu.dot_dimension_numbers<[1], [0], [0], [1], [0, 0, 1, 1], [], []>, transpose_lhs_hint = false} : vector<4096x64xf32>, vector<64x128xf32>, vector<4096x128xf32> -> vector<4096x128xf32>
    %eq3A = arith.constant 0 : i32
    %eq3A_38 = arith.cmpi eq, %arg0, %eq3A : i32
    %convert_element_type3A = arith.extui %eq3A_38 : i1 to i32
    %cond3A = arith.constant 0 : i32
    %cond3A_39 = arith.cmpi ne, %convert_element_type3A, %cond3A : i32
    scf.if %cond3A_39 {
      %broadcast_in_dim3A_57 = arith.constant 0.000000e+00 : f32
      %broadcast_in_dim3A_58 = vector.broadcast %broadcast_in_dim3A_57 : f32 to vector<2x128xf32>
      %swap3A_59 = arith.constant 0 : index
      %swap3A_60 = arith.constant 0 : index
      %swap3A_61 = vector.load %arg6[%swap3A_59, %swap3A_60] : memref<2x128xf32, #tpu.memory_space<vmem>>, vector<2x128xf32>
      tpu.vector_store %arg6[%swap3A_59, %swap3A_60], %broadcast_in_dim3A_58 {strides = array<i32>} : memref<2x128xf32, #tpu.memory_space<vmem>>, vector<2x128xf32>,
    } else {
    }
    %get3A_40 = arith.constant 0 : index
    %get3A_41 = arith.constant 0 : index
    %get3A_42 = vector.load %arg6[%get3A_40, %get3A_41] : memref<2x128xf32, #tpu.memory_space<vmem>>, vector<2x128xf32>
    %reduce_sum3A = arith.constant dense<0.000000e+00> : vector<128xf32>
    %reduce_sum3A_43 = vector.multi_reduction <add>, %dot_general3A_37, %reduce_sum3A [0] : vector<4096x128xf32> to vector<128xf32>
    %broadcast_in_dim3A_44 = vector.shape_cast %reduce_sum3A_43 : vector<128xf32> to vector<1x128xf32>
    %mul3A_45 = arith.mulf %dot_general3A_37, %dot_general3A_37 : vector<4096x128xf32>
    %reduce_sum3A_46 = arith.constant dense<0.000000e+00> : vector<128xf32>
    %reduce_sum3A_47 = vector.multi_reduction <add>, %mul3A_45, %reduce_sum3A_46 [0] : vector<4096x128xf32> to vector<128xf32>
    %broadcast_in_dim3A_48 = vector.shape_cast %reduce_sum3A_47 : vector<128xf32> to vector<1x128xf32>
    %concatenate3A = tpu.concatenate %broadcast_in_dim3A_44, %broadcast_in_dim3A_48 in 0 : vector<1x128xf32>, vector<1x128xf32> -> vector<2x128xf32>
    %add3A_49 = arith.addf %get3A_42, %concatenate3A : vector<2x128xf32>
    %swap3A = arith.constant 0 : index
    %swap3A_50 = arith.constant 0 : index
    %swap3A_51 = vector.load %arg6[%swap3A, %swap3A_50] : memref<2x128xf32, #tpu.memory_space<vmem>>, vector<2x128xf32>
    tpu.vector_store %arg6[%swap3A, %swap3A_50], %add3A_49 {strides = array<i32>} : memref<2x128xf32, #tpu.memory_space<vmem>>, vector<2x128xf32>,
    %reshape3A_52 = vector.shape_cast %dot_general3A_37 : vector<4096x128xf32> to vector<64x64x128xf32>
    %reduce_max3A = arith.constant dense<0xFF800000> : vector<64x128xf32>
    %reduce_max3A_53 = vector.multi_reduction <maximumf>, %reshape3A_52, %reduce_max3A [1] : vector<64x64x128xf32> to vector<64x128xf32>
    %swap3A_54 = arith.constant 0 : index
    %swap3A_55 = arith.constant 0 : index
    %swap3A_56 = vector.load %arg5[%swap3A_54, %swap3A_55] : memref<64x128xf32, #tpu.memory_space<vmem>>, vector<64x128xf32>
    tpu.vector_store %arg5[%swap3A_54, %swap3A_55], %reduce_max3A_53 {strides = array<i32>} : memref<64x128xf32, #tpu.memory_space<vmem>>, vector<64x128xf32>,
    return
  }
  func.func @transform_0(%arg0: i32) -> (i32, i32, i32) {
    %c0_i32 = arith.constant 0 : i32
    %c0_i32_0 = arith.constant 0 : i32
    %c0_i32_1 = arith.constant 0 : i32
    return %arg0, %c0_i32, %c0_i32_0 : i32, i32, i32
  }
  func.func @transform_1(%arg0: i32) -> (i32, i32) {
    %c0_i32 = arith.constant 0 : i32
    %c0_i32_0 = arith.constant 0 : i32
    %c0_i32_1 = arith.constant 0 : i32
    return %c0_i32, %c0_i32_0 : i32, i32
  }
  func.func @transform_2(%arg0: i32) -> (i32, i32) {
    %c0_i32 = arith.constant 0 : i32
    %c0_i32_0 = arith.constant 0 : i32
    %c0_i32_1 = arith.constant 0 : i32
    return %c0_i32, %c0_i32_0 : i32, i32
  }
  func.func @transform_3(%arg0: i32) -> (i32, i32) {
    %c0_i32 = arith.constant 0 : i32
    %c0_i32_0 = arith.constant 0 : i32
    %c0_i32_1 = arith.constant 0 : i32
    return %c0_i32, %c0_i32_0 : i32, i32
  }
  func.func @transform_4(%arg0: i32) -> (i32, i32) {
    %c0_i32 = arith.constant 0 : i32
    %c0_i32_0 = arith.constant 0 : i32
    return %arg0, %c0_i32 : i32, i32
  }
  func.func @transform_5(%arg0: i32) -> (i32, i32) {
    %c0_i32 = arith.constant 0 : i32
    %c0_i32_0 = arith.constant 0 : i32
    %c0_i32_1 = arith.constant 0 : i32
    return %c0_i32, %c0_i32_0 : i32, i32
  }
}

module attributes {stable_mosaic.version = 14 : i64} {
  func.func @_final_body(%arg0: memref<4096x128xf32, #tpu.memory_space<vmem>>, %arg1: memref<2x128xf32, #tpu.memory_space<vmem>>, %arg2: memref<2x128xf32, #tpu.memory_space<vmem>>, %arg3: memref<4096x128xf32, #tpu.memory_space<vmem>>) attributes {dimension_semantics = [], scalar_prefetch = 0 : i64, scratch_operands = 0 : i64, tpu.core_type = #tpu.core_type<tc>} {
    %get3A = arith.constant 0 : index
    %get3A_0 = arith.constant 0 : index
    %get3A_1 = vector.load %arg2[%get3A, %get3A_0] : memref<2x128xf32, #tpu.memory_space<vmem>>, vector<2x128xf32>
    %get3A_2 = arith.constant 0 : index
    %get3A_3 = arith.constant 0 : index
    %get3A_4 = vector.load %arg1[%get3A_2, %get3A_3] : memref<2x128xf32, #tpu.memory_space<vmem>>, vector<2x128xf32>
    %slice3A = vector.extract_strided_slice %get3A_4 {offsets = [0, 0], sizes = [1, 128], strides = [1, 1]} : vector<2x128xf32> to vector<1x128xf32>
    %div3A = arith.constant 2.621440e+05 : f32
    %div3A_5 = vector.broadcast %div3A : f32 to vector<1x128xf32>
    %div3A_6 = arith.divf %slice3A, %div3A_5 : vector<1x128xf32>
    %slice3A_7 = vector.extract_strided_slice %get3A_4 {offsets = [1, 0], sizes = [1, 128], strides = [1, 1]} : vector<2x128xf32> to vector<1x128xf32>
    %div3A_8 = arith.constant 2.621440e+05 : f32
    %div3A_9 = vector.broadcast %div3A_8 : f32 to vector<1x128xf32>
    %div3A_10 = arith.divf %slice3A_7, %div3A_9 : vector<1x128xf32>
    %mul3A = arith.mulf %div3A_6, %div3A_6 : vector<1x128xf32>
    %sub3A = arith.subf %div3A_10, %mul3A : vector<1x128xf32>
    %add3A = arith.constant 9.99999974E-6 : f32
    %add3A_11 = vector.broadcast %add3A : f32 to vector<1x128xf32>
    %add3A_12 = arith.addf %sub3A, %add3A_11 : vector<1x128xf32>
    %rsqrt3A = math.rsqrt %add3A_12 : vector<1x128xf32>
    %get3A_13 = arith.constant 0 : index
    %get3A_14 = arith.constant 0 : index
    %get3A_15 = vector.load %arg0[%get3A_13, %get3A_14] : memref<4096x128xf32, #tpu.memory_space<vmem>>, vector<4096x128xf32>
    %sub3A_16 = vector.broadcast %div3A_6 : vector<1x128xf32> to vector<4096x128xf32>
    %sub3A_17 = arith.subf %get3A_15, %sub3A_16 : vector<4096x128xf32>
    %slice3A_18 = vector.extract_strided_slice %get3A_1 {offsets = [0, 0], sizes = [1, 128], strides = [1, 1]} : vector<2x128xf32> to vector<1x128xf32>
    %mul3A_19 = arith.mulf %rsqrt3A, %slice3A_18 : vector<1x128xf32>
    %mul3A_20 = vector.broadcast %mul3A_19 : vector<1x128xf32> to vector<4096x128xf32>
    %mul3A_21 = arith.mulf %sub3A_17, %mul3A_20 : vector<4096x128xf32>
    %slice3A_22 = vector.extract_strided_slice %get3A_1 {offsets = [1, 0], sizes = [1, 128], strides = [1, 1]} : vector<2x128xf32> to vector<1x128xf32>
    %add3A_23 = vector.broadcast %slice3A_22 : vector<1x128xf32> to vector<4096x128xf32>
    %add3A_24 = arith.addf %mul3A_21, %add3A_23 : vector<4096x128xf32>
    %max3A = arith.constant 0.000000e+00 : f32
    %max3A_25 = vector.broadcast %max3A : f32 to vector<4096x128xf32>
    %max3A_26 = arith.maximumf %add3A_24, %max3A_25 : vector<4096x128xf32>
    %swap3A = arith.constant 0 : index
    %swap3A_27 = arith.constant 0 : index
    %swap3A_28 = vector.load %arg3[%swap3A, %swap3A_27] : memref<4096x128xf32, #tpu.memory_space<vmem>>, vector<4096x128xf32>
    tpu.vector_store %arg3[%swap3A, %swap3A_27], %max3A_26 {strides = array<i32>} : memref<4096x128xf32, #tpu.memory_space<vmem>>, vector<4096x128xf32>,
    return
  }
}

module attributes {stable_mosaic.version = 14 : i64} {
  func.func @_first_body(%arg0: i32, %arg1: memref<32x64x256xf32, #tpu.memory_space<vmem>>, %arg2: memref<32x16xi32, #tpu.memory_space<vmem>>, %arg3: memref<32x256xf32, #tpu.memory_space<vmem>>, %arg4: memref<256x128xf32, #tpu.memory_space<vmem>>, %arg5: memref<32x64x128xf32, #tpu.memory_space<vmem>>, %arg6: memref<2x128xf32, #tpu.memory_space<vmem>>) attributes {dimension_semantics = [#tpu.dimension_semantics<arbitrary>], iteration_bounds = array<i64: 32>, scalar_prefetch = 0 : i64, scratch_operands = 0 : i64, tpu.core_type = #tpu.core_type<tc>, window_params = [{transform_indices = @transform_0, window_bounds = array<i64: 32, 64, 256>}, {transform_indices = @transform_1, window_bounds = array<i64: 32, 16>}, {transform_indices = @transform_2, window_bounds = array<i64: 32, 256>}, {pipeline_mode = #tpu.pipeline_mode<synchronous>, transform_indices = @transform_3, window_bounds = array<i64: 256, 128>}, {transform_indices = @transform_4, window_bounds = array<i64: 32, 64, 128>}, {pipeline_mode = #tpu.pipeline_mode<synchronous>, transform_indices = @transform_5, window_bounds = array<i64: 2, 128>}]} {
    %get3A = arith.constant 0 : index
    %get3A_0 = arith.constant 0 : index
    %get3A_1 = arith.constant 0 : index
    %get3A_2 = vector.load %arg1[%get3A, %get3A_0, %get3A_1] : memref<32x64x256xf32, #tpu.memory_space<vmem>>, vector<32x64x256xf32>
    %iota3A = tpu.iota {dimensions = array<i32: 1>} : vector<32x64x256xi32>
    %get3A_3 = arith.constant 0 : index
    %get3A_4 = arith.constant 0 : index
    %get3A_5 = vector.load %arg2[%get3A_3, %get3A_4] : memref<32x16xi32, #tpu.memory_space<vmem>>, vector<32x16xi32>
    %slice3A = vector.extract_strided_slice %get3A_5 {offsets = [0, 0], sizes = [32, 1], strides = [1, 1]} : vector<32x16xi32> to vector<32x1xi32>
    %broadcast_in_dim3A = vector.shape_cast %slice3A : vector<32x1xi32> to vector<32x1x1xi32>
    %lt3A = vector.broadcast %broadcast_in_dim3A : vector<32x1x1xi32> to vector<32x64x256xi32>
    %lt3A_6 = arith.cmpi slt, %iota3A, %lt3A : vector<32x64x256xi32>
    %slice3A_7 = vector.extract_strided_slice %get3A_2 {offsets = [0, 0, 0], sizes = [32, 1, 256], strides = [1, 1, 1]} : vector<32x64x256xf32> to vector<32x1x256xf32>
    %broadcast_in_dim3A_8 = vector.shape_cast %slice3A_7 : vector<32x1x256xf32> to vector<32x1x256xf32>
    %broadcast_in_dim3A_9 = vector.broadcast %broadcast_in_dim3A_8 : vector<32x1x256xf32> to vector<32x64x256xf32>
    %select_n3A = arith.select %lt3A_6, %get3A_2, %broadcast_in_dim3A_9 : vector<32x64x256xi1>, vector<32x64x256xf32>
    %get3A_10 = arith.constant 0 : index
    %get3A_11 = arith.constant 0 : index
    %get3A_12 = vector.load %arg3[%get3A_10, %get3A_11] : memref<32x256xf32, #tpu.memory_space<vmem>>, vector<32x256xf32>
    %broadcast_in_dim3A_13 = vector.shape_cast %get3A_12 : vector<32x256xf32> to vector<32x1x256xf32>
    %sub3A = vector.broadcast %broadcast_in_dim3A_13 : vector<32x1x256xf32> to vector<32x64x256xf32>
    %sub3A_14 = arith.subf %select_n3A, %sub3A : vector<32x64x256xf32>
    %reshape3A = vector.shape_cast %sub3A_14 : vector<32x64x256xf32> to vector<2048x256xf32>
    %get3A_15 = arith.constant 0 : index
    %get3A_16 = arith.constant 0 : index
    %get3A_17 = vector.load %arg4[%get3A_15, %get3A_16] : memref<256x128xf32, #tpu.memory_space<vmem>>, vector<256x128xf32>
    %dot_general3A = arith.constant dense<0.000000e+00> : vector<2048x128xf32>
    %dot_general3A_18 = tpu.matmul %reshape3A, %get3A_17, %dot_general3A {dimension_numbers = #tpu.dot_dimension_numbers<[1], [0], [0], [1], [0, 0, 1, 1], [], []>, transpose_lhs_hint = false} : vector<2048x256xf32>, vector<256x128xf32>, vector<2048x128xf32> -> vector<2048x128xf32>
    %reshape3A_19 = vector.shape_cast %dot_general3A_18 : vector<2048x128xf32> to vector<32x64x128xf32>
    %swap3A = arith.constant 0 : index
    %swap3A_20 = arith.constant 0 : index
    %swap3A_21 = arith.constant 0 : index
    %swap3A_22 = vector.load %arg5[%swap3A, %swap3A_20, %swap3A_21] : memref<32x64x128xf32, #tpu.memory_space<vmem>>, vector<32x64x128xf32>
    tpu.vector_store %arg5[%swap3A, %swap3A_20, %swap3A_21], %reshape3A_19 {strides = array<i32>} : memref<32x64x128xf32, #tpu.memory_space<vmem>>, vector<32x64x128xf32>,
    %eq3A = arith.constant 0 : i32
    %eq3A_23 = arith.cmpi eq, %arg0, %eq3A : i32
    %convert_element_type3A = arith.extui %eq3A_23 : i1 to i32
    %cond3A = arith.constant 0 : i32
    %cond3A_24 = arith.cmpi ne, %convert_element_type3A, %cond3A : i32
    scf.if %cond3A_24 {
      %broadcast_in_dim3A_36 = arith.constant 0.000000e+00 : f32
      %broadcast_in_dim3A_37 = vector.broadcast %broadcast_in_dim3A_36 : f32 to vector<2x128xf32>
      %swap3A_38 = arith.constant 0 : index
      %swap3A_39 = arith.constant 0 : index
      %swap3A_40 = vector.load %arg6[%swap3A_38, %swap3A_39] : memref<2x128xf32, #tpu.memory_space<vmem>>, vector<2x128xf32>
      tpu.vector_store %arg6[%swap3A_38, %swap3A_39], %broadcast_in_dim3A_37 {strides = array<i32>} : memref<2x128xf32, #tpu.memory_space<vmem>>, vector<2x128xf32>,
    } else {
    }
    %get3A_25 = arith.constant 0 : index
    %get3A_26 = arith.constant 0 : index
    %get3A_27 = vector.load %arg6[%get3A_25, %get3A_26] : memref<2x128xf32, #tpu.memory_space<vmem>>, vector<2x128xf32>
    %reduce_sum3A = arith.constant dense<0.000000e+00> : vector<128xf32>
    %reduce_sum3A_28 = vector.multi_reduction <add>, %dot_general3A_18, %reduce_sum3A [0] : vector<2048x128xf32> to vector<128xf32>
    %broadcast_in_dim3A_29 = vector.shape_cast %reduce_sum3A_28 : vector<128xf32> to vector<1x128xf32>
    %mul3A = arith.mulf %dot_general3A_18, %dot_general3A_18 : vector<2048x128xf32>
    %reduce_sum3A_30 = arith.constant dense<0.000000e+00> : vector<128xf32>
    %reduce_sum3A_31 = vector.multi_reduction <add>, %mul3A, %reduce_sum3A_30 [0] : vector<2048x128xf32> to vector<128xf32>
    %broadcast_in_dim3A_32 = vector.shape_cast %reduce_sum3A_31 : vector<128xf32> to vector<1x128xf32>
    %concatenate3A = tpu.concatenate %broadcast_in_dim3A_29, %broadcast_in_dim3A_32 in 0 : vector<1x128xf32>, vector<1x128xf32> -> vector<2x128xf32>
    %add3A = arith.addf %get3A_27, %concatenate3A : vector<2x128xf32>
    %swap3A_33 = arith.constant 0 : index
    %swap3A_34 = arith.constant 0 : index
    %swap3A_35 = vector.load %arg6[%swap3A_33, %swap3A_34] : memref<2x128xf32, #tpu.memory_space<vmem>>, vector<2x128xf32>
    tpu.vector_store %arg6[%swap3A_33, %swap3A_34], %add3A {strides = array<i32>} : memref<2x128xf32, #tpu.memory_space<vmem>>, vector<2x128xf32>,
    return
  }
  func.func @transform_0(%arg0: i32) -> (i32, i32, i32) {
    %c0_i32 = arith.constant 0 : i32
    %c0_i32_0 = arith.constant 0 : i32
    %c0_i32_1 = arith.constant 0 : i32
    return %arg0, %c0_i32, %c0_i32_0 : i32, i32, i32
  }
  func.func @transform_1(%arg0: i32) -> (i32, i32) {
    %c0_i32 = arith.constant 0 : i32
    %c0_i32_0 = arith.constant 0 : i32
    return %arg0, %c0_i32 : i32, i32
  }
  func.func @transform_2(%arg0: i32) -> (i32, i32) {
    %c0_i32 = arith.constant 0 : i32
    %c0_i32_0 = arith.constant 0 : i32
    return %arg0, %c0_i32 : i32, i32
  }
  func.func @transform_3(%arg0: i32) -> (i32, i32) {
    %c0_i32 = arith.constant 0 : i32
    %c0_i32_0 = arith.constant 0 : i32
    %c0_i32_1 = arith.constant 0 : i32
    return %c0_i32, %c0_i32_0 : i32, i32
  }
  func.func @transform_4(%arg0: i32) -> (i32, i32, i32) {
    %c0_i32 = arith.constant 0 : i32
    %c0_i32_0 = arith.constant 0 : i32
    %c0_i32_1 = arith.constant 0 : i32
    return %arg0, %c0_i32, %c0_i32_0 : i32, i32, i32
  }
  func.func @transform_5(%arg0: i32) -> (i32, i32) {
    %c0_i32 = arith.constant 0 : i32
    %c0_i32_0 = arith.constant 0 : i32
    %c0_i32_1 = arith.constant 0 : i32
    return %c0_i32, %c0_i32_0 : i32, i32
  }
}

module attributes {stable_mosaic.version = 14 : i64} {
  func.func @_mid_body(%arg0: i32, %arg1: memref<32x64x128xf32, #tpu.memory_space<vmem>>, %arg2: memref<2x128xf32, #tpu.memory_space<vmem>>, %arg3: memref<2x128xf32, #tpu.memory_space<vmem>>, %arg4: memref<128x128xf32, #tpu.memory_space<vmem>>, %arg5: memref<32x64x128xf32, #tpu.memory_space<vmem>>, %arg6: memref<2x128xf32, #tpu.memory_space<vmem>>) attributes {dimension_semantics = [#tpu.dimension_semantics<arbitrary>], iteration_bounds = array<i64: 32>, scalar_prefetch = 0 : i64, scratch_operands = 0 : i64, tpu.core_type = #tpu.core_type<tc>, window_params = [{transform_indices = @transform_0, window_bounds = array<i64: 32, 64, 128>}, {pipeline_mode = #tpu.pipeline_mode<synchronous>, transform_indices = @transform_1, window_bounds = array<i64: 2, 128>}, {pipeline_mode = #tpu.pipeline_mode<synchronous>, transform_indices = @transform_2, window_bounds = array<i64: 2, 128>}, {pipeline_mode = #tpu.pipeline_mode<synchronous>, transform_indices = @transform_3, window_bounds = array<i64: 128, 128>}, {transform_indices = @transform_4, window_bounds = array<i64: 32, 64, 128>}, {pipeline_mode = #tpu.pipeline_mode<synchronous>, transform_indices = @transform_5, window_bounds = array<i64: 2, 128>}]} {
    %get3A = arith.constant 0 : index
    %get3A_0 = arith.constant 0 : index
    %get3A_1 = arith.constant 0 : index
    %get3A_2 = vector.load %arg1[%get3A, %get3A_0, %get3A_1] : memref<32x64x128xf32, #tpu.memory_space<vmem>>, vector<32x64x128xf32>
    %get3A_3 = arith.constant 0 : index
    %get3A_4 = arith.constant 0 : index
    %get3A_5 = vector.load %arg3[%get3A_3, %get3A_4] : memref<2x128xf32, #tpu.memory_space<vmem>>, vector<2x128xf32>
    %get3A_6 = arith.constant 0 : index
    %get3A_7 = arith.constant 0 : index
    %get3A_8 = vector.load %arg2[%get3A_6, %get3A_7] : memref<2x128xf32, #tpu.memory_space<vmem>>, vector<2x128xf32>
    %slice3A = vector.extract_strided_slice %get3A_5 {offsets = [0, 0], sizes = [1, 128], strides = [1, 1]} : vector<2x128xf32> to vector<1x128xf32>
    %squeeze3A = vector.shape_cast %slice3A : vector<1x128xf32> to vector<128xf32>
    %slice3A_9 = vector.extract_strided_slice %get3A_5 {offsets = [1, 0], sizes = [1, 128], strides = [1, 1]} : vector<2x128xf32> to vector<1x128xf32>
    %squeeze3A_10 = vector.shape_cast %slice3A_9 : vector<1x128xf32> to vector<128xf32>
    %slice3A_11 = vector.extract_strided_slice %get3A_8 {offsets = [0, 0], sizes = [1, 128], strides = [1, 1]} : vector<2x128xf32> to vector<1x128xf32>
    %div3A = arith.constant 6.553600e+04 : f32
    %div3A_12 = vector.broadcast %div3A : f32 to vector<1x128xf32>
    %div3A_13 = arith.divf %slice3A_11, %div3A_12 : vector<1x128xf32>
    %slice3A_14 = vector.extract_strided_slice %get3A_8 {offsets = [1, 0], sizes = [1, 128], strides = [1, 1]} : vector<2x128xf32> to vector<1x128xf32>
    %div3A_15 = arith.constant 6.553600e+04 : f32
    %div3A_16 = vector.broadcast %div3A_15 : f32 to vector<1x128xf32>
    %div3A_17 = arith.divf %slice3A_14, %div3A_16 : vector<1x128xf32>
    %mul3A = arith.mulf %div3A_13, %div3A_13 : vector<1x128xf32>
    %sub3A = arith.subf %div3A_17, %mul3A : vector<1x128xf32>
    %add3A = arith.constant 9.99999974E-6 : f32
    %add3A_18 = vector.broadcast %add3A : f32 to vector<1x128xf32>
    %add3A_19 = arith.addf %sub3A, %add3A_18 : vector<1x128xf32>
    %rsqrt3A = math.rsqrt %add3A_19 : vector<1x128xf32>
    %broadcast_in_dim3A = vector.shape_cast %squeeze3A : vector<128xf32> to vector<1x128xf32>
    %mul3A_20 = arith.mulf %rsqrt3A, %broadcast_in_dim3A : vector<1x128xf32>
    %broadcast_in_dim3A_21 = vector.shape_cast %mul3A_20 : vector<1x128xf32> to vector<1x1x128xf32>
    %mul3A_22 = vector.broadcast %broadcast_in_dim3A_21 : vector<1x1x128xf32> to vector<32x64x128xf32>
    %mul3A_23 = arith.mulf %get3A_2, %mul3A_22 : vector<32x64x128xf32>
    %squeeze3A_24 = vector.shape_cast %div3A_13 : vector<1x128xf32> to vector<128xf32>
    %squeeze3A_25 = vector.shape_cast %rsqrt3A : vector<1x128xf32> to vector<128xf32>
    %mul3A_26 = arith.mulf %squeeze3A_24, %squeeze3A_25 : vector<128xf32>
    %mul3A_27 = arith.mulf %mul3A_26, %squeeze3A : vector<128xf32>
    %sub3A_28 = arith.subf %squeeze3A_10, %mul3A_27 : vector<128xf32>
    %broadcast_in_dim3A_29 = vector.shape_cast %sub3A_28 : vector<128xf32> to vector<1x1x128xf32>
    %add3A_30 = vector.broadcast %broadcast_in_dim3A_29 : vector<1x1x128xf32> to vector<32x64x128xf32>
    %add3A_31 = arith.addf %mul3A_23, %add3A_30 : vector<32x64x128xf32>
    %max3A = arith.constant 0.000000e+00 : f32
    %max3A_32 = vector.broadcast %max3A : f32 to vector<32x64x128xf32>
    %max3A_33 = arith.maximumf %add3A_31, %max3A_32 : vector<32x64x128xf32>
    %reshape3A = vector.shape_cast %max3A_33 : vector<32x64x128xf32> to vector<2048x128xf32>
    %get3A_34 = arith.constant 0 : index
    %get3A_35 = arith.constant 0 : index
    %get3A_36 = vector.load %arg4[%get3A_34, %get3A_35] : memref<128x128xf32, #tpu.memory_space<vmem>>, vector<128x128xf32>
    %dot_general3A = arith.constant dense<0.000000e+00> : vector<2048x128xf32>
    %dot_general3A_37 = tpu.matmul %reshape3A, %get3A_36, %dot_general3A {dimension_numbers = #tpu.dot_dimension_numbers<[1], [0], [0], [1], [0, 0, 1, 1], [], []>, transpose_lhs_hint = false} : vector<2048x128xf32>, vector<128x128xf32>, vector<2048x128xf32> -> vector<2048x128xf32>
    %reshape3A_38 = vector.shape_cast %dot_general3A_37 : vector<2048x128xf32> to vector<32x64x128xf32>
    %swap3A = arith.constant 0 : index
    %swap3A_39 = arith.constant 0 : index
    %swap3A_40 = arith.constant 0 : index
    %swap3A_41 = vector.load %arg5[%swap3A, %swap3A_39, %swap3A_40] : memref<32x64x128xf32, #tpu.memory_space<vmem>>, vector<32x64x128xf32>
    tpu.vector_store %arg5[%swap3A, %swap3A_39, %swap3A_40], %reshape3A_38 {strides = array<i32>} : memref<32x64x128xf32, #tpu.memory_space<vmem>>, vector<32x64x128xf32>,
    %eq3A = arith.constant 0 : i32
    %eq3A_42 = arith.cmpi eq, %arg0, %eq3A : i32
    %convert_element_type3A = arith.extui %eq3A_42 : i1 to i32
    %cond3A = arith.constant 0 : i32
    %cond3A_43 = arith.cmpi ne, %convert_element_type3A, %cond3A : i32
    scf.if %cond3A_43 {
      %broadcast_in_dim3A_57 = arith.constant 0.000000e+00 : f32
      %broadcast_in_dim3A_58 = vector.broadcast %broadcast_in_dim3A_57 : f32 to vector<2x128xf32>
      %swap3A_59 = arith.constant 0 : index
      %swap3A_60 = arith.constant 0 : index
      %swap3A_61 = vector.load %arg6[%swap3A_59, %swap3A_60] : memref<2x128xf32, #tpu.memory_space<vmem>>, vector<2x128xf32>
      tpu.vector_store %arg6[%swap3A_59, %swap3A_60], %broadcast_in_dim3A_58 {strides = array<i32>} : memref<2x128xf32, #tpu.memory_space<vmem>>, vector<2x128xf32>,
    } else {
    }
    %get3A_44 = arith.constant 0 : index
    %get3A_45 = arith.constant 0 : index
    %get3A_46 = vector.load %arg6[%get3A_44, %get3A_45] : memref<2x128xf32, #tpu.memory_space<vmem>>, vector<2x128xf32>
    %reduce_sum3A = arith.constant dense<0.000000e+00> : vector<128xf32>
    %reduce_sum3A_47 = vector.multi_reduction <add>, %dot_general3A_37, %reduce_sum3A [0] : vector<2048x128xf32> to vector<128xf32>
    %broadcast_in_dim3A_48 = vector.shape_cast %reduce_sum3A_47 : vector<128xf32> to vector<1x128xf32>
    %mul3A_49 = arith.mulf %dot_general3A_37, %dot_general3A_37 : vector<2048x128xf32>
    %reduce_sum3A_50 = arith.constant dense<0.000000e+00> : vector<128xf32>
    %reduce_sum3A_51 = vector.multi_reduction <add>, %mul3A_49, %reduce_sum3A_50 [0] : vector<2048x128xf32> to vector<128xf32>
    %broadcast_in_dim3A_52 = vector.shape_cast %reduce_sum3A_51 : vector<128xf32> to vector<1x128xf32>
    %concatenate3A = tpu.concatenate %broadcast_in_dim3A_48, %broadcast_in_dim3A_52 in 0 : vector<1x128xf32>, vector<1x128xf32> -> vector<2x128xf32>
    %add3A_53 = arith.addf %get3A_46, %concatenate3A : vector<2x128xf32>
    %swap3A_54 = arith.constant 0 : index
    %swap3A_55 = arith.constant 0 : index
    %swap3A_56 = vector.load %arg6[%swap3A_54, %swap3A_55] : memref<2x128xf32, #tpu.memory_space<vmem>>, vector<2x128xf32>
    tpu.vector_store %arg6[%swap3A_54, %swap3A_55], %add3A_53 {strides = array<i32>} : memref<2x128xf32, #tpu.memory_space<vmem>>, vector<2x128xf32>,
    return
  }
  func.func @transform_0(%arg0: i32) -> (i32, i32, i32) {
    %c0_i32 = arith.constant 0 : i32
    %c0_i32_0 = arith.constant 0 : i32
    %c0_i32_1 = arith.constant 0 : i32
    return %arg0, %c0_i32, %c0_i32_0 : i32, i32, i32
  }
  func.func @transform_1(%arg0: i32) -> (i32, i32) {
    %c0_i32 = arith.constant 0 : i32
    %c0_i32_0 = arith.constant 0 : i32
    %c0_i32_1 = arith.constant 0 : i32
    return %c0_i32, %c0_i32_0 : i32, i32
  }
  func.func @transform_2(%arg0: i32) -> (i32, i32) {
    %c0_i32 = arith.constant 0 : i32
    %c0_i32_0 = arith.constant 0 : i32
    %c0_i32_1 = arith.constant 0 : i32
    return %c0_i32, %c0_i32_0 : i32, i32
  }
  func.func @transform_3(%arg0: i32) -> (i32, i32) {
    %c0_i32 = arith.constant 0 : i32
    %c0_i32_0 = arith.constant 0 : i32
    %c0_i32_1 = arith.constant 0 : i32
    return %c0_i32, %c0_i32_0 : i32, i32
  }
  func.func @transform_4(%arg0: i32) -> (i32, i32, i32) {
    %c0_i32 = arith.constant 0 : i32
    %c0_i32_0 = arith.constant 0 : i32
    %c0_i32_1 = arith.constant 0 : i32
    return %arg0, %c0_i32, %c0_i32_0 : i32, i32, i32
  }
  func.func @transform_5(%arg0: i32) -> (i32, i32) {
    %c0_i32 = arith.constant 0 : i32
    %c0_i32_0 = arith.constant 0 : i32
    %c0_i32_1 = arith.constant 0 : i32
    return %c0_i32, %c0_i32_0 : i32, i32
  }
}

module attributes {stable_mosaic.version = 14 : i64} {
  func.func @_last_body(%arg0: i32, %arg1: memref<32x64x128xf32, #tpu.memory_space<vmem>>, %arg2: memref<2x128xf32, #tpu.memory_space<vmem>>, %arg3: memref<2x128xf32, #tpu.memory_space<vmem>>, %arg4: memref<128x256xf32, #tpu.memory_space<vmem>>, %arg5: memref<32x256xf32, #tpu.memory_space<vmem>>, %arg6: memref<2x256xf32, #tpu.memory_space<vmem>>) attributes {dimension_semantics = [#tpu.dimension_semantics<arbitrary>], iteration_bounds = array<i64: 32>, scalar_prefetch = 0 : i64, scratch_operands = 0 : i64, tpu.core_type = #tpu.core_type<tc>, window_params = [{transform_indices = @transform_0, window_bounds = array<i64: 32, 64, 128>}, {pipeline_mode = #tpu.pipeline_mode<synchronous>, transform_indices = @transform_1, window_bounds = array<i64: 2, 128>}, {pipeline_mode = #tpu.pipeline_mode<synchronous>, transform_indices = @transform_2, window_bounds = array<i64: 2, 128>}, {pipeline_mode = #tpu.pipeline_mode<synchronous>, transform_indices = @transform_3, window_bounds = array<i64: 128, 256>}, {transform_indices = @transform_4, window_bounds = array<i64: 32, 256>}, {pipeline_mode = #tpu.pipeline_mode<synchronous>, transform_indices = @transform_5, window_bounds = array<i64: 2, 256>}]} {
    %get3A = arith.constant 0 : index
    %get3A_0 = arith.constant 0 : index
    %get3A_1 = arith.constant 0 : index
    %get3A_2 = vector.load %arg1[%get3A, %get3A_0, %get3A_1] : memref<32x64x128xf32, #tpu.memory_space<vmem>>, vector<32x64x128xf32>
    %get3A_3 = arith.constant 0 : index
    %get3A_4 = arith.constant 0 : index
    %get3A_5 = vector.load %arg3[%get3A_3, %get3A_4] : memref<2x128xf32, #tpu.memory_space<vmem>>, vector<2x128xf32>
    %get3A_6 = arith.constant 0 : index
    %get3A_7 = arith.constant 0 : index
    %get3A_8 = vector.load %arg2[%get3A_6, %get3A_7] : memref<2x128xf32, #tpu.memory_space<vmem>>, vector<2x128xf32>
    %slice3A = vector.extract_strided_slice %get3A_5 {offsets = [0, 0], sizes = [1, 128], strides = [1, 1]} : vector<2x128xf32> to vector<1x128xf32>
    %squeeze3A = vector.shape_cast %slice3A : vector<1x128xf32> to vector<128xf32>
    %slice3A_9 = vector.extract_strided_slice %get3A_5 {offsets = [1, 0], sizes = [1, 128], strides = [1, 1]} : vector<2x128xf32> to vector<1x128xf32>
    %squeeze3A_10 = vector.shape_cast %slice3A_9 : vector<1x128xf32> to vector<128xf32>
    %slice3A_11 = vector.extract_strided_slice %get3A_8 {offsets = [0, 0], sizes = [1, 128], strides = [1, 1]} : vector<2x128xf32> to vector<1x128xf32>
    %div3A = arith.constant 6.553600e+04 : f32
    %div3A_12 = vector.broadcast %div3A : f32 to vector<1x128xf32>
    %div3A_13 = arith.divf %slice3A_11, %div3A_12 : vector<1x128xf32>
    %slice3A_14 = vector.extract_strided_slice %get3A_8 {offsets = [1, 0], sizes = [1, 128], strides = [1, 1]} : vector<2x128xf32> to vector<1x128xf32>
    %div3A_15 = arith.constant 6.553600e+04 : f32
    %div3A_16 = vector.broadcast %div3A_15 : f32 to vector<1x128xf32>
    %div3A_17 = arith.divf %slice3A_14, %div3A_16 : vector<1x128xf32>
    %mul3A = arith.mulf %div3A_13, %div3A_13 : vector<1x128xf32>
    %sub3A = arith.subf %div3A_17, %mul3A : vector<1x128xf32>
    %add3A = arith.constant 9.99999974E-6 : f32
    %add3A_18 = vector.broadcast %add3A : f32 to vector<1x128xf32>
    %add3A_19 = arith.addf %sub3A, %add3A_18 : vector<1x128xf32>
    %rsqrt3A = math.rsqrt %add3A_19 : vector<1x128xf32>
    %broadcast_in_dim3A = vector.shape_cast %squeeze3A : vector<128xf32> to vector<1x128xf32>
    %mul3A_20 = arith.mulf %rsqrt3A, %broadcast_in_dim3A : vector<1x128xf32>
    %broadcast_in_dim3A_21 = vector.shape_cast %mul3A_20 : vector<1x128xf32> to vector<1x1x128xf32>
    %mul3A_22 = vector.broadcast %broadcast_in_dim3A_21 : vector<1x1x128xf32> to vector<32x64x128xf32>
    %mul3A_23 = arith.mulf %get3A_2, %mul3A_22 : vector<32x64x128xf32>
    %squeeze3A_24 = vector.shape_cast %div3A_13 : vector<1x128xf32> to vector<128xf32>
    %squeeze3A_25 = vector.shape_cast %rsqrt3A : vector<1x128xf32> to vector<128xf32>
    %mul3A_26 = arith.mulf %squeeze3A_24, %squeeze3A_25 : vector<128xf32>
    %mul3A_27 = arith.mulf %mul3A_26, %squeeze3A : vector<128xf32>
    %sub3A_28 = arith.subf %squeeze3A_10, %mul3A_27 : vector<128xf32>
    %broadcast_in_dim3A_29 = vector.shape_cast %sub3A_28 : vector<128xf32> to vector<1x1x128xf32>
    %add3A_30 = vector.broadcast %broadcast_in_dim3A_29 : vector<1x1x128xf32> to vector<32x64x128xf32>
    %add3A_31 = arith.addf %mul3A_23, %add3A_30 : vector<32x64x128xf32>
    %max3A = arith.constant 0.000000e+00 : f32
    %max3A_32 = vector.broadcast %max3A : f32 to vector<32x64x128xf32>
    %max3A_33 = arith.maximumf %add3A_31, %max3A_32 : vector<32x64x128xf32>
    %reshape3A = vector.shape_cast %max3A_33 : vector<32x64x128xf32> to vector<2048x128xf32>
    %get3A_34 = arith.constant 0 : index
    %get3A_35 = arith.constant 0 : index
    %get3A_36 = vector.load %arg4[%get3A_34, %get3A_35] : memref<128x256xf32, #tpu.memory_space<vmem>>, vector<128x256xf32>
    %dot_general3A = arith.constant dense<0.000000e+00> : vector<2048x256xf32>
    %dot_general3A_37 = tpu.matmul %reshape3A, %get3A_36, %dot_general3A {dimension_numbers = #tpu.dot_dimension_numbers<[1], [0], [0], [1], [0, 0, 1, 1], [], []>, transpose_lhs_hint = false} : vector<2048x128xf32>, vector<128x256xf32>, vector<2048x256xf32> -> vector<2048x256xf32>
    %eq3A = arith.constant 0 : i32
    %eq3A_38 = arith.cmpi eq, %arg0, %eq3A : i32
    %convert_element_type3A = arith.extui %eq3A_38 : i1 to i32
    %cond3A = arith.constant 0 : i32
    %cond3A_39 = arith.cmpi ne, %convert_element_type3A, %cond3A : i32
    scf.if %cond3A_39 {
      %broadcast_in_dim3A_57 = arith.constant 0.000000e+00 : f32
      %broadcast_in_dim3A_58 = vector.broadcast %broadcast_in_dim3A_57 : f32 to vector<2x256xf32>
      %swap3A_59 = arith.constant 0 : index
      %swap3A_60 = arith.constant 0 : index
      %swap3A_61 = vector.load %arg6[%swap3A_59, %swap3A_60] : memref<2x256xf32, #tpu.memory_space<vmem>>, vector<2x256xf32>
      tpu.vector_store %arg6[%swap3A_59, %swap3A_60], %broadcast_in_dim3A_58 {strides = array<i32>} : memref<2x256xf32, #tpu.memory_space<vmem>>, vector<2x256xf32>,
    } else {
    }
    %get3A_40 = arith.constant 0 : index
    %get3A_41 = arith.constant 0 : index
    %get3A_42 = vector.load %arg6[%get3A_40, %get3A_41] : memref<2x256xf32, #tpu.memory_space<vmem>>, vector<2x256xf32>
    %reduce_sum3A = arith.constant dense<0.000000e+00> : vector<256xf32>
    %reduce_sum3A_43 = vector.multi_reduction <add>, %dot_general3A_37, %reduce_sum3A [0] : vector<2048x256xf32> to vector<256xf32>
    %broadcast_in_dim3A_44 = vector.shape_cast %reduce_sum3A_43 : vector<256xf32> to vector<1x256xf32>
    %mul3A_45 = arith.mulf %dot_general3A_37, %dot_general3A_37 : vector<2048x256xf32>
    %reduce_sum3A_46 = arith.constant dense<0.000000e+00> : vector<256xf32>
    %reduce_sum3A_47 = vector.multi_reduction <add>, %mul3A_45, %reduce_sum3A_46 [0] : vector<2048x256xf32> to vector<256xf32>
    %broadcast_in_dim3A_48 = vector.shape_cast %reduce_sum3A_47 : vector<256xf32> to vector<1x256xf32>
    %concatenate3A = tpu.concatenate %broadcast_in_dim3A_44, %broadcast_in_dim3A_48 in 0 : vector<1x256xf32>, vector<1x256xf32> -> vector<2x256xf32>
    %add3A_49 = arith.addf %get3A_42, %concatenate3A : vector<2x256xf32>
    %swap3A = arith.constant 0 : index
    %swap3A_50 = arith.constant 0 : index
    %swap3A_51 = vector.load %arg6[%swap3A, %swap3A_50] : memref<2x256xf32, #tpu.memory_space<vmem>>, vector<2x256xf32>
    tpu.vector_store %arg6[%swap3A, %swap3A_50], %add3A_49 {strides = array<i32>} : memref<2x256xf32, #tpu.memory_space<vmem>>, vector<2x256xf32>,
    %reshape3A_52 = vector.shape_cast %dot_general3A_37 : vector<2048x256xf32> to vector<32x64x256xf32>
    %reduce_max3A = arith.constant dense<0xFF800000> : vector<32x256xf32>
    %reduce_max3A_53 = vector.multi_reduction <maximumf>, %reshape3A_52, %reduce_max3A [1] : vector<32x64x256xf32> to vector<32x256xf32>
    %swap3A_54 = arith.constant 0 : index
    %swap3A_55 = arith.constant 0 : index
    %swap3A_56 = vector.load %arg5[%swap3A_54, %swap3A_55] : memref<32x256xf32, #tpu.memory_space<vmem>>, vector<32x256xf32>
    tpu.vector_store %arg5[%swap3A_54, %swap3A_55], %reduce_max3A_53 {strides = array<i32>} : memref<32x256xf32, #tpu.memory_space<vmem>>, vector<32x256xf32>,
    return
  }
  func.func @transform_0(%arg0: i32) -> (i32, i32, i32) {
    %c0_i32 = arith.constant 0 : i32
    %c0_i32_0 = arith.constant 0 : i32
    %c0_i32_1 = arith.constant 0 : i32
    return %arg0, %c0_i32, %c0_i32_0 : i32, i32, i32
  }
  func.func @transform_1(%arg0: i32) -> (i32, i32) {
    %c0_i32 = arith.constant 0 : i32
    %c0_i32_0 = arith.constant 0 : i32
    %c0_i32_1 = arith.constant 0 : i32
    return %c0_i32, %c0_i32_0 : i32, i32
  }
  func.func @transform_2(%arg0: i32) -> (i32, i32) {
    %c0_i32 = arith.constant 0 : i32
    %c0_i32_0 = arith.constant 0 : i32
    %c0_i32_1 = arith.constant 0 : i32
    return %c0_i32, %c0_i32_0 : i32, i32
  }
  func.func @transform_3(%arg0: i32) -> (i32, i32) {
    %c0_i32 = arith.constant 0 : i32
    %c0_i32_0 = arith.constant 0 : i32
    %c0_i32_1 = arith.constant 0 : i32
    return %c0_i32, %c0_i32_0 : i32, i32
  }
  func.func @transform_4(%arg0: i32) -> (i32, i32) {
    %c0_i32 = arith.constant 0 : i32
    %c0_i32_0 = arith.constant 0 : i32
    return %arg0, %c0_i32 : i32, i32
  }
  func.func @transform_5(%arg0: i32) -> (i32, i32) {
    %c0_i32 = arith.constant 0 : i32
    %c0_i32_0 = arith.constant 0 : i32
    %c0_i32_1 = arith.constant 0 : i32
    return %c0_i32, %c0_i32_0 : i32, i32
  }
}

module attributes {stable_mosaic.version = 14 : i64} {
  func.func @_final_body(%arg0: memref<1024x256xf32, #tpu.memory_space<vmem>>, %arg1: memref<2x256xf32, #tpu.memory_space<vmem>>, %arg2: memref<2x256xf32, #tpu.memory_space<vmem>>, %arg3: memref<1024x256xf32, #tpu.memory_space<vmem>>) attributes {dimension_semantics = [], scalar_prefetch = 0 : i64, scratch_operands = 0 : i64, tpu.core_type = #tpu.core_type<tc>} {
    %get3A = arith.constant 0 : index
    %get3A_0 = arith.constant 0 : index
    %get3A_1 = vector.load %arg2[%get3A, %get3A_0] : memref<2x256xf32, #tpu.memory_space<vmem>>, vector<2x256xf32>
    %get3A_2 = arith.constant 0 : index
    %get3A_3 = arith.constant 0 : index
    %get3A_4 = vector.load %arg1[%get3A_2, %get3A_3] : memref<2x256xf32, #tpu.memory_space<vmem>>, vector<2x256xf32>
    %slice3A = vector.extract_strided_slice %get3A_4 {offsets = [0, 0], sizes = [1, 256], strides = [1, 1]} : vector<2x256xf32> to vector<1x256xf32>
    %div3A = arith.constant 6.553600e+04 : f32
    %div3A_5 = vector.broadcast %div3A : f32 to vector<1x256xf32>
    %div3A_6 = arith.divf %slice3A, %div3A_5 : vector<1x256xf32>
    %slice3A_7 = vector.extract_strided_slice %get3A_4 {offsets = [1, 0], sizes = [1, 256], strides = [1, 1]} : vector<2x256xf32> to vector<1x256xf32>
    %div3A_8 = arith.constant 6.553600e+04 : f32
    %div3A_9 = vector.broadcast %div3A_8 : f32 to vector<1x256xf32>
    %div3A_10 = arith.divf %slice3A_7, %div3A_9 : vector<1x256xf32>
    %mul3A = arith.mulf %div3A_6, %div3A_6 : vector<1x256xf32>
    %sub3A = arith.subf %div3A_10, %mul3A : vector<1x256xf32>
    %add3A = arith.constant 9.99999974E-6 : f32
    %add3A_11 = vector.broadcast %add3A : f32 to vector<1x256xf32>
    %add3A_12 = arith.addf %sub3A, %add3A_11 : vector<1x256xf32>
    %rsqrt3A = math.rsqrt %add3A_12 : vector<1x256xf32>
    %get3A_13 = arith.constant 0 : index
    %get3A_14 = arith.constant 0 : index
    %get3A_15 = vector.load %arg0[%get3A_13, %get3A_14] : memref<1024x256xf32, #tpu.memory_space<vmem>>, vector<1024x256xf32>
    %sub3A_16 = vector.broadcast %div3A_6 : vector<1x256xf32> to vector<1024x256xf32>
    %sub3A_17 = arith.subf %get3A_15, %sub3A_16 : vector<1024x256xf32>
    %slice3A_18 = vector.extract_strided_slice %get3A_1 {offsets = [0, 0], sizes = [1, 256], strides = [1, 1]} : vector<2x256xf32> to vector<1x256xf32>
    %mul3A_19 = arith.mulf %rsqrt3A, %slice3A_18 : vector<1x256xf32>
    %mul3A_20 = vector.broadcast %mul3A_19 : vector<1x256xf32> to vector<1024x256xf32>
    %mul3A_21 = arith.mulf %sub3A_17, %mul3A_20 : vector<1024x256xf32>
    %slice3A_22 = vector.extract_strided_slice %get3A_1 {offsets = [1, 0], sizes = [1, 256], strides = [1, 1]} : vector<2x256xf32> to vector<1x256xf32>
    %add3A_23 = vector.broadcast %slice3A_22 : vector<1x256xf32> to vector<1024x256xf32>
    %add3A_24 = arith.addf %mul3A_21, %add3A_23 : vector<1024x256xf32>
    %max3A = arith.constant 0.000000e+00 : f32
    %max3A_25 = vector.broadcast %max3A : f32 to vector<1024x256xf32>
    %max3A_26 = arith.maximumf %add3A_24, %max3A_25 : vector<1024x256xf32>
    %swap3A = arith.constant 0 : index
    %swap3A_27 = arith.constant 0 : index
    %swap3A_28 = vector.load %arg3[%swap3A, %swap3A_27] : memref<1024x256xf32, #tpu.memory_space<vmem>>, vector<1024x256xf32>
    tpu.vector_store %arg3[%swap3A, %swap3A_27], %max3A_26 {strides = array<i32>} : memref<1024x256xf32, #tpu.memory_space<vmem>>, vector<1024x256xf32>,
    return
  }
}

module attributes {stable_mosaic.version = 14 : i64} {
  func.func @_sa3_body(%arg0: memref<1024x272xf32, #tpu.memory_space<vmem>>, %arg1: memref<272x256xf32, #tpu.memory_space<vmem>>, %arg2: memref<256x512xf32, #tpu.memory_space<vmem>>, %arg3: memref<512x1024xf32, #tpu.memory_space<vmem>>, %arg4: memref<2x256xf32, #tpu.memory_space<vmem>>, %arg5: memref<2x512xf32, #tpu.memory_space<vmem>>, %arg6: memref<2x1024xf32, #tpu.memory_space<vmem>>, %arg7: memref<8x1024xf32, #tpu.memory_space<vmem>>) attributes {dimension_semantics = [], scalar_prefetch = 0 : i64, scratch_operands = 0 : i64, tpu.core_type = #tpu.core_type<tc>} {
    %get3A = arith.constant 0 : index
    %get3A_0 = arith.constant 0 : index
    %get3A_1 = vector.load %arg0[%get3A, %get3A_0] : memref<1024x272xf32, #tpu.memory_space<vmem>>, vector<1024x272xf32>
    %get3A_2 = arith.constant 0 : index
    %get3A_3 = arith.constant 0 : index
    %get3A_4 = vector.load %arg1[%get3A_2, %get3A_3] : memref<272x256xf32, #tpu.memory_space<vmem>>, vector<272x256xf32>
    %dot_general3A = arith.constant dense<0.000000e+00> : vector<1024x256xf32>
    %dot_general3A_5 = tpu.matmul %get3A_1, %get3A_4, %dot_general3A {dimension_numbers = #tpu.dot_dimension_numbers<[1], [0], [0], [1], [0, 0, 1, 1], [], []>, transpose_lhs_hint = false} : vector<1024x272xf32>, vector<272x256xf32>, vector<1024x256xf32> -> vector<1024x256xf32>
    %get3A_6 = arith.constant 0 : index
    %get3A_7 = arith.constant 0 : index
    %get3A_8 = vector.load %arg4[%get3A_6, %get3A_7] : memref<2x256xf32, #tpu.memory_space<vmem>>, vector<1x256xf32>
    %get3A_9 = vector.shape_cast %get3A_8 : vector<1x256xf32> to vector<256xf32>
    %get3A_10 = arith.constant 1 : index
    %get3A_11 = arith.constant 0 : index
    %get3A_12 = vector.load %arg4[%get3A_10, %get3A_11] : memref<2x256xf32, #tpu.memory_space<vmem>>, vector<1x256xf32>
    %get3A_13 = vector.shape_cast %get3A_12 : vector<1x256xf32> to vector<256xf32>
    %reduce_sum3A = arith.constant dense<0.000000e+00> : vector<256xf32>
    %reduce_sum3A_14 = vector.multi_reduction <add>, %dot_general3A_5, %reduce_sum3A [0] : vector<1024x256xf32> to vector<256xf32>
    %broadcast_in_dim3A = vector.shape_cast %reduce_sum3A_14 : vector<256xf32> to vector<1x256xf32>
    %mul3A = arith.mulf %dot_general3A_5, %dot_general3A_5 : vector<1024x256xf32>
    %reduce_sum3A_15 = arith.constant dense<0.000000e+00> : vector<256xf32>
    %reduce_sum3A_16 = vector.multi_reduction <add>, %mul3A, %reduce_sum3A_15 [0] : vector<1024x256xf32> to vector<256xf32>
    %broadcast_in_dim3A_17 = vector.shape_cast %reduce_sum3A_16 : vector<256xf32> to vector<1x256xf32>
    %div3A = arith.constant 1.024000e+03 : f32
    %div3A_18 = vector.broadcast %div3A : f32 to vector<1x256xf32>
    %div3A_19 = arith.divf %broadcast_in_dim3A, %div3A_18 : vector<1x256xf32>
    %div3A_20 = arith.constant 1.024000e+03 : f32
    %div3A_21 = vector.broadcast %div3A_20 : f32 to vector<1x256xf32>
    %div3A_22 = arith.divf %broadcast_in_dim3A_17, %div3A_21 : vector<1x256xf32>
    %mul3A_23 = arith.mulf %div3A_19, %div3A_19 : vector<1x256xf32>
    %sub3A = arith.subf %div3A_22, %mul3A_23 : vector<1x256xf32>
    %add3A = arith.constant 9.99999974E-6 : f32
    %add3A_24 = vector.broadcast %add3A : f32 to vector<1x256xf32>
    %add3A_25 = arith.addf %sub3A, %add3A_24 : vector<1x256xf32>
    %rsqrt3A = math.rsqrt %add3A_25 : vector<1x256xf32>
    %sub3A_26 = vector.broadcast %div3A_19 : vector<1x256xf32> to vector<1024x256xf32>
    %sub3A_27 = arith.subf %dot_general3A_5, %sub3A_26 : vector<1024x256xf32>
    %broadcast_in_dim3A_28 = vector.shape_cast %get3A_9 : vector<256xf32> to vector<1x256xf32>
    %mul3A_29 = arith.mulf %rsqrt3A, %broadcast_in_dim3A_28 : vector<1x256xf32>
    %mul3A_30 = vector.broadcast %mul3A_29 : vector<1x256xf32> to vector<1024x256xf32>
    %mul3A_31 = arith.mulf %sub3A_27, %mul3A_30 : vector<1024x256xf32>
    %broadcast_in_dim3A_32 = vector.shape_cast %get3A_13 : vector<256xf32> to vector<1x256xf32>
    %add3A_33 = vector.broadcast %broadcast_in_dim3A_32 : vector<1x256xf32> to vector<1024x256xf32>
    %add3A_34 = arith.addf %mul3A_31, %add3A_33 : vector<1024x256xf32>
    %max3A = arith.constant 0.000000e+00 : f32
    %max3A_35 = vector.broadcast %max3A : f32 to vector<1024x256xf32>
    %max3A_36 = arith.maximumf %add3A_34, %max3A_35 : vector<1024x256xf32>
    %get3A_37 = arith.constant 0 : index
    %get3A_38 = arith.constant 0 : index
    %get3A_39 = vector.load %arg2[%get3A_37, %get3A_38] : memref<256x512xf32, #tpu.memory_space<vmem>>, vector<256x512xf32>
    %dot_general3A_40 = arith.constant dense<0.000000e+00> : vector<1024x512xf32>
    %dot_general3A_41 = tpu.matmul %max3A_36, %get3A_39, %dot_general3A_40 {dimension_numbers = #tpu.dot_dimension_numbers<[1], [0], [0], [1], [0, 0, 1, 1], [], []>, transpose_lhs_hint = false} : vector<1024x256xf32>, vector<256x512xf32>, vector<1024x512xf32> -> vector<1024x512xf32>
    %get3A_42 = arith.constant 0 : index
    %get3A_43 = arith.constant 0 : index
    %get3A_44 = vector.load %arg5[%get3A_42, %get3A_43] : memref<2x512xf32, #tpu.memory_space<vmem>>, vector<1x512xf32>
    %get3A_45 = vector.shape_cast %get3A_44 : vector<1x512xf32> to vector<512xf32>
    %get3A_46 = arith.constant 1 : index
    %get3A_47 = arith.constant 0 : index
    %get3A_48 = vector.load %arg5[%get3A_46, %get3A_47] : memref<2x512xf32, #tpu.memory_space<vmem>>, vector<1x512xf32>
    %get3A_49 = vector.shape_cast %get3A_48 : vector<1x512xf32> to vector<512xf32>
    %reduce_sum3A_50 = arith.constant dense<0.000000e+00> : vector<512xf32>
    %reduce_sum3A_51 = vector.multi_reduction <add>, %dot_general3A_41, %reduce_sum3A_50 [0] : vector<1024x512xf32> to vector<512xf32>
    %broadcast_in_dim3A_52 = vector.shape_cast %reduce_sum3A_51 : vector<512xf32> to vector<1x512xf32>
    %mul3A_53 = arith.mulf %dot_general3A_41, %dot_general3A_41 : vector<1024x512xf32>
    %reduce_sum3A_54 = arith.constant dense<0.000000e+00> : vector<512xf32>
    %reduce_sum3A_55 = vector.multi_reduction <add>, %mul3A_53, %reduce_sum3A_54 [0] : vector<1024x512xf32> to vector<512xf32>
    %broadcast_in_dim3A_56 = vector.shape_cast %reduce_sum3A_55 : vector<512xf32> to vector<1x512xf32>
    %div3A_57 = arith.constant 1.024000e+03 : f32
    %div3A_58 = vector.broadcast %div3A_57 : f32 to vector<1x512xf32>
    %div3A_59 = arith.divf %broadcast_in_dim3A_52, %div3A_58 : vector<1x512xf32>
    %div3A_60 = arith.constant 1.024000e+03 : f32
    %div3A_61 = vector.broadcast %div3A_60 : f32 to vector<1x512xf32>
    %div3A_62 = arith.divf %broadcast_in_dim3A_56, %div3A_61 : vector<1x512xf32>
    %mul3A_63 = arith.mulf %div3A_59, %div3A_59 : vector<1x512xf32>
    %sub3A_64 = arith.subf %div3A_62, %mul3A_63 : vector<1x512xf32>
    %add3A_65 = arith.constant 9.99999974E-6 : f32
    %add3A_66 = vector.broadcast %add3A_65 : f32 to vector<1x512xf32>
    %add3A_67 = arith.addf %sub3A_64, %add3A_66 : vector<1x512xf32>
    %rsqrt3A_68 = math.rsqrt %add3A_67 : vector<1x512xf32>
    %sub3A_69 = vector.broadcast %div3A_59 : vector<1x512xf32> to vector<1024x512xf32>
    %sub3A_70 = arith.subf %dot_general3A_41, %sub3A_69 : vector<1024x512xf32>
    %broadcast_in_dim3A_71 = vector.shape_cast %get3A_45 : vector<512xf32> to vector<1x512xf32>
    %mul3A_72 = arith.mulf %rsqrt3A_68, %broadcast_in_dim3A_71 : vector<1x512xf32>
    %mul3A_73 = vector.broadcast %mul3A_72 : vector<1x512xf32> to vector<1024x512xf32>
    %mul3A_74 = arith.mulf %sub3A_70, %mul3A_73 : vector<1024x512xf32>
    %broadcast_in_dim3A_75 = vector.shape_cast %get3A_49 : vector<512xf32> to vector<1x512xf32>
    %add3A_76 = vector.broadcast %broadcast_in_dim3A_75 : vector<1x512xf32> to vector<1024x512xf32>
    %add3A_77 = arith.addf %mul3A_74, %add3A_76 : vector<1024x512xf32>
    %max3A_78 = arith.constant 0.000000e+00 : f32
    %max3A_79 = vector.broadcast %max3A_78 : f32 to vector<1024x512xf32>
    %max3A_80 = arith.maximumf %add3A_77, %max3A_79 : vector<1024x512xf32>
    %get3A_81 = arith.constant 0 : index
    %get3A_82 = arith.constant 0 : index
    %get3A_83 = vector.load %arg3[%get3A_81, %get3A_82] : memref<512x1024xf32, #tpu.memory_space<vmem>>, vector<512x1024xf32>
    %dot_general3A_84 = arith.constant dense<0.000000e+00> : vector<1024x1024xf32>
    %dot_general3A_85 = tpu.matmul %max3A_80, %get3A_83, %dot_general3A_84 {dimension_numbers = #tpu.dot_dimension_numbers<[1], [0], [0], [1], [0, 0, 1, 1], [], []>, transpose_lhs_hint = false} : vector<1024x512xf32>, vector<512x1024xf32>, vector<1024x1024xf32> -> vector<1024x1024xf32>
    %reduce_sum3A_86 = arith.constant dense<0.000000e+00> : vector<1024xf32>
    %reduce_sum3A_87 = vector.multi_reduction <add>, %dot_general3A_85, %reduce_sum3A_86 [0] : vector<1024x1024xf32> to vector<1024xf32>
    %broadcast_in_dim3A_88 = vector.shape_cast %reduce_sum3A_87 : vector<1024xf32> to vector<1x1024xf32>
    %mul3A_89 = arith.mulf %dot_general3A_85, %dot_general3A_85 : vector<1024x1024xf32>
    %reduce_sum3A_90 = arith.constant dense<0.000000e+00> : vector<1024xf32>
    %reduce_sum3A_91 = vector.multi_reduction <add>, %mul3A_89, %reduce_sum3A_90 [0] : vector<1024x1024xf32> to vector<1024xf32>
    %broadcast_in_dim3A_92 = vector.shape_cast %reduce_sum3A_91 : vector<1024xf32> to vector<1x1024xf32>
    %div3A_93 = arith.constant 1.024000e+03 : f32
    %div3A_94 = vector.broadcast %div3A_93 : f32 to vector<1x1024xf32>
    %div3A_95 = arith.divf %broadcast_in_dim3A_88, %div3A_94 : vector<1x1024xf32>
    %div3A_96 = arith.constant 1.024000e+03 : f32
    %div3A_97 = vector.broadcast %div3A_96 : f32 to vector<1x1024xf32>
    %div3A_98 = arith.divf %broadcast_in_dim3A_92, %div3A_97 : vector<1x1024xf32>
    %mul3A_99 = arith.mulf %div3A_95, %div3A_95 : vector<1x1024xf32>
    %sub3A_100 = arith.subf %div3A_98, %mul3A_99 : vector<1x1024xf32>
    %add3A_101 = arith.constant 9.99999974E-6 : f32
    %add3A_102 = vector.broadcast %add3A_101 : f32 to vector<1x1024xf32>
    %add3A_103 = arith.addf %sub3A_100, %add3A_102 : vector<1x1024xf32>
    %rsqrt3A_104 = math.rsqrt %add3A_103 : vector<1x1024xf32>
    %reshape3A = vector.shape_cast %dot_general3A_85 : vector<1024x1024xf32> to vector<8x128x1024xf32>
    %reduce_max3A = arith.constant dense<0xFF800000> : vector<8x1024xf32>
    %reduce_max3A_105 = vector.multi_reduction <maximumf>, %reshape3A, %reduce_max3A [1] : vector<8x128x1024xf32> to vector<8x1024xf32>
    %sub3A_106 = vector.broadcast %div3A_95 : vector<1x1024xf32> to vector<8x1024xf32>
    %sub3A_107 = arith.subf %reduce_max3A_105, %sub3A_106 : vector<8x1024xf32>
    %get3A_108 = arith.constant 0 : index
    %get3A_109 = arith.constant 0 : index
    %get3A_110 = vector.load %arg6[%get3A_108, %get3A_109] : memref<2x1024xf32, #tpu.memory_space<vmem>>, vector<1x1024xf32>
    %get3A_111 = vector.shape_cast %get3A_110 : vector<1x1024xf32> to vector<1024xf32>
    %broadcast_in_dim3A_112 = vector.shape_cast %get3A_111 : vector<1024xf32> to vector<1x1024xf32>
    %mul3A_113 = arith.mulf %rsqrt3A_104, %broadcast_in_dim3A_112 : vector<1x1024xf32>
    %mul3A_114 = vector.broadcast %mul3A_113 : vector<1x1024xf32> to vector<8x1024xf32>
    %mul3A_115 = arith.mulf %sub3A_107, %mul3A_114 : vector<8x1024xf32>
    %get3A_116 = arith.constant 1 : index
    %get3A_117 = arith.constant 0 : index
    %get3A_118 = vector.load %arg6[%get3A_116, %get3A_117] : memref<2x1024xf32, #tpu.memory_space<vmem>>, vector<1x1024xf32>
    %get3A_119 = vector.shape_cast %get3A_118 : vector<1x1024xf32> to vector<1024xf32>
    %broadcast_in_dim3A_120 = vector.shape_cast %get3A_119 : vector<1024xf32> to vector<1x1024xf32>
    %add3A_121 = vector.broadcast %broadcast_in_dim3A_120 : vector<1x1024xf32> to vector<8x1024xf32>
    %add3A_122 = arith.addf %mul3A_115, %add3A_121 : vector<8x1024xf32>
    %max3A_123 = arith.constant 0.000000e+00 : f32
    %max3A_124 = vector.broadcast %max3A_123 : f32 to vector<8x1024xf32>
    %max3A_125 = arith.maximumf %add3A_122, %max3A_124 : vector<8x1024xf32>
    %swap3A = arith.constant 0 : index
    %swap3A_126 = arith.constant 0 : index
    %swap3A_127 = vector.load %arg7[%swap3A, %swap3A_126] : memref<8x1024xf32, #tpu.memory_space<vmem>>, vector<8x1024xf32>
    tpu.vector_store %arg7[%swap3A, %swap3A_126], %max3A_125 {strides = array<i32>} : memref<8x1024xf32, #tpu.memory_space<vmem>>, vector<8x1024xf32>,
    return
  }
}

</mosaic_0001>

<sc_bundles>
// kernel: kernel.17.cloned.1.call-start
scs
__scs_entry_jumppad:
0x0: {  	(pc) =	sbr.rel $0x88, $3  }
0x1: {  	(tag) =	ssettag $0x0;
	lr =	simm.s32 $0x1  }
0x2: {  	[smem:$0x3F85] =	sst lr;
	_ =	strace $0xD0000000  }
0x3: {  	_ = 	snop  }
0x4: {  	_ = 	snop  }
0x5: {  	_ = 	snop  }
0x6: {  	_ = 	snop  }
0x7: {  	_ = 	snop  }
__scs_overlays_trampoline_lowered:
0x8: {  	[smem:$0x3F94] =	sst s0  }
0x9: {  	[smem:$0x3F95] =	sst s1  }
0xa: {  	[smem:$0x3F96] =	sst s2  }
0xb: {  	[smem:$0x3F97] =	sst s3  }
0xc: {  	[smem:$0x3F98] =	sst s4  }
0xd: {  	[smem:$0x3F99] =	sst s5  }
0xe: {  	[smem:$0x3F9A] =	sst s6  }
0xf: {  	[smem:$0x3F9B] =	sst s7  }
0x10: {  	[smem:$0x3F9C] =	sst s8  }
0x11: {  	[smem:$0x3F9D] =	sst s9;
	s0 =	simm.s32 @!p0 $0x0  }
0x12: {  	s1 =	sld [smem:$0x3F83];
	s0 =	simm.s32 @p0 $0x1  }
0x13: {  	[smem:$0x3F9E] =	sst s0;
	s0 =	simm.s32 @!p1 $0x0  }
0x14: {  	s2 =	sld [smem:$0x3F82];
	s0 =	simm.s32 @p1 $0x1  }
0x15: {  	[smem:$0x3F9F] =	sst s0;
	s0 =	simm.s32 @!p2 $0x0  }
0x16: {  	s3 =	sld [smem:$0x3FDB];
	s0 =	simm.s32 @p2 $0x1  }
0x17: {  	s4 =	simm.s32 $0x1BF5;
	[smem:$0x3FA1] =	sst s0  }
0x18: {  	s0 =	sld [smem:$0x3F84];
	_ =	swait.ge [sflag:s4], $0x0  }
0x19: {  	s7 =	sld [smem:$0x3F85]  }
0x1a: {  	s8 =	sadd.s32 $0xFFFFE003, lr  }
0x1b: {  	s9 =	sadd.s32 $0xFFFFFEF7, lr;
	s5 =	simm.s32 $0xFFFFFFFF;
	p2 =	slt.u32 s8, $0xFFFFF086  }
0x1c: {  	p1 =	slt.u32 s9, $0xF7A;
	s5 =	simm.s32 @!p2 $0x0  }
0x1d: {  	s5 =	simm.s32 @p1 $0x1;
	p0 =	seq.s32 s7, s2  }
0x1e: {  	s7 =	smul.u32 @!p0 $0xF7A, s2;
	p2 =	seq.s32 @!p0 s5, $0x0  }
0x1f: {  	s9 =	smul.u32 $0xF7A, s1;
	s8 =	simm.s32 @!p0 $0x1BF5;
	p2 =	por !p2, p0  }
0x20: {  	[sflag:s8] =	ssyncset.s32 @!p0 $0xFFFFF086;
	s6 =	sadd.s32 @!p0 s3, s7;
	s7 =	simm.s32 @!p0 $0x108  }
0x21: {  	s3 =	sadd.s32 s3, s9;
	s6 =	sadd.s32 @!p0 $0x88, s6;
	s7 =	simm.s32 @p2 $0x1082  }
0x22: {  	[simem:s7], [sflag:s8] =	dma.local @!p0 [hbm:s6], $0xF7A  }
0x23: {  	s9 =	sor.u32 $0xD0000000, s2;
	s6 =	simm.s32 $0x108;
	_ =	swait.ge @!p0 [sflag:s8], $0x0  }
0x24: {  	s3 =	sadd.s32 $0x88, s3;
	s6 =	simm.s32 @!p1 $0x1082;
	[sflag:s4] =	ssyncset.s32 $0xFFFFF086  }
0x25: {  	[simem:s6], [sflag:s4] =	dma.local [hbm:s3], $0xF7A  }
0x26: {  	[smem:$0x3F85] =	sst s1;
	(tag) =	ssettag s2;
	_ =	strace s9  }
0x27: {  	s1 =	sld [smem:$0x3F95]  }
0x28: {  	s2 =	sld [smem:$0x3F96]  }
0x29: {  	s4 =	sld [smem:$0x3F98]  }
0x2a: {  	p0 =	seq.s32 s5, $0x0;
	s5 =	sld [smem:$0x3F99]  }
0x2b: {  	s6 =	sld [smem:$0x3F9A]  }
0x2c: {  	s7 =	sld [smem:$0x3F9B]  }
0x2d: {  	s3 =	simm.s32 $0x108;
	s8 =	sld [smem:$0x3F9C]  }
0x2e: {  	s3 =	simm.s32 @!p0 $0x1082;
	s9 =	sld [smem:$0x3F9D]  }
0x2f: {  	lr =	sadd.s32 s0, s3;
	s0 =	sld [smem:$0x3F94]  }
0x30: {  	s3 =	sld [smem:$0x3F97]  }
0x31: {  	[smem:$0x3FA0] =	sst s10  }
0x32: {  	s10 =	sld [smem:$0x3F9E];
	_ =	sdelay $0x3  }
0x33: {  	p0 =	seq.s32 s10, $0x1;
	s10 =	sld [smem:$0x3FA0];
	_ =	sdelay $0x3  }
0x34: {  	[smem:$0x3FA0] =	sst s10  }
0x35: {  	s10 =	sld [smem:$0x3F9F];
	_ =	sdelay $0x3  }
0x36: {  	p1 =	seq.s32 s10, $0x1;
	s10 =	sld [smem:$0x3FA0];
	_ =	sdelay $0x3  }
0x37: {  	[smem:$0x3FA0] =	sst s10  }
0x38: {  	s10 =	sld [smem:$0x3FA1]  }
0x39: {  	_ = 	snop;
	(pc) =	sbr.ind lr, $3  }
0x3a: {  	_ = 	snop  }
0x3b: {  	_ = 	snop  }
0x3c: {  	p2 =	seq.s32 s10, $0x1;
	s10 =	sld [smem:$0x3FA0]  }
0x3d: {  	_ =	shalt  }
0x3e: {  	_ =	shalt  }
0x3f: {  	_ =	shalt  }
0x40: {  	_ =	shalt  }
0x41: {  	_ =	shalt  }
0x42: {  	_ =	shalt  }
0x43: {  	_ =	shalt  }
0x44: {  	_ =	shalt  }
0x45: {  	_ =	shalt  }
0x46: {  	_ =	shalt  }
0x47: {  	_ =	shalt  }
0x48: {  	_ =	shalt  }
0x49: {  	_ =	shalt  }
0x4a: {  	_ =	shalt  }
0x4b: {  	_ =	shalt  }
0x4c: {  	_ =	shalt  }
0x4d: {  	_ =	shalt  }
0x4e: {  	_ =	shalt  }
0x4f: {  	_ =	shalt  }
0x50: {  	_ =	shalt  }
0x51: {  	_ =	shalt  }
0x52: {  	_ =	shalt  }
0x53: {  	_ =	shalt  }
0x54: {  	_ =	shalt  }
0x55: {  	_ =	shalt  }
0x56: {  	_ =	shalt  }
0x57: {  	_ =	shalt  }
0x58: {  	_ =	shalt  }
0x59: {  	_ =	shalt  }
0x5a: {  	_ =	shalt  }
0x5b: {  	_ =	shalt  }
0x5c: {  	_ =	shalt  }
0x5d: {  	_ =	shalt  }
0x5e: {  	_ =	shalt  }
0x5f: {  	_ =	shalt  }
0x60: {  	_ =	shalt  }
0x61: {  	_ =	shalt  }
0x62: {  	_ =	shalt  }
0x63: {  	_ =	shalt  }
0x64: {  	_ =	shalt  }
0x65: {  	_ =	shalt  }
0x66: {  	_ =	shalt  }
0x67: {  	_ =	shalt  }
0x68: {  	_ =	shalt  }
0x69: {  	_ =	shalt  }
0x6a: {  	_ =	shalt  }
0x6b: {  	_ =	shalt  }
0x6c: {  	_ =	shalt  }
0x6d: {  	_ =	shalt  }
0x6e: {  	_ =	shalt  }
0x6f: {  	_ =	shalt  }
0x70: {  	_ =	shalt  }
0x71: {  	_ =	shalt  }
0x72: {  	_ =	shalt  }
0x73: {  	_ =	shalt  }
0x74: {  	_ =	shalt  }
0x75: {  	_ =	shalt  }
0x76: {  	_ =	shalt  }
0x77: {  	_ =	shalt  }
0x78: {  	_ =	shalt  }
0x79: {  	_ =	shalt  }
0x7a: {  	_ =	shalt  }
0x7b: {  	_ =	shalt  }
0x7c: {  	_ =	shalt  }
0x7d: {  	_ =	shalt  }
0x7e: {  	_ =	shalt  }
0x7f: {  	_ =	shalt  }
0x80: {  	_ =	shalt  }
0x81: {  	_ =	shalt  }
0x82: {  	_ =	shalt  }
0x83: {  	_ =	shalt  }
0x84: {  	_ =	shalt  }
0x85: {  	_ =	shalt  }
0x86: {  	_ =	shalt  }
0x87: {  	_ =	shalt  }
.Lfunc_end0:
.L_simem_size_0:
called_computation_lowered:
.L_overlay_start_0:
0x88: {  	s2 =	sld [smem:$0x3FD9]  }
0x89: {  	s3 =	sld [smem:$0x3FFE];
	_ =	sdelay $0x1  }
0x8a: {  	s1 =	srdreg.scid  }
0x8b: {  	s0 =	sand.u32 $0x1, s1  }
0x8c: {  	s16 =	sshll.u32 s0, $0xA;
	s2 =	sadd.s32 s3, s2  }
0x8d: {  	s2 =	sadd.s32 s2, s16  }
0x8e: {  	[smem:$0x3FAC] =	sst s2  }
0x8f: {  	_ = 	snop  }
0x90: {  	(tm) =	ssettm $0x1  }
0x91: {  	s17 =	sld [smem:$0x3FFB];
	_ =	sdelay $0x3  }
0x92: {  	_ =	strace s17  }
0x93: {  	s2 =	sld [smem:$0x3FFC];
	_ =	sdelay $0x3  }
0x94: {  	_ =	strace s2  }
0x95: {  	s2 =	sld [smem:$0x3FFD];
	_ =	sdelay $0x3  }
0x96: {  	_ =	strace s2  }
0x97: {  	_ =	strace $0x8FFFFFFF  }
0x98: {  	s18 =	sld [smem:$0x3FDB];
	_ =	sdelay $0x1  }
0x99: {  	s19 =	simm.s32 $_scs_section_size  }
0x9a: {  	s4 =	simm.s32 $_size__tile_overlayer_lowered;
	s5 =	simm.s32 $_tile_overlayer_lowered  }
0x9b: {  	s22 =	simm.s32 $0x1BFF;
	s21 =	sshll.u32 s5, $0x1;
	s2 =	sadd.s32 s19, s18  }
0x9c: {  	s6 =	simm.s32 $0x0;
	s20 =	sshll.u32 s4, $0x1;
	s4 =	sadd.s32 s21, s2  }
0x9d: {  	[timem:s6], [sflag:s22] =	dma.local [hbm:s4], s20  }
0x9e: {  	_ =	swait.ge [sflag:s22], s20  }
0x9f: {  	s3 =	ssub.s32 $0x0, s20;
	[sflag:s22] =	ssyncset.done $0x0  }
0xa0: {  	[sflag:s22] =	ssyncadd.s32 s3;
	_ =	sdelay $0x1  }
0xa1: {  	s23 =	simm.s32 $0x1B8B  }
0xa2: {  	_ =	swait.ge [sflag:s23], $0x1  }
0xa3: {  	[sflag:s23] =	ssyncset.done $0x0  }
0xa4: {  	s25 =	simm.s32 $0x1B8E;
	s24 =	sld [smem:$0x3FFE];
	[sflag:s23] =	ssyncadd.s32 $0xFFFFFFFF  }
0xa5: {  	s26 =	simm.s32 $execute0_lowered;
	[smem:$0x3FD2] =	sst s25  }
0xa6: {  	s4 =	sshll.u32 s26, $0x1;
	_ =	strace $0x80000046;
	[dreg:$0x1] =	wrdreg $0xFFFFFFFF  }
0xa7: {  	s28 =	simm.s32 $_size_execute0_lowered;
	s2 =	sadd.s32 s2, s4;
	[dreg:$0x0] =	wrdreg $0x0  }
0xa8: {  	s4 =	sshll.u32 s28, $0x1;
	[dreg:$0x2] =	wrdreg s2  }
0xa9: {  	[dreg:$0x3] =	wrdreg s4  }
0xaa: {  	[dreg:$0x4] =	wrdreg $0xC0  }
0xab: {  	_ =	task [dreg:s6], $0x5FFFF  }
0xac: {  	[dreg:$0x1] =	wrdreg $0xFFFFFFFF  }
0xad: {  	[dreg:$0x0] =	wrdreg $0x60  }
0xae: {  	[dreg:$0x2] =	wrdreg s24  }
0xaf: {  	[dreg:$0x3] =	wrdreg $0x9  }
0xb0: {  	_ =	task.clear_ibuf [dreg:s6], $0x4FFFF;
	_ =	strace $0x90000046  }
0xb1: {  	s29 =	simm.s32 $0x9;
	_ =	strace $0x80000048  }
0xb2: {  	_ =	swait.ge [sflag:s29], $0x1  }
0xb3: {  	[sflag:s29] =	ssyncadd.s32 $0xFFFFFFFF  }
0xb4: {  	_ =	strace $0x90000048  }
0xb5: {  	_ =	sfence  }
0xb6: {  	s30 =	sld [smem:$0x0];
	_ =	sdelay $0x2  }
0xb7: {  	s31 =	sshll.u32 s1, $0xD;
	s1 =	sshrl.u32 s1, $0x2  }
0xb8: {  	s3 =	sand.u32 $0x4000, s31;
	s1 =	sadd.s32 s1, s30  }
0xb9: {  	s0 =	sor.u32 s3, s0;
	s1 =	sshll.u32 s1, $0x11  }
0xba: {  	s0 =	sor.u32 s1, s0  }
0xbb: {  	s0 =	sadd.s32 $0x8F2B, s0  }
0xbc: {  	[sflag:s0] =	ssyncadd.remote.s32 $0x1  }
0xbd: {  	_ =	sfence.sel $0xFFFF  }
0xbe: {  	[dreg:$0x0] =	wrdreg $0xFFFFFFFF;
	(pc) =	sbr.abs _section_cstart, $3  }
0xbf: {  	[dreg:$0x1] =	wrdreg $0xFFFFFFFF  }
0xc0: {  	_ =	task.clear_ibuf [dreg:s6], $0x2FFFF;
	_ =	strace $0x9FFFFFFF  }
0xc1: {  	(tm) =	ssettm $0x7FFFFFFF  }
tec
execute0_lowered:
.L_overlay_start_1:
0x0: {  	(tag) =	ssettag $0x1  }
0x1: {  	v0 =	vimm.f32 $1.500000000e+01;
	vm0 =	vcmask $0x300  }
0x2: {  	vm14 =	vcmask $0x704;
	v0 =	vsel vm0, $0x0, v0  }
0x3: {  	vm15 =	vcmask $0xB08;
	v0 =	vsel vm14, $0x3F800000, v0  }
0x4: {  	vm4 =	vcmask $0xF0C;
	v0 =	vsel vm15, $0x40000000, v0  }
0x5: {  	s5 =	rddreg [dreg:$0x0];
	vm5 =	vcmask $0x1310;
	v0 =	vsel vm4, $0x40400000, v0  }
0x6: {  	s0 =	rddreg [dreg:$0x1];
	vm6 =	vcmask $0x1714;
	v0 =	vsel vm5, $0x40800000, v0  }
0x7: {  	s1 =	simm.s32 $0x0;
	vm7 =	vcmask $0x1B18;
	s2 =	stileid.u32;
	s7 =	srdreg.scid;
	v0 =	vsel vm6, $0x40A00000, v0  }
0x8: {  	vm8 =	vcmask $0x1F1C;
	[smem:$0x7FF] =	sst s1;
	s3 =	sadd.s32 $0x86000, s5;
	s4 =	sadd.s32 $0x6000, s5;
	v0 =	vsel vm7, $0x40C00000, v0  }
0x9: {  	vm9 =	vcmask $0x2320;
	s6 =	sshrl.u32 s2, $0x1;
	s7 =	sand.u32 $0x1, s7;
	s9 =	sshll.u32 s2, $0x1;
	v0 =	vsel vm8, $0x40E00000, v0  }
0xa: {  	vm10 =	vcmask $0x2724;
	_ =	strace $0x80000047;
	s8 =	sshll.u32 s6, $0xA;
	s10 =	ssub.s32 $0x2, s7;
	v0 =	vsel vm9, $0x41000000, v0  }
0xb: {  	vm11 =	vcmask $0x2B28;
	s9 =	sand.u32 $0x2, s9;
	s30 =	sshll.u32 s6, $0xC;
	s6 =	sshll.u32 s6, $0x9;
	v0 =	vsel vm10, $0x41100000, v0  }
.Ltmp0:
0xc: {  	vm12 =	vcmask $0x2F2C;
	s8 =	sadd.s32 s8, s5;
	s11 =	sshrl.u32 s10, $0x1;
	v1 =	vsel vm11, $0x41200000, v0;
	(pc) =	sbr.rel .LBB2_1-.Ltmp0, $4  }
0xd: {  	vm13 =	vcmask $0x3330;
	v3 =	vimm.f32 $1.000000000e+00;
	s7 =	sor.u32 s7, s9;
	s5 =	sadd.s32 $0x288000, s5;
	s9 =	simm.s32 $0x3100;
	v2 =	vsel vm12, $0x41300000, v1  }
0xe: {  	vm14 =	vcmask $0x3734;
	vm15 =	vcmask $0x3B38;
	s10 =	ssub.s32 s10, s11;
	s31 =	sshll.u32 s7, $0x8;
	s7 =	sshll.u32 s7, $0x7;
	v2 =	vsel vm13, $0x41400000, v2  }
0xf: {  	s11 =	simm.s32 $0x0;
	s8 =	sadd.s32 s31, s8;
	s6 =	sor.u32 s6, s7;
	v0 =	vmov s30;
	v1 =	vimm.f32 $0.0e+00;
	v4 =	vsel vm14, $0x41500000, v2  }
0x10: {  	s7 =	sadd.s32 $0x286000, s8;
	s8 =	smax.u32 s10, $0x1;
	s10 =	simm.s32 $0x2;
	v2 =	vand.u32 $0x7FFFFFFF, v3;
	v3 =	vlaneseq.u32;
	v4 =	vsel vm15, $0x41600000, v4  }
.LBB2_5:
0x11: {  	s11 =	sadd.s32 $0x1, s11  }
0x12: {  	p0 =	sne.s32 s11, s8  }
.Ltmp1:
0x13: {  	_ = 	snop;
	(pc) =	sbr.rel @!p0 .LBB2_6-.Ltmp1, $4  }
0x14: {  	[hbm4b:s7+s1] =	stream.linear.scatter [tilespmem:s9], [sflag:$0x2], $0x800, $0x38;
	[tilespmem:$0x3A00] =	vst v63  }
0x15: {  	_ =	swait.ge [sflag:s10], $0x800  }
0x16: {  	[sflag:s10] =	ssyncset.done $0x0  }
0x17: {  	[sflag:s10] =	ssyncadd.s32 $0xFFFFF800  }
.LBB2_1:
0x18: {  	[tilespmem:$0x1000] =	vst v1  }
0x19: {  	[tilespmem:$0x1010] =	vst v1  }
.Ltmp2:
0x1a: {  	[tilespmem:$0x1020] =	vst v1;
	(pc) =	sbr.rel .LBB2_2-.Ltmp2, $4  }
0x1b: {  	[tilespmem:$0x1030] =	vst v1  }
0x1c: {  	[tilespmem:$0x1040] =	vst v1  }
0x1d: {  	[tilespmem:$0x3900] =	vst v1  }
0x1e: {  	[tilespmem:$0x39A0] =	vst v1;
	s17 =	simm.f32 $0.0e+00;
	s12 =	simm.s32 $0x0  }
.LBB2_4:
0x1f: {  	p0 =	sne.s32 s15, $0xFF  }
0x20: {  	v5 =	vld @!p0 [tilespmem:$0x1000]  }
0x21: {  	v6 =	vld @!p0 [tilespmem:$0x1010]  }
0x22: {  	v7 =	vld @!p0 [tilespmem:$0x1020]  }
0x23: {  	v8 =	vld @!p0 [tilespmem:$0x1030];
	_ =	sdelay $0x1  }
0x24: {  	s17 =	sadd.f32 s16, s17;
	v5 =	vtrunc.f32 @!p0 v5  }
0x25: {  	v6 =	vtrunc.f32 @!p0 v6;
	v5 =	vcvt.f32.s32 @!p0 v5  }
0x26: {  	v9 =	vmov @!p0 s17;
	v6 =	vcvt.f32.s32 @!p0 v6  }
0x27: {  	v7 =	vtrunc.f32 @!p0 v7;
	v8 =	vtrunc.f32 @!p0 v8;
	vm0 =	vlt.s32 @!p0 v5, $0xFFF  }
0x28: {  	v7 =	vcvt.f32.s32 @!p0 v7;
	v5 =	vnsel @!p0 vm0, $0xFFF, v5;
	vm0 =	vlt.s32 @!p0 v6, $0xFFF  }
0x29: {  	v9 =	vtrunc.f32 @!p0 v9;
	v8 =	vcvt.f32.s32 @!p0 v8;
	v6 =	vnsel @!p0 vm0, $0xFFF, v6  }
0x2a: {  	v5 =	vadd.s32 @!p0 v0, v5;
	vm0 =	vlt.s32 @!p0 v7, $0xFFF;
	v6 =	vadd.s32 @!p0 v0, v6  }
0x2b: {  	[tilespmem:$0x1080] =	vst @!p0 v5;
	v5 =	vnsel @!p0 vm0, $0xFFF, v7;
	vm0 =	vlt.s32 @!p0 v8, $0xFFF;
	v7 =	vcvt.f32.s32 @!p0 v9  }
0x2c: {  	[tilespmem:$0x1090] =	vst @!p0 v6;
	v6 =	vnsel @!p0 vm0, $0xFFF, v8;
	v5 =	vadd.s32 @!p0 v0, v5  }
0x2d: {  	[tilespmem:$0x10A0] =	vst @!p0 v5;
	v5 =	vadd.s32 @!p0 v0, v6;
	v6 =	vbroadcast @!p0 v7, $0x0  }
0x2e: {  	s14 =	sshll.u32 @!p0 s14, $0x4;
	[tilespmem:$0x10B0] =	vst @!p0 v5  }
0x2f: {  	s15 =	simm.s32 @!p0 $0x1080;
	s16 =	simm.s32 @!p0 $0x1100;
	[tilespmem:s14+$0x3100] =	vst @!p0 v6;
	s14 =	simm.s32 @!p0 $0x40  }
0x30: {  	[tilespmem:s16], [sflag:$0x1] =	stream.indirect.gather @!p0 [hbm4b:s4+s14], $0x80, s15, s14, $0xb8;
	[tilespmem:$0x3A00] =	vst v63  }
0x31: {  	s14 =	simm.s32 @!p0 $0x1  }
0x32: {  	s12 =	sadd.s32 $0x1, s12;
	s13 =	sshll.u32 @!p0 s13, $0xA;
	_ =	swait.ge @!p0 [sflag:s14], $0x2000  }
0x33: {  	p1 =	sne.s32 s12, $0x8000;
	s13 =	sand.u32 @!p0 $0x1FFFFC00, s13;
	[sflag:s14] =	ssyncset.done @!p0 $0x0  }
0x34: {  	s13 =	sadd.s32 @!p0 s5, s13;
	[sflag:s14] =	ssyncadd.s32 @!p0 $0xFFFFE000;
	s14 =	simm.s32 @!p0 $0x0  }
0x35: {  	[hbm4b:s13+s14] =	stream.linear.scatter @!p0 [tilespmem:s16], [sflag:$0x2], $0x2000, $0x38;
	[tilespmem:$0x3A00] =	vst v63  }
.Ltmp3:
0x36: {  	_ = 	snop;
	(pc) =	sbr.rel @!p1 .LBB2_5-.Ltmp3, $4  }
0x37: {  	s13 =	simm.s32 @!p0 $0x2  }
0x38: {  	_ =	swait.ge @!p0 [sflag:s13], $0x2000  }
0x39: {  	[sflag:s13] =	ssyncset.done @!p0 $0x0  }
0x3a: {  	[sflag:s13] =	ssyncadd.s32 @!p0 $0xFFFFE000  }
.LBB2_2:
0x3b: {  	s15 =	sand.u32 $0xFF, s12  }
0x3c: {  	s14 =	sshrl.u32 s12, $0x8;
	p0 =	sne.s32 s15, $0x0  }
0x3d: {  	s13 =	sadd.s32 s6, s14;
	s16 =	sshll.u32 @!p0 s14, $0x4  }
0x3e: {  	s18 =	sshll.u32 @!p0 s13, $0x9;
	s16 =	sand.u32 @!p0 $0x70, s16  }
0x3f: {  	s19 =	simm.s32 @!p0 $0x400;
	s18 =	sand.u32 @!p0 $0xFFFF000, s18;
	s16 =	sadd.s32 @!p0 s3, s16  }
0x40: {  	s20 =	simm.s32 @!p0 $0x0;
	s16 =	sadd.s32 @!p0 s18, s16;
	s18 =	simm.s32 @!p0 $0x80  }
0x41: {  	[tilespmem:s20], [sflag:$0x3] =	stream.strided.gather @!p0 [hbm4b:s16+s18], $0x1000, s19, s18, $0x38;
	[tilespmem:$0x3A00] =	vst v63  }
0x42: {  	s16 =	simm.s32 @!p0 $0x3  }
0x43: {  	_ =	swait.ge @!p0 [sflag:s16], $0x1000  }
0x44: {  	[sflag:s16] =	ssyncset.done @!p0 $0x0  }
0x45: {  	v5 =	vimm.f32 @!p0 $4.095000000e+03;
	[sflag:s16] =	ssyncadd.s32 @!p0 $0xFFFFF000  }
0x46: {  	s19 =	sshll.u32 s15, $0x4;
	[tilespmem:$0x1000] =	vst @!p0 v5  }
0x47: {  	v5 =	vld [tilespmem:s19+$0x0];
	_ =	sdelay $0x4  }
0x48: {  	v5 =	vsub.f32 $3.999999910e-02, v5;
	_ =	sdelay $0x1  }
0x49: {  	v6 =	vand.u32 $0x80000000, v5;
	vm0 =	vlt.f32 v5, $0.0e+00;
	vm1 =	vgt.f32 v5, $0.0e+00  }
0x4a: {  	v6 =	vor.u32 v6, v2;
	vm0 =	vmor vm1, vm0  }
0x4b: {  	v5 =	vsel vm0, v6, v5  }
0x4c: {  	v5 =	vadd.f32 $1.000000000e+00, v5;
	_ =	sdelay $0x1  }
0x4d: {  	v6 =	vmin.f32 v5, $1.000000000e+00  }
0x4e: {  	[tilespmem:$0x3910] =	vst v6  }
0x4f: {  	v5 =	vld [tilespmem:$0x390F]  }
0x50: {  	[tilespmem:$0x3990] =	vst v6  }
0x51: {  	v7 =	vld [tilespmem:$0x3991];
	_ =	sdelay $0x2  }
0x52: {  	v5 =	vadd.f32 v6, v5;
	_ =	sdelay $0x1  }
0x53: {  	v7 =	vadd.f32 v6, v7;
	[tilespmem:$0x3910] =	vst v5  }
0x54: {  	v8 =	vld [tilespmem:$0x390E]  }
0x55: {  	[tilespmem:$0x3990] =	vst v7  }
0x56: {  	v9 =	vld [tilespmem:$0x3992];
	_ =	sdelay $0x2  }
0x57: {  	v5 =	vadd.f32 v8, v5;
	_ =	sdelay $0x1  }
0x58: {  	v7 =	vadd.f32 v9, v7;
	[tilespmem:$0x3910] =	vst v5  }
0x59: {  	v8 =	vld [tilespmem:$0x390C]  }
0x5a: {  	[tilespmem:$0x3990] =	vst v7  }
0x5b: {  	v62 =	vld [tilespmem:$0x3994];
	_ =	sdelay $0x2  }
0x5c: {  	v5 =	vadd.f32 v8, v5;
	_ =	sdelay $0x1  }
0x5d: {  	v7 =	vadd.f32 v62, v7;
	[tilespmem:$0x3910] =	vst v5  }
0x5e: {  	v8 =	vld [tilespmem:$0x3908]  }
0x5f: {  	[tilespmem:$0x3990] =	vst v7  }
0x60: {  	v63 =	vld [tilespmem:$0x3998];
	_ =	sdelay $0x1  }
0x61: {  	(v2sf) =	vpush v5, $0x0  }
0x62: {  	(v2sf) =	vpush v8, $0x0  }
0x63: {  	(v2sf) =	vpush v7, $0x0  }
0x64: {  	(v2sf) =	vpush v63, $0x0;
	_ =	sdelay $0x3  }
0x65: {  	(v2sf) =	vpush v6, $0x0;
	_ =	sdelay $0x7  }
0x66: {  	s28 =	spop (v2sf)  }
0x67: {  	s29 =	spop (v2sf)  }
0x68: {  	s30 =	spop (v2sf)  }
0x69: {  	s16 =	sadd.f32 s29, s28;
	s31 =	spop (v2sf)  }
0x6a: {  	s18 =	sadd.f32 s31, s30;
	_ =	sdelay $0x1  }
0x6b: {  	s16 =	sadd.f32 s18, s16  }
0x6c: {  	s20 =	spop (v2sf)  }
0x6d: {  	s16 =	ssub.f32 s16, s20;
	_ =	sdelay $0x1  }
0x6e: {  	p1 =	sgt.f32 s16, $5.000000000e-01  }
.Ltmp4:
0x6f: {  	_ = 	snop;
	(pc) =	sbr.rel @!p1 .LBB2_4-.Ltmp4, $4  }
0x70: {  	_ = 	snop  }
0x71: {  	s18 =	simm.f32 $1.000000000e+00  }
0x72: {  	s18 =	simm.s32 @!p0 $0x0  }
0x73: {  	s17 =	smul.f32 s18, s17  }
0x74: {  	(v2sf) =	vpush v6, $0x1;
	_ =	sdelay $0x3  }
0x75: {  	(v2sf) =	vpush v6, $0x2;
	_ =	sdelay $0x2  }
0x76: {  	(v2sf) =	vpush v6, $0x3;
	_ =	sdelay $0x2  }
0x77: {  	(v2sf) =	vpush v6, $0x4;
	_ =	sdelay $0x1  }
0x78: {  	s18 =	smin.f32 s17, $6.400000000e+01;
	s31 =	sadd.f32 s20, s17;
	(v2sf) =	vpush v6, $0x5  }
0x79: {  	s21 =	ssub.f32 s17, s18  }
0x7a: {  	s22 =	ssub.f32 $6.400000000e+01, s17  }
0x7b: {  	s23 =	ssub.f32 s31, s18;
	v5 =	vmov s21;
	s25 =	spop (v2sf)  }
0x7c: {  	s22 =	smax.f32 s22, $0.0e+00;
	v5 =	vsub.f32 v4, v5;
	s21 =	sadd.f32 s31, s25  }
0x7d: {  	s24 =	ssub.f32 $6.400000000e+01, s31;
	s22 =	smin.f32 s22, $1.000000000e+00;
	(v2sf) =	vpush v6, $0x6  }
0x7e: {  	v9 =	vmov s23;
	s26 =	smul.f32 s20, s22;
	v5 =	vand.u32 $0x7FFFFFFF, v5;
	s29 =	ssub.f32 s21, s18  }
0x7f: {  	v7 =	vor.u32 s19, v3;
	v14 =	vsub.f32 v4, v9;
	v8 =	vmin.f32 v5, $1.000000000e+00;
	s30 =	spop (v2sf);
	s31 =	ssub.f32 $6.400000000e+01, s21  }
0x80: {  	s28 =	smax.f32 s24, $0.0e+00;
	v5 =	vcvt.s32.f32 v7;
	v7 =	vsub.f32 $1.000000000e+00, v8;
	s21 =	sadd.f32 s21, s30  }
0x81: {  	s20 =	smin.f32 s28, $1.000000000e+00;
	v8 =	vand.u32 $0x7FFFFFFF, v14  }
0x82: {  	v15 =	vbroadcast v5, $0x0;
	v7 =	vmul.f32 s26, v7;
	(v2sf) =	vpush v6, $0x7;
	s22 =	spop (v2sf);
	s26 =	ssub.f32 s21, s18  }
0x83: {  	v8 =	vmin.f32 v8, $1.000000000e+00;
	v11 =	vbroadcast v5, $0x1;
	s19 =	smul.f32 s20, s25;
	v10 =	vmov s29;
	s29 =	sadd.f32 s21, s22  }
0x84: {  	v18 =	vbroadcast v5, $0x2;
	v8 =	vsub.f32 $1.000000000e+00, v8;
	(v2sf) =	vpush v6, $0x8;
	s25 =	smax.f32 s31, $0.0e+00;
	s21 =	ssub.f32 $6.400000000e+01, s21  }
0x85: {  	v14 =	vbroadcast v5, $0x3;
	v21 =	vbroadcast v5, $0x4;
	s28 =	smin.f32 s25, $1.000000000e+00;
	s25 =	spop (v2sf)  }
0x86: {  	v9 =	vmul.f32 v7, v15;
	(v2sf) =	vpush v6, $0x9;
	v8 =	vmul.f32 s19, v8;
	s19 =	smul.f32 s28, s30;
	s30 =	ssub.f32 s29, s18  }
0x87: {  	v7 =	vadd.f32 $0.0e+00, v7;
	v10 =	vsub.f32 v4, v10;
	v12 =	vmov s26;
	s31 =	sadd.f32 s29, s25;
	s26 =	spop (v2sf)  }
0x88: {  	v9 =	vadd.f32 $0.0e+00, v9;
	v11 =	vmul.f32 v8, v11;
	(v2sf) =	vpush v6, $0xA;
	s21 =	smax.f32 s21, $0.0e+00;
	s20 =	ssub.f32 $6.400000000e+01, s29  }
0x89: {  	v7 =	vadd.f32 v8, v7;
	(v2sf) =	vpush v6, $0xB;
	v10 =	vand.u32 $0x7FFFFFFF, v10;
	s28 =	smin.f32 s21, $1.000000000e+00;
	s29 =	ssub.f32 s31, s18  }
0x8a: {  	v12 =	vsub.f32 v4, v12;
	v10 =	vmin.f32 v10, $1.000000000e+00;
	v16 =	vmov s30;
	s20 =	smax.f32 s20, $0.0e+00;
	s30 =	ssub.f32 $6.400000000e+01, s31  }
0x8b: {  	v24 =	vbroadcast v5, $0x5;
	v9 =	vadd.f32 v11, v9;
	s31 =	sadd.f32 s31, s26;
	v10 =	vsub.f32 $1.000000000e+00, v10;
	s20 =	smin.f32 s20, $1.000000000e+00  }
0x8c: {  	s23 =	spop (v2sf);
	(v2sf) =	vpush v6, $0xC;
	v17 =	vand.u32 $0x7FFFFFFF, v12;
	v8 =	vsub.f32 v4, v16;
	s20 =	smul.f32 s20, s25  }
0x8d: {  	v11 =	vmin.f32 v17, $1.000000000e+00;
	v13 =	vmov s29;
	s25 =	smax.f32 s30, $0.0e+00;
	s30 =	sadd.f32 s31, s23;
	v10 =	vmul.f32 s19, v10  }
0x8e: {  	s21 =	ssub.f32 $6.400000000e+01, s31;
	s19 =	smul.f32 s28, s22;
	v11 =	vsub.f32 $1.000000000e+00, v11;
	v8 =	vand.u32 $0x7FFFFFFF, v8;
	v13 =	vsub.f32 v4, v13  }
0x8f: {  	v29 =	vbroadcast v5, $0x6;
	v34 =	vbroadcast v5, $0x7;
	s28 =	ssub.f32 s31, s18;
	v8 =	vmin.f32 v8, $1.000000000e+00  }
0x90: {  	s29 =	smin.f32 s25, $1.000000000e+00;
	s31 =	ssub.f32 s30, s18;
	v12 =	vmul.f32 v10, v18;
	v11 =	vmul.f32 s19, v11;
	v19 =	vand.u32 $0x7FFFFFFF, v13  }
0x91: {  	v8 =	vsub.f32 $1.000000000e+00, v8;
	v7 =	vadd.f32 v10, v7;
	s19 =	smul.f32 s29, s26;
	s24 =	spop (v2sf);
	v10 =	vmin.f32 v19, $1.000000000e+00  }
0x92: {  	v38 =	vbroadcast v5, $0x8;
	v22 =	vmov s28;
	s28 =	smax.f32 s21, $0.0e+00;
	v10 =	vsub.f32 $1.000000000e+00, v10;
	s29 =	sadd.f32 s30, s24  }
0x93: {  	(v2sf) =	vpush v6, $0xD;
	v15 =	vmov s31;
	v8 =	vmul.f32 s20, v8;
	s26 =	spop (v2sf);
	s20 =	ssub.f32 $6.400000000e+01, s30  }
0x94: {  	v20 =	vmul.f32 v11, v14;
	v14 =	vsub.f32 v4, v22;
	v10 =	vmul.f32 s19, v10;
	s19 =	smin.f32 s28, $1.000000000e+00;
	s28 =	ssub.f32 s29, s18  }
0x95: {  	v46 =	vbroadcast v5, $0x9;
	v9 =	vadd.f32 v12, v9;
	v15 =	vsub.f32 v4, v15;
	s22 =	spop (v2sf);
	s30 =	sadd.f32 s29, s26  }
0x96: {  	(v2sf) =	vpush v6, $0xE;
	v7 =	vadd.f32 v11, v7;
	v14 =	vand.u32 $0x7FFFFFFF, v14;
	s20 =	smax.f32 s20, $0.0e+00;
	s25 =	ssub.f32 $6.400000000e+01, s29  }
0x97: {  	v9 =	vadd.f32 v20, v9;
	v23 =	vmul.f32 v8, v21;
	v14 =	vmin.f32 v14, $1.000000000e+00;
	s23 =	smul.f32 s19, s23;
	s20 =	smin.f32 s20, $1.000000000e+00  }
0x98: {  	v27 =	vand.u32 $0x7FFFFFFF, v15;
	v7 =	vadd.f32 v8, v7;
	v25 =	vsub.f32 $1.000000000e+00, v14;
	s24 =	smul.f32 s20, s24;
	s31 =	ssub.f32 s30, s18  }
0x99: {  	v13 =	vmin.f32 v27, $1.000000000e+00;
	v9 =	vadd.f32 v23, v9;
	v26 =	vmul.f32 v10, v24;
	s25 =	smax.f32 s25, $0.0e+00;
	s29 =	sadd.f32 s30, s22  }
0x9a: {  	v28 =	vmov s28;
	v13 =	vsub.f32 $1.000000000e+00, v13;
	s21 =	spop (v2sf);
	v11 =	vmul.f32 s23, v25;
	s23 =	ssub.f32 $6.400000000e+01, s30  }
0x9b: {  	v50 =	vbroadcast v5, $0xA;
	v7 =	vadd.f32 v10, v7;
	v14 =	vsub.f32 v4, v28;
	s19 =	spop (v2sf);
	s30 =	ssub.f32 $6.400000000e+01, s29  }
0x9c: {  	v30 =	vadd.f32 v26, v9;
	v32 =	vmul.f32 s24, v13;
	s24 =	smin.f32 s25, $1.000000000e+00;
	v35 =	vmov s31;
	s31 =	sadd.f32 s29, s21  }
0x9d: {  	s25 =	ssub.f32 s29, s18;
	s20 =	spop (v2sf);
	v33 =	vand.u32 $0x7FFFFFFF, v14;
	v15 =	vsub.f32 v4, v35;
	v31 =	vmul.f32 v11, v29  }
0x9e: {  	s24 =	smul.f32 s24, s26;
	v13 =	vmin.f32 v33, $1.000000000e+00;
	v36 =	vmul.f32 v32, v34;
	s23 =	smax.f32 s23, $0.0e+00;
	v7 =	vadd.f32 v11, v7  }
0x9f: {  	s29 =	ssub.f32 s31, s18;
	v42 =	vmov s25;
	s30 =	smax.f32 s30, $0.0e+00;
	v13 =	vsub.f32 $1.000000000e+00, v13;
	v39 =	vand.u32 $0x7FFFFFFF, v15  }
0xa0: {  	s23 =	smin.f32 s23, $1.000000000e+00;
	v44 =	vsub.f32 v4, v42;
	s28 =	smin.f32 s30, $1.000000000e+00;
	v8 =	vadd.f32 v31, v30;
	v40 =	vmin.f32 v39, $1.000000000e+00  }
0xa1: {  	s23 =	smul.f32 s23, s22;
	v43 =	vmov s29;
	v7 =	vadd.f32 v32, v7;
	v37 =	vmul.f32 s24, v13;
	s24 =	sadd.f32 s31, s19  }
0xa2: {  	v54 =	vbroadcast v5, $0xB;
	s21 =	smul.f32 s28, s21;
	v9 =	vsub.f32 $1.000000000e+00, v40;
	s31 =	ssub.f32 $6.400000000e+01, s31;
	v45 =	vsub.f32 v4, v43  }
0xa3: {  	v12 =	vand.u32 $0x7FFFFFFF, v44;
	v8 =	vadd.f32 v36, v8;
	s29 =	ssub.f32 s24, s18;
	s22 =	spop (v2sf);
	(v2sf) =	vpush v6, $0xF  }
0xa4: {  	v41 =	vmul.f32 v37, v38;
	v9 =	vmul.f32 s23, v9;
	s26 =	smax.f32 s31, $0.0e+00;
	v11 =	vand.u32 $0x7FFFFFFF, v45;
	s25 =	sadd.f32 s24, s20  }
0xa5: {  	s24 =	ssub.f32 $6.400000000e+01, s24;
	v7 =	vadd.f32 v37, v7;
	v6 =	vmin.f32 v12, $1.000000000e+00;
	s26 =	smin.f32 s26, $1.000000000e+00;
	v11 =	vmin.f32 v11, $1.000000000e+00  }
0xa6: {  	v47 =	vmov s29;
	v6 =	vsub.f32 $1.000000000e+00, v6;
	s19 =	smul.f32 s26, s19;
	v48 =	vsub.f32 $1.000000000e+00, v11;
	s26 =	sadd.f32 s25, s22  }
0xa7: {  	v8 =	vadd.f32 v41, v8;
	s23 =	spop (v2sf);
	v49 =	vmul.f32 v9, v46;
	s31 =	ssub.f32 s25, s18;
	v12 =	vsub.f32 v4, v47  }
0xa8: {  	s30 =	smax.f32 s24, $0.0e+00;
	v7 =	vadd.f32 v9, v7;
	v6 =	vmul.f32 s21, v6;
	v10 =	vmul.f32 s19, v48;
	s29 =	ssub.f32 s26, s18  }
0xa9: {  	s28 =	smin.f32 s30, $1.000000000e+00;
	v8 =	vadd.f32 v49, v8;
	v52 =	vmov s31;
	s30 =	sadd.f32 s26, s23;
	v12 =	vand.u32 $0x7FFFFFFF, v12  }
0xaa: {  	s31 =	ssub.f32 $6.400000000e+01, s25;
	v12 =	vmin.f32 v12, $1.000000000e+00;
	v53 =	vmul.f32 v6, v50;
	v6 =	vadd.f32 v6, v7  }
0xab: {  	v55 =	vmov s29;
	s21 =	ssub.f32 s30, s18;
	v51 =	vsub.f32 $1.000000000e+00, v12;
	v12 =	vsub.f32 v4, v52  }
0xac: {  	s19 =	smul.f32 s28, s20;
	v7 =	vmul.f32 v10, v54;
	v57 =	vsub.f32 v4, v55;
	v8 =	vadd.f32 v53, v8  }
0xad: {  	s28 =	ssub.f32 $6.400000000e+01, s26;
	s24 =	smax.f32 s31, $0.0e+00;
	v56 =	vmov s21;
	v6 =	vadd.f32 v10, v6;
	v12 =	vand.u32 $0x7FFFFFFF, v12  }
0xae: {  	s20 =	ssub.f32 $6.400000000e+01, s30;
	s25 =	smin.f32 s24, $1.000000000e+00;
	v11 =	vmul.f32 s19, v51;
	v9 =	vsub.f32 v4, v56;
	v58 =	vmin.f32 v12, $1.000000000e+00  }
0xaf: {  	s21 =	smax.f32 s28, $0.0e+00;
	s19 =	smul.f32 s25, s22;
	v59 =	vand.u32 $0x7FFFFFFF, v57;
	v7 =	vadd.f32 v7, v8;
	v8 =	vsub.f32 $1.000000000e+00, v58  }
0xb0: {  	v60 =	vbroadcast v5, $0xC;
	s21 =	smin.f32 s21, $1.000000000e+00;
	v10 =	vmin.f32 v59, $1.000000000e+00;
	v6 =	vadd.f32 v11, v6  }
0xb1: {  	s20 =	smax.f32 s20, $0.0e+00;
	s29 =	smul.f32 s21, s23;
	v10 =	vsub.f32 $1.000000000e+00, v10;
	v9 =	vand.u32 $0x7FFFFFFF, v9;
	v8 =	vmul.f32 s19, v8  }
0xb2: {  	v61 =	vbroadcast v5, $0xD;
	s20 =	smin.f32 s20, $1.000000000e+00;
	v11 =	vmul.f32 v11, v60;
	v9 =	vmin.f32 v9, $1.000000000e+00;
	s30 =	spop (v2sf)  }
0xb3: {  	v10 =	vmul.f32 s29, v10;
	v9 =	vsub.f32 $1.000000000e+00, v9;
	v6 =	vadd.f32 v8, v6;
	s31 =	smul.f32 s20, s30  }
0xb4: {  	v62 =	vbroadcast v5, $0xE;
	s18 =	scvt.f32.s32 s18;
	v7 =	vadd.f32 v11, v7  }
0xb5: {  	v8 =	vmul.f32 v8, v61;
	v6 =	vadd.f32 v10, v6;
	v9 =	vmul.f32 s31, v9  }
0xb6: {  	v5 =	vbroadcast v5, $0xF;
	v63 =	vld [tilespmem:s18+$0x1000]  }
0xb7: {  	v7 =	vadd.f32 v8, v7;
	v10 =	vmul.f32 v10, v62;
	v6 =	vadd.f32 v9, v6;
	_ =	sdelay $0x1  }
0xb8: {  	v7 =	vadd.f32 v10, v7;
	v5 =	vmul.f32 v9, v5;
	v6 =	vsub.f32 $1.000000000e+00, v6;
	_ =	sdelay $0x1  }
.Ltmp5:
0xb9: {  	v5 =	vadd.f32 v5, v7;
	v6 =	vmul.f32 v63, v6;
	(pc) =	sbr.rel .LBB2_4-.Ltmp5, $3  }
0xba: {  	_ = 	snop  }
0xbb: {  	v5 =	vadd.f32 v6, v5;
	_ =	sdelay $0x1  }
0xbc: {  	[tilespmem:s18+$0x1000] =	vst v5  }
.LBB2_6:
0xbd: {  	_ =	sfence.sel $0x180000  }
0xbe: {  	[bflag:$0x0] =	sbarrier.arrive $0xFFFF  }
0xbf: {  	p0 =	sne.s32 s2, $0x0;
	_ =	strace $0x90000047  }
0xc0: {  	s0 =	sadd.s32 @!p0 $0x100000, s0;
	[bflag:$0x2] =	sbarrier.arrive $0xFFFF  }
0xc1: {  	[sflag:s0] =	ssyncadd.tile.s32 @!p0 $0x1;
	_ =	shalt  }
.Lfunc_end2:
_tile_overlayer_lowered:
.L_overlay_start_2:
0xc2: {  	(tag) =	ssettag $0x2  }
0xc3: {  	s0 =	rddreg [dreg:$0x0];
	s2 =	stileid.u32  }
0xc4: {  	s1 =	rddreg [dreg:$0x1];
	p0 =	sne.s32 s2, $0x0  }
0xc5: {  	s3 =	rddreg [dreg:$0x2];
	[bflag:$0x3] =	sbarrier.arrive $0xFFFF;
	s2 =	simm.s32 @!p0 $0x1C02  }
0xc6: {  	[timem:s3], [sflag:s2] =	dma.local @!p0 [hbm:s0], s1  }
0xc7: {  	s0 =	simm.s32 @!p0 $0x2  }
0xc8: {  	_ =	swait.ge @!p0 [sflag:s0], s1  }
0xc9: {  	s1 =	ssub.s32 @!p0 $0x0, s1;
	[sflag:s0] =	ssyncset.done @!p0 $0x0  }
0xca: {  	[sflag:s0] =	ssyncadd.s32 @!p0 s1  }
0xcb: {  	[bflag:$0x3] =	sbarrier.arrive $0xFFFF  }
0xcc: {  	_ =	shalt  }

// kernel: kernel.20.cloned.1.call-start
scs
__scs_entry_jumppad:
0x0: {  	(pc) =	sbr.rel $0x88, $3  }
0x1: {  	(tag) =	ssettag $0x0;
	lr =	simm.s32 $0x1  }
0x2: {  	[smem:$0x3F85] =	sst lr;
	_ =	strace $0xD0000000  }
0x3: {  	_ = 	snop  }
0x4: {  	_ = 	snop  }
0x5: {  	_ = 	snop  }
0x6: {  	_ = 	snop  }
0x7: {  	_ = 	snop  }
__scs_overlays_trampoline_lowered:
0x8: {  	[smem:$0x3F94] =	sst s0  }
0x9: {  	[smem:$0x3F95] =	sst s1  }
0xa: {  	[smem:$0x3F96] =	sst s2  }
0xb: {  	[smem:$0x3F97] =	sst s3  }
0xc: {  	[smem:$0x3F98] =	sst s4  }
0xd: {  	[smem:$0x3F99] =	sst s5  }
0xe: {  	[smem:$0x3F9A] =	sst s6  }
0xf: {  	[smem:$0x3F9B] =	sst s7  }
0x10: {  	[smem:$0x3F9C] =	sst s8  }
0x11: {  	[smem:$0x3F9D] =	sst s9;
	s0 =	simm.s32 @!p0 $0x0  }
0x12: {  	s1 =	sld [smem:$0x3F83];
	s0 =	simm.s32 @p0 $0x1  }
0x13: {  	[smem:$0x3F9E] =	sst s0;
	s0 =	simm.s32 @!p1 $0x0  }
0x14: {  	s2 =	sld [smem:$0x3F82];
	s0 =	simm.s32 @p1 $0x1  }
0x15: {  	[smem:$0x3F9F] =	sst s0;
	s0 =	simm.s32 @!p2 $0x0  }
0x16: {  	s3 =	sld [smem:$0x3FDB];
	s0 =	simm.s32 @p2 $0x1  }
0x17: {  	s4 =	simm.s32 $0x1BF5;
	[smem:$0x3FA1] =	sst s0  }
0x18: {  	s0 =	sld [smem:$0x3F84];
	_ =	swait.ge [sflag:s4], $0x0  }
0x19: {  	s7 =	sld [smem:$0x3F85]  }
0x1a: {  	s8 =	sadd.s32 $0xFFFFE003, lr  }
0x1b: {  	s9 =	sadd.s32 $0xFFFFFEF7, lr;
	s5 =	simm.s32 $0xFFFFFFFF;
	p2 =	slt.u32 s8, $0xFFFFF086  }
0x1c: {  	p1 =	slt.u32 s9, $0xF7A;
	s5 =	simm.s32 @!p2 $0x0  }
0x1d: {  	s5 =	simm.s32 @p1 $0x1;
	p0 =	seq.s32 s7, s2  }
0x1e: {  	s7 =	smul.u32 @!p0 $0xF7A, s2;
	p2 =	seq.s32 @!p0 s5, $0x0  }
0x1f: {  	s9 =	smul.u32 $0xF7A, s1;
	s8 =	simm.s32 @!p0 $0x1BF5;
	p2 =	por !p2, p0  }
0x20: {  	[sflag:s8] =	ssyncset.s32 @!p0 $0xFFFFF086;
	s6 =	sadd.s32 @!p0 s3, s7;
	s7 =	simm.s32 @!p0 $0x108  }
0x21: {  	s3 =	sadd.s32 s3, s9;
	s6 =	sadd.s32 @!p0 $0x88, s6;
	s7 =	simm.s32 @p2 $0x1082  }
0x22: {  	[simem:s7], [sflag:s8] =	dma.local @!p0 [hbm:s6], $0xF7A  }
0x23: {  	s9 =	sor.u32 $0xD0000000, s2;
	s6 =	simm.s32 $0x108;
	_ =	swait.ge @!p0 [sflag:s8], $0x0  }
0x24: {  	s3 =	sadd.s32 $0x88, s3;
	s6 =	simm.s32 @!p1 $0x1082;
	[sflag:s4] =	ssyncset.s32 $0xFFFFF086  }
0x25: {  	[simem:s6], [sflag:s4] =	dma.local [hbm:s3], $0xF7A  }
0x26: {  	[smem:$0x3F85] =	sst s1;
	(tag) =	ssettag s2;
	_ =	strace s9  }
0x27: {  	s1 =	sld [smem:$0x3F95]  }
0x28: {  	s2 =	sld [smem:$0x3F96]  }
0x29: {  	s4 =	sld [smem:$0x3F98]  }
0x2a: {  	p0 =	seq.s32 s5, $0x0;
	s5 =	sld [smem:$0x3F99]  }
0x2b: {  	s6 =	sld [smem:$0x3F9A]  }
0x2c: {  	s7 =	sld [smem:$0x3F9B]  }
0x2d: {  	s3 =	simm.s32 $0x108;
	s8 =	sld [smem:$0x3F9C]  }
0x2e: {  	s3 =	simm.s32 @!p0 $0x1082;
	s9 =	sld [smem:$0x3F9D]  }
0x2f: {  	lr =	sadd.s32 s0, s3;
	s0 =	sld [smem:$0x3F94]  }
0x30: {  	s3 =	sld [smem:$0x3F97]  }
0x31: {  	[smem:$0x3FA0] =	sst s10  }
0x32: {  	s10 =	sld [smem:$0x3F9E];
	_ =	sdelay $0x3  }
0x33: {  	p0 =	seq.s32 s10, $0x1;
	s10 =	sld [smem:$0x3FA0];
	_ =	sdelay $0x3  }
0x34: {  	[smem:$0x3FA0] =	sst s10  }
0x35: {  	s10 =	sld [smem:$0x3F9F];
	_ =	sdelay $0x3  }
0x36: {  	p1 =	seq.s32 s10, $0x1;
	s10 =	sld [smem:$0x3FA0];
	_ =	sdelay $0x3  }
0x37: {  	[smem:$0x3FA0] =	sst s10  }
0x38: {  	s10 =	sld [smem:$0x3FA1]  }
0x39: {  	_ = 	snop;
	(pc) =	sbr.ind lr, $3  }
0x3a: {  	_ = 	snop  }
0x3b: {  	_ = 	snop  }
0x3c: {  	p2 =	seq.s32 s10, $0x1;
	s10 =	sld [smem:$0x3FA0]  }
0x3d: {  	_ =	shalt  }
0x3e: {  	_ =	shalt  }
0x3f: {  	_ =	shalt  }
0x40: {  	_ =	shalt  }
0x41: {  	_ =	shalt  }
0x42: {  	_ =	shalt  }
0x43: {  	_ =	shalt  }
0x44: {  	_ =	shalt  }
0x45: {  	_ =	shalt  }
0x46: {  	_ =	shalt  }
0x47: {  	_ =	shalt  }
0x48: {  	_ =	shalt  }
0x49: {  	_ =	shalt  }
0x4a: {  	_ =	shalt  }
0x4b: {  	_ =	shalt  }
0x4c: {  	_ =	shalt  }
0x4d: {  	_ =	shalt  }
0x4e: {  	_ =	shalt  }
0x4f: {  	_ =	shalt  }
0x50: {  	_ =	shalt  }
0x51: {  	_ =	shalt  }
0x52: {  	_ =	shalt  }
0x53: {  	_ =	shalt  }
0x54: {  	_ =	shalt  }
0x55: {  	_ =	shalt  }
0x56: {  	_ =	shalt  }
0x57: {  	_ =	shalt  }
0x58: {  	_ =	shalt  }
0x59: {  	_ =	shalt  }
0x5a: {  	_ =	shalt  }
0x5b: {  	_ =	shalt  }
0x5c: {  	_ =	shalt  }
0x5d: {  	_ =	shalt  }
0x5e: {  	_ =	shalt  }
0x5f: {  	_ =	shalt  }
0x60: {  	_ =	shalt  }
0x61: {  	_ =	shalt  }
0x62: {  	_ =	shalt  }
0x63: {  	_ =	shalt  }
0x64: {  	_ =	shalt  }
0x65: {  	_ =	shalt  }
0x66: {  	_ =	shalt  }
0x67: {  	_ =	shalt  }
0x68: {  	_ =	shalt  }
0x69: {  	_ =	shalt  }
0x6a: {  	_ =	shalt  }
0x6b: {  	_ =	shalt  }
0x6c: {  	_ =	shalt  }
0x6d: {  	_ =	shalt  }
0x6e: {  	_ =	shalt  }
0x6f: {  	_ =	shalt  }
0x70: {  	_ =	shalt  }
0x71: {  	_ =	shalt  }
0x72: {  	_ =	shalt  }
0x73: {  	_ =	shalt  }
0x74: {  	_ =	shalt  }
0x75: {  	_ =	shalt  }
0x76: {  	_ =	shalt  }
0x77: {  	_ =	shalt  }
0x78: {  	_ =	shalt  }
0x79: {  	_ =	shalt  }
0x7a: {  	_ =	shalt  }
0x7b: {  	_ =	shalt  }
0x7c: {  	_ =	shalt  }
0x7d: {  	_ =	shalt  }
0x7e: {  	_ =	shalt  }
0x7f: {  	_ =	shalt  }
0x80: {  	_ =	shalt  }
0x81: {  	_ =	shalt  }
0x82: {  	_ =	shalt  }
0x83: {  	_ =	shalt  }
0x84: {  	_ =	shalt  }
0x85: {  	_ =	shalt  }
0x86: {  	_ =	shalt  }
0x87: {  	_ =	shalt  }
.Lfunc_end0:
.L_simem_size_0:
called_computation.1_lowered:
.L_overlay_start_0:
0x88: {  	s2 =	sld [smem:$0x3FD9]  }
0x89: {  	s3 =	sld [smem:$0x3FFE];
	_ =	sdelay $0x1  }
0x8a: {  	s1 =	srdreg.scid  }
0x8b: {  	s0 =	sand.u32 $0x1, s1  }
0x8c: {  	s16 =	sshll.u32 s0, $0xA;
	s2 =	sadd.s32 s3, s2  }
0x8d: {  	s2 =	sadd.s32 s2, s16  }
0x8e: {  	[smem:$0x3FAC] =	sst s2  }
0x8f: {  	_ = 	snop  }
0x90: {  	(tm) =	ssettm $0x1  }
0x91: {  	s17 =	sld [smem:$0x3FFB];
	_ =	sdelay $0x3  }
0x92: {  	_ =	strace s17  }
0x93: {  	s2 =	sld [smem:$0x3FFC];
	_ =	sdelay $0x3  }
0x94: {  	_ =	strace s2  }
0x95: {  	s2 =	sld [smem:$0x3FFD];
	_ =	sdelay $0x3  }
0x96: {  	_ =	strace s2  }
0x97: {  	_ =	strace $0x8FFFFFFF  }
0x98: {  	s18 =	sld [smem:$0x3FDB];
	_ =	sdelay $0x1  }
0x99: {  	s19 =	simm.s32 $_scs_section_size  }
0x9a: {  	s4 =	simm.s32 $_size__tile_overlayer_lowered;
	s5 =	simm.s32 $_tile_overlayer_lowered  }
0x9b: {  	s22 =	simm.s32 $0x1BFF;
	s21 =	sshll.u32 s5, $0x1;
	s2 =	sadd.s32 s19, s18  }
0x9c: {  	s6 =	simm.s32 $0x0;
	s20 =	sshll.u32 s4, $0x1;
	s4 =	sadd.s32 s21, s2  }
0x9d: {  	[timem:s6], [sflag:s22] =	dma.local [hbm:s4], s20  }
0x9e: {  	_ =	swait.ge [sflag:s22], s20  }
0x9f: {  	s3 =	ssub.s32 $0x0, s20;
	[sflag:s22] =	ssyncset.done $0x0  }
0xa0: {  	[sflag:s22] =	ssyncadd.s32 s3;
	_ =	sdelay $0x1  }
0xa1: {  	s23 =	simm.s32 $0x1B8B  }
0xa2: {  	_ =	swait.ge [sflag:s23], $0x1  }
0xa3: {  	[sflag:s23] =	ssyncset.done $0x0  }
0xa4: {  	s25 =	simm.s32 $0x1B8E;
	s24 =	sld [smem:$0x3FFE];
	[sflag:s23] =	ssyncadd.s32 $0xFFFFFFFF  }
0xa5: {  	s26 =	simm.s32 $execute0_lowered;
	[smem:$0x3FD2] =	sst s25  }
0xa6: {  	s4 =	sshll.u32 s26, $0x1;
	_ =	strace $0x80000049;
	[dreg:$0x1] =	wrdreg $0xFFFFFFFF  }
0xa7: {  	s28 =	simm.s32 $_size_execute0_lowered;
	s2 =	sadd.s32 s2, s4;
	[dreg:$0x0] =	wrdreg $0x0  }
0xa8: {  	s4 =	sshll.u32 s28, $0x1;
	[dreg:$0x2] =	wrdreg s2  }
0xa9: {  	[dreg:$0x3] =	wrdreg s4  }
0xaa: {  	[dreg:$0x4] =	wrdreg $0xC0  }
0xab: {  	_ =	task [dreg:s6], $0x5FFFF  }
0xac: {  	[dreg:$0x1] =	wrdreg $0xFFFFFFFF  }
0xad: {  	[dreg:$0x0] =	wrdreg $0x60  }
0xae: {  	[dreg:$0x2] =	wrdreg s24  }
0xaf: {  	[dreg:$0x3] =	wrdreg $0x9  }
0xb0: {  	_ =	task.clear_ibuf [dreg:s6], $0x4FFFF;
	_ =	strace $0x90000049  }
0xb1: {  	s29 =	simm.s32 $0x9;
	_ =	strace $0x8000004B  }
0xb2: {  	_ =	swait.ge [sflag:s29], $0x1  }
0xb3: {  	[sflag:s29] =	ssyncadd.s32 $0xFFFFFFFF  }
0xb4: {  	_ =	strace $0x9000004B  }
0xb5: {  	_ =	sfence  }
0xb6: {  	s30 =	sld [smem:$0x0];
	_ =	sdelay $0x2  }
0xb7: {  	s31 =	sshll.u32 s1, $0xD;
	s1 =	sshrl.u32 s1, $0x2  }
0xb8: {  	s3 =	sand.u32 $0x4000, s31;
	s1 =	sadd.s32 s1, s30  }
0xb9: {  	s0 =	sor.u32 s3, s0;
	s1 =	sshll.u32 s1, $0x11  }
0xba: {  	s0 =	sor.u32 s1, s0  }
0xbb: {  	s0 =	sadd.s32 $0x8F2B, s0  }
0xbc: {  	[sflag:s0] =	ssyncadd.remote.s32 $0x1  }
0xbd: {  	_ =	sfence.sel $0xFFFF  }
0xbe: {  	[dreg:$0x0] =	wrdreg $0xFFFFFFFF;
	(pc) =	sbr.abs _section_cstart, $3  }
0xbf: {  	[dreg:$0x1] =	wrdreg $0xFFFFFFFF  }
0xc0: {  	_ =	task.clear_ibuf [dreg:s6], $0x2FFFF;
	_ =	strace $0x9FFFFFFF  }
0xc1: {  	(tm) =	ssettm $0x7FFFFFFF  }
tec
execute0_lowered:
.L_overlay_start_1:
0x0: {  	(tag) =	ssettag $0x1  }
0x1: {  	v0 =	vimm.f32 $1.500000000e+01;
	vm0 =	vcmask $0x300  }
0x2: {  	v0 =	vsel vm0, $0x0, v0;
	vm0 =	vcmask $0x704  }
0x3: {  	v0 =	vsel vm0, $0x3F800000, v0;
	vm0 =	vcmask $0xB08  }
0x4: {  	s0 =	rddreg [dreg:$0x0];
	v0 =	vsel vm0, $0x40000000, v0;
	vm0 =	vcmask $0xF0C  }
0x5: {  	s1 =	simm.s32 $0x0;
	s3 =	stileid.u32;
	s6 =	srdreg.scid;
	v0 =	vsel vm0, $0x40400000, v0;
	vm0 =	vcmask $0x1310  }
0x6: {  	s12 =	simm.s32 $0x1B00;
	s13 =	simm.s32 $0x2300;
	s14 =	simm.s32 $0x2B00;
	v0 =	vsel vm0, $0x40800000, v0;
	vm0 =	vcmask $0x1714  }
0x7: {  	s15 =	simm.s32 $0x3300;
	s16 =	simm.s32 $0x3B00;
	s17 =	simm.s32 $0x1;
	v0 =	vsel vm0, $0x40A00000, v0;
	vm0 =	vcmask $0x1B18  }
0x8: {  	s18 =	simm.s32 $0x2;
	[smem:$0x7FF] =	sst s1;
	s2 =	sadd.s32 $0x688000, s0;
	v0 =	vsel vm0, $0x40C00000, v0;
	vm0 =	vcmask $0x1F1C  }
0x9: {  	s4 =	sadd.s32 $0x6000, s0;
	s5 =	sadd.s32 $0x26800, s0;
	s7 =	sshrl.u32 s3, $0x1;
	v0 =	vsel vm0, $0x40E00000, v0;
	vm0 =	vcmask $0x2320  }
0xa: {  	s6 =	sand.u32 $0x1, s6;
	s8 =	sshll.u32 s3, $0x1;
	s3 =	simm.s32 $0x0;
	v1 =	vsel vm0, $0x41000000, v0;
	vm0 =	vcmask $0x2724  }
0xb: {  	v2 =	vimm.f32 $1.000000000e+00;
	_ =	strace $0x8000004A;
	s9 =	sshll.u32 s7, $0x8;
	s28 =	sshll.u32 s7, $0x9;
	v1 =	vsel vm0, $0x41100000, v1;
	vm0 =	vcmask $0x2B28  }
0xc: {  	s10 =	ssub.s32 $0x2, s6;
	s8 =	sand.u32 $0x2, s8;
	s7 =	sshll.u32 s7, $0x7;
	v0 =	vmov s28;
	v3 =	vsel vm0, $0x41200000, v1;
	vm0 =	vcmask $0x2F2C  }
.Ltmp0:
0xd: {  	s11 =	sshrl.u32 s10, $0x1;
	s6 =	sor.u32 s6, s8;
	v1 =	vand.u32 $0x7FFFFFFF, v2;
	v3 =	vsel vm0, $0x41300000, v3;
	vm0 =	vcmask $0x3330;
	(pc) =	sbr.rel .LBB2_1-.Ltmp0, $4  }
0xe: {  	s0 =	sadd.s32 s9, s0;
	s29 =	ssub.s32 s10, s11;
	s30 =	sshll.u32 s6, $0x6;
	v2 =	vimm.f32 $0.0e+00;
	v4 =	vsel vm0, $0x41400000, v3;
	vm0 =	vcmask $0x3734  }
0xf: {  	s9 =	simm.s32 $0x300;
	s0 =	sadd.s32 s30, s0;
	s31 =	smax.u32 s29, $0x1;
	v3 =	vlaneseq.u32;
	v4 =	vsel vm0, $0x41500000, v4;
	vm0 =	vcmask $0x3B38  }
0x10: {  	s6 =	sshll.u32 s6, $0x5;
	s0 =	sadd.s32 $0x26000, s0;
	[dreg:$0x3] =	wrdreg s31;
	v5 =	vand.u32 $0x7, v3;
	v6 =	vshrl.u32 v3, $0x3;
	v7 =	vor.u32 $0x8, v3  }
0x11: {  	s11 =	simm.s32 $0x1300;
	s6 =	sor.u32 s7, s6;
	[dreg:$0x2] =	wrdreg s0;
	v4 =	vsel vm0, $0x41600000, v4;
	v6 =	vmul.u32 $0x8, v6;
	vm0 =	vmmov $0xffff  }
.LBB2_7:
0x12: {  	s0 =	rddreg [dreg:$0x2];
	s3 =	simm.s32 $0x4300  }
0x13: {  	[hbm4b:s0+s1] =	stream.linear.scatter [tilespmem:s3], [sflag:$0x2], $0x200, $0x38;
	[tilespmem:$0x4600] =	vst v63  }
0x14: {  	_ =	swait.ge [sflag:s18], $0x200  }
0x15: {  	s30 =	rddreg [dreg:$0x4]  }
0x16: {  	s31 =	rddreg [dreg:$0x3];
	s3 =	sadd.s32 $0x1, s30  }
0x17: {  	p0 =	sne.s32 s3, s31  }
.Ltmp1:
0x18: {  	_ = 	snop;
	(pc) =	sbr.rel @!p0 .LBB2_8-.Ltmp1, $3  }
0x19: {  	_ =	sdelay $0x1  }
0x1a: {  	[sflag:s18] =	ssyncset.done $0x0  }
0x1b: {  	[sflag:s18] =	ssyncadd.s32 $0xFFFFFE00  }
.LBB2_1:
0x1c: {  	[tilespmem:$0x200] =	vst v2  }
0x1d: {  	[tilespmem:$0x210] =	vst v2  }
.Ltmp2:
0x1e: {  	[tilespmem:$0x220] =	vst v2;
	(pc) =	sbr.rel .LBB2_2-.Ltmp2, $4  }
0x1f: {  	[tilespmem:$0x230] =	vst v2  }
0x20: {  	[tilespmem:$0x240] =	vst v2  }
0x21: {  	[tilespmem:$0x4500] =	vst v2  }
0x22: {  	[dreg:$0x4] =	wrdreg s3;
	[tilespmem:$0x45A0] =	vst v2;
	s26 =	simm.f32 $0.0e+00;
	s21 =	simm.s32 $0x0  }
.LBB2_6:
0x23: {  	s21 =	sadd.s32 $0x1, s21  }
0x24: {  	p0 =	sne.s32 s21, $0x400  }
.Ltmp3:
0x25: {  	_ = 	snop;
	(pc) =	sbr.rel @!p0 .LBB2_7-.Ltmp3, $1  }
0x26: {  	_ =	sdelay $0x3  }
.LBB2_2:
0x27: {  	s24 =	sand.u32 $0x1F, s21  }
0x28: {  	s23 =	sshrl.u32 s21, $0x5;
	p0 =	sne.s32 s24, $0x0  }
0x29: {  	s22 =	sadd.s32 s6, s23;
	s0 =	sshll.u32 @!p0 s23, $0x4  }
0x2a: {  	s25 =	sshll.u32 @!p0 s22, $0x6;
	s0 =	sand.u32 @!p0 $0x70, s0  }
0x2b: {  	s28 =	simm.s32 @!p0 $0x400;
	s25 =	sand.u32 @!p0 $0xFFFFE00, s25;
	s0 =	sadd.s32 @!p0 s2, s0  }
0x2c: {  	s29 =	simm.s32 @!p0 $0x0;
	s0 =	sadd.s32 @!p0 s25, s0;
	s25 =	simm.s32 @!p0 $0x80  }
0x2d: {  	[tilespmem:s29], [sflag:$0x3] =	stream.strided.gather @!p0 [hbm4b:s0+s25], $0x200, s28, s25, $0x38;
	[tilespmem:$0x4600] =	vst v63  }
0x2e: {  	s0 =	simm.s32 @!p0 $0x3  }
0x2f: {  	_ =	swait.ge @!p0 [sflag:s0], $0x200  }
0x30: {  	[sflag:s0] =	ssyncset.done @!p0 $0x0  }
0x31: {  	v8 =	vimm.f32 @!p0 $5.110000000e+02;
	[sflag:s0] =	ssyncadd.s32 @!p0 $0xFFFFFE00  }
0x32: {  	s29 =	sshll.u32 s24, $0x4;
	[tilespmem:$0x200] =	vst @!p0 v8  }
0x33: {  	v8 =	vld [tilespmem:s29+$0x0];
	_ =	sdelay $0x4  }
0x34: {  	v8 =	vsub.f32 $1.599999960e-01, v8;
	_ =	sdelay $0x1  }
0x35: {  	v9 =	vand.u32 $0x80000000, v8;
	vm1 =	vlt.f32 v8, $0.0e+00;
	vm2 =	vgt.f32 v8, $0.0e+00  }
0x36: {  	v9 =	vor.u32 v9, v1;
	vm1 =	vmor vm2, vm1  }
0x37: {  	v8 =	vsel vm1, v9, v8  }
0x38: {  	v8 =	vadd.f32 $1.000000000e+00, v8;
	_ =	sdelay $0x1  }
0x39: {  	v9 =	vmin.f32 v8, $1.000000000e+00  }
0x3a: {  	[tilespmem:$0x4510] =	vst v9  }
0x3b: {  	v8 =	vld [tilespmem:$0x450F]  }
0x3c: {  	[tilespmem:$0x4590] =	vst v9  }
0x3d: {  	v10 =	vld [tilespmem:$0x4591];
	_ =	sdelay $0x2  }
0x3e: {  	v8 =	vadd.f32 v9, v8;
	_ =	sdelay $0x1  }
0x3f: {  	v10 =	vadd.f32 v9, v10;
	[tilespmem:$0x4510] =	vst v8  }
0x40: {  	v11 =	vld [tilespmem:$0x450E]  }
0x41: {  	[tilespmem:$0x4590] =	vst v10  }
0x42: {  	v12 =	vld [tilespmem:$0x4592];
	_ =	sdelay $0x2  }
0x43: {  	v8 =	vadd.f32 v11, v8;
	_ =	sdelay $0x1  }
0x44: {  	v10 =	vadd.f32 v12, v10;
	[tilespmem:$0x4510] =	vst v8  }
0x45: {  	v11 =	vld [tilespmem:$0x450C]  }
0x46: {  	[tilespmem:$0x4590] =	vst v10  }
0x47: {  	v62 =	vld [tilespmem:$0x4594];
	_ =	sdelay $0x2  }
0x48: {  	v8 =	vadd.f32 v11, v8;
	_ =	sdelay $0x1  }
0x49: {  	v10 =	vadd.f32 v62, v10;
	[tilespmem:$0x4510] =	vst v8  }
0x4a: {  	v11 =	vld [tilespmem:$0x4508]  }
0x4b: {  	[tilespmem:$0x4590] =	vst v10  }
0x4c: {  	v63 =	vld [tilespmem:$0x4598];
	_ =	sdelay $0x1  }
0x4d: {  	(v2sf) =	vpush v8, $0x0  }
0x4e: {  	(v2sf) =	vpush v11, $0x0  }
0x4f: {  	(v2sf) =	vpush v10, $0x0  }
0x50: {  	(v2sf) =	vpush v63, $0x0;
	_ =	sdelay $0x3  }
0x51: {  	(v2sf) =	vpush v9, $0x0;
	_ =	sdelay $0x7  }
0x52: {  	s19 =	spop (v2sf)  }
0x53: {  	s20 =	spop (v2sf)  }
0x54: {  	s30 =	spop (v2sf)  }
0x55: {  	s0 =	sadd.f32 s20, s19;
	s31 =	spop (v2sf)  }
0x56: {  	s25 =	sadd.f32 s31, s30;
	_ =	sdelay $0x1  }
0x57: {  	s25 =	sadd.f32 s25, s0  }
0x58: {  	s0 =	spop (v2sf)  }
0x59: {  	s25 =	ssub.f32 s25, s0;
	_ =	sdelay $0x1  }
0x5a: {  	p1 =	sgt.f32 s25, $5.000000000e-01  }
.Ltmp4:
0x5b: {  	_ = 	snop;
	(pc) =	sbr.rel @!p1 .LBB2_4-.Ltmp4, $4  }
0x5c: {  	_ = 	snop  }
0x5d: {  	s28 =	simm.f32 $1.000000000e+00  }
0x5e: {  	s28 =	simm.s32 @!p0 $0x0  }
0x5f: {  	s26 =	smul.f32 s28, s26  }
0x60: {  	(v2sf) =	vpush v9, $0x1;
	_ =	sdelay $0x2  }
0x61: {  	(v2sf) =	vpush v9, $0x2;
	_ =	sdelay $0x1  }
0x62: {  	(v2sf) =	vpush v9, $0x3;
	_ =	sdelay $0x2  }
0x63: {  	s28 =	smin.f32 s26, $6.400000000e+01;
	(v2sf) =	vpush v9, $0x4  }
0x64: {  	s30 =	ssub.f32 s26, s28  }
0x65: {  	s31 =	ssub.f32 $6.400000000e+01, s26;
	(v2sf) =	vpush v9, $0x5  }
0x66: {  	s7 =	sadd.f32 s0, s26;
	v8 =	vmov s30  }
0x67: {  	v8 =	vsub.f32 v4, v8  }
0x68: {  	s31 =	smax.f32 s31, $0.0e+00;
	s3 =	ssub.f32 s7, s28  }
0x69: {  	s19 =	ssub.f32 $6.400000000e+01, s7;
	s31 =	smin.f32 s31, $1.000000000e+00;
	(v2sf) =	vpush v9, $0x6;
	v8 =	vand.u32 $0x7FFFFFFF, v8  }
0x6a: {  	v10 =	vor.u32 s29, v3;
	s8 =	smul.f32 s0, s31;
	v11 =	vmin.f32 v8, $1.000000000e+00;
	s29 =	spop (v2sf)  }
0x6b: {  	v12 =	vmov s3;
	s20 =	smax.f32 s19, $0.0e+00;
	v55 =	vsub.f32 $1.000000000e+00, v11;
	s10 =	sadd.f32 s7, s29  }
0x6c: {  	v56 =	vsub.f32 v4, v12;
	s0 =	smin.f32 s20, $1.000000000e+00  }
0x6d: {  	v8 =	vcvt.s32.f32 v10;
	v10 =	vmul.f32 s8, v55;
	(v2sf) =	vpush v9, $0x7;
	s30 =	spop (v2sf);
	s8 =	ssub.f32 $6.400000000e+01, s10  }
0x6e: {  	s0 =	smul.f32 s0, s29;
	s3 =	sadd.f32 s10, s30  }
0x6f: {  	v11 =	vand.u32 $0x7FFFFFFF, v56;
	s29 =	spop (v2sf);
	s7 =	ssub.f32 s10, s28  }
0x70: {  	v57 =	vbroadcast v8, $0x0;
	v11 =	vmin.f32 v11, $1.000000000e+00;
	(v2sf) =	vpush v9, $0x8;
	s10 =	smax.f32 s8, $0.0e+00;
	s20 =	ssub.f32 s3, s28  }
0x71: {  	v11 =	vsub.f32 $1.000000000e+00, v11;
	(v2sf) =	vpush v9, $0x9;
	v13 =	vmov s7;
	s8 =	smin.f32 s10, $1.000000000e+00;
	s10 =	sadd.f32 s3, s29  }
0x72: {  	v14 =	vbroadcast v8, $0x1;
	v12 =	vmul.f32 v10, v57;
	s7 =	spop (v2sf);
	v13 =	vsub.f32 v4, v13;
	s3 =	ssub.f32 $6.400000000e+01, s3  }
0x73: {  	v10 =	vadd.f32 $0.0e+00, v10;
	v11 =	vmul.f32 s0, v11;
	s0 =	smul.f32 s8, s30;
	v15 =	vmov s20;
	s20 =	ssub.f32 s10, s28  }
0x74: {  	v12 =	vadd.f32 $0.0e+00, v12;
	(v2sf) =	vpush v9, $0xA;
	s8 =	spop (v2sf);
	v13 =	vand.u32 $0x7FFFFFFF, v13;
	s31 =	sadd.f32 s10, s7  }
0x75: {  	v14 =	vmul.f32 v11, v14;
	(v2sf) =	vpush v9, $0xB;
	s3 =	smax.f32 s3, $0.0e+00;
	s19 =	ssub.f32 $6.400000000e+01, s10;
	v13 =	vmin.f32 v13, $1.000000000e+00  }
0x76: {  	v15 =	vsub.f32 v4, v15;
	s10 =	smin.f32 s3, $1.000000000e+00;
	v13 =	vsub.f32 $1.000000000e+00, v13;
	v58 =	vmov s20  }
0x77: {  	v60 =	vbroadcast v8, $0x2;
	v10 =	vadd.f32 v11, v10;
	s20 =	ssub.f32 s31, s28;
	s19 =	smax.f32 s19, $0.0e+00;
	v11 =	vsub.f32 v4, v58  }
0x78: {  	v12 =	vadd.f32 v14, v12;
	v59 =	vand.u32 $0x7FFFFFFF, v15;
	v13 =	vmul.f32 s0, v13;
	s0 =	smul.f32 s10, s29;
	s29 =	spop (v2sf)  }
0x79: {  	v14 =	vmin.f32 v59, $1.000000000e+00;
	(v2sf) =	vpush v9, $0xC;
	s10 =	smin.f32 s19, $1.000000000e+00;
	s19 =	sadd.f32 s31, s8;
	v11 =	vand.u32 $0x7FFFFFFF, v11  }
0x7a: {  	s30 =	ssub.f32 $6.400000000e+01, s31;
	v14 =	vsub.f32 $1.000000000e+00, v14;
	v16 =	vmov s20;
	v11 =	vmin.f32 v11, $1.000000000e+00  }
0x7b: {  	v17 =	vbroadcast v8, $0x3;
	v16 =	vsub.f32 v4, v16;
	s10 =	smul.f32 s10, s7;
	s31 =	ssub.f32 s19, s28;
	v11 =	vsub.f32 $1.000000000e+00, v11  }
0x7c: {  	s30 =	smax.f32 s30, $0.0e+00;
	v15 =	vmul.f32 v13, v60;
	v14 =	vmul.f32 s0, v14;
	v10 =	vadd.f32 v13, v10;
	s20 =	spop (v2sf)  }
0x7d: {  	v61 =	vand.u32 $0x7FFFFFFF, v16;
	v20 =	vmov s31;
	v11 =	vmul.f32 s10, v11;
	s10 =	smin.f32 s30, $1.000000000e+00;
	s30 =	sadd.f32 s19, s29  }
0x7e: {  	v62 =	vmul.f32 v14, v17;
	v13 =	vmin.f32 v61, $1.000000000e+00;
	s19 =	ssub.f32 $6.400000000e+01, s19;
	v17 =	vsub.f32 v4, v20;
	s8 =	smul.f32 s10, s8  }
0x7f: {  	(v2sf) =	vpush v9, $0xD;
	v13 =	vsub.f32 $1.000000000e+00, v13;
	s10 =	spop (v2sf);
	s31 =	ssub.f32 s30, s28  }
0x80: {  	s0 =	spop (v2sf);
	s19 =	smax.f32 s19, $0.0e+00;
	v17 =	vand.u32 $0x7FFFFFFF, v17  }
0x81: {  	v63 =	vbroadcast v8, $0x4;
	s7 =	sadd.f32 s30, s20;
	v13 =	vmul.f32 s8, v13;
	s8 =	smin.f32 s19, $1.000000000e+00;
	v17 =	vmin.f32 v17, $1.000000000e+00  }
0x82: {  	v22 =	vbroadcast v8, $0x5;
	v27 =	vbroadcast v8, $0x6;
	s3 =	ssub.f32 $6.400000000e+01, s30;
	s8 =	smul.f32 s8, s29;
	v23 =	vsub.f32 $1.000000000e+00, v17  }
0x83: {  	v12 =	vadd.f32 v15, v12;
	v10 =	vadd.f32 v14, v10;
	v18 =	vmov s31;
	s31 =	spop (v2sf);
	s30 =	ssub.f32 s7, s28  }
0x84: {  	(v2sf) =	vpush v9, $0xE;
	s3 =	smax.f32 s3, $0.0e+00;
	v18 =	vsub.f32 v4, v18;
	v14 =	vmul.f32 s8, v23;
	s8 =	sadd.f32 s7, s10  }
0x85: {  	v32 =	vbroadcast v8, $0x7;
	v12 =	vadd.f32 v62, v12;
	v21 =	vmul.f32 v11, v63;
	s29 =	spop (v2sf);
	s7 =	ssub.f32 $6.400000000e+01, s7  }
0x86: {  	v36 =	vbroadcast v8, $0x8;
	v10 =	vadd.f32 v11, v10;
	s3 =	smin.f32 s3, $1.000000000e+00;
	v25 =	vand.u32 $0x7FFFFFFF, v18;
	s19 =	ssub.f32 s8, s28  }
0x87: {  	v12 =	vadd.f32 v21, v12;
	v26 =	vmov s30;
	s3 =	smul.f32 s3, s20;
	v16 =	vmin.f32 v25, $1.000000000e+00;
	s20 =	sadd.f32 s8, s0  }
0x88: {  	v24 =	vmul.f32 v13, v22;
	v17 =	vsub.f32 v4, v26;
	s7 =	smax.f32 s7, $0.0e+00;
	s8 =	ssub.f32 $6.400000000e+01, s8;
	v16 =	vsub.f32 $1.000000000e+00, v16  }
0x89: {  	v44 =	vbroadcast v8, $0x9;
	v10 =	vadd.f32 v13, v10;
	s30 =	spop (v2sf);
	v33 =	vmov s19;
	s19 =	sadd.f32 s20, s31  }
0x8a: {  	v28 =	vadd.f32 v24, v12;
	v31 =	vand.u32 $0x7FFFFFFF, v17;
	v30 =	vmul.f32 s3, v16;
	s3 =	smin.f32 s7, $1.000000000e+00;
	s7 =	ssub.f32 s20, s28  }
0x8b: {  	v29 =	vmul.f32 v14, v27;
	v10 =	vadd.f32 v14, v10;
	v16 =	vmin.f32 v31, $1.000000000e+00;
	s3 =	smul.f32 s3, s10;
	s10 =	ssub.f32 $6.400000000e+01, s20  }
0x8c: {  	v49 =	vbroadcast v8, $0xA;
	s8 =	smax.f32 s8, $0.0e+00;
	v18 =	vsub.f32 v4, v33;
	v16 =	vsub.f32 $1.000000000e+00, v16;
	s20 =	ssub.f32 s19, s28  }
0x8d: {  	v11 =	vadd.f32 v29, v28;
	s8 =	smin.f32 s8, $1.000000000e+00;
	v34 =	vmul.f32 v30, v32;
	v40 =	vmov s7;
	s7 =	sadd.f32 s19, s29  }
0x8e: {  	v37 =	vand.u32 $0x7FFFFFFF, v18;
	v10 =	vadd.f32 v30, v10;
	v35 =	vmul.f32 s3, v16;
	s3 =	smul.f32 s8, s0;
	s0 =	spop (v2sf)  }
0x8f: {  	v38 =	vmin.f32 v37, $1.000000000e+00;
	v41 =	vmov s20;
	s20 =	smax.f32 s10, $0.0e+00;
	v42 =	vsub.f32 v4, v40;
	s10 =	ssub.f32 $6.400000000e+01, s19  }
0x90: {  	v53 =	vbroadcast v8, $0xB;
	(v2sf) =	vpush v9, $0xF;
	v12 =	vsub.f32 $1.000000000e+00, v38;
	s19 =	smin.f32 s20, $1.000000000e+00;
	s20 =	ssub.f32 s7, s28  }
0x91: {  	v11 =	vadd.f32 v34, v11;
	v43 =	vsub.f32 v4, v41;
	s8 =	sadd.f32 s7, s30;
	v39 =	vmul.f32 v35, v36  }
0x92: {  	s7 =	ssub.f32 $6.400000000e+01, s7;
	v15 =	vand.u32 $0x7FFFFFFF, v42;
	s10 =	smax.f32 s10, $0.0e+00;
	v10 =	vadd.f32 v35, v10;
	v12 =	vmul.f32 s3, v12  }
0x93: {  	s3 =	smul.f32 s19, s31;
	s19 =	spop (v2sf);
	v45 =	vmin.f32 v15, $1.000000000e+00;
	v14 =	vand.u32 $0x7FFFFFFF, v43;
	v46 =	vmov s20  }
0x94: {  	s10 =	smin.f32 s10, $1.000000000e+00;
	s20 =	sadd.f32 s8, s0;
	v9 =	vsub.f32 $1.000000000e+00, v45;
	v14 =	vmin.f32 v14, $1.000000000e+00;
	v15 =	vsub.f32 v4, v46  }
0x95: {  	v11 =	vadd.f32 v39, v11;
	s10 =	smul.f32 s10, s29;
	s29 =	ssub.f32 s8, s28;
	v47 =	vsub.f32 $1.000000000e+00, v14;
	v48 =	vmul.f32 v12, v44  }
0x96: {  	s7 =	smax.f32 s7, $0.0e+00;
	s31 =	ssub.f32 s20, s28;
	v10 =	vadd.f32 v12, v10;
	v9 =	vmul.f32 s3, v9;
	v15 =	vand.u32 $0x7FFFFFFF, v15  }
0x97: {  	s3 =	smin.f32 s7, $1.000000000e+00;
	v51 =	vmov s29;
	s7 =	sadd.f32 s20, s19;
	v13 =	vmul.f32 s10, v47;
	v15 =	vmin.f32 v15, $1.000000000e+00  }
0x98: {  	s8 =	ssub.f32 $6.400000000e+01, s8;
	s3 =	smul.f32 s3, s30;
	v11 =	vadd.f32 v48, v11;
	v54 =	vmov s31;
	v50 =	vsub.f32 $1.000000000e+00, v15  }
0x99: {  	v52 =	vmul.f32 v9, v49;
	v15 =	vsub.f32 v4, v51;
	s29 =	ssub.f32 s7, s28;
	v9 =	vadd.f32 v9, v10  }
0x9a: {  	s8 =	smax.f32 s8, $0.0e+00;
	v57 =	vsub.f32 v4, v54;
	v55 =	vmul.f32 v13, v53;
	v14 =	vmul.f32 s3, v50  }
0x9b: {  	s30 =	smin.f32 s8, $1.000000000e+00;
	s31 =	ssub.f32 $6.400000000e+01, s20;
	v11 =	vadd.f32 v52, v11;
	v56 =	vmov s29;
	v15 =	vand.u32 $0x7FFFFFFF, v15  }
0x9c: {  	s0 =	smul.f32 s30, s0;
	v9 =	vadd.f32 v13, v9;
	v58 =	vmin.f32 v15, $1.000000000e+00;
	v12 =	vsub.f32 v4, v56  }
0x9d: {  	s7 =	ssub.f32 $6.400000000e+01, s7;
	s10 =	smax.f32 s31, $0.0e+00;
	v59 =	vand.u32 $0x7FFFFFFF, v57;
	v10 =	vadd.f32 v55, v11;
	v11 =	vsub.f32 $1.000000000e+00, v58  }
0x9e: {  	v60 =	vbroadcast v8, $0xC;
	s3 =	smin.f32 s10, $1.000000000e+00;
	v13 =	vmin.f32 v59, $1.000000000e+00;
	v9 =	vadd.f32 v14, v9  }
0x9f: {  	s20 =	smax.f32 s7, $0.0e+00;
	s19 =	smul.f32 s3, s19;
	v13 =	vsub.f32 $1.000000000e+00, v13;
	v12 =	vand.u32 $0x7FFFFFFF, v12;
	v11 =	vmul.f32 s0, v11  }
0xa0: {  	v61 =	vbroadcast v8, $0xD;
	s3 =	smin.f32 s20, $1.000000000e+00;
	v14 =	vmul.f32 v14, v60;
	v12 =	vmin.f32 v12, $1.000000000e+00;
	s29 =	spop (v2sf)  }
0xa1: {  	v13 =	vmul.f32 s19, v13;
	v12 =	vsub.f32 $1.000000000e+00, v12;
	v9 =	vadd.f32 v11, v9;
	s30 =	smul.f32 s3, s29  }
0xa2: {  	v62 =	vbroadcast v8, $0xE;
	s31 =	scvt.f32.s32 s28;
	v10 =	vadd.f32 v14, v10  }
0xa3: {  	v11 =	vmul.f32 v11, v61;
	v9 =	vadd.f32 v13, v9;
	v12 =	vmul.f32 s30, v12  }
0xa4: {  	v8 =	vbroadcast v8, $0xF;
	v63 =	vld [tilespmem:s31+$0x200]  }
0xa5: {  	v10 =	vadd.f32 v11, v10;
	v13 =	vmul.f32 v13, v62;
	v9 =	vadd.f32 v12, v9;
	_ =	sdelay $0x1  }
0xa6: {  	v10 =	vadd.f32 v13, v10;
	v8 =	vmul.f32 v12, v8;
	v9 =	vsub.f32 $1.000000000e+00, v9;
	_ =	sdelay $0x1  }
0xa7: {  	v8 =	vadd.f32 v8, v10;
	v9 =	vmul.f32 v63, v9;
	_ =	sdelay $0x1  }
0xa8: {  	v8 =	vadd.f32 v9, v8;
	_ =	sdelay $0x1  }
0xa9: {  	[tilespmem:s31+$0x200] =	vst v8  }
.LBB2_4:
0xaa: {  	p0 =	sne.s32 s24, $0x1F  }
.Ltmp5:
0xab: {  	_ = 	snop;
	(pc) =	sbr.rel @p0 .LBB2_6-.Ltmp5, $2  }
0xac: {  	_ =	sdelay $0x2  }
0xad: {  	s26 =	sadd.f32 s25, s26  }
0xae: {  	v8 =	vld [tilespmem:$0x200]  }
0xaf: {  	v9 =	vld [tilespmem:$0x210]  }
0xb0: {  	v10 =	vld [tilespmem:$0x220]  }
0xb1: {  	v11 =	vld [tilespmem:$0x230];
	v12 =	vmov s26  }
0xb2: {  	v12 =	vtrunc.f32 v12  }
0xb3: {  	v57 =	vcvt.f32.s32 v12;
	v8 =	vtrunc.f32 v8  }
0xb4: {  	v9 =	vtrunc.f32 v9;
	v8 =	vcvt.f32.s32 v8  }
0xb5: {  	v10 =	vtrunc.f32 v10;
	v9 =	vcvt.f32.s32 v9  }
0xb6: {  	v11 =	vtrunc.f32 v11;
	v10 =	vcvt.f32.s32 v10;
	vm1 =	vlt.s32 v8, $0x1FF  }
0xb7: {  	v11 =	vcvt.f32.s32 v11;
	v8 =	vnsel vm1, $0x1FF, v8;
	vm1 =	vlt.s32 v9, $0x1FF  }
0xb8: {  	v8 =	vadd.s32 v0, v8;
	v9 =	vnsel vm1, $0x1FF, v9;
	vm1 =	vlt.s32 v10, $0x1FF  }
0xb9: {  	v9 =	vadd.s32 v0, v9;
	[tilespmem:$0x280] =	vst v8;
	v8 =	vnsel vm1, $0x1FF, v10;
	vm1 =	vlt.s32 v11, $0x1FF  }
0xba: {  	[tilespmem:$0x290] =	vst v9;
	v58 =	vnsel vm1, $0x1FF, v11;
	v8 =	vadd.s32 v0, v8  }
0xbb: {  	s0 =	sshll.u32 s23, $0x4;
	v59 =	vbroadcast v57, $0x0;
	[tilespmem:$0x2A0] =	vst v8;
	v8 =	vadd.s32 v0, v58  }
0xbc: {  	s0 =	sand.u32 $0x3FFFFFF0, s0;
	[tilespmem:$0x2B0] =	vst v8  }
0xbd: {  	[tilespmem:s0+$0x4300] =	vst v59  }
0xbe: {  	v8 =	vld [tilespmem:$0x280];
	_ =	sdelay $0x4  }
0xbf: {  	v60 =	vshll.u32 v8, $0x1  }
0xc0: {  	v8 =	vand.u32 $0x7, v8;
	v9 =	vand.u32 $0xFFFFFFF0, v60  }
0xc1: {  	v8 =	vor.u32 v8, v9  }
0xc2: {  	v9 =	vperm.xlane v8, v5;
	_ =	sdelay $0x1  }
0xc3: {  	v8 =	vperm.xlane v8, v7;
	v9 =	vadd.s32 v6, v9;
	_ =	sdelay $0x1  }
0xc4: {  	v8 =	vadd.s32 v6, v8;
	_ =	sdelay $0x2  }
0xc5: {  	[tilespmem:s9], [sflag:$0x1] =	stream.indirect_vreg.gather [hbm4b:s4+s1], $0x80, v9, vm0, $0xb8;
	[tilespmem:$0x4600] =	vst v63  }
0xc6: {  	s30 =	simm.s32 $0xB00  }
0xc7: {  	[tilespmem:s30], [sflag:$0x1] =	stream.indirect_vreg.gather [hbm4b:s4+s1], $0x80, v8, vm0, $0xb8;
	[tilespmem:$0x4600] =	vst v63  }
0xc8: {  	v8 =	vld [tilespmem:$0x290];
	_ =	sdelay $0x4  }
0xc9: {  	v61 =	vshll.u32 v8, $0x1  }
0xca: {  	v8 =	vand.u32 $0x7, v8;
	v9 =	vand.u32 $0xFFFFFFF0, v61  }
0xcb: {  	v8 =	vor.u32 v8, v9  }
0xcc: {  	v9 =	vperm.xlane v8, v5;
	_ =	sdelay $0x1  }
0xcd: {  	v8 =	vperm.xlane v8, v7;
	v9 =	vadd.s32 v6, v9;
	_ =	sdelay $0x1  }
0xce: {  	v8 =	vadd.s32 v6, v8;
	_ =	sdelay $0x2  }
0xcf: {  	[tilespmem:s11], [sflag:$0x1] =	stream.indirect_vreg.gather [hbm4b:s4+s1], $0x80, v9, vm0, $0xb8;
	[tilespmem:$0x4600] =	vst v63  }
0xd0: {  	_ = 	snop  }
0xd1: {  	[tilespmem:s12], [sflag:$0x1] =	stream.indirect_vreg.gather [hbm4b:s4+s1], $0x80, v8, vm0, $0xb8;
	[tilespmem:$0x4600] =	vst v63  }
0xd2: {  	v8 =	vld [tilespmem:$0x2A0];
	_ =	sdelay $0x4  }
0xd3: {  	v62 =	vshll.u32 v8, $0x1  }
0xd4: {  	v8 =	vand.u32 $0x7, v8;
	v9 =	vand.u32 $0xFFFFFFF0, v62  }
0xd5: {  	v8 =	vor.u32 v8, v9  }
0xd6: {  	v9 =	vperm.xlane v8, v5;
	_ =	sdelay $0x1  }
0xd7: {  	v8 =	vperm.xlane v8, v7;
	v9 =	vadd.s32 v6, v9;
	_ =	sdelay $0x1  }
0xd8: {  	v8 =	vadd.s32 v6, v8;
	_ =	sdelay $0x2  }
0xd9: {  	[tilespmem:s13], [sflag:$0x1] =	stream.indirect_vreg.gather [hbm4b:s4+s1], $0x80, v9, vm0, $0xb8;
	[tilespmem:$0x4600] =	vst v63  }
0xda: {  	_ = 	snop  }
0xdb: {  	[tilespmem:s14], [sflag:$0x1] =	stream.indirect_vreg.gather [hbm4b:s4+s1], $0x80, v8, vm0, $0xb8;
	[tilespmem:$0x4600] =	vst v63  }
0xdc: {  	v8 =	vld [tilespmem:$0x2B0];
	_ =	sdelay $0x4  }
0xdd: {  	v63 =	vshll.u32 v8, $0x1  }
0xde: {  	v8 =	vand.u32 $0x7, v8;
	v9 =	vand.u32 $0xFFFFFFF0, v63  }
0xdf: {  	v8 =	vor.u32 v8, v9  }
0xe0: {  	v9 =	vperm.xlane v8, v5;
	_ =	sdelay $0x1  }
0xe1: {  	v8 =	vperm.xlane v8, v7;
	v9 =	vadd.s32 v6, v9;
	_ =	sdelay $0x1  }
0xe2: {  	v8 =	vadd.s32 v6, v8;
	_ =	sdelay $0x2  }
0xe3: {  	[tilespmem:s15], [sflag:$0x1] =	stream.indirect_vreg.gather [hbm4b:s4+s1], $0x80, v9, vm0, $0xb8;
	[tilespmem:$0x4600] =	vst v63  }
0xe4: {  	_ = 	snop  }
0xe5: {  	[tilespmem:s16], [sflag:$0x1] =	stream.indirect_vreg.gather [hbm4b:s4+s1], $0x80, v8, vm0, $0xb8;
	[tilespmem:$0x4600] =	vst v63  }
0xe6: {  	s31 =	sshll.u32 s22, $0xB;
	_ =	swait.ge [sflag:s17], $0x4000  }
0xe7: {  	s0 =	sand.u32 $0x1FFFF800, s31;
	[sflag:s17] =	ssyncset.done $0x0  }
.Ltmp6:
0xe8: {  	s0 =	sadd.s32 s5, s0;
	[sflag:s17] =	ssyncadd.s32 $0xFFFFC000;
	(pc) =	sbr.rel .LBB2_6-.Ltmp6, $4  }
0xe9: {  	[hbm4b:s0+s1] =	stream.linear.scatter [tilespmem:s9], [sflag:$0x2], $0x4000, $0x38;
	[tilespmem:$0x4600] =	vst v63  }
0xea: {  	_ =	swait.ge [sflag:s18], $0x4000  }
0xeb: {  	[sflag:s18] =	ssyncset.done $0x0  }
0xec: {  	[sflag:s18] =	ssyncadd.s32 $0xFFFFC000  }
.LBB2_8:
0xed: {  	_ =	sfence.sel $0x180000  }
0xee: {  	[bflag:$0x0] =	sbarrier.arrive $0xFFFF  }
0xef: {  	_ =	strace $0x9000004A  }
0xf0: {  	s0 =	stileid.u32;
	[bflag:$0x2] =	sbarrier.arrive $0xFFFF  }
0xf1: {  	p0 =	sne.s32 s0, $0x0;
	s0 =	rddreg [dreg:$0x1]  }
0xf2: {  	s0 =	sadd.s32 @!p0 $0x100000, s0  }
0xf3: {  	[sflag:s0] =	ssyncadd.tile.s32 @!p0 $0x1;
	_ =	shalt  }
.Lfunc_end2:
_tile_overlayer_lowered:
.L_overlay_start_2:
0xf4: {  	(tag) =	ssettag $0x2  }
0xf5: {  	s0 =	rddreg [dreg:$0x0];
	s2 =	stileid.u32  }
0xf6: {  	s1 =	rddreg [dreg:$0x1];
	p0 =	sne.s32 s2, $0x0  }
0xf7: {  	s3 =	rddreg [dreg:$0x2];
	[bflag:$0x3] =	sbarrier.arrive $0xFFFF;
	s2 =	simm.s32 @!p0 $0x1C02  }
0xf8: {  	[timem:s3], [sflag:s2] =	dma.local @!p0 [hbm:s0], s1  }
0xf9: {  	s0 =	simm.s32 @!p0 $0x2  }
0xfa: {  	_ =	swait.ge @!p0 [sflag:s0], s1  }
0xfb: {  	s1 =	ssub.s32 @!p0 $0x0, s1;
	[sflag:s0] =	ssyncset.done @!p0 $0x0  }
0xfc: {  	[sflag:s0] =	ssyncadd.s32 @!p0 s1  }
0xfd: {  	[bflag:$0x3] =	sbarrier.arrive $0xFFFF  }
0xfe: {  	_ =	shalt  }

</sc_bundles>
